<compile_context>
chip_gen: v7x
topology: tpu7x:2x2x1
jax: 0.10.2.dev20260603
libtpu: 0.0.44.dev20260713+nightly
codegen_flags: <defaults>
</compile_context>

<pallas_src>
import functools

import jax
import jax.numpy as jnp
from jax import lax
from jax.experimental import pallas as pl
from jax.experimental.pallas import tpu as pltpu
from jax.experimental.pallas import tpu_sc as plsc

N = 10000
E = 320000
NACC = 10240
WIN = 128
NTILE = 16
CHW = 16
NWHIST = 80
RB = 2000


def _sc_mesh():
    return plsc.VectorSubcoreMesh(core_axis_name="c", subcore_axis_name="s")


def _degree_hist(col_h, ones_w, zeros_row):
    @functools.partial(
        pl.kernel,
        out_type=jax.ShapeDtypeStruct((2, NACC), jnp.float32),
        mesh=_sc_mesh(),
        scratch_types=[
            pltpu.VMEM((NWHIST, WIN), jnp.int32),
            pltpu.VMEM((WIN,), jnp.float32),
            pltpu.VMEM_SHARED((NACC,), jnp.float32),
        ],
    )
    def hist(col_hbm, ones_hbm, zeros_hbm, out_hbm, cidx_v, ones_v, deg_sh):
        c = lax.axis_index("c")
        s = lax.axis_index("s")
        w = s * 2 + c
        pltpu.sync_copy(col_hbm.at[w], cidx_v)
        pltpu.sync_copy(ones_hbm, ones_v)
        pltpu.sync_copy(zeros_hbm, deg_sh.at[pl.ds(s * (NACC // NTILE), NACC // NTILE)])
        plsc.subcore_barrier()

        def body(j, carry):
            pltpu.sync_copy(ones_v, deg_sh.at[cidx_v.at[j]], add=True)
            return carry

        lax.fori_loop(0, NWHIST, body, 0)
        plsc.subcore_barrier()
        sl = pl.ds(s * (NACC // NTILE), NACC // NTILE)
        pltpu.sync_copy(deg_sh.at[sl], out_hbm.at[c, sl])

    return hist(col_h, ones_w, zeros_row)



def _edge_pipeline(g_hbm, rows_hbm, cols_hbm, widx, nchunks,
                   ridx_v, cidx_v, bufs, gsems, ssems, acc_sh):

    def chunk(t, carry):
        pltpu.sync_copy(rows_hbm.at[widx, pl.ds(t * CHW, CHW)], ridx_v)
        pltpu.sync_copy(cols_hbm.at[widx, pl.ds(t * CHW, CHW)], cidx_v)
        descs_g = [None, None]
        descs_s = [None, None]
        descs_g[0] = pltpu.async_copy(g_hbm.at[ridx_v.at[0]], bufs[0], gsems[0])
        for j in range(CHW):
            b = j & 1
            nb = 1 - b
            if j >= 1:
                descs_s[nb].wait()
            if j + 1 < CHW:
                descs_g[nb] = pltpu.async_copy(
                    g_hbm.at[ridx_v.at[j + 1]], bufs[nb], gsems[nb])
            descs_g[b].wait()
            descs_s[b] = pltpu.async_copy(
                bufs[b], acc_sh.at[cidx_v.at[j]], ssems[b], add=True)
        descs_s[(CHW - 1) & 1].wait()
        return carry

    lax.fori_loop(0, nchunks, chunk, 0)


def _spmm_es(ga, gb, rows_w, cols_w, zeros_acc):

    @functools.partial(
        pl.kernel,
        out_type=(
            jax.ShapeDtypeStruct((NACC, 128), jnp.float32),
            jax.ShapeDtypeStruct((NACC, 128), jnp.float32),
        ),
        mesh=_sc_mesh(),
        scratch_types=[
            pltpu.VMEM((CHW, WIN), jnp.int32),
            pltpu.VMEM((CHW, WIN), jnp.int32),
            pltpu.VMEM((WIN, 128), jnp.float32),
            pltpu.VMEM((WIN, 128), jnp.float32),
            pltpu.VMEM_SHARED((NACC, 128), jnp.float32),
            pltpu.SemaphoreType.DMA,
            pltpu.SemaphoreType.DMA,
            pltpu.SemaphoreType.DMA,
            pltpu.SemaphoreType.DMA,
        ],
    )
    def spmm(ga_hbm, gb_hbm, rows_hbm, cols_hbm, zeros_hbm,
             out0_hbm, out1_hbm, ridx_v, cidx_v, buf0, buf1, acc_sh,
             semg0, semg1, sems0, sems1):
        c = lax.axis_index("c")
        s = lax.axis_index("s")
        w = s * 2 + c
        pltpu.sync_copy(zeros_hbm, acc_sh.at[pl.ds(s * (NACC // NTILE), NACC // NTILE)])
        plsc.subcore_barrier()

        @pl.when(c == 0)
        def _():
            _edge_pipeline(ga_hbm, rows_hbm, cols_hbm, w, NWHIST // CHW,
                           ridx_v, cidx_v, (buf0, buf1), (semg0, semg1),
                           (sems0, sems1), acc_sh)

        @pl.when(c == 1)
        def _():
            _edge_pipeline(gb_hbm, rows_hbm, cols_hbm, w, NWHIST // CHW,
                           ridx_v, cidx_v, (buf0, buf1), (semg0, semg1),
                           (sems0, sems1), acc_sh)

        plsc.subcore_barrier()
        osl = pl.ds(s * (NACC // NTILE), NACC // NTILE)

        @pl.when(c == 0)
        def _():
            pltpu.sync_copy(acc_sh.at[osl], out0_hbm.at[osl])

        @pl.when(c == 1)
        def _():
            pltpu.sync_copy(acc_sh.at[osl], out1_hbm.at[osl])

    return spmm(ga, gb, rows_w, cols_w, zeros_acc)


def _tcu(x, d0, d1):

    def body(x_r, d0_r, d1_r, ua_r, ub_r, dis_r):
        deg = d0_r[...] + d1_r[...] + 1.0
        dis = lax.rsqrt(deg)
        u = dis * x_r[...]
        ua_r[...] = u
        ub_r[...] = u
        dis_r[...] = dis

    return pl.pallas_call(
        body,
        grid=(N // RB,),
        in_specs=[
            pl.BlockSpec((RB, 128), lambda i: (i, 0)),
            pl.BlockSpec((RB, 1), lambda i: (i, 0)),
            pl.BlockSpec((RB, 1), lambda i: (i, 0)),
        ],
        out_specs=[
            pl.BlockSpec((RB, 128), lambda i: (i, 0)),
            pl.BlockSpec((RB, 128), lambda i: (i, 0)),
            pl.BlockSpec((RB, 1), lambda i: (i, 0)),
        ],
        out_shape=[
            jax.ShapeDtypeStruct((N, 128), jnp.float32),
            jax.ShapeDtypeStruct((N, 128), jnp.float32),
            jax.ShapeDtypeStruct((N, 1), jnp.float32),
        ],
    )(x, d0, d1)


def _tcmid(t0, t1, u, dis, b1, W1, W2):

    def body(t0_r, t1_r, u_r, dis_r, b1_r, w1_r, w2_r, g2a_r, g2b_r):
        d = dis_r[...]
        m = t0_r[...] + t1_r[...] + u_r[...]
        pre = d * jnp.dot(m, w1_r[...], preferred_element_type=jnp.float32) + b1_r[...]
        h2 = jnp.maximum(pre, 0.0)
        g2 = d * jnp.dot(h2, w2_r[...], preferred_element_type=jnp.float32)
        g2a_r[...] = g2
        g2b_r[...] = g2

    return pl.pallas_call(
        body,
        grid=(N // RB,),
        in_specs=[
            pl.BlockSpec((RB, 128), lambda i: (i, 0)),
            pl.BlockSpec((RB, 128), lambda i: (i, 0)),
            pl.BlockSpec((RB, 128), lambda i: (i, 0)),
            pl.BlockSpec((RB, 1), lambda i: (i, 0)),
            pl.BlockSpec((1, 256), lambda i: (0, 0)),
            pl.BlockSpec((128, 256), lambda i: (0, 0)),
            pl.BlockSpec((256, 128), lambda i: (0, 0)),
        ],
        out_specs=[
            pl.BlockSpec((RB, 128), lambda i: (i, 0)),
            pl.BlockSpec((RB, 128), lambda i: (i, 0)),
        ],
        out_shape=[
            jax.ShapeDtypeStruct((N, 128), jnp.float32),
            jax.ShapeDtypeStruct((N, 128), jnp.float32),
        ],
    )(t0, t1, u, dis, b1, W1, W2)


def _tc3(s2p0, s2p1, g2, dis, b2):
    def body(p0_r, p1_r, g2_r, dis_r, b2_r, out_r):
        d = dis_r[...]
        out_r[...] = d * (p0_r[...] + p1_r[...] + g2_r[...]) + b2_r[...]

    return pl.pallas_call(
        body,
        grid=(N // RB,),
        in_specs=[
            pl.BlockSpec((RB, 128), lambda i: (i, 0)),
            pl.BlockSpec((RB, 128), lambda i: (i, 0)),
            pl.BlockSpec((RB, 128), lambda i: (i, 0)),
            pl.BlockSpec((RB, 1), lambda i: (i, 0)),
            pl.BlockSpec((1, 128), lambda i: (0, 0)),
        ],
        out_specs=pl.BlockSpec((RB, 128), lambda i: (i, 0)),
        out_shape=jax.ShapeDtypeStruct((N, 128), jnp.float32),
    )(s2p0, s2p1, g2, dis, b2)


def kernel(x, edge_index, W1, b1, W2, b2):
    row = edge_index[0].astype(jnp.int32)
    col = edge_index[1].astype(jnp.int32)

    pad_w = 32 * NWHIST * WIN - E
    padrow_w = jnp.arange(pad_w, dtype=jnp.int32) % N
    junk_w = N + (jnp.arange(pad_w, dtype=jnp.int32) % (NACC - N))
    rows_w = jnp.concatenate([row, padrow_w]).reshape(32, NWHIST, WIN)
    cols_w = jnp.concatenate([col, junk_w]).reshape(32, NWHIST, WIN)

    ones_w = jnp.ones((WIN,), jnp.float32)
    zeros_row = jnp.zeros((NACC // NTILE,), jnp.float32)
    zeros_acc128 = jnp.zeros((NACC // NTILE, 128), jnp.float32)

    degp = _degree_hist(cols_w, ones_w, zeros_row)
    d0 = degp[0, :N].reshape(N, 1)
    d1 = degp[1, :N].reshape(N, 1)
    rows_w = lax.optimization_barrier((rows_w, degp))[0]

    ua, ub, dis = _tcu(x, d0, d1)
    t0, t1 = _spmm_es(ua, ub, rows_w, cols_w, zeros_acc128)
    g2a, g2b = _tcmid(t0, t1, ua, dis, b1.reshape(1, 256), W1, W2)
    s2p0, s2p1 = _spmm_es(g2a, g2b, rows_w, cols_w, zeros_acc128)
    return _tc3(s2p0, s2p1, g2a, dis, b2.reshape(1, 128))

# --- scband reference (transcript-rebuilt; emitter-appended) ---
"""Pipeline reference for scband-gcnencoder-35261681500771 (READ-ONLY COPY).

The authoritative reference and input builder live on the scoring server;
editing this copy changes nothing except your own understanding.
"""

import jax, jax.numpy as jnp
import numpy as np

N_NODES = 10000
N_EDGES = 320000
IN_CH = 128
OUT_CH = 128
HIDDEN = 2 * OUT_CH


def setup_inputs(seed: int = 0) -> dict:
    key = jax.random.key(seed)
    k1, k2, k3, k4 = jax.random.split(key, 4)
    x = jax.random.normal(k1, (N_NODES, IN_CH), dtype=jnp.float32)
    edge_index = jax.random.randint(k2, (2, N_EDGES), 0, N_NODES, dtype=jnp.int64)
    W1 = jax.random.normal(k3, (IN_CH, HIDDEN), dtype=jnp.float32) * (1.0 / np.sqrt(IN_CH))
    b1 = jnp.zeros((HIDDEN,), dtype=jnp.float32)
    W2 = jax.random.normal(k4, (HIDDEN, OUT_CH), dtype=jnp.float32) * (1.0 / np.sqrt(HIDDEN))
    b2 = jnp.zeros((OUT_CH,), dtype=jnp.float32)
    return {"x": x, "edge_index": edge_index, "W1": W1, "b1": b1, "W2": W2, "b2": b2}


def _gcn_norm(edge_index, num_nodes):
    # add self-loops (GCNConv default add_self_loops=True, improved=False)
    loop = jnp.arange(num_nodes, dtype=edge_index.dtype)
    row = jnp.concatenate([edge_index[0], loop])
    col = jnp.concatenate([edge_index[1], loop])
    deg = jnp.zeros((num_nodes,), dtype=jnp.float32).at[col].add(1.0)
    deg_inv_sqrt = jnp.where(deg > 0, 1.0 / jnp.sqrt(deg), 0.0)
    norm = deg_inv_sqrt[row] * deg_inv_sqrt[col]
    return row, col, norm


def _gcn_conv(x, W, b, row, col, norm, num_nodes):
    h = x @ W
    msg = norm[:, None] * jnp.take(h, row, axis=0)
    out = jax.ops.segment_sum(msg, col, num_segments=num_nodes)
    return out + b


def reference(x, edge_index, W1, b1, W2, b2):
    num_nodes = x.shape[0]
    row, col, norm = _gcn_norm(edge_index, num_nodes)
    h = _gcn_conv(x, W1, b1, row, col, norm, num_nodes)
    h = jax.nn.relu(h)
    out = _gcn_conv(h, W2, b2, row, col, norm, num_nodes)
    return out

if __name__ == "__main__":
    import jax
    _d = setup_inputs()
    print(jax.jit(kernel)(*tuple(_d.values())))

</pallas_src>

<mosaic_0001>
#map = affine_map<(d0, d1) -> (0, 0, 0)>
#map1 = affine_map<(d0, d1) -> (0)>
#map2 = affine_map<(d0, d1) -> (0, 0)>
module attributes {stable_mosaic.version = 14 : i64} {
  func.func @hist(%arg0: i32, %arg1: i32, %arg2: memref<32x80x128xi32, #tpu.memory_space<hbm>>, %arg3: memref<128xf32, #tpu.memory_space<hbm>>, %arg4: memref<640xf32, #tpu.memory_space<hbm>>, %arg5: memref<2x10240xf32, #tpu.memory_space<hbm>>, %arg6: memref<80x128xi32, #tpu.memory_space<vmem>>, %arg7: memref<128xf32, #tpu.memory_space<vmem>>, %arg8: memref<10240xf32, #tpu.memory_space<vmem_shared>>) attributes {dimension_semantics = [#tpu.dimension_semantics<core_parallel>, #tpu.dimension_semantics<subcore_parallel>], iteration_bounds = array<i64: 2, 16>, scalar_prefetch = 0 : i64, scratch_operands = 3 : i64, tpu.core_type = #tpu.core_type<sc_vector_subcore>, window_params = [{transform_indices = #map}, {transform_indices = #map1}, {transform_indices = #map1}, {transform_indices = #map2}]} {
    %mul3A = arith.constant 2 : i32
    %mul3A_0 = arith.muli %arg1, %mul3A : i32
    %add3A = arith.addi %mul3A_0, %arg0 : i32
    "tpu.region"() ({
      %run_scoped3A = tpu.sem_alloc : memref<!tpu.dma_semaphore, #tpu.memory_space<semaphore_mem>>
      %dma_start3A = arith.constant 0 : i32
      %dma_start3A_11 = arith.constant 0 : i32
      %dma_start3A_12 = tpu.memref_slice %arg2[%add3A, %dma_start3A, %dma_start3A_11] : memref<32x80x128xi32, #tpu.memory_space<hbm>> -> memref<1x80x128xi32, #tpu.memory_space<hbm>>
      %dma_start3A_13 = tpu.memref_squeeze %dma_start3A_12 : memref<1x80x128xi32, #tpu.memory_space<hbm>> -> memref<80x128xi32, #tpu.memory_space<hbm>>
      %dma_start3A_14 = arith.constant 0 : i32
      %dma_start3A_15 = arith.constant 0 : i32
      %dma_start3A_16 = tpu.memref_slice %arg2[%add3A, %dma_start3A_14, %dma_start3A_15] : memref<32x80x128xi32, #tpu.memory_space<hbm>> -> memref<1x80x128xi32, #tpu.memory_space<hbm>>
      %dma_start3A_17 = tpu.memref_squeeze %dma_start3A_16 : memref<1x80x128xi32, #tpu.memory_space<hbm>> -> memref<80x128xi32, #tpu.memory_space<hbm>>
      tpu.enqueue_dma source(%dma_start3A_17 : memref<80x128xi32, #tpu.memory_space<hbm>>) target(%arg6 : memref<80x128xi32, #tpu.memory_space<vmem>>) target_semaphore(%run_scoped3A : memref<!tpu.dma_semaphore, #tpu.memory_space<semaphore_mem>>)
      %dma_wait3A = arith.constant 0 : i32
      %dma_wait3A_18 = arith.constant 0 : i32
      %dma_wait3A_19 = tpu.memref_slice %arg2[%add3A, %dma_wait3A, %dma_wait3A_18] : memref<32x80x128xi32, #tpu.memory_space<hbm>> -> memref<1x80x128xi32, #tpu.memory_space<hbm>>
      %dma_wait3A_20 = tpu.memref_squeeze %dma_wait3A_19 : memref<1x80x128xi32, #tpu.memory_space<hbm>> -> memref<80x128xi32, #tpu.memory_space<hbm>>
      %dma_wait3A_21 = arith.constant 0 : i32
      %dma_wait3A_22 = arith.constant 0 : i32
      %dma_wait3A_23 = tpu.memref_slice %arg2[%add3A, %dma_wait3A_21, %dma_wait3A_22] : memref<32x80x128xi32, #tpu.memory_space<hbm>> -> memref<1x80x128xi32, #tpu.memory_space<hbm>>
      %dma_wait3A_24 = tpu.memref_squeeze %dma_wait3A_23 : memref<1x80x128xi32, #tpu.memory_space<hbm>> -> memref<80x128xi32, #tpu.memory_space<hbm>>
      tpu.wait_dma2 semaphore(%run_scoped3A : memref<!tpu.dma_semaphore, #tpu.memory_space<semaphore_mem>>) src(%dma_wait3A_24 : memref<80x128xi32, #tpu.memory_space<hbm>>) dst(%arg6 : memref<80x128xi32, #tpu.memory_space<vmem>>)
      tpu.yield
    }) : () -> ()
    "tpu.region"() ({
      %run_scoped3A = tpu.sem_alloc : memref<!tpu.dma_semaphore, #tpu.memory_space<semaphore_mem>>
      tpu.enqueue_dma source(%arg3 : memref<128xf32, #tpu.memory_space<hbm>>) target(%arg7 : memref<128xf32, #tpu.memory_space<vmem>>) target_semaphore(%run_scoped3A : memref<!tpu.dma_semaphore, #tpu.memory_space<semaphore_mem>>)
      tpu.wait_dma2 semaphore(%run_scoped3A : memref<!tpu.dma_semaphore, #tpu.memory_space<semaphore_mem>>) src(%arg3 : memref<128xf32, #tpu.memory_space<hbm>>) dst(%arg7 : memref<128xf32, #tpu.memory_space<vmem>>)
      tpu.yield
    }) : () -> ()
    %mul3A_1 = arith.constant 640 : i32
    %mul3A_2 = arith.muli %arg1, %mul3A_1 : i32
    "tpu.region"() ({
      %run_scoped3A = tpu.sem_alloc : memref<!tpu.dma_semaphore, #tpu.memory_space<semaphore_mem>>
      %dma_start3A = tpu.memref_slice %arg8[%mul3A_2] : memref<10240xf32, #tpu.memory_space<vmem_shared>> -> memref<640xf32, #tpu.memory_space<vmem_shared>>
      tpu.enqueue_dma source(%arg4 : memref<640xf32, #tpu.memory_space<hbm>>) target(%dma_start3A : memref<640xf32, #tpu.memory_space<vmem_shared>>) target_semaphore(%run_scoped3A : memref<!tpu.dma_semaphore, #tpu.memory_space<semaphore_mem>>)
      %dma_wait3A = tpu.memref_slice %arg8[%mul3A_2] : memref<10240xf32, #tpu.memory_space<vmem_shared>> -> memref<640xf32, #tpu.memory_space<vmem_shared>>
      tpu.wait_dma2 semaphore(%run_scoped3A : memref<!tpu.dma_semaphore, #tpu.memory_space<semaphore_mem>>) src(%arg4 : memref<640xf32, #tpu.memory_space<hbm>>) dst(%dma_wait3A : memref<640xf32, #tpu.memory_space<vmem_shared>>)
      tpu.yield
    }) : () -> ()
    %barrier3A = arith.constant 0 : index
    tpu.barrier barrier_id(%barrier3A)
    %scan3A = arith.constant 0 : i32
    %scan3A_3 = arith.constant 0 : i32
    %scan3A_4 = arith.constant 80 : i32
    %scan3A_5 = arith.addi %scan3A_3, %scan3A_4 : i32
    %scan3A_6 = arith.constant 1 : i32
    scf.for %scan3A_11 = %scan3A_3 to %scan3A_5 step %scan3A_6  : i32 {
      "tpu.region"() ({
        %run_scoped3A = tpu.sem_alloc : memref<!tpu.dma_semaphore, #tpu.memory_space<semaphore_mem>>
        %dma_start3A = arith.constant 0 : i32
        %dma_start3A_12 = tpu.memref_slice %arg6[%scan3A_11, %dma_start3A] : memref<80x128xi32, #tpu.memory_space<vmem>> -> memref<1x128xi32, #tpu.memory_space<vmem>>
        %dma_start3A_13 = tpu.memref_squeeze %dma_start3A_12 : memref<1x128xi32, #tpu.memory_space<vmem>> -> memref<128xi32, #tpu.memory_space<vmem>>
        %dma_start3A_14 = arith.constant 0 : i32
        %dma_start3A_15 = tpu.memref_slice %arg8[%dma_start3A_14] : memref<10240xf32, #tpu.memory_space<vmem_shared>> -> memref<10240xf32, #tpu.memory_space<vmem_shared>>
        tpu.enqueue_indirect_dma source(%arg7 : memref<128xf32, #tpu.memory_space<vmem>>) target(%dma_start3A_15 : memref<10240xf32, #tpu.memory_space<vmem_shared>>) offsets(%dma_start3A_13 : memref<128xi32, #tpu.memory_space<vmem>>) semaphore(%run_scoped3A : memref<!tpu.dma_semaphore, #tpu.memory_space<semaphore_mem>>) {add = true}
        %dma_wait3A = arith.constant 0 : i32
        %dma_wait3A_16 = tpu.memref_slice %arg6[%scan3A_11, %dma_wait3A] : memref<80x128xi32, #tpu.memory_space<vmem>> -> memref<1x128xi32, #tpu.memory_space<vmem>>
        %dma_wait3A_17 = tpu.memref_squeeze %dma_wait3A_16 : memref<1x128xi32, #tpu.memory_space<vmem>> -> memref<128xi32, #tpu.memory_space<vmem>>
        %dma_wait3A_18 = arith.constant 0 : i32
        %dma_wait3A_19 = tpu.memref_slice %arg8[%dma_wait3A_18] : memref<10240xf32, #tpu.memory_space<vmem_shared>> -> memref<10240xf32, #tpu.memory_space<vmem_shared>>
        tpu.wait_indirect_dma semaphore(%run_scoped3A : memref<!tpu.dma_semaphore, #tpu.memory_space<semaphore_mem>>) src(%arg7 : memref<128xf32, #tpu.memory_space<vmem>>) dst(%dma_wait3A_19 : memref<10240xf32, #tpu.memory_space<vmem_shared>>)
        tpu.yield
      }) : () -> ()
    }
    %scan3A_7 = arith.constant 80 : i32
    %barrier3A_8 = arith.constant 0 : index
    tpu.barrier barrier_id(%barrier3A_8)
    %mul3A_9 = arith.constant 640 : i32
    %mul3A_10 = arith.muli %arg1, %mul3A_9 : i32
    "tpu.region"() ({
      %run_scoped3A = tpu.sem_alloc : memref<!tpu.dma_semaphore, #tpu.memory_space<semaphore_mem>>
      %dma_start3A = tpu.memref_slice %arg5[%arg0, %mul3A_10] : memref<2x10240xf32, #tpu.memory_space<hbm>> -> memref<1x640xf32, #tpu.memory_space<hbm>>
      %dma_start3A_11 = tpu.memref_squeeze %dma_start3A : memref<1x640xf32, #tpu.memory_space<hbm>> -> memref<640xf32, #tpu.memory_space<hbm>>
      %dma_start3A_12 = tpu.memref_slice %arg8[%mul3A_10] : memref<10240xf32, #tpu.memory_space<vmem_shared>> -> memref<640xf32, #tpu.memory_space<vmem_shared>>
      tpu.enqueue_dma source(%dma_start3A_12 : memref<640xf32, #tpu.memory_space<vmem_shared>>) target(%dma_start3A_11 : memref<640xf32, #tpu.memory_space<hbm>>) target_semaphore(%run_scoped3A : memref<!tpu.dma_semaphore, #tpu.memory_space<semaphore_mem>>)
      %dma_wait3A = tpu.memref_slice %arg5[%arg0, %mul3A_10] : memref<2x10240xf32, #tpu.memory_space<hbm>> -> memref<1x640xf32, #tpu.memory_space<hbm>>
      %dma_wait3A_13 = tpu.memref_squeeze %dma_wait3A : memref<1x640xf32, #tpu.memory_space<hbm>> -> memref<640xf32, #tpu.memory_space<hbm>>
      %dma_wait3A_14 = tpu.memref_slice %arg8[%mul3A_10] : memref<10240xf32, #tpu.memory_space<vmem_shared>> -> memref<640xf32, #tpu.memory_space<vmem_shared>>
      tpu.wait_dma2 semaphore(%run_scoped3A : memref<!tpu.dma_semaphore, #tpu.memory_space<semaphore_mem>>) src(%dma_wait3A_14 : memref<640xf32, #tpu.memory_space<vmem_shared>>) dst(%dma_wait3A_13 : memref<640xf32, #tpu.memory_space<hbm>>)
      tpu.yield
    }) : () -> ()
    return
  }
}

#map = affine_map<(d0, d1) -> (0, 0)>
#map1 = affine_map<(d0, d1) -> (0, 0, 0)>
module attributes {stable_mosaic.version = 14 : i64} {
  func.func @spmm(%arg0: i32, %arg1: i32, %arg2: memref<10000x128xf32, #tpu.memory_space<hbm>>, %arg3: memref<10000x128xf32, #tpu.memory_space<hbm>>, %arg4: memref<32x80x128xi32, #tpu.memory_space<hbm>>, %arg5: memref<32x80x128xi32, #tpu.memory_space<hbm>>, %arg6: memref<640x128xf32, #tpu.memory_space<hbm>>, %arg7: memref<10240x128xf32, #tpu.memory_space<hbm>>, %arg8: memref<10240x128xf32, #tpu.memory_space<hbm>>, %arg9: memref<16x128xi32, #tpu.memory_space<vmem>>, %arg10: memref<16x128xi32, #tpu.memory_space<vmem>>, %arg11: memref<128x128xf32, #tpu.memory_space<vmem>>, %arg12: memref<128x128xf32, #tpu.memory_space<vmem>>, %arg13: memref<10240x128xf32, #tpu.memory_space<vmem_shared>>, %arg14: memref<!tpu.dma_semaphore, #tpu.memory_space<semaphore_mem>>, %arg15: memref<!tpu.dma_semaphore, #tpu.memory_space<semaphore_mem>>, %arg16: memref<!tpu.dma_semaphore, #tpu.memory_space<semaphore_mem>>, %arg17: memref<!tpu.dma_semaphore, #tpu.memory_space<semaphore_mem>>) attributes {dimension_semantics = [#tpu.dimension_semantics<core_parallel>, #tpu.dimension_semantics<subcore_parallel>], iteration_bounds = array<i64: 2, 16>, scalar_prefetch = 0 : i64, scratch_operands = 9 : i64, tpu.core_type = #tpu.core_type<sc_vector_subcore>, window_params = [{transform_indices = #map}, {transform_indices = #map}, {transform_indices = #map1}, {transform_indices = #map1}, {transform_indices = #map}, {transform_indices = #map}, {transform_indices = #map}]} {
    %mul3A = arith.constant 2 : i32
    %mul3A_0 = arith.muli %arg1, %mul3A : i32
    %add3A = arith.addi %mul3A_0, %arg0 : i32
    %mul3A_1 = arith.constant 640 : i32
    %mul3A_2 = arith.muli %arg1, %mul3A_1 : i32
    "tpu.region"() ({
      %run_scoped3A = tpu.sem_alloc : memref<!tpu.dma_semaphore, #tpu.memory_space<semaphore_mem>>
      %dma_start3A = arith.constant 0 : i32
      %dma_start3A_23 = tpu.memref_slice %arg13[%mul3A_2, %dma_start3A] : memref<10240x128xf32, #tpu.memory_space<vmem_shared>> -> memref<640x128xf32, #tpu.memory_space<vmem_shared>>
      tpu.enqueue_dma source(%arg6 : memref<640x128xf32, #tpu.memory_space<hbm>>) target(%dma_start3A_23 : memref<640x128xf32, #tpu.memory_space<vmem_shared>>) target_semaphore(%run_scoped3A : memref<!tpu.dma_semaphore, #tpu.memory_space<semaphore_mem>>)
      %dma_wait3A = arith.constant 0 : i32
      %dma_wait3A_24 = tpu.memref_slice %arg13[%mul3A_2, %dma_wait3A] : memref<10240x128xf32, #tpu.memory_space<vmem_shared>> -> memref<640x128xf32, #tpu.memory_space<vmem_shared>>
      tpu.wait_dma2 semaphore(%run_scoped3A : memref<!tpu.dma_semaphore, #tpu.memory_space<semaphore_mem>>) src(%arg6 : memref<640x128xf32, #tpu.memory_space<hbm>>) dst(%dma_wait3A_24 : memref<640x128xf32, #tpu.memory_space<vmem_shared>>)
      tpu.yield
    }) : () -> ()
    %barrier3A = arith.constant 0 : index
    tpu.barrier barrier_id(%barrier3A)
    %eq3A = arith.constant 0 : i32
    %eq3A_3 = arith.cmpi eq, %arg0, %eq3A : i32
    %convert_element_type3A = arith.extui %eq3A_3 : i1 to i32
    %cond3A = arith.constant 0 : i32
    %cond3A_4 = arith.cmpi ne, %convert_element_type3A, %cond3A : i32
    scf.if %cond3A_4 {
      %scan3A = arith.constant 0 : i32
      %scan3A_23 = arith.constant 0 : i32
      %scan3A_24 = arith.constant 5 : i32
      %scan3A_25 = arith.addi %scan3A_23, %scan3A_24 : i32
      %scan3A_26 = arith.constant 1 : i32
      scf.for %scan3A_28 = %scan3A_23 to %scan3A_25 step %scan3A_26  : i32 {
        %mul3A_29 = arith.constant 16 : i32
        %mul3A_30 = arith.muli %scan3A_28, %mul3A_29 : i32
        "tpu.region"() ({
          %run_scoped3A = tpu.sem_alloc : memref<!tpu.dma_semaphore, #tpu.memory_space<semaphore_mem>>
          %dma_start3A_479 = arith.constant 0 : i32
          %dma_start3A_480 = tpu.memref_slice %arg4[%add3A, %mul3A_30, %dma_start3A_479] : memref<32x80x128xi32, #tpu.memory_space<hbm>> -> memref<1x16x128xi32, #tpu.memory_space<hbm>>
          %dma_start3A_481 = tpu.memref_squeeze %dma_start3A_480 : memref<1x16x128xi32, #tpu.memory_space<hbm>> -> memref<16x128xi32, #tpu.memory_space<hbm>>
          %dma_start3A_482 = arith.constant 0 : i32
          %dma_start3A_483 = tpu.memref_slice %arg4[%add3A, %mul3A_30, %dma_start3A_482] : memref<32x80x128xi32, #tpu.memory_space<hbm>> -> memref<1x16x128xi32, #tpu.memory_space<hbm>>
          %dma_start3A_484 = tpu.memref_squeeze %dma_start3A_483 : memref<1x16x128xi32, #tpu.memory_space<hbm>> -> memref<16x128xi32, #tpu.memory_space<hbm>>
          tpu.enqueue_dma source(%dma_start3A_484 : memref<16x128xi32, #tpu.memory_space<hbm>>) target(%arg9 : memref<16x128xi32, #tpu.memory_space<vmem>>) target_semaphore(%run_scoped3A : memref<!tpu.dma_semaphore, #tpu.memory_space<semaphore_mem>>)
          %dma_wait3A_485 = arith.constant 0 : i32
          %dma_wait3A_486 = tpu.memref_slice %arg4[%add3A, %mul3A_30, %dma_wait3A_485] : memref<32x80x128xi32, #tpu.memory_space<hbm>> -> memref<1x16x128xi32, #tpu.memory_space<hbm>>
          %dma_wait3A_487 = tpu.memref_squeeze %dma_wait3A_486 : memref<1x16x128xi32, #tpu.memory_space<hbm>> -> memref<16x128xi32, #tpu.memory_space<hbm>>
          %dma_wait3A_488 = arith.constant 0 : i32
          %dma_wait3A_489 = tpu.memref_slice %arg4[%add3A, %mul3A_30, %dma_wait3A_488] : memref<32x80x128xi32, #tpu.memory_space<hbm>> -> memref<1x16x128xi32, #tpu.memory_space<hbm>>
          %dma_wait3A_490 = tpu.memref_squeeze %dma_wait3A_489 : memref<1x16x128xi32, #tpu.memory_space<hbm>> -> memref<16x128xi32, #tpu.memory_space<hbm>>
          tpu.wait_dma2 semaphore(%run_scoped3A : memref<!tpu.dma_semaphore, #tpu.memory_space<semaphore_mem>>) src(%dma_wait3A_490 : memref<16x128xi32, #tpu.memory_space<hbm>>) dst(%arg9 : memref<16x128xi32, #tpu.memory_space<vmem>>)
          tpu.yield
        }) : () -> ()
        %mul3A_31 = arith.constant 16 : i32
        %mul3A_32 = arith.muli %scan3A_28, %mul3A_31 : i32
        "tpu.region"() ({
          %run_scoped3A = tpu.sem_alloc : memref<!tpu.dma_semaphore, #tpu.memory_space<semaphore_mem>>
          %dma_start3A_479 = arith.constant 0 : i32
          %dma_start3A_480 = tpu.memref_slice %arg5[%add3A, %mul3A_32, %dma_start3A_479] : memref<32x80x128xi32, #tpu.memory_space<hbm>> -> memref<1x16x128xi32, #tpu.memory_space<hbm>>
          %dma_start3A_481 = tpu.memref_squeeze %dma_start3A_480 : memref<1x16x128xi32, #tpu.memory_space<hbm>> -> memref<16x128xi32, #tpu.memory_space<hbm>>
          %dma_start3A_482 = arith.constant 0 : i32
          %dma_start3A_483 = tpu.memref_slice %arg5[%add3A, %mul3A_32, %dma_start3A_482] : memref<32x80x128xi32, #tpu.memory_space<hbm>> -> memref<1x16x128xi32, #tpu.memory_space<hbm>>
          %dma_start3A_484 = tpu.memref_squeeze %dma_start3A_483 : memref<1x16x128xi32, #tpu.memory_space<hbm>> -> memref<16x128xi32, #tpu.memory_space<hbm>>
          tpu.enqueue_dma source(%dma_start3A_484 : memref<16x128xi32, #tpu.memory_space<hbm>>) target(%arg10 : memref<16x128xi32, #tpu.memory_space<vmem>>) target_semaphore(%run_scoped3A : memref<!tpu.dma_semaphore, #tpu.memory_space<semaphore_mem>>)
          %dma_wait3A_485 = arith.constant 0 : i32
          %dma_wait3A_486 = tpu.memref_slice %arg5[%add3A, %mul3A_32, %dma_wait3A_485] : memref<32x80x128xi32, #tpu.memory_space<hbm>> -> memref<1x16x128xi32, #tpu.memory_space<hbm>>
          %dma_wait3A_487 = tpu.memref_squeeze %dma_wait3A_486 : memref<1x16x128xi32, #tpu.memory_space<hbm>> -> memref<16x128xi32, #tpu.memory_space<hbm>>
          %dma_wait3A_488 = arith.constant 0 : i32
          %dma_wait3A_489 = tpu.memref_slice %arg5[%add3A, %mul3A_32, %dma_wait3A_488] : memref<32x80x128xi32, #tpu.memory_space<hbm>> -> memref<1x16x128xi32, #tpu.memory_space<hbm>>
          %dma_wait3A_490 = tpu.memref_squeeze %dma_wait3A_489 : memref<1x16x128xi32, #tpu.memory_space<hbm>> -> memref<16x128xi32, #tpu.memory_space<hbm>>
          tpu.wait_dma2 semaphore(%run_scoped3A : memref<!tpu.dma_semaphore, #tpu.memory_space<semaphore_mem>>) src(%dma_wait3A_490 : memref<16x128xi32, #tpu.memory_space<hbm>>) dst(%arg10 : memref<16x128xi32, #tpu.memory_space<vmem>>)
          tpu.yield
        }) : () -> ()
        %dma_start3A = arith.constant 0 : i32
        %dma_start3A_33 = arith.constant 0 : i32
        %dma_start3A_34 = tpu.memref_slice %arg9[%dma_start3A, %dma_start3A_33] : memref<16x128xi32, #tpu.memory_space<vmem>> -> memref<1x128xi32, #tpu.memory_space<vmem>>
        %dma_start3A_35 = tpu.memref_squeeze %dma_start3A_34 : memref<1x128xi32, #tpu.memory_space<vmem>> -> memref<128xi32, #tpu.memory_space<vmem>>
        %dma_start3A_36 = arith.constant 0 : i32
        %dma_start3A_37 = arith.constant 0 : i32
        %dma_start3A_38 = tpu.memref_slice %arg2[%dma_start3A_36, %dma_start3A_37] : memref<10000x128xf32, #tpu.memory_space<hbm>> -> memref<10000x128xf32, #tpu.memory_space<hbm>>
        tpu.enqueue_indirect_dma source(%dma_start3A_38 : memref<10000x128xf32, #tpu.memory_space<hbm>>) target(%arg11 : memref<128x128xf32, #tpu.memory_space<vmem>>) offsets(%dma_start3A_35 : memref<128xi32, #tpu.memory_space<vmem>>) semaphore(%arg14 : memref<!tpu.dma_semaphore, #tpu.memory_space<semaphore_mem>>)
        %dma_start3A_39 = arith.constant 1 : i32
        %dma_start3A_40 = arith.constant 0 : i32
        %dma_start3A_41 = tpu.memref_slice %arg9[%dma_start3A_39, %dma_start3A_40] : memref<16x128xi32, #tpu.memory_space<vmem>> -> memref<1x128xi32, #tpu.memory_space<vmem>>
        %dma_start3A_42 = tpu.memref_squeeze %dma_start3A_41 : memref<1x128xi32, #tpu.memory_space<vmem>> -> memref<128xi32, #tpu.memory_space<vmem>>
        %dma_start3A_43 = arith.constant 0 : i32
        %dma_start3A_44 = arith.constant 0 : i32
        %dma_start3A_45 = tpu.memref_slice %arg2[%dma_start3A_43, %dma_start3A_44] : memref<10000x128xf32, #tpu.memory_space<hbm>> -> memref<10000x128xf32, #tpu.memory_space<hbm>>
        tpu.enqueue_indirect_dma source(%dma_start3A_45 : memref<10000x128xf32, #tpu.memory_space<hbm>>) target(%arg12 : memref<128x128xf32, #tpu.memory_space<vmem>>) offsets(%dma_start3A_42 : memref<128xi32, #tpu.memory_space<vmem>>) semaphore(%arg15 : memref<!tpu.dma_semaphore, #tpu.memory_space<semaphore_mem>>)
        %dma_wait3A = arith.constant 0 : i32
        %dma_wait3A_46 = arith.constant 0 : i32
        %dma_wait3A_47 = tpu.memref_slice %arg9[%dma_wait3A, %dma_wait3A_46] : memref<16x128xi32, #tpu.memory_space<vmem>> -> memref<1x128xi32, #tpu.memory_space<vmem>>
        %dma_wait3A_48 = tpu.memref_squeeze %dma_wait3A_47 : memref<1x128xi32, #tpu.memory_space<vmem>> -> memref<128xi32, #tpu.memory_space<vmem>>
        %dma_wait3A_49 = arith.constant 0 : i32
        %dma_wait3A_50 = arith.constant 0 : i32
        %dma_wait3A_51 = tpu.memref_slice %arg2[%dma_wait3A_49, %dma_wait3A_50] : memref<10000x128xf32, #tpu.memory_space<hbm>> -> memref<10000x128xf32, #tpu.memory_space<hbm>>
        tpu.wait_indirect_dma semaphore(%arg14 : memref<!tpu.dma_semaphore, #tpu.memory_space<semaphore_mem>>) src(%dma_wait3A_51 : memref<10000x128xf32, #tpu.memory_space<hbm>>) dst(%arg11 : memref<128x128xf32, #tpu.memory_space<vmem>>)
        %dma_start3A_52 = arith.constant 0 : i32
        %dma_start3A_53 = arith.constant 0 : i32
        %dma_start3A_54 = tpu.memref_slice %arg10[%dma_start3A_52, %dma_start3A_53] : memref<16x128xi32, #tpu.memory_space<vmem>> -> memref<1x128xi32, #tpu.memory_space<vmem>>
        %dma_start3A_55 = tpu.memref_squeeze %dma_start3A_54 : memref<1x128xi32, #tpu.memory_space<vmem>> -> memref<128xi32, #tpu.memory_space<vmem>>
        %dma_start3A_56 = arith.constant 0 : i32
        %dma_start3A_57 = arith.constant 0 : i32
        %dma_start3A_58 = tpu.memref_slice %arg13[%dma_start3A_56, %dma_start3A_57] : memref<10240x128xf32, #tpu.memory_space<vmem_shared>> -> memref<10240x128xf32, #tpu.memory_space<vmem_shared>>
        tpu.enqueue_indirect_dma source(%arg11 : memref<128x128xf32, #tpu.memory_space<vmem>>) target(%dma_start3A_58 : memref<10240x128xf32, #tpu.memory_space<vmem_shared>>) offsets(%dma_start3A_55 : memref<128xi32, #tpu.memory_space<vmem>>) semaphore(%arg16 : memref<!tpu.dma_semaphore, #tpu.memory_space<semaphore_mem>>) {add = true}
        %dma_wait3A_59 = arith.constant 0 : i32
        %dma_wait3A_60 = arith.constant 0 : i32
        %dma_wait3A_61 = tpu.memref_slice %arg10[%dma_wait3A_59, %dma_wait3A_60] : memref<16x128xi32, #tpu.memory_space<vmem>> -> memref<1x128xi32, #tpu.memory_space<vmem>>
        %dma_wait3A_62 = tpu.memref_squeeze %dma_wait3A_61 : memref<1x128xi32, #tpu.memory_space<vmem>> -> memref<128xi32, #tpu.memory_space<vmem>>
        %dma_wait3A_63 = arith.constant 0 : i32
        %dma_wait3A_64 = arith.constant 0 : i32
        %dma_wait3A_65 = tpu.memref_slice %arg13[%dma_wait3A_63, %dma_wait3A_64] : memref<10240x128xf32, #tpu.memory_space<vmem_shared>> -> memref<10240x128xf32, #tpu.memory_space<vmem_shared>>
        tpu.wait_indirect_dma semaphore(%arg16 : memref<!tpu.dma_semaphore, #tpu.memory_space<semaphore_mem>>) src(%arg11 : memref<128x128xf32, #tpu.memory_space<vmem>>) dst(%dma_wait3A_65 : memref<10240x128xf32, #tpu.memory_space<vmem_shared>>)
        %dma_start3A_66 = arith.constant 2 : i32
        %dma_start3A_67 = arith.constant 0 : i32
        %dma_start3A_68 = tpu.memref_slice %arg9[%dma_start3A_66, %dma_start3A_67] : memref<16x128xi32, #tpu.memory_space<vmem>> -> memref<1x128xi32, #tpu.memory_space<vmem>>
        %dma_start3A_69 = tpu.memref_squeeze %dma_start3A_68 : memref<1x128xi32, #tpu.memory_space<vmem>> -> memref<128xi32, #tpu.memory_space<vmem>>
        %dma_start3A_70 = arith.constant 0 : i32
        %dma_start3A_71 = arith.constant 0 : i32
        %dma_start3A_72 = tpu.memref_slice %arg2[%dma_start3A_70, %dma_start3A_71] : memref<10000x128xf32, #tpu.memory_space<hbm>> -> memref<10000x128xf32, #tpu.memory_space<hbm>>
        tpu.enqueue_indirect_dma source(%dma_start3A_72 : memref<10000x128xf32, #tpu.memory_space<hbm>>) target(%arg11 : memref<128x128xf32, #tpu.memory_space<vmem>>) offsets(%dma_start3A_69 : memref<128xi32, #tpu.memory_space<vmem>>) semaphore(%arg14 : memref<!tpu.dma_semaphore, #tpu.memory_space<semaphore_mem>>)
        %dma_wait3A_73 = arith.constant 1 : i32
        %dma_wait3A_74 = arith.constant 0 : i32
        %dma_wait3A_75 = tpu.memref_slice %arg9[%dma_wait3A_73, %dma_wait3A_74] : memref<16x128xi32, #tpu.memory_space<vmem>> -> memref<1x128xi32, #tpu.memory_space<vmem>>
        %dma_wait3A_76 = tpu.memref_squeeze %dma_wait3A_75 : memref<1x128xi32, #tpu.memory_space<vmem>> -> memref<128xi32, #tpu.memory_space<vmem>>
        %dma_wait3A_77 = arith.constant 0 : i32
        %dma_wait3A_78 = arith.constant 0 : i32
        %dma_wait3A_79 = tpu.memref_slice %arg2[%dma_wait3A_77, %dma_wait3A_78] : memref<10000x128xf32, #tpu.memory_space<hbm>> -> memref<10000x128xf32, #tpu.memory_space<hbm>>
        tpu.wait_indirect_dma semaphore(%arg15 : memref<!tpu.dma_semaphore, #tpu.memory_space<semaphore_mem>>) src(%dma_wait3A_79 : memref<10000x128xf32, #tpu.memory_space<hbm>>) dst(%arg12 : memref<128x128xf32, #tpu.memory_space<vmem>>)
        %dma_start3A_80 = arith.constant 1 : i32
        %dma_start3A_81 = arith.constant 0 : i32
        %dma_start3A_82 = tpu.memref_slice %arg10[%dma_start3A_80, %dma_start3A_81] : memref<16x128xi32, #tpu.memory_space<vmem>> -> memref<1x128xi32, #tpu.memory_space<vmem>>
        %dma_start3A_83 = tpu.memref_squeeze %dma_start3A_82 : memref<1x128xi32, #tpu.memory_space<vmem>> -> memref<128xi32, #tpu.memory_space<vmem>>
        %dma_start3A_84 = arith.constant 0 : i32
        %dma_start3A_85 = arith.constant 0 : i32
        %dma_start3A_86 = tpu.memref_slice %arg13[%dma_start3A_84, %dma_start3A_85] : memref<10240x128xf32, #tpu.memory_space<vmem_shared>> -> memref<10240x128xf32, #tpu.memory_space<vmem_shared>>
        tpu.enqueue_indirect_dma source(%arg12 : memref<128x128xf32, #tpu.memory_space<vmem>>) target(%dma_start3A_86 : memref<10240x128xf32, #tpu.memory_space<vmem_shared>>) offsets(%dma_start3A_83 : memref<128xi32, #tpu.memory_space<vmem>>) semaphore(%arg17 : memref<!tpu.dma_semaphore, #tpu.memory_space<semaphore_mem>>) {add = true}
        %dma_wait3A_87 = arith.constant 1 : i32
        %dma_wait3A_88 = arith.constant 0 : i32
        %dma_wait3A_89 = tpu.memref_slice %arg10[%dma_wait3A_87, %dma_wait3A_88] : memref<16x128xi32, #tpu.memory_space<vmem>> -> memref<1x128xi32, #tpu.memory_space<vmem>>
        %dma_wait3A_90 = tpu.memref_squeeze %dma_wait3A_89 : memref<1x128xi32, #tpu.memory_space<vmem>> -> memref<128xi32, #tpu.memory_space<vmem>>
        %dma_wait3A_91 = arith.constant 0 : i32
        %dma_wait3A_92 = arith.constant 0 : i32
        %dma_wait3A_93 = tpu.memref_slice %arg13[%dma_wait3A_91, %dma_wait3A_92] : memref<10240x128xf32, #tpu.memory_space<vmem_shared>> -> memref<10240x128xf32, #tpu.memory_space<vmem_shared>>
        tpu.wait_indirect_dma semaphore(%arg17 : memref<!tpu.dma_semaphore, #tpu.memory_space<semaphore_mem>>) src(%arg12 : memref<128x128xf32, #tpu.memory_space<vmem>>) dst(%dma_wait3A_93 : memref<10240x128xf32, #tpu.memory_space<vmem_shared>>)
        %dma_start3A_94 = arith.constant 3 : i32
        %dma_start3A_95 = arith.constant 0 : i32
        %dma_start3A_96 = tpu.memref_slice %arg9[%dma_start3A_94, %dma_start3A_95] : memref<16x128xi32, #tpu.memory_space<vmem>> -> memref<1x128xi32, #tpu.memory_space<vmem>>
        %dma_start3A_97 = tpu.memref_squeeze %dma_start3A_96 : memref<1x128xi32, #tpu.memory_space<vmem>> -> memref<128xi32, #tpu.memory_space<vmem>>
        %dma_start3A_98 = arith.constant 0 : i32
        %dma_start3A_99 = arith.constant 0 : i32
        %dma_start3A_100 = tpu.memref_slice %arg2[%dma_start3A_98, %dma_start3A_99] : memref<10000x128xf32, #tpu.memory_space<hbm>> -> memref<10000x128xf32, #tpu.memory_space<hbm>>
        tpu.enqueue_indirect_dma source(%dma_start3A_100 : memref<10000x128xf32, #tpu.memory_space<hbm>>) target(%arg12 : memref<128x128xf32, #tpu.memory_space<vmem>>) offsets(%dma_start3A_97 : memref<128xi32, #tpu.memory_space<vmem>>) semaphore(%arg15 : memref<!tpu.dma_semaphore, #tpu.memory_space<semaphore_mem>>)
        %dma_wait3A_101 = arith.constant 2 : i32
        %dma_wait3A_102 = arith.constant 0 : i32
        %dma_wait3A_103 = tpu.memref_slice %arg9[%dma_wait3A_101, %dma_wait3A_102] : memref<16x128xi32, #tpu.memory_space<vmem>> -> memref<1x128xi32, #tpu.memory_space<vmem>>
        %dma_wait3A_104 = tpu.memref_squeeze %dma_wait3A_103 : memref<1x128xi32, #tpu.memory_space<vmem>> -> memref<128xi32, #tpu.memory_space<vmem>>
        %dma_wait3A_105 = arith.constant 0 : i32
        %dma_wait3A_106 = arith.constant 0 : i32
        %dma_wait3A_107 = tpu.memref_slice %arg2[%dma_wait3A_105, %dma_wait3A_106] : memref<10000x128xf32, #tpu.memory_space<hbm>> -> memref<10000x128xf32, #tpu.memory_space<hbm>>
        tpu.wait_indirect_dma semaphore(%arg14 : memref<!tpu.dma_semaphore, #tpu.memory_space<semaphore_mem>>) src(%dma_wait3A_107 : memref<10000x128xf32, #tpu.memory_space<hbm>>) dst(%arg11 : memref<128x128xf32, #tpu.memory_space<vmem>>)
        %dma_start3A_108 = arith.constant 2 : i32
        %dma_start3A_109 = arith.constant 0 : i32
        %dma_start3A_110 = tpu.memref_slice %arg10[%dma_start3A_108, %dma_start3A_109] : memref<16x128xi32, #tpu.memory_space<vmem>> -> memref<1x128xi32, #tpu.memory_space<vmem>>
        %dma_start3A_111 = tpu.memref_squeeze %dma_start3A_110 : memref<1x128xi32, #tpu.memory_space<vmem>> -> memref<128xi32, #tpu.memory_space<vmem>>
        %dma_start3A_112 = arith.constant 0 : i32
        %dma_start3A_113 = arith.constant 0 : i32
        %dma_start3A_114 = tpu.memref_slice %arg13[%dma_start3A_112, %dma_start3A_113] : memref<10240x128xf32, #tpu.memory_space<vmem_shared>> -> memref<10240x128xf32, #tpu.memory_space<vmem_shared>>
        tpu.enqueue_indirect_dma source(%arg11 : memref<128x128xf32, #tpu.memory_space<vmem>>) target(%dma_start3A_114 : memref<10240x128xf32, #tpu.memory_space<vmem_shared>>) offsets(%dma_start3A_111 : memref<128xi32, #tpu.memory_space<vmem>>) semaphore(%arg16 : memref<!tpu.dma_semaphore, #tpu.memory_space<semaphore_mem>>) {add = true}
        %dma_wait3A_115 = arith.constant 2 : i32
        %dma_wait3A_116 = arith.constant 0 : i32
        %dma_wait3A_117 = tpu.memref_slice %arg10[%dma_wait3A_115, %dma_wait3A_116] : memref<16x128xi32, #tpu.memory_space<vmem>> -> memref<1x128xi32, #tpu.memory_space<vmem>>
        %dma_wait3A_118 = tpu.memref_squeeze %dma_wait3A_117 : memref<1x128xi32, #tpu.memory_space<vmem>> -> memref<128xi32, #tpu.memory_space<vmem>>
        %dma_wait3A_119 = arith.constant 0 : i32
        %dma_wait3A_120 = arith.constant 0 : i32
        %dma_wait3A_121 = tpu.memref_slice %arg13[%dma_wait3A_119, %dma_wait3A_120] : memref<10240x128xf32, #tpu.memory_space<vmem_shared>> -> memref<10240x128xf32, #tpu.memory_space<vmem_shared>>
        tpu.wait_indirect_dma semaphore(%arg16 : memref<!tpu.dma_semaphore, #tpu.memory_space<semaphore_mem>>) src(%arg11 : memref<128x128xf32, #tpu.memory_space<vmem>>) dst(%dma_wait3A_121 : memref<10240x128xf32, #tpu.memory_space<vmem_shared>>)
        %dma_start3A_122 = arith.constant 4 : i32
        %dma_start3A_123 = arith.constant 0 : i32
        %dma_start3A_124 = tpu.memref_slice %arg9[%dma_start3A_122, %dma_start3A_123] : memref<16x128xi32, #tpu.memory_space<vmem>> -> memref<1x128xi32, #tpu.memory_space<vmem>>
        %dma_start3A_125 = tpu.memref_squeeze %dma_start3A_124 : memref<1x128xi32, #tpu.memory_space<vmem>> -> memref<128xi32, #tpu.memory_space<vmem>>
        %dma_start3A_126 = arith.constant 0 : i32
        %dma_start3A_127 = arith.constant 0 : i32
        %dma_start3A_128 = tpu.memref_slice %arg2[%dma_start3A_126, %dma_start3A_127] : memref<10000x128xf32, #tpu.memory_space<hbm>> -> memref<10000x128xf32, #tpu.memory_space<hbm>>
        tpu.enqueue_indirect_dma source(%dma_start3A_128 : memref<10000x128xf32, #tpu.memory_space<hbm>>) target(%arg11 : memref<128x128xf32, #tpu.memory_space<vmem>>) offsets(%dma_start3A_125 : memref<128xi32, #tpu.memory_space<vmem>>) semaphore(%arg14 : memref<!tpu.dma_semaphore, #tpu.memory_space<semaphore_mem>>)
        %dma_wait3A_129 = arith.constant 3 : i32
        %dma_wait3A_130 = arith.constant 0 : i32
        %dma_wait3A_131 = tpu.memref_slice %arg9[%dma_wait3A_129, %dma_wait3A_130] : memref<16x128xi32, #tpu.memory_space<vmem>> -> memref<1x128xi32, #tpu.memory_space<vmem>>
        %dma_wait3A_132 = tpu.memref_squeeze %dma_wait3A_131 : memref<1x128xi32, #tpu.memory_space<vmem>> -> memref<128xi32, #tpu.memory_space<vmem>>
        %dma_wait3A_133 = arith.constant 0 : i32
        %dma_wait3A_134 = arith.constant 0 : i32
        %dma_wait3A_135 = tpu.memref_slice %arg2[%dma_wait3A_133, %dma_wait3A_134] : memref<10000x128xf32, #tpu.memory_space<hbm>> -> memref<10000x128xf32, #tpu.memory_space<hbm>>
        tpu.wait_indirect_dma semaphore(%arg15 : memref<!tpu.dma_semaphore, #tpu.memory_space<semaphore_mem>>) src(%dma_wait3A_135 : memref<10000x128xf32, #tpu.memory_space<hbm>>) dst(%arg12 : memref<128x128xf32, #tpu.memory_space<vmem>>)
        %dma_start3A_136 = arith.constant 3 : i32
        %dma_start3A_137 = arith.constant 0 : i32
        %dma_start3A_138 = tpu.memref_slice %arg10[%dma_start3A_136, %dma_start3A_137] : memref<16x128xi32, #tpu.memory_space<vmem>> -> memref<1x128xi32, #tpu.memory_space<vmem>>
        %dma_start3A_139 = tpu.memref_squeeze %dma_start3A_138 : memref<1x128xi32, #tpu.memory_space<vmem>> -> memref<128xi32, #tpu.memory_space<vmem>>
        %dma_start3A_140 = arith.constant 0 : i32
        %dma_start3A_141 = arith.constant 0 : i32
        %dma_start3A_142 = tpu.memref_slice %arg13[%dma_start3A_140, %dma_start3A_141] : memref<10240x128xf32, #tpu.memory_space<vmem_shared>> -> memref<10240x128xf32, #tpu.memory_space<vmem_shared>>
        tpu.enqueue_indirect_dma source(%arg12 : memref<128x128xf32, #tpu.memory_space<vmem>>) target(%dma_start3A_142 : memref<10240x128xf32, #tpu.memory_space<vmem_shared>>) offsets(%dma_start3A_139 : memref<128xi32, #tpu.memory_space<vmem>>) semaphore(%arg17 : memref<!tpu.dma_semaphore, #tpu.memory_space<semaphore_mem>>) {add = true}
        %dma_wait3A_143 = arith.constant 3 : i32
        %dma_wait3A_144 = arith.constant 0 : i32
        %dma_wait3A_145 = tpu.memref_slice %arg10[%dma_wait3A_143, %dma_wait3A_144] : memref<16x128xi32, #tpu.memory_space<vmem>> -> memref<1x128xi32, #tpu.memory_space<vmem>>
        %dma_wait3A_146 = tpu.memref_squeeze %dma_wait3A_145 : memref<1x128xi32, #tpu.memory_space<vmem>> -> memref<128xi32, #tpu.memory_space<vmem>>
        %dma_wait3A_147 = arith.constant 0 : i32
        %dma_wait3A_148 = arith.constant 0 : i32
        %dma_wait3A_149 = tpu.memref_slice %arg13[%dma_wait3A_147, %dma_wait3A_148] : memref<10240x128xf32, #tpu.memory_space<vmem_shared>> -> memref<10240x128xf32, #tpu.memory_space<vmem_shared>>
        tpu.wait_indirect_dma semaphore(%arg17 : memref<!tpu.dma_semaphore, #tpu.memory_space<semaphore_mem>>) src(%arg12 : memref<128x128xf32, #tpu.memory_space<vmem>>) dst(%dma_wait3A_149 : memref<10240x128xf32, #tpu.memory_space<vmem_shared>>)
        %dma_start3A_150 = arith.constant 5 : i32
        %dma_start3A_151 = arith.constant 0 : i32
        %dma_start3A_152 = tpu.memref_slice %arg9[%dma_start3A_150, %dma_start3A_151] : memref<16x128xi32, #tpu.memory_space<vmem>> -> memref<1x128xi32, #tpu.memory_space<vmem>>
        %dma_start3A_153 = tpu.memref_squeeze %dma_start3A_152 : memref<1x128xi32, #tpu.memory_space<vmem>> -> memref<128xi32, #tpu.memory_space<vmem>>
        %dma_start3A_154 = arith.constant 0 : i32
        %dma_start3A_155 = arith.constant 0 : i32
        %dma_start3A_156 = tpu.memref_slice %arg2[%dma_start3A_154, %dma_start3A_155] : memref<10000x128xf32, #tpu.memory_space<hbm>> -> memref<10000x128xf32, #tpu.memory_space<hbm>>
        tpu.enqueue_indirect_dma source(%dma_start3A_156 : memref<10000x128xf32, #tpu.memory_space<hbm>>) target(%arg12 : memref<128x128xf32, #tpu.memory_space<vmem>>) offsets(%dma_start3A_153 : memref<128xi32, #tpu.memory_space<vmem>>) semaphore(%arg15 : memref<!tpu.dma_semaphore, #tpu.memory_space<semaphore_mem>>)
        %dma_wait3A_157 = arith.constant 4 : i32
        %dma_wait3A_158 = arith.constant 0 : i32
        %dma_wait3A_159 = tpu.memref_slice %arg9[%dma_wait3A_157, %dma_wait3A_158] : memref<16x128xi32, #tpu.memory_space<vmem>> -> memref<1x128xi32, #tpu.memory_space<vmem>>
        %dma_wait3A_160 = tpu.memref_squeeze %dma_wait3A_159 : memref<1x128xi32, #tpu.memory_space<vmem>> -> memref<128xi32, #tpu.memory_space<vmem>>
        %dma_wait3A_161 = arith.constant 0 : i32
        %dma_wait3A_162 = arith.constant 0 : i32
        %dma_wait3A_163 = tpu.memref_slice %arg2[%dma_wait3A_161, %dma_wait3A_162] : memref<10000x128xf32, #tpu.memory_space<hbm>> -> memref<10000x128xf32, #tpu.memory_space<hbm>>
        tpu.wait_indirect_dma semaphore(%arg14 : memref<!tpu.dma_semaphore, #tpu.memory_space<semaphore_mem>>) src(%dma_wait3A_163 : memref<10000x128xf32, #tpu.memory_space<hbm>>) dst(%arg11 : memref<128x128xf32, #tpu.memory_space<vmem>>)
        %dma_start3A_164 = arith.constant 4 : i32
        %dma_start3A_165 = arith.constant 0 : i32
        %dma_start3A_166 = tpu.memref_slice %arg10[%dma_start3A_164, %dma_start3A_165] : memref<16x128xi32, #tpu.memory_space<vmem>> -> memref<1x128xi32, #tpu.memory_space<vmem>>
        %dma_start3A_167 = tpu.memref_squeeze %dma_start3A_166 : memref<1x128xi32, #tpu.memory_space<vmem>> -> memref<128xi32, #tpu.memory_space<vmem>>
        %dma_start3A_168 = arith.constant 0 : i32
        %dma_start3A_169 = arith.constant 0 : i32
        %dma_start3A_170 = tpu.memref_slice %arg13[%dma_start3A_168, %dma_start3A_169] : memref<10240x128xf32, #tpu.memory_space<vmem_shared>> -> memref<10240x128xf32, #tpu.memory_space<vmem_shared>>
        tpu.enqueue_indirect_dma source(%arg11 : memref<128x128xf32, #tpu.memory_space<vmem>>) target(%dma_start3A_170 : memref<10240x128xf32, #tpu.memory_space<vmem_shared>>) offsets(%dma_start3A_167 : memref<128xi32, #tpu.memory_space<vmem>>) semaphore(%arg16 : memref<!tpu.dma_semaphore, #tpu.memory_space<semaphore_mem>>) {add = true}
        %dma_wait3A_171 = arith.constant 4 : i32
        %dma_wait3A_172 = arith.constant 0 : i32
        %dma_wait3A_173 = tpu.memref_slice %arg10[%dma_wait3A_171, %dma_wait3A_172] : memref<16x128xi32, #tpu.memory_space<vmem>> -> memref<1x128xi32, #tpu.memory_space<vmem>>
        %dma_wait3A_174 = tpu.memref_squeeze %dma_wait3A_173 : memref<1x128xi32, #tpu.memory_space<vmem>> -> memref<128xi32, #tpu.memory_space<vmem>>
        %dma_wait3A_175 = arith.constant 0 : i32
        %dma_wait3A_176 = arith.constant 0 : i32
        %dma_wait3A_177 = tpu.memref_slice %arg13[%dma_wait3A_175, %dma_wait3A_176] : memref<10240x128xf32, #tpu.memory_space<vmem_shared>> -> memref<10240x128xf32, #tpu.memory_space<vmem_shared>>
        tpu.wait_indirect_dma semaphore(%arg16 : memref<!tpu.dma_semaphore, #tpu.memory_space<semaphore_mem>>) src(%arg11 : memref<128x128xf32, #tpu.memory_space<vmem>>) dst(%dma_wait3A_177 : memref<10240x128xf32, #tpu.memory_space<vmem_shared>>)
        %dma_start3A_178 = arith.constant 6 : i32
        %dma_start3A_179 = arith.constant 0 : i32
        %dma_start3A_180 = tpu.memref_slice %arg9[%dma_start3A_178, %dma_start3A_179] : memref<16x128xi32, #tpu.memory_space<vmem>> -> memref<1x128xi32, #tpu.memory_space<vmem>>
        %dma_start3A_181 = tpu.memref_squeeze %dma_start3A_180 : memref<1x128xi32, #tpu.memory_space<vmem>> -> memref<128xi32, #tpu.memory_space<vmem>>
        %dma_start3A_182 = arith.constant 0 : i32
        %dma_start3A_183 = arith.constant 0 : i32
        %dma_start3A_184 = tpu.memref_slice %arg2[%dma_start3A_182, %dma_start3A_183] : memref<10000x128xf32, #tpu.memory_space<hbm>> -> memref<10000x128xf32, #tpu.memory_space<hbm>>
        tpu.enqueue_indirect_dma source(%dma_start3A_184 : memref<10000x128xf32, #tpu.memory_space<hbm>>) target(%arg11 : memref<128x128xf32, #tpu.memory_space<vmem>>) offsets(%dma_start3A_181 : memref<128xi32, #tpu.memory_space<vmem>>) semaphore(%arg14 : memref<!tpu.dma_semaphore, #tpu.memory_space<semaphore_mem>>)
        %dma_wait3A_185 = arith.constant 5 : i32
        %dma_wait3A_186 = arith.constant 0 : i32
        %dma_wait3A_187 = tpu.memref_slice %arg9[%dma_wait3A_185, %dma_wait3A_186] : memref<16x128xi32, #tpu.memory_space<vmem>> -> memref<1x128xi32, #tpu.memory_space<vmem>>
        %dma_wait3A_188 = tpu.memref_squeeze %dma_wait3A_187 : memref<1x128xi32, #tpu.memory_space<vmem>> -> memref<128xi32, #tpu.memory_space<vmem>>
        %dma_wait3A_189 = arith.constant 0 : i32
        %dma_wait3A_190 = arith.constant 0 : i32
        %dma_wait3A_191 = tpu.memref_slice %arg2[%dma_wait3A_189, %dma_wait3A_190] : memref<10000x128xf32, #tpu.memory_space<hbm>> -> memref<10000x128xf32, #tpu.memory_space<hbm>>
        tpu.wait_indirect_dma semaphore(%arg15 : memref<!tpu.dma_semaphore, #tpu.memory_space<semaphore_mem>>) src(%dma_wait3A_191 : memref<10000x128xf32, #tpu.memory_space<hbm>>) dst(%arg12 : memref<128x128xf32, #tpu.memory_space<vmem>>)
        %dma_start3A_192 = arith.constant 5 : i32
        %dma_start3A_193 = arith.constant 0 : i32
        %dma_start3A_194 = tpu.memref_slice %arg10[%dma_start3A_192, %dma_start3A_193] : memref<16x128xi32, #tpu.memory_space<vmem>> -> memref<1x128xi32, #tpu.memory_space<vmem>>
        %dma_start3A_195 = tpu.memref_squeeze %dma_start3A_194 : memref<1x128xi32, #tpu.memory_space<vmem>> -> memref<128xi32, #tpu.memory_space<vmem>>
        %dma_start3A_196 = arith.constant 0 : i32
        %dma_start3A_197 = arith.constant 0 : i32
        %dma_start3A_198 = tpu.memref_slice %arg13[%dma_start3A_196, %dma_start3A_197] : memref<10240x128xf32, #tpu.memory_space<vmem_shared>> -> memref<10240x128xf32, #tpu.memory_space<vmem_shared>>
        tpu.enqueue_indirect_dma source(%arg12 : memref<128x128xf32, #tpu.memory_space<vmem>>) target(%dma_start3A_198 : memref<10240x128xf32, #tpu.memory_space<vmem_shared>>) offsets(%dma_start3A_195 : memref<128xi32, #tpu.memory_space<vmem>>) semaphore(%arg17 : memref<!tpu.dma_semaphore, #tpu.memory_space<semaphore_mem>>) {add = true}
        %dma_wait3A_199 = arith.constant 5 : i32
        %dma_wait3A_200 = arith.constant 0 : i32
        %dma_wait3A_201 = tpu.memref_slice %arg10[%dma_wait3A_199, %dma_wait3A_200] : memref<16x128xi32, #tpu.memory_space<vmem>> -> memref<1x128xi32, #tpu.memory_space<vmem>>
        %dma_wait3A_202 = tpu.memref_squeeze %dma_wait3A_201 : memref<1x128xi32, #tpu.memory_space<vmem>> -> memref<128xi32, #tpu.memory_space<vmem>>
        %dma_wait3A_203 = arith.constant 0 : i32
        %dma_wait3A_204 = arith.constant 0 : i32
        %dma_wait3A_205 = tpu.memref_slice %arg13[%dma_wait3A_203, %dma_wait3A_204] : memref<10240x128xf32, #tpu.memory_space<vmem_shared>> -> memref<10240x128xf32, #tpu.memory_space<vmem_shared>>
        tpu.wait_indirect_dma semaphore(%arg17 : memref<!tpu.dma_semaphore, #tpu.memory_space<semaphore_mem>>) src(%arg12 : memref<128x128xf32, #tpu.memory_space<vmem>>) dst(%dma_wait3A_205 : memref<10240x128xf32, #tpu.memory_space<vmem_shared>>)
        %dma_start3A_206 = arith.constant 7 : i32
        %dma_start3A_207 = arith.constant 0 : i32
        %dma_start3A_208 = tpu.memref_slice %arg9[%dma_start3A_206, %dma_start3A_207] : memref<16x128xi32, #tpu.memory_space<vmem>> -> memref<1x128xi32, #tpu.memory_space<vmem>>
        %dma_start3A_209 = tpu.memref_squeeze %dma_start3A_208 : memref<1x128xi32, #tpu.memory_space<vmem>> -> memref<128xi32, #tpu.memory_space<vmem>>
        %dma_start3A_210 = arith.constant 0 : i32
        %dma_start3A_211 = arith.constant 0 : i32
        %dma_start3A_212 = tpu.memref_slice %arg2[%dma_start3A_210, %dma_start3A_211] : memref<10000x128xf32, #tpu.memory_space<hbm>> -> memref<10000x128xf32, #tpu.memory_space<hbm>>
        tpu.enqueue_indirect_dma source(%dma_start3A_212 : memref<10000x128xf32, #tpu.memory_space<hbm>>) target(%arg12 : memref<128x128xf32, #tpu.memory_space<vmem>>) offsets(%dma_start3A_209 : memref<128xi32, #tpu.memory_space<vmem>>) semaphore(%arg15 : memref<!tpu.dma_semaphore, #tpu.memory_space<semaphore_mem>>)
        %dma_wait3A_213 = arith.constant 6 : i32
        %dma_wait3A_214 = arith.constant 0 : i32
        %dma_wait3A_215 = tpu.memref_slice %arg9[%dma_wait3A_213, %dma_wait3A_214] : memref<16x128xi32, #tpu.memory_space<vmem>> -> memref<1x128xi32, #tpu.memory_space<vmem>>
        %dma_wait3A_216 = tpu.memref_squeeze %dma_wait3A_215 : memref<1x128xi32, #tpu.memory_space<vmem>> -> memref<128xi32, #tpu.memory_space<vmem>>
        %dma_wait3A_217 = arith.constant 0 : i32
        %dma_wait3A_218 = arith.constant 0 : i32
        %dma_wait3A_219 = tpu.memref_slice %arg2[%dma_wait3A_217, %dma_wait3A_218] : memref<10000x128xf32, #tpu.memory_space<hbm>> -> memref<10000x128xf32, #tpu.memory_space<hbm>>
        tpu.wait_indirect_dma semaphore(%arg14 : memref<!tpu.dma_semaphore, #tpu.memory_space<semaphore_mem>>) src(%dma_wait3A_219 : memref<10000x128xf32, #tpu.memory_space<hbm>>) dst(%arg11 : memref<128x128xf32, #tpu.memory_space<vmem>>)
        %dma_start3A_220 = arith.constant 6 : i32
        %dma_start3A_221 = arith.constant 0 : i32
        %dma_start3A_222 = tpu.memref_slice %arg10[%dma_start3A_220, %dma_start3A_221] : memref<16x128xi32, #tpu.memory_space<vmem>> -> memref<1x128xi32, #tpu.memory_space<vmem>>
        %dma_start3A_223 = tpu.memref_squeeze %dma_start3A_222 : memref<1x128xi32, #tpu.memory_space<vmem>> -> memref<128xi32, #tpu.memory_space<vmem>>
        %dma_start3A_224 = arith.constant 0 : i32
        %dma_start3A_225 = arith.constant 0 : i32
        %dma_start3A_226 = tpu.memref_slice %arg13[%dma_start3A_224, %dma_start3A_225] : memref<10240x128xf32, #tpu.memory_space<vmem_shared>> -> memref<10240x128xf32, #tpu.memory_space<vmem_shared>>
        tpu.enqueue_indirect_dma source(%arg11 : memref<128x128xf32, #tpu.memory_space<vmem>>) target(%dma_start3A_226 : memref<10240x128xf32, #tpu.memory_space<vmem_shared>>) offsets(%dma_start3A_223 : memref<128xi32, #tpu.memory_space<vmem>>) semaphore(%arg16 : memref<!tpu.dma_semaphore, #tpu.memory_space<semaphore_mem>>) {add = true}
        %dma_wait3A_227 = arith.constant 6 : i32
        %dma_wait3A_228 = arith.constant 0 : i32
        %dma_wait3A_229 = tpu.memref_slice %arg10[%dma_wait3A_227, %dma_wait3A_228] : memref<16x128xi32, #tpu.memory_space<vmem>> -> memref<1x128xi32, #tpu.memory_space<vmem>>
        %dma_wait3A_230 = tpu.memref_squeeze %dma_wait3A_229 : memref<1x128xi32, #tpu.memory_space<vmem>> -> memref<128xi32, #tpu.memory_space<vmem>>
        %dma_wait3A_231 = arith.constant 0 : i32
        %dma_wait3A_232 = arith.constant 0 : i32
        %dma_wait3A_233 = tpu.memref_slice %arg13[%dma_wait3A_231, %dma_wait3A_232] : memref<10240x128xf32, #tpu.memory_space<vmem_shared>> -> memref<10240x128xf32, #tpu.memory_space<vmem_shared>>
        tpu.wait_indirect_dma semaphore(%arg16 : memref<!tpu.dma_semaphore, #tpu.memory_space<semaphore_mem>>) src(%arg11 : memref<128x128xf32, #tpu.memory_space<vmem>>) dst(%dma_wait3A_233 : memref<10240x128xf32, #tpu.memory_space<vmem_shared>>)
        %dma_start3A_234 = arith.constant 8 : i32
        %dma_start3A_235 = arith.constant 0 : i32
        %dma_start3A_236 = tpu.memref_slice %arg9[%dma_start3A_234, %dma_start3A_235] : memref<16x128xi32, #tpu.memory_space<vmem>> -> memref<1x128xi32, #tpu.memory_space<vmem>>
        %dma_start3A_237 = tpu.memref_squeeze %dma_start3A_236 : memref<1x128xi32, #tpu.memory_space<vmem>> -> memref<128xi32, #tpu.memory_space<vmem>>
        %dma_start3A_238 = arith.constant 0 : i32
        %dma_start3A_239 = arith.constant 0 : i32
        %dma_start3A_240 = tpu.memref_slice %arg2[%dma_start3A_238, %dma_start3A_239] : memref<10000x128xf32, #tpu.memory_space<hbm>> -> memref<10000x128xf32, #tpu.memory_space<hbm>>
        tpu.enqueue_indirect_dma source(%dma_start3A_240 : memref<10000x128xf32, #tpu.memory_space<hbm>>) target(%arg11 : memref<128x128xf32, #tpu.memory_space<vmem>>) offsets(%dma_start3A_237 : memref<128xi32, #tpu.memory_space<vmem>>) semaphore(%arg14 : memref<!tpu.dma_semaphore, #tpu.memory_space<semaphore_mem>>)
        %dma_wait3A_241 = arith.constant 7 : i32
        %dma_wait3A_242 = arith.constant 0 : i32
        %dma_wait3A_243 = tpu.memref_slice %arg9[%dma_wait3A_241, %dma_wait3A_242] : memref<16x128xi32, #tpu.memory_space<vmem>> -> memref<1x128xi32, #tpu.memory_space<vmem>>
        %dma_wait3A_244 = tpu.memref_squeeze %dma_wait3A_243 : memref<1x128xi32, #tpu.memory_space<vmem>> -> memref<128xi32, #tpu.memory_space<vmem>>
        %dma_wait3A_245 = arith.constant 0 : i32
        %dma_wait3A_246 = arith.constant 0 : i32
        %dma_wait3A_247 = tpu.memref_slice %arg2[%dma_wait3A_245, %dma_wait3A_246] : memref<10000x128xf32, #tpu.memory_space<hbm>> -> memref<10000x128xf32, #tpu.memory_space<hbm>>
        tpu.wait_indirect_dma semaphore(%arg15 : memref<!tpu.dma_semaphore, #tpu.memory_space<semaphore_mem>>) src(%dma_wait3A_247 : memref<10000x128xf32, #tpu.memory_space<hbm>>) dst(%arg12 : memref<128x128xf32, #tpu.memory_space<vmem>>)
        %dma_start3A_248 = arith.constant 7 : i32
        %dma_start3A_249 = arith.constant 0 : i32
        %dma_start3A_250 = tpu.memref_slice %arg10[%dma_start3A_248, %dma_start3A_249] : memref<16x128xi32, #tpu.memory_space<vmem>> -> memref<1x128xi32, #tpu.memory_space<vmem>>
        %dma_start3A_251 = tpu.memref_squeeze %dma_start3A_250 : memref<1x128xi32, #tpu.memory_space<vmem>> -> memref<128xi32, #tpu.memory_space<vmem>>
        %dma_start3A_252 = arith.constant 0 : i32
        %dma_start3A_253 = arith.constant 0 : i32
        %dma_start3A_254 = tpu.memref_slice %arg13[%dma_start3A_252, %dma_start3A_253] : memref<10240x128xf32, #tpu.memory_space<vmem_shared>> -> memref<10240x128xf32, #tpu.memory_space<vmem_shared>>
        tpu.enqueue_indirect_dma source(%arg12 : memref<128x128xf32, #tpu.memory_space<vmem>>) target(%dma_start3A_254 : memref<10240x128xf32, #tpu.memory_space<vmem_shared>>) offsets(%dma_start3A_251 : memref<128xi32, #tpu.memory_space<vmem>>) semaphore(%arg17 : memref<!tpu.dma_semaphore, #tpu.memory_space<semaphore_mem>>) {add = true}
        %dma_wait3A_255 = arith.constant 7 : i32
        %dma_wait3A_256 = arith.constant 0 : i32
        %dma_wait3A_257 = tpu.memref_slice %arg10[%dma_wait3A_255, %dma_wait3A_256] : memref<16x128xi32, #tpu.memory_space<vmem>> -> memref<1x128xi32, #tpu.memory_space<vmem>>
        %dma_wait3A_258 = tpu.memref_squeeze %dma_wait3A_257 : memref<1x128xi32, #tpu.memory_space<vmem>> -> memref<128xi32, #tpu.memory_space<vmem>>
        %dma_wait3A_259 = arith.constant 0 : i32
        %dma_wait3A_260 = arith.constant 0 : i32
        %dma_wait3A_261 = tpu.memref_slice %arg13[%dma_wait3A_259, %dma_wait3A_260] : memref<10240x128xf32, #tpu.memory_space<vmem_shared>> -> memref<10240x128xf32, #tpu.memory_space<vmem_shared>>
        tpu.wait_indirect_dma semaphore(%arg17 : memref<!tpu.dma_semaphore, #tpu.memory_space<semaphore_mem>>) src(%arg12 : memref<128x128xf32, #tpu.memory_space<vmem>>) dst(%dma_wait3A_261 : memref<10240x128xf32, #tpu.memory_space<vmem_shared>>)
        %dma_start3A_262 = arith.constant 9 : i32
        %dma_start3A_263 = arith.constant 0 : i32
        %dma_start3A_264 = tpu.memref_slice %arg9[%dma_start3A_262, %dma_start3A_263] : memref<16x128xi32, #tpu.memory_space<vmem>> -> memref<1x128xi32, #tpu.memory_space<vmem>>
        %dma_start3A_265 = tpu.memref_squeeze %dma_start3A_264 : memref<1x128xi32, #tpu.memory_space<vmem>> -> memref<128xi32, #tpu.memory_space<vmem>>
        %dma_start3A_266 = arith.constant 0 : i32
        %dma_start3A_267 = arith.constant 0 : i32
        %dma_start3A_268 = tpu.memref_slice %arg2[%dma_start3A_266, %dma_start3A_267] : memref<10000x128xf32, #tpu.memory_space<hbm>> -> memref<10000x128xf32, #tpu.memory_space<hbm>>
        tpu.enqueue_indirect_dma source(%dma_start3A_268 : memref<10000x128xf32, #tpu.memory_space<hbm>>) target(%arg12 : memref<128x128xf32, #tpu.memory_space<vmem>>) offsets(%dma_start3A_265 : memref<128xi32, #tpu.memory_space<vmem>>) semaphore(%arg15 : memref<!tpu.dma_semaphore, #tpu.memory_space<semaphore_mem>>)
        %dma_wait3A_269 = arith.constant 8 : i32
        %dma_wait3A_270 = arith.constant 0 : i32
        %dma_wait3A_271 = tpu.memref_slice %arg9[%dma_wait3A_269, %dma_wait3A_270] : memref<16x128xi32, #tpu.memory_space<vmem>> -> memref<1x128xi32, #tpu.memory_space<vmem>>
        %dma_wait3A_272 = tpu.memref_squeeze %dma_wait3A_271 : memref<1x128xi32, #tpu.memory_space<vmem>> -> memref<128xi32, #tpu.memory_space<vmem>>
        %dma_wait3A_273 = arith.constant 0 : i32
        %dma_wait3A_274 = arith.constant 0 : i32
        %dma_wait3A_275 = tpu.memref_slice %arg2[%dma_wait3A_273, %dma_wait3A_274] : memref<10000x128xf32, #tpu.memory_space<hbm>> -> memref<10000x128xf32, #tpu.memory_space<hbm>>
        tpu.wait_indirect_dma semaphore(%arg14 : memref<!tpu.dma_semaphore, #tpu.memory_space<semaphore_mem>>) src(%dma_wait3A_275 : memref<10000x128xf32, #tpu.memory_space<hbm>>) dst(%arg11 : memref<128x128xf32, #tpu.memory_space<vmem>>)
        %dma_start3A_276 = arith.constant 8 : i32
        %dma_start3A_277 = arith.constant 0 : i32
        %dma_start3A_278 = tpu.memref_slice %arg10[%dma_start3A_276, %dma_start3A_277] : memref<16x128xi32, #tpu.memory_space<vmem>> -> memref<1x128xi32, #tpu.memory_space<vmem>>
        %dma_start3A_279 = tpu.memref_squeeze %dma_start3A_278 : memref<1x128xi32, #tpu.memory_space<vmem>> -> memref<128xi32, #tpu.memory_space<vmem>>
        %dma_start3A_280 = arith.constant 0 : i32
        %dma_start3A_281 = arith.constant 0 : i32
        %dma_start3A_282 = tpu.memref_slice %arg13[%dma_start3A_280, %dma_start3A_281] : memref<10240x128xf32, #tpu.memory_space<vmem_shared>> -> memref<10240x128xf32, #tpu.memory_space<vmem_shared>>
        tpu.enqueue_indirect_dma source(%arg11 : memref<128x128xf32, #tpu.memory_space<vmem>>) target(%dma_start3A_282 : memref<10240x128xf32, #tpu.memory_space<vmem_shared>>) offsets(%dma_start3A_279 : memref<128xi32, #tpu.memory_space<vmem>>) semaphore(%arg16 : memref<!tpu.dma_semaphore, #tpu.memory_space<semaphore_mem>>) {add = true}
        %dma_wait3A_283 = arith.constant 8 : i32
        %dma_wait3A_284 = arith.constant 0 : i32
        %dma_wait3A_285 = tpu.memref_slice %arg10[%dma_wait3A_283, %dma_wait3A_284] : memref<16x128xi32, #tpu.memory_space<vmem>> -> memref<1x128xi32, #tpu.memory_space<vmem>>
        %dma_wait3A_286 = tpu.memref_squeeze %dma_wait3A_285 : memref<1x128xi32, #tpu.memory_space<vmem>> -> memref<128xi32, #tpu.memory_space<vmem>>
        %dma_wait3A_287 = arith.constant 0 : i32
        %dma_wait3A_288 = arith.constant 0 : i32
        %dma_wait3A_289 = tpu.memref_slice %arg13[%dma_wait3A_287, %dma_wait3A_288] : memref<10240x128xf32, #tpu.memory_space<vmem_shared>> -> memref<10240x128xf32, #tpu.memory_space<vmem_shared>>
        tpu.wait_indirect_dma semaphore(%arg16 : memref<!tpu.dma_semaphore, #tpu.memory_space<semaphore_mem>>) src(%arg11 : memref<128x128xf32, #tpu.memory_space<vmem>>) dst(%dma_wait3A_289 : memref<10240x128xf32, #tpu.memory_space<vmem_shared>>)
        %dma_start3A_290 = arith.constant 10 : i32
        %dma_start3A_291 = arith.constant 0 : i32
        %dma_start3A_292 = tpu.memref_slice %arg9[%dma_start3A_290, %dma_start3A_291] : memref<16x128xi32, #tpu.memory_space<vmem>> -> memref<1x128xi32, #tpu.memory_space<vmem>>
        %dma_start3A_293 = tpu.memref_squeeze %dma_start3A_292 : memref<1x128xi32, #tpu.memory_space<vmem>> -> memref<128xi32, #tpu.memory_space<vmem>>
        %dma_start3A_294 = arith.constant 0 : i32
        %dma_start3A_295 = arith.constant 0 : i32
        %dma_start3A_296 = tpu.memref_slice %arg2[%dma_start3A_294, %dma_start3A_295] : memref<10000x128xf32, #tpu.memory_space<hbm>> -> memref<10000x128xf32, #tpu.memory_space<hbm>>
        tpu.enqueue_indirect_dma source(%dma_start3A_296 : memref<10000x128xf32, #tpu.memory_space<hbm>>) target(%arg11 : memref<128x128xf32, #tpu.memory_space<vmem>>) offsets(%dma_start3A_293 : memref<128xi32, #tpu.memory_space<vmem>>) semaphore(%arg14 : memref<!tpu.dma_semaphore, #tpu.memory_space<semaphore_mem>>)
        %dma_wait3A_297 = arith.constant 9 : i32
        %dma_wait3A_298 = arith.constant 0 : i32
        %dma_wait3A_299 = tpu.memref_slice %arg9[%dma_wait3A_297, %dma_wait3A_298] : memref<16x128xi32, #tpu.memory_space<vmem>> -> memref<1x128xi32, #tpu.memory_space<vmem>>
        %dma_wait3A_300 = tpu.memref_squeeze %dma_wait3A_299 : memref<1x128xi32, #tpu.memory_space<vmem>> -> memref<128xi32, #tpu.memory_space<vmem>>
        %dma_wait3A_301 = arith.constant 0 : i32
        %dma_wait3A_302 = arith.constant 0 : i32
        %dma_wait3A_303 = tpu.memref_slice %arg2[%dma_wait3A_301, %dma_wait3A_302] : memref<10000x128xf32, #tpu.memory_space<hbm>> -> memref<10000x128xf32, #tpu.memory_space<hbm>>
        tpu.wait_indirect_dma semaphore(%arg15 : memref<!tpu.dma_semaphore, #tpu.memory_space<semaphore_mem>>) src(%dma_wait3A_303 : memref<10000x128xf32, #tpu.memory_space<hbm>>) dst(%arg12 : memref<128x128xf32, #tpu.memory_space<vmem>>)
        %dma_start3A_304 = arith.constant 9 : i32
        %dma_start3A_305 = arith.constant 0 : i32
        %dma_start3A_306 = tpu.memref_slice %arg10[%dma_start3A_304, %dma_start3A_305] : memref<16x128xi32, #tpu.memory_space<vmem>> -> memref<1x128xi32, #tpu.memory_space<vmem>>
        %dma_start3A_307 = tpu.memref_squeeze %dma_start3A_306 : memref<1x128xi32, #tpu.memory_space<vmem>> -> memref<128xi32, #tpu.memory_space<vmem>>
        %dma_start3A_308 = arith.constant 0 : i32
        %dma_start3A_309 = arith.constant 0 : i32
        %dma_start3A_310 = tpu.memref_slice %arg13[%dma_start3A_308, %dma_start3A_309] : memref<10240x128xf32, #tpu.memory_space<vmem_shared>> -> memref<10240x128xf32, #tpu.memory_space<vmem_shared>>
        tpu.enqueue_indirect_dma source(%arg12 : memref<128x128xf32, #tpu.memory_space<vmem>>) target(%dma_start3A_310 : memref<10240x128xf32, #tpu.memory_space<vmem_shared>>) offsets(%dma_start3A_307 : memref<128xi32, #tpu.memory_space<vmem>>) semaphore(%arg17 : memref<!tpu.dma_semaphore, #tpu.memory_space<semaphore_mem>>) {add = true}
        %dma_wait3A_311 = arith.constant 9 : i32
        %dma_wait3A_312 = arith.constant 0 : i32
        %dma_wait3A_313 = tpu.memref_slice %arg10[%dma_wait3A_311, %dma_wait3A_312] : memref<16x128xi32, #tpu.memory_space<vmem>> -> memref<1x128xi32, #tpu.memory_space<vmem>>
        %dma_wait3A_314 = tpu.memref_squeeze %dma_wait3A_313 : memref<1x128xi32, #tpu.memory_space<vmem>> -> memref<128xi32, #tpu.memory_space<vmem>>
        %dma_wait3A_315 = arith.constant 0 : i32
        %dma_wait3A_316 = arith.constant 0 : i32
        %dma_wait3A_317 = tpu.memref_slice %arg13[%dma_wait3A_315, %dma_wait3A_316] : memref<10240x128xf32, #tpu.memory_space<vmem_shared>> -> memref<10240x128xf32, #tpu.memory_space<vmem_shared>>
        tpu.wait_indirect_dma semaphore(%arg17 : memref<!tpu.dma_semaphore, #tpu.memory_space<semaphore_mem>>) src(%arg12 : memref<128x128xf32, #tpu.memory_space<vmem>>) dst(%dma_wait3A_317 : memref<10240x128xf32, #tpu.memory_space<vmem_shared>>)
        %dma_start3A_318 = arith.constant 11 : i32
        %dma_start3A_319 = arith.constant 0 : i32
        %dma_start3A_320 = tpu.memref_slice %arg9[%dma_start3A_318, %dma_start3A_319] : memref<16x128xi32, #tpu.memory_space<vmem>> -> memref<1x128xi32, #tpu.memory_space<vmem>>
        %dma_start3A_321 = tpu.memref_squeeze %dma_start3A_320 : memref<1x128xi32, #tpu.memory_space<vmem>> -> memref<128xi32, #tpu.memory_space<vmem>>
        %dma_start3A_322 = arith.constant 0 : i32
        %dma_start3A_323 = arith.constant 0 : i32
        %dma_start3A_324 = tpu.memref_slice %arg2[%dma_start3A_322, %dma_start3A_323] : memref<10000x128xf32, #tpu.memory_space<hbm>> -> memref<10000x128xf32, #tpu.memory_space<hbm>>
        tpu.enqueue_indirect_dma source(%dma_start3A_324 : memref<10000x128xf32, #tpu.memory_space<hbm>>) target(%arg12 : memref<128x128xf32, #tpu.memory_space<vmem>>) offsets(%dma_start3A_321 : memref<128xi32, #tpu.memory_space<vmem>>) semaphore(%arg15 : memref<!tpu.dma_semaphore, #tpu.memory_space<semaphore_mem>>)
        %dma_wait3A_325 = arith.constant 10 : i32
        %dma_wait3A_326 = arith.constant 0 : i32
        %dma_wait3A_327 = tpu.memref_slice %arg9[%dma_wait3A_325, %dma_wait3A_326] : memref<16x128xi32, #tpu.memory_space<vmem>> -> memref<1x128xi32, #tpu.memory_space<vmem>>
        %dma_wait3A_328 = tpu.memref_squeeze %dma_wait3A_327 : memref<1x128xi32, #tpu.memory_space<vmem>> -> memref<128xi32, #tpu.memory_space<vmem>>
        %dma_wait3A_329 = arith.constant 0 : i32
        %dma_wait3A_330 = arith.constant 0 : i32
        %dma_wait3A_331 = tpu.memref_slice %arg2[%dma_wait3A_329, %dma_wait3A_330] : memref<10000x128xf32, #tpu.memory_space<hbm>> -> memref<10000x128xf32, #tpu.memory_space<hbm>>
        tpu.wait_indirect_dma semaphore(%arg14 : memref<!tpu.dma_semaphore, #tpu.memory_space<semaphore_mem>>) src(%dma_wait3A_331 : memref<10000x128xf32, #tpu.memory_space<hbm>>) dst(%arg11 : memref<128x128xf32, #tpu.memory_space<vmem>>)
        %dma_start3A_332 = arith.constant 10 : i32
        %dma_start3A_333 = arith.constant 0 : i32
        %dma_start3A_334 = tpu.memref_slice %arg10[%dma_start3A_332, %dma_start3A_333] : memref<16x128xi32, #tpu.memory_space<vmem>> -> memref<1x128xi32, #tpu.memory_space<vmem>>
        %dma_start3A_335 = tpu.memref_squeeze %dma_start3A_334 : memref<1x128xi32, #tpu.memory_space<vmem>> -> memref<128xi32, #tpu.memory_space<vmem>>
        %dma_start3A_336 = arith.constant 0 : i32
        %dma_start3A_337 = arith.constant 0 : i32
        %dma_start3A_338 = tpu.memref_slice %arg13[%dma_start3A_336, %dma_start3A_337] : memref<10240x128xf32, #tpu.memory_space<vmem_shared>> -> memref<10240x128xf32, #tpu.memory_space<vmem_shared>>
        tpu.enqueue_indirect_dma source(%arg11 : memref<128x128xf32, #tpu.memory_space<vmem>>) target(%dma_start3A_338 : memref<10240x128xf32, #tpu.memory_space<vmem_shared>>) offsets(%dma_start3A_335 : memref<128xi32, #tpu.memory_space<vmem>>) semaphore(%arg16 : memref<!tpu.dma_semaphore, #tpu.memory_space<semaphore_mem>>) {add = true}
        %dma_wait3A_339 = arith.constant 10 : i32
        %dma_wait3A_340 = arith.constant 0 : i32
        %dma_wait3A_341 = tpu.memref_slice %arg10[%dma_wait3A_339, %dma_wait3A_340] : memref<16x128xi32, #tpu.memory_space<vmem>> -> memref<1x128xi32, #tpu.memory_space<vmem>>
        %dma_wait3A_342 = tpu.memref_squeeze %dma_wait3A_341 : memref<1x128xi32, #tpu.memory_space<vmem>> -> memref<128xi32, #tpu.memory_space<vmem>>
        %dma_wait3A_343 = arith.constant 0 : i32
        %dma_wait3A_344 = arith.constant 0 : i32
        %dma_wait3A_345 = tpu.memref_slice %arg13[%dma_wait3A_343, %dma_wait3A_344] : memref<10240x128xf32, #tpu.memory_space<vmem_shared>> -> memref<10240x128xf32, #tpu.memory_space<vmem_shared>>
        tpu.wait_indirect_dma semaphore(%arg16 : memref<!tpu.dma_semaphore, #tpu.memory_space<semaphore_mem>>) src(%arg11 : memref<128x128xf32, #tpu.memory_space<vmem>>) dst(%dma_wait3A_345 : memref<10240x128xf32, #tpu.memory_space<vmem_shared>>)
        %dma_start3A_346 = arith.constant 12 : i32
        %dma_start3A_347 = arith.constant 0 : i32
        %dma_start3A_348 = tpu.memref_slice %arg9[%dma_start3A_346, %dma_start3A_347] : memref<16x128xi32, #tpu.memory_space<vmem>> -> memref<1x128xi32, #tpu.memory_space<vmem>>
        %dma_start3A_349 = tpu.memref_squeeze %dma_start3A_348 : memref<1x128xi32, #tpu.memory_space<vmem>> -> memref<128xi32, #tpu.memory_space<vmem>>
        %dma_start3A_350 = arith.constant 0 : i32
        %dma_start3A_351 = arith.constant 0 : i32
        %dma_start3A_352 = tpu.memref_slice %arg2[%dma_start3A_350, %dma_start3A_351] : memref<10000x128xf32, #tpu.memory_space<hbm>> -> memref<10000x128xf32, #tpu.memory_space<hbm>>
        tpu.enqueue_indirect_dma source(%dma_start3A_352 : memref<10000x128xf32, #tpu.memory_space<hbm>>) target(%arg11 : memref<128x128xf32, #tpu.memory_space<vmem>>) offsets(%dma_start3A_349 : memref<128xi32, #tpu.memory_space<vmem>>) semaphore(%arg14 : memref<!tpu.dma_semaphore, #tpu.memory_space<semaphore_mem>>)
        %dma_wait3A_353 = arith.constant 11 : i32
        %dma_wait3A_354 = arith.constant 0 : i32
        %dma_wait3A_355 = tpu.memref_slice %arg9[%dma_wait3A_353, %dma_wait3A_354] : memref<16x128xi32, #tpu.memory_space<vmem>> -> memref<1x128xi32, #tpu.memory_space<vmem>>
        %dma_wait3A_356 = tpu.memref_squeeze %dma_wait3A_355 : memref<1x128xi32, #tpu.memory_space<vmem>> -> memref<128xi32, #tpu.memory_space<vmem>>
        %dma_wait3A_357 = arith.constant 0 : i32
        %dma_wait3A_358 = arith.constant 0 : i32
        %dma_wait3A_359 = tpu.memref_slice %arg2[%dma_wait3A_357, %dma_wait3A_358] : memref<10000x128xf32, #tpu.memory_space<hbm>> -> memref<10000x128xf32, #tpu.memory_space<hbm>>
        tpu.wait_indirect_dma semaphore(%arg15 : memref<!tpu.dma_semaphore, #tpu.memory_space<semaphore_mem>>) src(%dma_wait3A_359 : memref<10000x128xf32, #tpu.memory_space<hbm>>) dst(%arg12 : memref<128x128xf32, #tpu.memory_space<vmem>>)
        %dma_start3A_360 = arith.constant 11 : i32
        %dma_start3A_361 = arith.constant 0 : i32
        %dma_start3A_362 = tpu.memref_slice %arg10[%dma_start3A_360, %dma_start3A_361] : memref<16x128xi32, #tpu.memory_space<vmem>> -> memref<1x128xi32, #tpu.memory_space<vmem>>
        %dma_start3A_363 = tpu.memref_squeeze %dma_start3A_362 : memref<1x128xi32, #tpu.memory_space<vmem>> -> memref<128xi32, #tpu.memory_space<vmem>>
        %dma_start3A_364 = arith.constant 0 : i32
        %dma_start3A_365 = arith.constant 0 : i32
        %dma_start3A_366 = tpu.memref_slice %arg13[%dma_start3A_364, %dma_start3A_365] : memref<10240x128xf32, #tpu.memory_space<vmem_shared>> -> memref<10240x128xf32, #tpu.memory_space<vmem_shared>>
        tpu.enqueue_indirect_dma source(%arg12 : memref<128x128xf32, #tpu.memory_space<vmem>>) target(%dma_start3A_366 : memref<10240x128xf32, #tpu.memory_space<vmem_shared>>) offsets(%dma_start3A_363 : memref<128xi32, #tpu.memory_space<vmem>>) semaphore(%arg17 : memref<!tpu.dma_semaphore, #tpu.memory_space<semaphore_mem>>) {add = true}
        %dma_wait3A_367 = arith.constant 11 : i32
        %dma_wait3A_368 = arith.constant 0 : i32
        %dma_wait3A_369 = tpu.memref_slice %arg10[%dma_wait3A_367, %dma_wait3A_368] : memref<16x128xi32, #tpu.memory_space<vmem>> -> memref<1x128xi32, #tpu.memory_space<vmem>>
        %dma_wait3A_370 = tpu.memref_squeeze %dma_wait3A_369 : memref<1x128xi32, #tpu.memory_space<vmem>> -> memref<128xi32, #tpu.memory_space<vmem>>
        %dma_wait3A_371 = arith.constant 0 : i32
        %dma_wait3A_372 = arith.constant 0 : i32
        %dma_wait3A_373 = tpu.memref_slice %arg13[%dma_wait3A_371, %dma_wait3A_372] : memref<10240x128xf32, #tpu.memory_space<vmem_shared>> -> memref<10240x128xf32, #tpu.memory_space<vmem_shared>>
        tpu.wait_indirect_dma semaphore(%arg17 : memref<!tpu.dma_semaphore, #tpu.memory_space<semaphore_mem>>) src(%arg12 : memref<128x128xf32, #tpu.memory_space<vmem>>) dst(%dma_wait3A_373 : memref<10240x128xf32, #tpu.memory_space<vmem_shared>>)
        %dma_start3A_374 = arith.constant 13 : i32
        %dma_start3A_375 = arith.constant 0 : i32
        %dma_start3A_376 = tpu.memref_slice %arg9[%dma_start3A_374, %dma_start3A_375] : memref<16x128xi32, #tpu.memory_space<vmem>> -> memref<1x128xi32, #tpu.memory_space<vmem>>
        %dma_start3A_377 = tpu.memref_squeeze %dma_start3A_376 : memref<1x128xi32, #tpu.memory_space<vmem>> -> memref<128xi32, #tpu.memory_space<vmem>>
        %dma_start3A_378 = arith.constant 0 : i32
        %dma_start3A_379 = arith.constant 0 : i32
        %dma_start3A_380 = tpu.memref_slice %arg2[%dma_start3A_378, %dma_start3A_379] : memref<10000x128xf32, #tpu.memory_space<hbm>> -> memref<10000x128xf32, #tpu.memory_space<hbm>>
        tpu.enqueue_indirect_dma source(%dma_start3A_380 : memref<10000x128xf32, #tpu.memory_space<hbm>>) target(%arg12 : memref<128x128xf32, #tpu.memory_space<vmem>>) offsets(%dma_start3A_377 : memref<128xi32, #tpu.memory_space<vmem>>) semaphore(%arg15 : memref<!tpu.dma_semaphore, #tpu.memory_space<semaphore_mem>>)
        %dma_wait3A_381 = arith.constant 12 : i32
        %dma_wait3A_382 = arith.constant 0 : i32
        %dma_wait3A_383 = tpu.memref_slice %arg9[%dma_wait3A_381, %dma_wait3A_382] : memref<16x128xi32, #tpu.memory_space<vmem>> -> memref<1x128xi32, #tpu.memory_space<vmem>>
        %dma_wait3A_384 = tpu.memref_squeeze %dma_wait3A_383 : memref<1x128xi32, #tpu.memory_space<vmem>> -> memref<128xi32, #tpu.memory_space<vmem>>
        %dma_wait3A_385 = arith.constant 0 : i32
        %dma_wait3A_386 = arith.constant 0 : i32
        %dma_wait3A_387 = tpu.memref_slice %arg2[%dma_wait3A_385, %dma_wait3A_386] : memref<10000x128xf32, #tpu.memory_space<hbm>> -> memref<10000x128xf32, #tpu.memory_space<hbm>>
        tpu.wait_indirect_dma semaphore(%arg14 : memref<!tpu.dma_semaphore, #tpu.memory_space<semaphore_mem>>) src(%dma_wait3A_387 : memref<10000x128xf32, #tpu.memory_space<hbm>>) dst(%arg11 : memref<128x128xf32, #tpu.memory_space<vmem>>)
        %dma_start3A_388 = arith.constant 12 : i32
        %dma_start3A_389 = arith.constant 0 : i32
        %dma_start3A_390 = tpu.memref_slice %arg10[%dma_start3A_388, %dma_start3A_389] : memref<16x128xi32, #tpu.memory_space<vmem>> -> memref<1x128xi32, #tpu.memory_space<vmem>>
        %dma_start3A_391 = tpu.memref_squeeze %dma_start3A_390 : memref<1x128xi32, #tpu.memory_space<vmem>> -> memref<128xi32, #tpu.memory_space<vmem>>
        %dma_start3A_392 = arith.constant 0 : i32
        %dma_start3A_393 = arith.constant 0 : i32
        %dma_start3A_394 = tpu.memref_slice %arg13[%dma_start3A_392, %dma_start3A_393] : memref<10240x128xf32, #tpu.memory_space<vmem_shared>> -> memref<10240x128xf32, #tpu.memory_space<vmem_shared>>
        tpu.enqueue_indirect_dma source(%arg11 : memref<128x128xf32, #tpu.memory_space<vmem>>) target(%dma_start3A_394 : memref<10240x128xf32, #tpu.memory_space<vmem_shared>>) offsets(%dma_start3A_391 : memref<128xi32, #tpu.memory_space<vmem>>) semaphore(%arg16 : memref<!tpu.dma_semaphore, #tpu.memory_space<semaphore_mem>>) {add = true}
        %dma_wait3A_395 = arith.constant 12 : i32
        %dma_wait3A_396 = arith.constant 0 : i32
        %dma_wait3A_397 = tpu.memref_slice %arg10[%dma_wait3A_395, %dma_wait3A_396] : memref<16x128xi32, #tpu.memory_space<vmem>> -> memref<1x128xi32, #tpu.memory_space<vmem>>
        %dma_wait3A_398 = tpu.memref_squeeze %dma_wait3A_397 : memref<1x128xi32, #tpu.memory_space<vmem>> -> memref<128xi32, #tpu.memory_space<vmem>>
        %dma_wait3A_399 = arith.constant 0 : i32
        %dma_wait3A_400 = arith.constant 0 : i32
        %dma_wait3A_401 = tpu.memref_slice %arg13[%dma_wait3A_399, %dma_wait3A_400] : memref<10240x128xf32, #tpu.memory_space<vmem_shared>> -> memref<10240x128xf32, #tpu.memory_space<vmem_shared>>
        tpu.wait_indirect_dma semaphore(%arg16 : memref<!tpu.dma_semaphore, #tpu.memory_space<semaphore_mem>>) src(%arg11 : memref<128x128xf32, #tpu.memory_space<vmem>>) dst(%dma_wait3A_401 : memref<10240x128xf32, #tpu.memory_space<vmem_shared>>)
        %dma_start3A_402 = arith.constant 14 : i32
        %dma_start3A_403 = arith.constant 0 : i32
        %dma_start3A_404 = tpu.memref_slice %arg9[%dma_start3A_402, %dma_start3A_403] : memref<16x128xi32, #tpu.memory_space<vmem>> -> memref<1x128xi32, #tpu.memory_space<vmem>>
        %dma_start3A_405 = tpu.memref_squeeze %dma_start3A_404 : memref<1x128xi32, #tpu.memory_space<vmem>> -> memref<128xi32, #tpu.memory_space<vmem>>
        %dma_start3A_406 = arith.constant 0 : i32
        %dma_start3A_407 = arith.constant 0 : i32
        %dma_start3A_408 = tpu.memref_slice %arg2[%dma_start3A_406, %dma_start3A_407] : memref<10000x128xf32, #tpu.memory_space<hbm>> -> memref<10000x128xf32, #tpu.memory_space<hbm>>
        tpu.enqueue_indirect_dma source(%dma_start3A_408 : memref<10000x128xf32, #tpu.memory_space<hbm>>) target(%arg11 : memref<128x128xf32, #tpu.memory_space<vmem>>) offsets(%dma_start3A_405 : memref<128xi32, #tpu.memory_space<vmem>>) semaphore(%arg14 : memref<!tpu.dma_semaphore, #tpu.memory_space<semaphore_mem>>)
        %dma_wait3A_409 = arith.constant 13 : i32
        %dma_wait3A_410 = arith.constant 0 : i32
        %dma_wait3A_411 = tpu.memref_slice %arg9[%dma_wait3A_409, %dma_wait3A_410] : memref<16x128xi32, #tpu.memory_space<vmem>> -> memref<1x128xi32, #tpu.memory_space<vmem>>
        %dma_wait3A_412 = tpu.memref_squeeze %dma_wait3A_411 : memref<1x128xi32, #tpu.memory_space<vmem>> -> memref<128xi32, #tpu.memory_space<vmem>>
        %dma_wait3A_413 = arith.constant 0 : i32
        %dma_wait3A_414 = arith.constant 0 : i32
        %dma_wait3A_415 = tpu.memref_slice %arg2[%dma_wait3A_413, %dma_wait3A_414] : memref<10000x128xf32, #tpu.memory_space<hbm>> -> memref<10000x128xf32, #tpu.memory_space<hbm>>
        tpu.wait_indirect_dma semaphore(%arg15 : memref<!tpu.dma_semaphore, #tpu.memory_space<semaphore_mem>>) src(%dma_wait3A_415 : memref<10000x128xf32, #tpu.memory_space<hbm>>) dst(%arg12 : memref<128x128xf32, #tpu.memory_space<vmem>>)
        %dma_start3A_416 = arith.constant 13 : i32
        %dma_start3A_417 = arith.constant 0 : i32
        %dma_start3A_418 = tpu.memref_slice %arg10[%dma_start3A_416, %dma_start3A_417] : memref<16x128xi32, #tpu.memory_space<vmem>> -> memref<1x128xi32, #tpu.memory_space<vmem>>
        %dma_start3A_419 = tpu.memref_squeeze %dma_start3A_418 : memref<1x128xi32, #tpu.memory_space<vmem>> -> memref<128xi32, #tpu.memory_space<vmem>>
        %dma_start3A_420 = arith.constant 0 : i32
        %dma_start3A_421 = arith.constant 0 : i32
        %dma_start3A_422 = tpu.memref_slice %arg13[%dma_start3A_420, %dma_start3A_421] : memref<10240x128xf32, #tpu.memory_space<vmem_shared>> -> memref<10240x128xf32, #tpu.memory_space<vmem_shared>>
        tpu.enqueue_indirect_dma source(%arg12 : memref<128x128xf32, #tpu.memory_space<vmem>>) target(%dma_start3A_422 : memref<10240x128xf32, #tpu.memory_space<vmem_shared>>) offsets(%dma_start3A_419 : memref<128xi32, #tpu.memory_space<vmem>>) semaphore(%arg17 : memref<!tpu.dma_semaphore, #tpu.memory_space<semaphore_mem>>) {add = true}
        %dma_wait3A_423 = arith.constant 13 : i32
        %dma_wait3A_424 = arith.constant 0 : i32
        %dma_wait3A_425 = tpu.memref_slice %arg10[%dma_wait3A_423, %dma_wait3A_424] : memref<16x128xi32, #tpu.memory_space<vmem>> -> memref<1x128xi32, #tpu.memory_space<vmem>>
        %dma_wait3A_426 = tpu.memref_squeeze %dma_wait3A_425 : memref<1x128xi32, #tpu.memory_space<vmem>> -> memref<128xi32, #tpu.memory_space<vmem>>
        %dma_wait3A_427 = arith.constant 0 : i32
        %dma_wait3A_428 = arith.constant 0 : i32
        %dma_wait3A_429 = tpu.memref_slice %arg13[%dma_wait3A_427, %dma_wait3A_428] : memref<10240x128xf32, #tpu.memory_space<vmem_shared>> -> memref<10240x128xf32, #tpu.memory_space<vmem_shared>>
        tpu.wait_indirect_dma semaphore(%arg17 : memref<!tpu.dma_semaphore, #tpu.memory_space<semaphore_mem>>) src(%arg12 : memref<128x128xf32, #tpu.memory_space<vmem>>) dst(%dma_wait3A_429 : memref<10240x128xf32, #tpu.memory_space<vmem_shared>>)
        %dma_start3A_430 = arith.constant 15 : i32
        %dma_start3A_431 = arith.constant 0 : i32
        %dma_start3A_432 = tpu.memref_slice %arg9[%dma_start3A_430, %dma_start3A_431] : memref<16x128xi32, #tpu.memory_space<vmem>> -> memref<1x128xi32, #tpu.memory_space<vmem>>
        %dma_start3A_433 = tpu.memref_squeeze %dma_start3A_432 : memref<1x128xi32, #tpu.memory_space<vmem>> -> memref<128xi32, #tpu.memory_space<vmem>>
        %dma_start3A_434 = arith.constant 0 : i32
        %dma_start3A_435 = arith.constant 0 : i32
        %dma_start3A_436 = tpu.memref_slice %arg2[%dma_start3A_434, %dma_start3A_435] : memref<10000x128xf32, #tpu.memory_space<hbm>> -> memref<10000x128xf32, #tpu.memory_space<hbm>>
        tpu.enqueue_indirect_dma source(%dma_start3A_436 : memref<10000x128xf32, #tpu.memory_space<hbm>>) target(%arg12 : memref<128x128xf32, #tpu.memory_space<vmem>>) offsets(%dma_start3A_433 : memref<128xi32, #tpu.memory_space<vmem>>) semaphore(%arg15 : memref<!tpu.dma_semaphore, #tpu.memory_space<semaphore_mem>>)
        %dma_wait3A_437 = arith.constant 14 : i32
        %dma_wait3A_438 = arith.constant 0 : i32
        %dma_wait3A_439 = tpu.memref_slice %arg9[%dma_wait3A_437, %dma_wait3A_438] : memref<16x128xi32, #tpu.memory_space<vmem>> -> memref<1x128xi32, #tpu.memory_space<vmem>>
        %dma_wait3A_440 = tpu.memref_squeeze %dma_wait3A_439 : memref<1x128xi32, #tpu.memory_space<vmem>> -> memref<128xi32, #tpu.memory_space<vmem>>
        %dma_wait3A_441 = arith.constant 0 : i32
        %dma_wait3A_442 = arith.constant 0 : i32
        %dma_wait3A_443 = tpu.memref_slice %arg2[%dma_wait3A_441, %dma_wait3A_442] : memref<10000x128xf32, #tpu.memory_space<hbm>> -> memref<10000x128xf32, #tpu.memory_space<hbm>>
        tpu.wait_indirect_dma semaphore(%arg14 : memref<!tpu.dma_semaphore, #tpu.memory_space<semaphore_mem>>) src(%dma_wait3A_443 : memref<10000x128xf32, #tpu.memory_space<hbm>>) dst(%arg11 : memref<128x128xf32, #tpu.memory_space<vmem>>)
        %dma_start3A_444 = arith.constant 14 : i32
        %dma_start3A_445 = arith.constant 0 : i32
        %dma_start3A_446 = tpu.memref_slice %arg10[%dma_start3A_444, %dma_start3A_445] : memref<16x128xi32, #tpu.memory_space<vmem>> -> memref<1x128xi32, #tpu.memory_space<vmem>>
        %dma_start3A_447 = tpu.memref_squeeze %dma_start3A_446 : memref<1x128xi32, #tpu.memory_space<vmem>> -> memref<128xi32, #tpu.memory_space<vmem>>
        %dma_start3A_448 = arith.constant 0 : i32
        %dma_start3A_449 = arith.constant 0 : i32
        %dma_start3A_450 = tpu.memref_slice %arg13[%dma_start3A_448, %dma_start3A_449] : memref<10240x128xf32, #tpu.memory_space<vmem_shared>> -> memref<10240x128xf32, #tpu.memory_space<vmem_shared>>
        tpu.enqueue_indirect_dma source(%arg11 : memref<128x128xf32, #tpu.memory_space<vmem>>) target(%dma_start3A_450 : memref<10240x128xf32, #tpu.memory_space<vmem_shared>>) offsets(%dma_start3A_447 : memref<128xi32, #tpu.memory_space<vmem>>) semaphore(%arg16 : memref<!tpu.dma_semaphore, #tpu.memory_space<semaphore_mem>>) {add = true}
        %dma_wait3A_451 = arith.constant 14 : i32
        %dma_wait3A_452 = arith.constant 0 : i32
        %dma_wait3A_453 = tpu.memref_slice %arg10[%dma_wait3A_451, %dma_wait3A_452] : memref<16x128xi32, #tpu.memory_space<vmem>> -> memref<1x128xi32, #tpu.memory_space<vmem>>
        %dma_wait3A_454 = tpu.memref_squeeze %dma_wait3A_453 : memref<1x128xi32, #tpu.memory_space<vmem>> -> memref<128xi32, #tpu.memory_space<vmem>>
        %dma_wait3A_455 = arith.constant 0 : i32
        %dma_wait3A_456 = arith.constant 0 : i32
        %dma_wait3A_457 = tpu.memref_slice %arg13[%dma_wait3A_455, %dma_wait3A_456] : memref<10240x128xf32, #tpu.memory_space<vmem_shared>> -> memref<10240x128xf32, #tpu.memory_space<vmem_shared>>
        tpu.wait_indirect_dma semaphore(%arg16 : memref<!tpu.dma_semaphore, #tpu.memory_space<semaphore_mem>>) src(%arg11 : memref<128x128xf32, #tpu.memory_space<vmem>>) dst(%dma_wait3A_457 : memref<10240x128xf32, #tpu.memory_space<vmem_shared>>)
        %dma_wait3A_458 = arith.constant 15 : i32
        %dma_wait3A_459 = arith.constant 0 : i32
        %dma_wait3A_460 = tpu.memref_slice %arg9[%dma_wait3A_458, %dma_wait3A_459] : memref<16x128xi32, #tpu.memory_space<vmem>> -> memref<1x128xi32, #tpu.memory_space<vmem>>
        %dma_wait3A_461 = tpu.memref_squeeze %dma_wait3A_460 : memref<1x128xi32, #tpu.memory_space<vmem>> -> memref<128xi32, #tpu.memory_space<vmem>>
        %dma_wait3A_462 = arith.constant 0 : i32
        %dma_wait3A_463 = arith.constant 0 : i32
        %dma_wait3A_464 = tpu.memref_slice %arg2[%dma_wait3A_462, %dma_wait3A_463] : memref<10000x128xf32, #tpu.memory_space<hbm>> -> memref<10000x128xf32, #tpu.memory_space<hbm>>
        tpu.wait_indirect_dma semaphore(%arg15 : memref<!tpu.dma_semaphore, #tpu.memory_space<semaphore_mem>>) src(%dma_wait3A_464 : memref<10000x128xf32, #tpu.memory_space<hbm>>) dst(%arg12 : memref<128x128xf32, #tpu.memory_space<vmem>>)
        %dma_start3A_465 = arith.constant 15 : i32
        %dma_start3A_466 = arith.constant 0 : i32
        %dma_start3A_467 = tpu.memref_slice %arg10[%dma_start3A_465, %dma_start3A_466] : memref<16x128xi32, #tpu.memory_space<vmem>> -> memref<1x128xi32, #tpu.memory_space<vmem>>
        %dma_start3A_468 = tpu.memref_squeeze %dma_start3A_467 : memref<1x128xi32, #tpu.memory_space<vmem>> -> memref<128xi32, #tpu.memory_space<vmem>>
        %dma_start3A_469 = arith.constant 0 : i32
        %dma_start3A_470 = arith.constant 0 : i32
        %dma_start3A_471 = tpu.memref_slice %arg13[%dma_start3A_469, %dma_start3A_470] : memref<10240x128xf32, #tpu.memory_space<vmem_shared>> -> memref<10240x128xf32, #tpu.memory_space<vmem_shared>>
        tpu.enqueue_indirect_dma source(%arg12 : memref<128x128xf32, #tpu.memory_space<vmem>>) target(%dma_start3A_471 : memref<10240x128xf32, #tpu.memory_space<vmem_shared>>) offsets(%dma_start3A_468 : memref<128xi32, #tpu.memory_space<vmem>>) semaphore(%arg17 : memref<!tpu.dma_semaphore, #tpu.memory_space<semaphore_mem>>) {add = true}
        %dma_wait3A_472 = arith.constant 15 : i32
        %dma_wait3A_473 = arith.constant 0 : i32
        %dma_wait3A_474 = tpu.memref_slice %arg10[%dma_wait3A_472, %dma_wait3A_473] : memref<16x128xi32, #tpu.memory_space<vmem>> -> memref<1x128xi32, #tpu.memory_space<vmem>>
        %dma_wait3A_475 = tpu.memref_squeeze %dma_wait3A_474 : memref<1x128xi32, #tpu.memory_space<vmem>> -> memref<128xi32, #tpu.memory_space<vmem>>
        %dma_wait3A_476 = arith.constant 0 : i32
        %dma_wait3A_477 = arith.constant 0 : i32
        %dma_wait3A_478 = tpu.memref_slice %arg13[%dma_wait3A_476, %dma_wait3A_477] : memref<10240x128xf32, #tpu.memory_space<vmem_shared>> -> memref<10240x128xf32, #tpu.memory_space<vmem_shared>>
        tpu.wait_indirect_dma semaphore(%arg17 : memref<!tpu.dma_semaphore, #tpu.memory_space<semaphore_mem>>) src(%arg12 : memref<128x128xf32, #tpu.memory_space<vmem>>) dst(%dma_wait3A_478 : memref<10240x128xf32, #tpu.memory_space<vmem_shared>>)
      }
      %scan3A_27 = arith.constant 5 : i32
    } else {
    }
    %eq3A_5 = arith.constant 1 : i32
    %eq3A_6 = arith.cmpi eq, %arg0, %eq3A_5 : i32
    %convert_element_type3A_7 = arith.extui %eq3A_6 : i1 to i32
    %cond3A_8 = arith.constant 0 : i32
    %cond3A_9 = arith.cmpi ne, %convert_element_type3A_7, %cond3A_8 : i32
    scf.if %cond3A_9 {
      %scan3A = arith.constant 0 : i32
      %scan3A_23 = arith.constant 0 : i32
      %scan3A_24 = arith.constant 5 : i32
      %scan3A_25 = arith.addi %scan3A_23, %scan3A_24 : i32
      %scan3A_26 = arith.constant 1 : i32
      scf.for %scan3A_28 = %scan3A_23 to %scan3A_25 step %scan3A_26  : i32 {
        %mul3A_29 = arith.constant 16 : i32
        %mul3A_30 = arith.muli %scan3A_28, %mul3A_29 : i32
        "tpu.region"() ({
          %run_scoped3A = tpu.sem_alloc : memref<!tpu.dma_semaphore, #tpu.memory_space<semaphore_mem>>
          %dma_start3A_479 = arith.constant 0 : i32
          %dma_start3A_480 = tpu.memref_slice %arg4[%add3A, %mul3A_30, %dma_start3A_479] : memref<32x80x128xi32, #tpu.memory_space<hbm>> -> memref<1x16x128xi32, #tpu.memory_space<hbm>>
          %dma_start3A_481 = tpu.memref_squeeze %dma_start3A_480 : memref<1x16x128xi32, #tpu.memory_space<hbm>> -> memref<16x128xi32, #tpu.memory_space<hbm>>
          %dma_start3A_482 = arith.constant 0 : i32
          %dma_start3A_483 = tpu.memref_slice %arg4[%add3A, %mul3A_30, %dma_start3A_482] : memref<32x80x128xi32, #tpu.memory_space<hbm>> -> memref<1x16x128xi32, #tpu.memory_space<hbm>>
          %dma_start3A_484 = tpu.memref_squeeze %dma_start3A_483 : memref<1x16x128xi32, #tpu.memory_space<hbm>> -> memref<16x128xi32, #tpu.memory_space<hbm>>
          tpu.enqueue_dma source(%dma_start3A_484 : memref<16x128xi32, #tpu.memory_space<hbm>>) target(%arg9 : memref<16x128xi32, #tpu.memory_space<vmem>>) target_semaphore(%run_scoped3A : memref<!tpu.dma_semaphore, #tpu.memory_space<semaphore_mem>>)
          %dma_wait3A_485 = arith.constant 0 : i32
          %dma_wait3A_486 = tpu.memref_slice %arg4[%add3A, %mul3A_30, %dma_wait3A_485] : memref<32x80x128xi32, #tpu.memory_space<hbm>> -> memref<1x16x128xi32, #tpu.memory_space<hbm>>
          %dma_wait3A_487 = tpu.memref_squeeze %dma_wait3A_486 : memref<1x16x128xi32, #tpu.memory_space<hbm>> -> memref<16x128xi32, #tpu.memory_space<hbm>>
          %dma_wait3A_488 = arith.constant 0 : i32
          %dma_wait3A_489 = tpu.memref_slice %arg4[%add3A, %mul3A_30, %dma_wait3A_488] : memref<32x80x128xi32, #tpu.memory_space<hbm>> -> memref<1x16x128xi32, #tpu.memory_space<hbm>>
          %dma_wait3A_490 = tpu.memref_squeeze %dma_wait3A_489 : memref<1x16x128xi32, #tpu.memory_space<hbm>> -> memref<16x128xi32, #tpu.memory_space<hbm>>
          tpu.wait_dma2 semaphore(%run_scoped3A : memref<!tpu.dma_semaphore, #tpu.memory_space<semaphore_mem>>) src(%dma_wait3A_490 : memref<16x128xi32, #tpu.memory_space<hbm>>) dst(%arg9 : memref<16x128xi32, #tpu.memory_space<vmem>>)
          tpu.yield
        }) : () -> ()
        %mul3A_31 = arith.constant 16 : i32
        %mul3A_32 = arith.muli %scan3A_28, %mul3A_31 : i32
        "tpu.region"() ({
          %run_scoped3A = tpu.sem_alloc : memref<!tpu.dma_semaphore, #tpu.memory_space<semaphore_mem>>
          %dma_start3A_479 = arith.constant 0 : i32
          %dma_start3A_480 = tpu.memref_slice %arg5[%add3A, %mul3A_32, %dma_start3A_479] : memref<32x80x128xi32, #tpu.memory_space<hbm>> -> memref<1x16x128xi32, #tpu.memory_space<hbm>>
          %dma_start3A_481 = tpu.memref_squeeze %dma_start3A_480 : memref<1x16x128xi32, #tpu.memory_space<hbm>> -> memref<16x128xi32, #tpu.memory_space<hbm>>
          %dma_start3A_482 = arith.constant 0 : i32
          %dma_start3A_483 = tpu.memref_slice %arg5[%add3A, %mul3A_32, %dma_start3A_482] : memref<32x80x128xi32, #tpu.memory_space<hbm>> -> memref<1x16x128xi32, #tpu.memory_space<hbm>>
          %dma_start3A_484 = tpu.memref_squeeze %dma_start3A_483 : memref<1x16x128xi32, #tpu.memory_space<hbm>> -> memref<16x128xi32, #tpu.memory_space<hbm>>
          tpu.enqueue_dma source(%dma_start3A_484 : memref<16x128xi32, #tpu.memory_space<hbm>>) target(%arg10 : memref<16x128xi32, #tpu.memory_space<vmem>>) target_semaphore(%run_scoped3A : memref<!tpu.dma_semaphore, #tpu.memory_space<semaphore_mem>>)
          %dma_wait3A_485 = arith.constant 0 : i32
          %dma_wait3A_486 = tpu.memref_slice %arg5[%add3A, %mul3A_32, %dma_wait3A_485] : memref<32x80x128xi32, #tpu.memory_space<hbm>> -> memref<1x16x128xi32, #tpu.memory_space<hbm>>
          %dma_wait3A_487 = tpu.memref_squeeze %dma_wait3A_486 : memref<1x16x128xi32, #tpu.memory_space<hbm>> -> memref<16x128xi32, #tpu.memory_space<hbm>>
          %dma_wait3A_488 = arith.constant 0 : i32
          %dma_wait3A_489 = tpu.memref_slice %arg5[%add3A, %mul3A_32, %dma_wait3A_488] : memref<32x80x128xi32, #tpu.memory_space<hbm>> -> memref<1x16x128xi32, #tpu.memory_space<hbm>>
          %dma_wait3A_490 = tpu.memref_squeeze %dma_wait3A_489 : memref<1x16x128xi32, #tpu.memory_space<hbm>> -> memref<16x128xi32, #tpu.memory_space<hbm>>
          tpu.wait_dma2 semaphore(%run_scoped3A : memref<!tpu.dma_semaphore, #tpu.memory_space<semaphore_mem>>) src(%dma_wait3A_490 : memref<16x128xi32, #tpu.memory_space<hbm>>) dst(%arg10 : memref<16x128xi32, #tpu.memory_space<vmem>>)
          tpu.yield
        }) : () -> ()
        %dma_start3A = arith.constant 0 : i32
        %dma_start3A_33 = arith.constant 0 : i32
        %dma_start3A_34 = tpu.memref_slice %arg9[%dma_start3A, %dma_start3A_33] : memref<16x128xi32, #tpu.memory_space<vmem>> -> memref<1x128xi32, #tpu.memory_space<vmem>>
        %dma_start3A_35 = tpu.memref_squeeze %dma_start3A_34 : memref<1x128xi32, #tpu.memory_space<vmem>> -> memref<128xi32, #tpu.memory_space<vmem>>
        %dma_start3A_36 = arith.constant 0 : i32
        %dma_start3A_37 = arith.constant 0 : i32
        %dma_start3A_38 = tpu.memref_slice %arg3[%dma_start3A_36, %dma_start3A_37] : memref<10000x128xf32, #tpu.memory_space<hbm>> -> memref<10000x128xf32, #tpu.memory_space<hbm>>
        tpu.enqueue_indirect_dma source(%dma_start3A_38 : memref<10000x128xf32, #tpu.memory_space<hbm>>) target(%arg11 : memref<128x128xf32, #tpu.memory_space<vmem>>) offsets(%dma_start3A_35 : memref<128xi32, #tpu.memory_space<vmem>>) semaphore(%arg14 : memref<!tpu.dma_semaphore, #tpu.memory_space<semaphore_mem>>)
        %dma_start3A_39 = arith.constant 1 : i32
        %dma_start3A_40 = arith.constant 0 : i32
        %dma_start3A_41 = tpu.memref_slice %arg9[%dma_start3A_39, %dma_start3A_40] : memref<16x128xi32, #tpu.memory_space<vmem>> -> memref<1x128xi32, #tpu.memory_space<vmem>>
        %dma_start3A_42 = tpu.memref_squeeze %dma_start3A_41 : memref<1x128xi32, #tpu.memory_space<vmem>> -> memref<128xi32, #tpu.memory_space<vmem>>
        %dma_start3A_43 = arith.constant 0 : i32
        %dma_start3A_44 = arith.constant 0 : i32
        %dma_start3A_45 = tpu.memref_slice %arg3[%dma_start3A_43, %dma_start3A_44] : memref<10000x128xf32, #tpu.memory_space<hbm>> -> memref<10000x128xf32, #tpu.memory_space<hbm>>
        tpu.enqueue_indirect_dma source(%dma_start3A_45 : memref<10000x128xf32, #tpu.memory_space<hbm>>) target(%arg12 : memref<128x128xf32, #tpu.memory_space<vmem>>) offsets(%dma_start3A_42 : memref<128xi32, #tpu.memory_space<vmem>>) semaphore(%arg15 : memref<!tpu.dma_semaphore, #tpu.memory_space<semaphore_mem>>)
        %dma_wait3A = arith.constant 0 : i32
        %dma_wait3A_46 = arith.constant 0 : i32
        %dma_wait3A_47 = tpu.memref_slice %arg9[%dma_wait3A, %dma_wait3A_46] : memref<16x128xi32, #tpu.memory_space<vmem>> -> memref<1x128xi32, #tpu.memory_space<vmem>>
        %dma_wait3A_48 = tpu.memref_squeeze %dma_wait3A_47 : memref<1x128xi32, #tpu.memory_space<vmem>> -> memref<128xi32, #tpu.memory_space<vmem>>
        %dma_wait3A_49 = arith.constant 0 : i32
        %dma_wait3A_50 = arith.constant 0 : i32
        %dma_wait3A_51 = tpu.memref_slice %arg3[%dma_wait3A_49, %dma_wait3A_50] : memref<10000x128xf32, #tpu.memory_space<hbm>> -> memref<10000x128xf32, #tpu.memory_space<hbm>>
        tpu.wait_indirect_dma semaphore(%arg14 : memref<!tpu.dma_semaphore, #tpu.memory_space<semaphore_mem>>) src(%dma_wait3A_51 : memref<10000x128xf32, #tpu.memory_space<hbm>>) dst(%arg11 : memref<128x128xf32, #tpu.memory_space<vmem>>)
        %dma_start3A_52 = arith.constant 0 : i32
        %dma_start3A_53 = arith.constant 0 : i32
        %dma_start3A_54 = tpu.memref_slice %arg10[%dma_start3A_52, %dma_start3A_53] : memref<16x128xi32, #tpu.memory_space<vmem>> -> memref<1x128xi32, #tpu.memory_space<vmem>>
        %dma_start3A_55 = tpu.memref_squeeze %dma_start3A_54 : memref<1x128xi32, #tpu.memory_space<vmem>> -> memref<128xi32, #tpu.memory_space<vmem>>
        %dma_start3A_56 = arith.constant 0 : i32
        %dma_start3A_57 = arith.constant 0 : i32
        %dma_start3A_58 = tpu.memref_slice %arg13[%dma_start3A_56, %dma_start3A_57] : memref<10240x128xf32, #tpu.memory_space<vmem_shared>> -> memref<10240x128xf32, #tpu.memory_space<vmem_shared>>
        tpu.enqueue_indirect_dma source(%arg11 : memref<128x128xf32, #tpu.memory_space<vmem>>) target(%dma_start3A_58 : memref<10240x128xf32, #tpu.memory_space<vmem_shared>>) offsets(%dma_start3A_55 : memref<128xi32, #tpu.memory_space<vmem>>) semaphore(%arg16 : memref<!tpu.dma_semaphore, #tpu.memory_space<semaphore_mem>>) {add = true}
        %dma_wait3A_59 = arith.constant 0 : i32
        %dma_wait3A_60 = arith.constant 0 : i32
        %dma_wait3A_61 = tpu.memref_slice %arg10[%dma_wait3A_59, %dma_wait3A_60] : memref<16x128xi32, #tpu.memory_space<vmem>> -> memref<1x128xi32, #tpu.memory_space<vmem>>
        %dma_wait3A_62 = tpu.memref_squeeze %dma_wait3A_61 : memref<1x128xi32, #tpu.memory_space<vmem>> -> memref<128xi32, #tpu.memory_space<vmem>>
        %dma_wait3A_63 = arith.constant 0 : i32
        %dma_wait3A_64 = arith.constant 0 : i32
        %dma_wait3A_65 = tpu.memref_slice %arg13[%dma_wait3A_63, %dma_wait3A_64] : memref<10240x128xf32, #tpu.memory_space<vmem_shared>> -> memref<10240x128xf32, #tpu.memory_space<vmem_shared>>
        tpu.wait_indirect_dma semaphore(%arg16 : memref<!tpu.dma_semaphore, #tpu.memory_space<semaphore_mem>>) src(%arg11 : memref<128x128xf32, #tpu.memory_space<vmem>>) dst(%dma_wait3A_65 : memref<10240x128xf32, #tpu.memory_space<vmem_shared>>)
        %dma_start3A_66 = arith.constant 2 : i32
        %dma_start3A_67 = arith.constant 0 : i32
        %dma_start3A_68 = tpu.memref_slice %arg9[%dma_start3A_66, %dma_start3A_67] : memref<16x128xi32, #tpu.memory_space<vmem>> -> memref<1x128xi32, #tpu.memory_space<vmem>>
        %dma_start3A_69 = tpu.memref_squeeze %dma_start3A_68 : memref<1x128xi32, #tpu.memory_space<vmem>> -> memref<128xi32, #tpu.memory_space<vmem>>
        %dma_start3A_70 = arith.constant 0 : i32
        %dma_start3A_71 = arith.constant 0 : i32
        %dma_start3A_72 = tpu.memref_slice %arg3[%dma_start3A_70, %dma_start3A_71] : memref<10000x128xf32, #tpu.memory_space<hbm>> -> memref<10000x128xf32, #tpu.memory_space<hbm>>
        tpu.enqueue_indirect_dma source(%dma_start3A_72 : memref<10000x128xf32, #tpu.memory_space<hbm>>) target(%arg11 : memref<128x128xf32, #tpu.memory_space<vmem>>) offsets(%dma_start3A_69 : memref<128xi32, #tpu.memory_space<vmem>>) semaphore(%arg14 : memref<!tpu.dma_semaphore, #tpu.memory_space<semaphore_mem>>)
        %dma_wait3A_73 = arith.constant 1 : i32
        %dma_wait3A_74 = arith.constant 0 : i32
        %dma_wait3A_75 = tpu.memref_slice %arg9[%dma_wait3A_73, %dma_wait3A_74] : memref<16x128xi32, #tpu.memory_space<vmem>> -> memref<1x128xi32, #tpu.memory_space<vmem>>
        %dma_wait3A_76 = tpu.memref_squeeze %dma_wait3A_75 : memref<1x128xi32, #tpu.memory_space<vmem>> -> memref<128xi32, #tpu.memory_space<vmem>>
        %dma_wait3A_77 = arith.constant 0 : i32
        %dma_wait3A_78 = arith.constant 0 : i32
        %dma_wait3A_79 = tpu.memref_slice %arg3[%dma_wait3A_77, %dma_wait3A_78] : memref<10000x128xf32, #tpu.memory_space<hbm>> -> memref<10000x128xf32, #tpu.memory_space<hbm>>
        tpu.wait_indirect_dma semaphore(%arg15 : memref<!tpu.dma_semaphore, #tpu.memory_space<semaphore_mem>>) src(%dma_wait3A_79 : memref<10000x128xf32, #tpu.memory_space<hbm>>) dst(%arg12 : memref<128x128xf32, #tpu.memory_space<vmem>>)
        %dma_start3A_80 = arith.constant 1 : i32
        %dma_start3A_81 = arith.constant 0 : i32
        %dma_start3A_82 = tpu.memref_slice %arg10[%dma_start3A_80, %dma_start3A_81] : memref<16x128xi32, #tpu.memory_space<vmem>> -> memref<1x128xi32, #tpu.memory_space<vmem>>
        %dma_start3A_83 = tpu.memref_squeeze %dma_start3A_82 : memref<1x128xi32, #tpu.memory_space<vmem>> -> memref<128xi32, #tpu.memory_space<vmem>>
        %dma_start3A_84 = arith.constant 0 : i32
        %dma_start3A_85 = arith.constant 0 : i32
        %dma_start3A_86 = tpu.memref_slice %arg13[%dma_start3A_84, %dma_start3A_85] : memref<10240x128xf32, #tpu.memory_space<vmem_shared>> -> memref<10240x128xf32, #tpu.memory_space<vmem_shared>>
        tpu.enqueue_indirect_dma source(%arg12 : memref<128x128xf32, #tpu.memory_space<vmem>>) target(%dma_start3A_86 : memref<10240x128xf32, #tpu.memory_space<vmem_shared>>) offsets(%dma_start3A_83 : memref<128xi32, #tpu.memory_space<vmem>>) semaphore(%arg17 : memref<!tpu.dma_semaphore, #tpu.memory_space<semaphore_mem>>) {add = true}
        %dma_wait3A_87 = arith.constant 1 : i32
        %dma_wait3A_88 = arith.constant 0 : i32
        %dma_wait3A_89 = tpu.memref_slice %arg10[%dma_wait3A_87, %dma_wait3A_88] : memref<16x128xi32, #tpu.memory_space<vmem>> -> memref<1x128xi32, #tpu.memory_space<vmem>>
        %dma_wait3A_90 = tpu.memref_squeeze %dma_wait3A_89 : memref<1x128xi32, #tpu.memory_space<vmem>> -> memref<128xi32, #tpu.memory_space<vmem>>
        %dma_wait3A_91 = arith.constant 0 : i32
        %dma_wait3A_92 = arith.constant 0 : i32
        %dma_wait3A_93 = tpu.memref_slice %arg13[%dma_wait3A_91, %dma_wait3A_92] : memref<10240x128xf32, #tpu.memory_space<vmem_shared>> -> memref<10240x128xf32, #tpu.memory_space<vmem_shared>>
        tpu.wait_indirect_dma semaphore(%arg17 : memref<!tpu.dma_semaphore, #tpu.memory_space<semaphore_mem>>) src(%arg12 : memref<128x128xf32, #tpu.memory_space<vmem>>) dst(%dma_wait3A_93 : memref<10240x128xf32, #tpu.memory_space<vmem_shared>>)
        %dma_start3A_94 = arith.constant 3 : i32
        %dma_start3A_95 = arith.constant 0 : i32
        %dma_start3A_96 = tpu.memref_slice %arg9[%dma_start3A_94, %dma_start3A_95] : memref<16x128xi32, #tpu.memory_space<vmem>> -> memref<1x128xi32, #tpu.memory_space<vmem>>
        %dma_start3A_97 = tpu.memref_squeeze %dma_start3A_96 : memref<1x128xi32, #tpu.memory_space<vmem>> -> memref<128xi32, #tpu.memory_space<vmem>>
        %dma_start3A_98 = arith.constant 0 : i32
        %dma_start3A_99 = arith.constant 0 : i32
        %dma_start3A_100 = tpu.memref_slice %arg3[%dma_start3A_98, %dma_start3A_99] : memref<10000x128xf32, #tpu.memory_space<hbm>> -> memref<10000x128xf32, #tpu.memory_space<hbm>>
        tpu.enqueue_indirect_dma source(%dma_start3A_100 : memref<10000x128xf32, #tpu.memory_space<hbm>>) target(%arg12 : memref<128x128xf32, #tpu.memory_space<vmem>>) offsets(%dma_start3A_97 : memref<128xi32, #tpu.memory_space<vmem>>) semaphore(%arg15 : memref<!tpu.dma_semaphore, #tpu.memory_space<semaphore_mem>>)
        %dma_wait3A_101 = arith.constant 2 : i32
        %dma_wait3A_102 = arith.constant 0 : i32
        %dma_wait3A_103 = tpu.memref_slice %arg9[%dma_wait3A_101, %dma_wait3A_102] : memref<16x128xi32, #tpu.memory_space<vmem>> -> memref<1x128xi32, #tpu.memory_space<vmem>>
        %dma_wait3A_104 = tpu.memref_squeeze %dma_wait3A_103 : memref<1x128xi32, #tpu.memory_space<vmem>> -> memref<128xi32, #tpu.memory_space<vmem>>
        %dma_wait3A_105 = arith.constant 0 : i32
        %dma_wait3A_106 = arith.constant 0 : i32
        %dma_wait3A_107 = tpu.memref_slice %arg3[%dma_wait3A_105, %dma_wait3A_106] : memref<10000x128xf32, #tpu.memory_space<hbm>> -> memref<10000x128xf32, #tpu.memory_space<hbm>>
        tpu.wait_indirect_dma semaphore(%arg14 : memref<!tpu.dma_semaphore, #tpu.memory_space<semaphore_mem>>) src(%dma_wait3A_107 : memref<10000x128xf32, #tpu.memory_space<hbm>>) dst(%arg11 : memref<128x128xf32, #tpu.memory_space<vmem>>)
        %dma_start3A_108 = arith.constant 2 : i32
        %dma_start3A_109 = arith.constant 0 : i32
        %dma_start3A_110 = tpu.memref_slice %arg10[%dma_start3A_108, %dma_start3A_109] : memref<16x128xi32, #tpu.memory_space<vmem>> -> memref<1x128xi32, #tpu.memory_space<vmem>>
        %dma_start3A_111 = tpu.memref_squeeze %dma_start3A_110 : memref<1x128xi32, #tpu.memory_space<vmem>> -> memref<128xi32, #tpu.memory_space<vmem>>
        %dma_start3A_112 = arith.constant 0 : i32
        %dma_start3A_113 = arith.constant 0 : i32
        %dma_start3A_114 = tpu.memref_slice %arg13[%dma_start3A_112, %dma_start3A_113] : memref<10240x128xf32, #tpu.memory_space<vmem_shared>> -> memref<10240x128xf32, #tpu.memory_space<vmem_shared>>
        tpu.enqueue_indirect_dma source(%arg11 : memref<128x128xf32, #tpu.memory_space<vmem>>) target(%dma_start3A_114 : memref<10240x128xf32, #tpu.memory_space<vmem_shared>>) offsets(%dma_start3A_111 : memref<128xi32, #tpu.memory_space<vmem>>) semaphore(%arg16 : memref<!tpu.dma_semaphore, #tpu.memory_space<semaphore_mem>>) {add = true}
        %dma_wait3A_115 = arith.constant 2 : i32
        %dma_wait3A_116 = arith.constant 0 : i32
        %dma_wait3A_117 = tpu.memref_slice %arg10[%dma_wait3A_115, %dma_wait3A_116] : memref<16x128xi32, #tpu.memory_space<vmem>> -> memref<1x128xi32, #tpu.memory_space<vmem>>
        %dma_wait3A_118 = tpu.memref_squeeze %dma_wait3A_117 : memref<1x128xi32, #tpu.memory_space<vmem>> -> memref<128xi32, #tpu.memory_space<vmem>>
        %dma_wait3A_119 = arith.constant 0 : i32
        %dma_wait3A_120 = arith.constant 0 : i32
        %dma_wait3A_121 = tpu.memref_slice %arg13[%dma_wait3A_119, %dma_wait3A_120] : memref<10240x128xf32, #tpu.memory_space<vmem_shared>> -> memref<10240x128xf32, #tpu.memory_space<vmem_shared>>
        tpu.wait_indirect_dma semaphore(%arg16 : memref<!tpu.dma_semaphore, #tpu.memory_space<semaphore_mem>>) src(%arg11 : memref<128x128xf32, #tpu.memory_space<vmem>>) dst(%dma_wait3A_121 : memref<10240x128xf32, #tpu.memory_space<vmem_shared>>)
        %dma_start3A_122 = arith.constant 4 : i32
        %dma_start3A_123 = arith.constant 0 : i32
        %dma_start3A_124 = tpu.memref_slice %arg9[%dma_start3A_122, %dma_start3A_123] : memref<16x128xi32, #tpu.memory_space<vmem>> -> memref<1x128xi32, #tpu.memory_space<vmem>>
        %dma_start3A_125 = tpu.memref_squeeze %dma_start3A_124 : memref<1x128xi32, #tpu.memory_space<vmem>> -> memref<128xi32, #tpu.memory_space<vmem>>
        %dma_start3A_126 = arith.constant 0 : i32
        %dma_start3A_127 = arith.constant 0 : i32
        %dma_start3A_128 = tpu.memref_slice %arg3[%dma_start3A_126, %dma_start3A_127] : memref<10000x128xf32, #tpu.memory_space<hbm>> -> memref<10000x128xf32, #tpu.memory_space<hbm>>
        tpu.enqueue_indirect_dma source(%dma_start3A_128 : memref<10000x128xf32, #tpu.memory_space<hbm>>) target(%arg11 : memref<128x128xf32, #tpu.memory_space<vmem>>) offsets(%dma_start3A_125 : memref<128xi32, #tpu.memory_space<vmem>>) semaphore(%arg14 : memref<!tpu.dma_semaphore, #tpu.memory_space<semaphore_mem>>)
        %dma_wait3A_129 = arith.constant 3 : i32
        %dma_wait3A_130 = arith.constant 0 : i32
        %dma_wait3A_131 = tpu.memref_slice %arg9[%dma_wait3A_129, %dma_wait3A_130] : memref<16x128xi32, #tpu.memory_space<vmem>> -> memref<1x128xi32, #tpu.memory_space<vmem>>
        %dma_wait3A_132 = tpu.memref_squeeze %dma_wait3A_131 : memref<1x128xi32, #tpu.memory_space<vmem>> -> memref<128xi32, #tpu.memory_space<vmem>>
        %dma_wait3A_133 = arith.constant 0 : i32
        %dma_wait3A_134 = arith.constant 0 : i32
        %dma_wait3A_135 = tpu.memref_slice %arg3[%dma_wait3A_133, %dma_wait3A_134] : memref<10000x128xf32, #tpu.memory_space<hbm>> -> memref<10000x128xf32, #tpu.memory_space<hbm>>
        tpu.wait_indirect_dma semaphore(%arg15 : memref<!tpu.dma_semaphore, #tpu.memory_space<semaphore_mem>>) src(%dma_wait3A_135 : memref<10000x128xf32, #tpu.memory_space<hbm>>) dst(%arg12 : memref<128x128xf32, #tpu.memory_space<vmem>>)
        %dma_start3A_136 = arith.constant 3 : i32
        %dma_start3A_137 = arith.constant 0 : i32
        %dma_start3A_138 = tpu.memref_slice %arg10[%dma_start3A_136, %dma_start3A_137] : memref<16x128xi32, #tpu.memory_space<vmem>> -> memref<1x128xi32, #tpu.memory_space<vmem>>
        %dma_start3A_139 = tpu.memref_squeeze %dma_start3A_138 : memref<1x128xi32, #tpu.memory_space<vmem>> -> memref<128xi32, #tpu.memory_space<vmem>>
        %dma_start3A_140 = arith.constant 0 : i32
        %dma_start3A_141 = arith.constant 0 : i32
        %dma_start3A_142 = tpu.memref_slice %arg13[%dma_start3A_140, %dma_start3A_141] : memref<10240x128xf32, #tpu.memory_space<vmem_shared>> -> memref<10240x128xf32, #tpu.memory_space<vmem_shared>>
        tpu.enqueue_indirect_dma source(%arg12 : memref<128x128xf32, #tpu.memory_space<vmem>>) target(%dma_start3A_142 : memref<10240x128xf32, #tpu.memory_space<vmem_shared>>) offsets(%dma_start3A_139 : memref<128xi32, #tpu.memory_space<vmem>>) semaphore(%arg17 : memref<!tpu.dma_semaphore, #tpu.memory_space<semaphore_mem>>) {add = true}
        %dma_wait3A_143 = arith.constant 3 : i32
        %dma_wait3A_144 = arith.constant 0 : i32
        %dma_wait3A_145 = tpu.memref_slice %arg10[%dma_wait3A_143, %dma_wait3A_144] : memref<16x128xi32, #tpu.memory_space<vmem>> -> memref<1x128xi32, #tpu.memory_space<vmem>>
        %dma_wait3A_146 = tpu.memref_squeeze %dma_wait3A_145 : memref<1x128xi32, #tpu.memory_space<vmem>> -> memref<128xi32, #tpu.memory_space<vmem>>
        %dma_wait3A_147 = arith.constant 0 : i32
        %dma_wait3A_148 = arith.constant 0 : i32
        %dma_wait3A_149 = tpu.memref_slice %arg13[%dma_wait3A_147, %dma_wait3A_148] : memref<10240x128xf32, #tpu.memory_space<vmem_shared>> -> memref<10240x128xf32, #tpu.memory_space<vmem_shared>>
        tpu.wait_indirect_dma semaphore(%arg17 : memref<!tpu.dma_semaphore, #tpu.memory_space<semaphore_mem>>) src(%arg12 : memref<128x128xf32, #tpu.memory_space<vmem>>) dst(%dma_wait3A_149 : memref<10240x128xf32, #tpu.memory_space<vmem_shared>>)
        %dma_start3A_150 = arith.constant 5 : i32
        %dma_start3A_151 = arith.constant 0 : i32
        %dma_start3A_152 = tpu.memref_slice %arg9[%dma_start3A_150, %dma_start3A_151] : memref<16x128xi32, #tpu.memory_space<vmem>> -> memref<1x128xi32, #tpu.memory_space<vmem>>
        %dma_start3A_153 = tpu.memref_squeeze %dma_start3A_152 : memref<1x128xi32, #tpu.memory_space<vmem>> -> memref<128xi32, #tpu.memory_space<vmem>>
        %dma_start3A_154 = arith.constant 0 : i32
        %dma_start3A_155 = arith.constant 0 : i32
        %dma_start3A_156 = tpu.memref_slice %arg3[%dma_start3A_154, %dma_start3A_155] : memref<10000x128xf32, #tpu.memory_space<hbm>> -> memref<10000x128xf32, #tpu.memory_space<hbm>>
        tpu.enqueue_indirect_dma source(%dma_start3A_156 : memref<10000x128xf32, #tpu.memory_space<hbm>>) target(%arg12 : memref<128x128xf32, #tpu.memory_space<vmem>>) offsets(%dma_start3A_153 : memref<128xi32, #tpu.memory_space<vmem>>) semaphore(%arg15 : memref<!tpu.dma_semaphore, #tpu.memory_space<semaphore_mem>>)
        %dma_wait3A_157 = arith.constant 4 : i32
        %dma_wait3A_158 = arith.constant 0 : i32
        %dma_wait3A_159 = tpu.memref_slice %arg9[%dma_wait3A_157, %dma_wait3A_158] : memref<16x128xi32, #tpu.memory_space<vmem>> -> memref<1x128xi32, #tpu.memory_space<vmem>>
        %dma_wait3A_160 = tpu.memref_squeeze %dma_wait3A_159 : memref<1x128xi32, #tpu.memory_space<vmem>> -> memref<128xi32, #tpu.memory_space<vmem>>
        %dma_wait3A_161 = arith.constant 0 : i32
        %dma_wait3A_162 = arith.constant 0 : i32
        %dma_wait3A_163 = tpu.memref_slice %arg3[%dma_wait3A_161, %dma_wait3A_162] : memref<10000x128xf32, #tpu.memory_space<hbm>> -> memref<10000x128xf32, #tpu.memory_space<hbm>>
        tpu.wait_indirect_dma semaphore(%arg14 : memref<!tpu.dma_semaphore, #tpu.memory_space<semaphore_mem>>) src(%dma_wait3A_163 : memref<10000x128xf32, #tpu.memory_space<hbm>>) dst(%arg11 : memref<128x128xf32, #tpu.memory_space<vmem>>)
        %dma_start3A_164 = arith.constant 4 : i32
        %dma_start3A_165 = arith.constant 0 : i32
        %dma_start3A_166 = tpu.memref_slice %arg10[%dma_start3A_164, %dma_start3A_165] : memref<16x128xi32, #tpu.memory_space<vmem>> -> memref<1x128xi32, #tpu.memory_space<vmem>>
        %dma_start3A_167 = tpu.memref_squeeze %dma_start3A_166 : memref<1x128xi32, #tpu.memory_space<vmem>> -> memref<128xi32, #tpu.memory_space<vmem>>
        %dma_start3A_168 = arith.constant 0 : i32
        %dma_start3A_169 = arith.constant 0 : i32
        %dma_start3A_170 = tpu.memref_slice %arg13[%dma_start3A_168, %dma_start3A_169] : memref<10240x128xf32, #tpu.memory_space<vmem_shared>> -> memref<10240x128xf32, #tpu.memory_space<vmem_shared>>
        tpu.enqueue_indirect_dma source(%arg11 : memref<128x128xf32, #tpu.memory_space<vmem>>) target(%dma_start3A_170 : memref<10240x128xf32, #tpu.memory_space<vmem_shared>>) offsets(%dma_start3A_167 : memref<128xi32, #tpu.memory_space<vmem>>) semaphore(%arg16 : memref<!tpu.dma_semaphore, #tpu.memory_space<semaphore_mem>>) {add = true}
        %dma_wait3A_171 = arith.constant 4 : i32
        %dma_wait3A_172 = arith.constant 0 : i32
        %dma_wait3A_173 = tpu.memref_slice %arg10[%dma_wait3A_171, %dma_wait3A_172] : memref<16x128xi32, #tpu.memory_space<vmem>> -> memref<1x128xi32, #tpu.memory_space<vmem>>
        %dma_wait3A_174 = tpu.memref_squeeze %dma_wait3A_173 : memref<1x128xi32, #tpu.memory_space<vmem>> -> memref<128xi32, #tpu.memory_space<vmem>>
        %dma_wait3A_175 = arith.constant 0 : i32
        %dma_wait3A_176 = arith.constant 0 : i32
        %dma_wait3A_177 = tpu.memref_slice %arg13[%dma_wait3A_175, %dma_wait3A_176] : memref<10240x128xf32, #tpu.memory_space<vmem_shared>> -> memref<10240x128xf32, #tpu.memory_space<vmem_shared>>
        tpu.wait_indirect_dma semaphore(%arg16 : memref<!tpu.dma_semaphore, #tpu.memory_space<semaphore_mem>>) src(%arg11 : memref<128x128xf32, #tpu.memory_space<vmem>>) dst(%dma_wait3A_177 : memref<10240x128xf32, #tpu.memory_space<vmem_shared>>)
        %dma_start3A_178 = arith.constant 6 : i32
        %dma_start3A_179 = arith.constant 0 : i32
        %dma_start3A_180 = tpu.memref_slice %arg9[%dma_start3A_178, %dma_start3A_179] : memref<16x128xi32, #tpu.memory_space<vmem>> -> memref<1x128xi32, #tpu.memory_space<vmem>>
        %dma_start3A_181 = tpu.memref_squeeze %dma_start3A_180 : memref<1x128xi32, #tpu.memory_space<vmem>> -> memref<128xi32, #tpu.memory_space<vmem>>
        %dma_start3A_182 = arith.constant 0 : i32
        %dma_start3A_183 = arith.constant 0 : i32
        %dma_start3A_184 = tpu.memref_slice %arg3[%dma_start3A_182, %dma_start3A_183] : memref<10000x128xf32, #tpu.memory_space<hbm>> -> memref<10000x128xf32, #tpu.memory_space<hbm>>
        tpu.enqueue_indirect_dma source(%dma_start3A_184 : memref<10000x128xf32, #tpu.memory_space<hbm>>) target(%arg11 : memref<128x128xf32, #tpu.memory_space<vmem>>) offsets(%dma_start3A_181 : memref<128xi32, #tpu.memory_space<vmem>>) semaphore(%arg14 : memref<!tpu.dma_semaphore, #tpu.memory_space<semaphore_mem>>)
        %dma_wait3A_185 = arith.constant 5 : i32
        %dma_wait3A_186 = arith.constant 0 : i32
        %dma_wait3A_187 = tpu.memref_slice %arg9[%dma_wait3A_185, %dma_wait3A_186] : memref<16x128xi32, #tpu.memory_space<vmem>> -> memref<1x128xi32, #tpu.memory_space<vmem>>
        %dma_wait3A_188 = tpu.memref_squeeze %dma_wait3A_187 : memref<1x128xi32, #tpu.memory_space<vmem>> -> memref<128xi32, #tpu.memory_space<vmem>>
        %dma_wait3A_189 = arith.constant 0 : i32
        %dma_wait3A_190 = arith.constant 0 : i32
        %dma_wait3A_191 = tpu.memref_slice %arg3[%dma_wait3A_189, %dma_wait3A_190] : memref<10000x128xf32, #tpu.memory_space<hbm>> -> memref<10000x128xf32, #tpu.memory_space<hbm>>
        tpu.wait_indirect_dma semaphore(%arg15 : memref<!tpu.dma_semaphore, #tpu.memory_space<semaphore_mem>>) src(%dma_wait3A_191 : memref<10000x128xf32, #tpu.memory_space<hbm>>) dst(%arg12 : memref<128x128xf32, #tpu.memory_space<vmem>>)
        %dma_start3A_192 = arith.constant 5 : i32
        %dma_start3A_193 = arith.constant 0 : i32
        %dma_start3A_194 = tpu.memref_slice %arg10[%dma_start3A_192, %dma_start3A_193] : memref<16x128xi32, #tpu.memory_space<vmem>> -> memref<1x128xi32, #tpu.memory_space<vmem>>
        %dma_start3A_195 = tpu.memref_squeeze %dma_start3A_194 : memref<1x128xi32, #tpu.memory_space<vmem>> -> memref<128xi32, #tpu.memory_space<vmem>>
        %dma_start3A_196 = arith.constant 0 : i32
        %dma_start3A_197 = arith.constant 0 : i32
        %dma_start3A_198 = tpu.memref_slice %arg13[%dma_start3A_196, %dma_start3A_197] : memref<10240x128xf32, #tpu.memory_space<vmem_shared>> -> memref<10240x128xf32, #tpu.memory_space<vmem_shared>>
        tpu.enqueue_indirect_dma source(%arg12 : memref<128x128xf32, #tpu.memory_space<vmem>>) target(%dma_start3A_198 : memref<10240x128xf32, #tpu.memory_space<vmem_shared>>) offsets(%dma_start3A_195 : memref<128xi32, #tpu.memory_space<vmem>>) semaphore(%arg17 : memref<!tpu.dma_semaphore, #tpu.memory_space<semaphore_mem>>) {add = true}
        %dma_wait3A_199 = arith.constant 5 : i32
        %dma_wait3A_200 = arith.constant 0 : i32
        %dma_wait3A_201 = tpu.memref_slice %arg10[%dma_wait3A_199, %dma_wait3A_200] : memref<16x128xi32, #tpu.memory_space<vmem>> -> memref<1x128xi32, #tpu.memory_space<vmem>>
        %dma_wait3A_202 = tpu.memref_squeeze %dma_wait3A_201 : memref<1x128xi32, #tpu.memory_space<vmem>> -> memref<128xi32, #tpu.memory_space<vmem>>
        %dma_wait3A_203 = arith.constant 0 : i32
        %dma_wait3A_204 = arith.constant 0 : i32
        %dma_wait3A_205 = tpu.memref_slice %arg13[%dma_wait3A_203, %dma_wait3A_204] : memref<10240x128xf32, #tpu.memory_space<vmem_shared>> -> memref<10240x128xf32, #tpu.memory_space<vmem_shared>>
        tpu.wait_indirect_dma semaphore(%arg17 : memref<!tpu.dma_semaphore, #tpu.memory_space<semaphore_mem>>) src(%arg12 : memref<128x128xf32, #tpu.memory_space<vmem>>) dst(%dma_wait3A_205 : memref<10240x128xf32, #tpu.memory_space<vmem_shared>>)
        %dma_start3A_206 = arith.constant 7 : i32
        %dma_start3A_207 = arith.constant 0 : i32
        %dma_start3A_208 = tpu.memref_slice %arg9[%dma_start3A_206, %dma_start3A_207] : memref<16x128xi32, #tpu.memory_space<vmem>> -> memref<1x128xi32, #tpu.memory_space<vmem>>
        %dma_start3A_209 = tpu.memref_squeeze %dma_start3A_208 : memref<1x128xi32, #tpu.memory_space<vmem>> -> memref<128xi32, #tpu.memory_space<vmem>>
        %dma_start3A_210 = arith.constant 0 : i32
        %dma_start3A_211 = arith.constant 0 : i32
        %dma_start3A_212 = tpu.memref_slice %arg3[%dma_start3A_210, %dma_start3A_211] : memref<10000x128xf32, #tpu.memory_space<hbm>> -> memref<10000x128xf32, #tpu.memory_space<hbm>>
        tpu.enqueue_indirect_dma source(%dma_start3A_212 : memref<10000x128xf32, #tpu.memory_space<hbm>>) target(%arg12 : memref<128x128xf32, #tpu.memory_space<vmem>>) offsets(%dma_start3A_209 : memref<128xi32, #tpu.memory_space<vmem>>) semaphore(%arg15 : memref<!tpu.dma_semaphore, #tpu.memory_space<semaphore_mem>>)
        %dma_wait3A_213 = arith.constant 6 : i32
        %dma_wait3A_214 = arith.constant 0 : i32
        %dma_wait3A_215 = tpu.memref_slice %arg9[%dma_wait3A_213, %dma_wait3A_214] : memref<16x128xi32, #tpu.memory_space<vmem>> -> memref<1x128xi32, #tpu.memory_space<vmem>>
        %dma_wait3A_216 = tpu.memref_squeeze %dma_wait3A_215 : memref<1x128xi32, #tpu.memory_space<vmem>> -> memref<128xi32, #tpu.memory_space<vmem>>
        %dma_wait3A_217 = arith.constant 0 : i32
        %dma_wait3A_218 = arith.constant 0 : i32
        %dma_wait3A_219 = tpu.memref_slice %arg3[%dma_wait3A_217, %dma_wait3A_218] : memref<10000x128xf32, #tpu.memory_space<hbm>> -> memref<10000x128xf32, #tpu.memory_space<hbm>>
        tpu.wait_indirect_dma semaphore(%arg14 : memref<!tpu.dma_semaphore, #tpu.memory_space<semaphore_mem>>) src(%dma_wait3A_219 : memref<10000x128xf32, #tpu.memory_space<hbm>>) dst(%arg11 : memref<128x128xf32, #tpu.memory_space<vmem>>)
        %dma_start3A_220 = arith.constant 6 : i32
        %dma_start3A_221 = arith.constant 0 : i32
        %dma_start3A_222 = tpu.memref_slice %arg10[%dma_start3A_220, %dma_start3A_221] : memref<16x128xi32, #tpu.memory_space<vmem>> -> memref<1x128xi32, #tpu.memory_space<vmem>>
        %dma_start3A_223 = tpu.memref_squeeze %dma_start3A_222 : memref<1x128xi32, #tpu.memory_space<vmem>> -> memref<128xi32, #tpu.memory_space<vmem>>
        %dma_start3A_224 = arith.constant 0 : i32
        %dma_start3A_225 = arith.constant 0 : i32
        %dma_start3A_226 = tpu.memref_slice %arg13[%dma_start3A_224, %dma_start3A_225] : memref<10240x128xf32, #tpu.memory_space<vmem_shared>> -> memref<10240x128xf32, #tpu.memory_space<vmem_shared>>
        tpu.enqueue_indirect_dma source(%arg11 : memref<128x128xf32, #tpu.memory_space<vmem>>) target(%dma_start3A_226 : memref<10240x128xf32, #tpu.memory_space<vmem_shared>>) offsets(%dma_start3A_223 : memref<128xi32, #tpu.memory_space<vmem>>) semaphore(%arg16 : memref<!tpu.dma_semaphore, #tpu.memory_space<semaphore_mem>>) {add = true}
        %dma_wait3A_227 = arith.constant 6 : i32
        %dma_wait3A_228 = arith.constant 0 : i32
        %dma_wait3A_229 = tpu.memref_slice %arg10[%dma_wait3A_227, %dma_wait3A_228] : memref<16x128xi32, #tpu.memory_space<vmem>> -> memref<1x128xi32, #tpu.memory_space<vmem>>
        %dma_wait3A_230 = tpu.memref_squeeze %dma_wait3A_229 : memref<1x128xi32, #tpu.memory_space<vmem>> -> memref<128xi32, #tpu.memory_space<vmem>>
        %dma_wait3A_231 = arith.constant 0 : i32
        %dma_wait3A_232 = arith.constant 0 : i32
        %dma_wait3A_233 = tpu.memref_slice %arg13[%dma_wait3A_231, %dma_wait3A_232] : memref<10240x128xf32, #tpu.memory_space<vmem_shared>> -> memref<10240x128xf32, #tpu.memory_space<vmem_shared>>
        tpu.wait_indirect_dma semaphore(%arg16 : memref<!tpu.dma_semaphore, #tpu.memory_space<semaphore_mem>>) src(%arg11 : memref<128x128xf32, #tpu.memory_space<vmem>>) dst(%dma_wait3A_233 : memref<10240x128xf32, #tpu.memory_space<vmem_shared>>)
        %dma_start3A_234 = arith.constant 8 : i32
        %dma_start3A_235 = arith.constant 0 : i32
        %dma_start3A_236 = tpu.memref_slice %arg9[%dma_start3A_234, %dma_start3A_235] : memref<16x128xi32, #tpu.memory_space<vmem>> -> memref<1x128xi32, #tpu.memory_space<vmem>>
        %dma_start3A_237 = tpu.memref_squeeze %dma_start3A_236 : memref<1x128xi32, #tpu.memory_space<vmem>> -> memref<128xi32, #tpu.memory_space<vmem>>
        %dma_start3A_238 = arith.constant 0 : i32
        %dma_start3A_239 = arith.constant 0 : i32
        %dma_start3A_240 = tpu.memref_slice %arg3[%dma_start3A_238, %dma_start3A_239] : memref<10000x128xf32, #tpu.memory_space<hbm>> -> memref<10000x128xf32, #tpu.memory_space<hbm>>
        tpu.enqueue_indirect_dma source(%dma_start3A_240 : memref<10000x128xf32, #tpu.memory_space<hbm>>) target(%arg11 : memref<128x128xf32, #tpu.memory_space<vmem>>) offsets(%dma_start3A_237 : memref<128xi32, #tpu.memory_space<vmem>>) semaphore(%arg14 : memref<!tpu.dma_semaphore, #tpu.memory_space<semaphore_mem>>)
        %dma_wait3A_241 = arith.constant 7 : i32
        %dma_wait3A_242 = arith.constant 0 : i32
        %dma_wait3A_243 = tpu.memref_slice %arg9[%dma_wait3A_241, %dma_wait3A_242] : memref<16x128xi32, #tpu.memory_space<vmem>> -> memref<1x128xi32, #tpu.memory_space<vmem>>
        %dma_wait3A_244 = tpu.memref_squeeze %dma_wait3A_243 : memref<1x128xi32, #tpu.memory_space<vmem>> -> memref<128xi32, #tpu.memory_space<vmem>>
        %dma_wait3A_245 = arith.constant 0 : i32
        %dma_wait3A_246 = arith.constant 0 : i32
        %dma_wait3A_247 = tpu.memref_slice %arg3[%dma_wait3A_245, %dma_wait3A_246] : memref<10000x128xf32, #tpu.memory_space<hbm>> -> memref<10000x128xf32, #tpu.memory_space<hbm>>
        tpu.wait_indirect_dma semaphore(%arg15 : memref<!tpu.dma_semaphore, #tpu.memory_space<semaphore_mem>>) src(%dma_wait3A_247 : memref<10000x128xf32, #tpu.memory_space<hbm>>) dst(%arg12 : memref<128x128xf32, #tpu.memory_space<vmem>>)
        %dma_start3A_248 = arith.constant 7 : i32
        %dma_start3A_249 = arith.constant 0 : i32
        %dma_start3A_250 = tpu.memref_slice %arg10[%dma_start3A_248, %dma_start3A_249] : memref<16x128xi32, #tpu.memory_space<vmem>> -> memref<1x128xi32, #tpu.memory_space<vmem>>
        %dma_start3A_251 = tpu.memref_squeeze %dma_start3A_250 : memref<1x128xi32, #tpu.memory_space<vmem>> -> memref<128xi32, #tpu.memory_space<vmem>>
        %dma_start3A_252 = arith.constant 0 : i32
        %dma_start3A_253 = arith.constant 0 : i32
        %dma_start3A_254 = tpu.memref_slice %arg13[%dma_start3A_252, %dma_start3A_253] : memref<10240x128xf32, #tpu.memory_space<vmem_shared>> -> memref<10240x128xf32, #tpu.memory_space<vmem_shared>>
        tpu.enqueue_indirect_dma source(%arg12 : memref<128x128xf32, #tpu.memory_space<vmem>>) target(%dma_start3A_254 : memref<10240x128xf32, #tpu.memory_space<vmem_shared>>) offsets(%dma_start3A_251 : memref<128xi32, #tpu.memory_space<vmem>>) semaphore(%arg17 : memref<!tpu.dma_semaphore, #tpu.memory_space<semaphore_mem>>) {add = true}
        %dma_wait3A_255 = arith.constant 7 : i32
        %dma_wait3A_256 = arith.constant 0 : i32
        %dma_wait3A_257 = tpu.memref_slice %arg10[%dma_wait3A_255, %dma_wait3A_256] : memref<16x128xi32, #tpu.memory_space<vmem>> -> memref<1x128xi32, #tpu.memory_space<vmem>>
        %dma_wait3A_258 = tpu.memref_squeeze %dma_wait3A_257 : memref<1x128xi32, #tpu.memory_space<vmem>> -> memref<128xi32, #tpu.memory_space<vmem>>
        %dma_wait3A_259 = arith.constant 0 : i32
        %dma_wait3A_260 = arith.constant 0 : i32
        %dma_wait3A_261 = tpu.memref_slice %arg13[%dma_wait3A_259, %dma_wait3A_260] : memref<10240x128xf32, #tpu.memory_space<vmem_shared>> -> memref<10240x128xf32, #tpu.memory_space<vmem_shared>>
        tpu.wait_indirect_dma semaphore(%arg17 : memref<!tpu.dma_semaphore, #tpu.memory_space<semaphore_mem>>) src(%arg12 : memref<128x128xf32, #tpu.memory_space<vmem>>) dst(%dma_wait3A_261 : memref<10240x128xf32, #tpu.memory_space<vmem_shared>>)
        %dma_start3A_262 = arith.constant 9 : i32
        %dma_start3A_263 = arith.constant 0 : i32
        %dma_start3A_264 = tpu.memref_slice %arg9[%dma_start3A_262, %dma_start3A_263] : memref<16x128xi32, #tpu.memory_space<vmem>> -> memref<1x128xi32, #tpu.memory_space<vmem>>
        %dma_start3A_265 = tpu.memref_squeeze %dma_start3A_264 : memref<1x128xi32, #tpu.memory_space<vmem>> -> memref<128xi32, #tpu.memory_space<vmem>>
        %dma_start3A_266 = arith.constant 0 : i32
        %dma_start3A_267 = arith.constant 0 : i32
        %dma_start3A_268 = tpu.memref_slice %arg3[%dma_start3A_266, %dma_start3A_267] : memref<10000x128xf32, #tpu.memory_space<hbm>> -> memref<10000x128xf32, #tpu.memory_space<hbm>>
        tpu.enqueue_indirect_dma source(%dma_start3A_268 : memref<10000x128xf32, #tpu.memory_space<hbm>>) target(%arg12 : memref<128x128xf32, #tpu.memory_space<vmem>>) offsets(%dma_start3A_265 : memref<128xi32, #tpu.memory_space<vmem>>) semaphore(%arg15 : memref<!tpu.dma_semaphore, #tpu.memory_space<semaphore_mem>>)
        %dma_wait3A_269 = arith.constant 8 : i32
        %dma_wait3A_270 = arith.constant 0 : i32
        %dma_wait3A_271 = tpu.memref_slice %arg9[%dma_wait3A_269, %dma_wait3A_270] : memref<16x128xi32, #tpu.memory_space<vmem>> -> memref<1x128xi32, #tpu.memory_space<vmem>>
        %dma_wait3A_272 = tpu.memref_squeeze %dma_wait3A_271 : memref<1x128xi32, #tpu.memory_space<vmem>> -> memref<128xi32, #tpu.memory_space<vmem>>
        %dma_wait3A_273 = arith.constant 0 : i32
        %dma_wait3A_274 = arith.constant 0 : i32
        %dma_wait3A_275 = tpu.memref_slice %arg3[%dma_wait3A_273, %dma_wait3A_274] : memref<10000x128xf32, #tpu.memory_space<hbm>> -> memref<10000x128xf32, #tpu.memory_space<hbm>>
        tpu.wait_indirect_dma semaphore(%arg14 : memref<!tpu.dma_semaphore, #tpu.memory_space<semaphore_mem>>) src(%dma_wait3A_275 : memref<10000x128xf32, #tpu.memory_space<hbm>>) dst(%arg11 : memref<128x128xf32, #tpu.memory_space<vmem>>)
        %dma_start3A_276 = arith.constant 8 : i32
        %dma_start3A_277 = arith.constant 0 : i32
        %dma_start3A_278 = tpu.memref_slice %arg10[%dma_start3A_276, %dma_start3A_277] : memref<16x128xi32, #tpu.memory_space<vmem>> -> memref<1x128xi32, #tpu.memory_space<vmem>>
        %dma_start3A_279 = tpu.memref_squeeze %dma_start3A_278 : memref<1x128xi32, #tpu.memory_space<vmem>> -> memref<128xi32, #tpu.memory_space<vmem>>
        %dma_start3A_280 = arith.constant 0 : i32
        %dma_start3A_281 = arith.constant 0 : i32
        %dma_start3A_282 = tpu.memref_slice %arg13[%dma_start3A_280, %dma_start3A_281] : memref<10240x128xf32, #tpu.memory_space<vmem_shared>> -> memref<10240x128xf32, #tpu.memory_space<vmem_shared>>
        tpu.enqueue_indirect_dma source(%arg11 : memref<128x128xf32, #tpu.memory_space<vmem>>) target(%dma_start3A_282 : memref<10240x128xf32, #tpu.memory_space<vmem_shared>>) offsets(%dma_start3A_279 : memref<128xi32, #tpu.memory_space<vmem>>) semaphore(%arg16 : memref<!tpu.dma_semaphore, #tpu.memory_space<semaphore_mem>>) {add = true}
        %dma_wait3A_283 = arith.constant 8 : i32
        %dma_wait3A_284 = arith.constant 0 : i32
        %dma_wait3A_285 = tpu.memref_slice %arg10[%dma_wait3A_283, %dma_wait3A_284] : memref<16x128xi32, #tpu.memory_space<vmem>> -> memref<1x128xi32, #tpu.memory_space<vmem>>
        %dma_wait3A_286 = tpu.memref_squeeze %dma_wait3A_285 : memref<1x128xi32, #tpu.memory_space<vmem>> -> memref<128xi32, #tpu.memory_space<vmem>>
        %dma_wait3A_287 = arith.constant 0 : i32
        %dma_wait3A_288 = arith.constant 0 : i32
        %dma_wait3A_289 = tpu.memref_slice %arg13[%dma_wait3A_287, %dma_wait3A_288] : memref<10240x128xf32, #tpu.memory_space<vmem_shared>> -> memref<10240x128xf32, #tpu.memory_space<vmem_shared>>
        tpu.wait_indirect_dma semaphore(%arg16 : memref<!tpu.dma_semaphore, #tpu.memory_space<semaphore_mem>>) src(%arg11 : memref<128x128xf32, #tpu.memory_space<vmem>>) dst(%dma_wait3A_289 : memref<10240x128xf32, #tpu.memory_space<vmem_shared>>)
        %dma_start3A_290 = arith.constant 10 : i32
        %dma_start3A_291 = arith.constant 0 : i32
        %dma_start3A_292 = tpu.memref_slice %arg9[%dma_start3A_290, %dma_start3A_291] : memref<16x128xi32, #tpu.memory_space<vmem>> -> memref<1x128xi32, #tpu.memory_space<vmem>>
        %dma_start3A_293 = tpu.memref_squeeze %dma_start3A_292 : memref<1x128xi32, #tpu.memory_space<vmem>> -> memref<128xi32, #tpu.memory_space<vmem>>
        %dma_start3A_294 = arith.constant 0 : i32
        %dma_start3A_295 = arith.constant 0 : i32
        %dma_start3A_296 = tpu.memref_slice %arg3[%dma_start3A_294, %dma_start3A_295] : memref<10000x128xf32, #tpu.memory_space<hbm>> -> memref<10000x128xf32, #tpu.memory_space<hbm>>
        tpu.enqueue_indirect_dma source(%dma_start3A_296 : memref<10000x128xf32, #tpu.memory_space<hbm>>) target(%arg11 : memref<128x128xf32, #tpu.memory_space<vmem>>) offsets(%dma_start3A_293 : memref<128xi32, #tpu.memory_space<vmem>>) semaphore(%arg14 : memref<!tpu.dma_semaphore, #tpu.memory_space<semaphore_mem>>)
        %dma_wait3A_297 = arith.constant 9 : i32
        %dma_wait3A_298 = arith.constant 0 : i32
        %dma_wait3A_299 = tpu.memref_slice %arg9[%dma_wait3A_297, %dma_wait3A_298] : memref<16x128xi32, #tpu.memory_space<vmem>> -> memref<1x128xi32, #tpu.memory_space<vmem>>
        %dma_wait3A_300 = tpu.memref_squeeze %dma_wait3A_299 : memref<1x128xi32, #tpu.memory_space<vmem>> -> memref<128xi32, #tpu.memory_space<vmem>>
        %dma_wait3A_301 = arith.constant 0 : i32
        %dma_wait3A_302 = arith.constant 0 : i32
        %dma_wait3A_303 = tpu.memref_slice %arg3[%dma_wait3A_301, %dma_wait3A_302] : memref<10000x128xf32, #tpu.memory_space<hbm>> -> memref<10000x128xf32, #tpu.memory_space<hbm>>
        tpu.wait_indirect_dma semaphore(%arg15 : memref<!tpu.dma_semaphore, #tpu.memory_space<semaphore_mem>>) src(%dma_wait3A_303 : memref<10000x128xf32, #tpu.memory_space<hbm>>) dst(%arg12 : memref<128x128xf32, #tpu.memory_space<vmem>>)
        %dma_start3A_304 = arith.constant 9 : i32
        %dma_start3A_305 = arith.constant 0 : i32
        %dma_start3A_306 = tpu.memref_slice %arg10[%dma_start3A_304, %dma_start3A_305] : memref<16x128xi32, #tpu.memory_space<vmem>> -> memref<1x128xi32, #tpu.memory_space<vmem>>
        %dma_start3A_307 = tpu.memref_squeeze %dma_start3A_306 : memref<1x128xi32, #tpu.memory_space<vmem>> -> memref<128xi32, #tpu.memory_space<vmem>>
        %dma_start3A_308 = arith.constant 0 : i32
        %dma_start3A_309 = arith.constant 0 : i32
        %dma_start3A_310 = tpu.memref_slice %arg13[%dma_start3A_308, %dma_start3A_309] : memref<10240x128xf32, #tpu.memory_space<vmem_shared>> -> memref<10240x128xf32, #tpu.memory_space<vmem_shared>>
        tpu.enqueue_indirect_dma source(%arg12 : memref<128x128xf32, #tpu.memory_space<vmem>>) target(%dma_start3A_310 : memref<10240x128xf32, #tpu.memory_space<vmem_shared>>) offsets(%dma_start3A_307 : memref<128xi32, #tpu.memory_space<vmem>>) semaphore(%arg17 : memref<!tpu.dma_semaphore, #tpu.memory_space<semaphore_mem>>) {add = true}
        %dma_wait3A_311 = arith.constant 9 : i32
        %dma_wait3A_312 = arith.constant 0 : i32
        %dma_wait3A_313 = tpu.memref_slice %arg10[%dma_wait3A_311, %dma_wait3A_312] : memref<16x128xi32, #tpu.memory_space<vmem>> -> memref<1x128xi32, #tpu.memory_space<vmem>>
        %dma_wait3A_314 = tpu.memref_squeeze %dma_wait3A_313 : memref<1x128xi32, #tpu.memory_space<vmem>> -> memref<128xi32, #tpu.memory_space<vmem>>
        %dma_wait3A_315 = arith.constant 0 : i32
        %dma_wait3A_316 = arith.constant 0 : i32
        %dma_wait3A_317 = tpu.memref_slice %arg13[%dma_wait3A_315, %dma_wait3A_316] : memref<10240x128xf32, #tpu.memory_space<vmem_shared>> -> memref<10240x128xf32, #tpu.memory_space<vmem_shared>>
        tpu.wait_indirect_dma semaphore(%arg17 : memref<!tpu.dma_semaphore, #tpu.memory_space<semaphore_mem>>) src(%arg12 : memref<128x128xf32, #tpu.memory_space<vmem>>) dst(%dma_wait3A_317 : memref<10240x128xf32, #tpu.memory_space<vmem_shared>>)
        %dma_start3A_318 = arith.constant 11 : i32
        %dma_start3A_319 = arith.constant 0 : i32
        %dma_start3A_320 = tpu.memref_slice %arg9[%dma_start3A_318, %dma_start3A_319] : memref<16x128xi32, #tpu.memory_space<vmem>> -> memref<1x128xi32, #tpu.memory_space<vmem>>
        %dma_start3A_321 = tpu.memref_squeeze %dma_start3A_320 : memref<1x128xi32, #tpu.memory_space<vmem>> -> memref<128xi32, #tpu.memory_space<vmem>>
        %dma_start3A_322 = arith.constant 0 : i32
        %dma_start3A_323 = arith.constant 0 : i32
        %dma_start3A_324 = tpu.memref_slice %arg3[%dma_start3A_322, %dma_start3A_323] : memref<10000x128xf32, #tpu.memory_space<hbm>> -> memref<10000x128xf32, #tpu.memory_space<hbm>>
        tpu.enqueue_indirect_dma source(%dma_start3A_324 : memref<10000x128xf32, #tpu.memory_space<hbm>>) target(%arg12 : memref<128x128xf32, #tpu.memory_space<vmem>>) offsets(%dma_start3A_321 : memref<128xi32, #tpu.memory_space<vmem>>) semaphore(%arg15 : memref<!tpu.dma_semaphore, #tpu.memory_space<semaphore_mem>>)
        %dma_wait3A_325 = arith.constant 10 : i32
        %dma_wait3A_326 = arith.constant 0 : i32
        %dma_wait3A_327 = tpu.memref_slice %arg9[%dma_wait3A_325, %dma_wait3A_326] : memref<16x128xi32, #tpu.memory_space<vmem>> -> memref<1x128xi32, #tpu.memory_space<vmem>>
        %dma_wait3A_328 = tpu.memref_squeeze %dma_wait3A_327 : memref<1x128xi32, #tpu.memory_space<vmem>> -> memref<128xi32, #tpu.memory_space<vmem>>
        %dma_wait3A_329 = arith.constant 0 : i32
        %dma_wait3A_330 = arith.constant 0 : i32
        %dma_wait3A_331 = tpu.memref_slice %arg3[%dma_wait3A_329, %dma_wait3A_330] : memref<10000x128xf32, #tpu.memory_space<hbm>> -> memref<10000x128xf32, #tpu.memory_space<hbm>>
        tpu.wait_indirect_dma semaphore(%arg14 : memref<!tpu.dma_semaphore, #tpu.memory_space<semaphore_mem>>) src(%dma_wait3A_331 : memref<10000x128xf32, #tpu.memory_space<hbm>>) dst(%arg11 : memref<128x128xf32, #tpu.memory_space<vmem>>)
        %dma_start3A_332 = arith.constant 10 : i32
        %dma_start3A_333 = arith.constant 0 : i32
        %dma_start3A_334 = tpu.memref_slice %arg10[%dma_start3A_332, %dma_start3A_333] : memref<16x128xi32, #tpu.memory_space<vmem>> -> memref<1x128xi32, #tpu.memory_space<vmem>>
        %dma_start3A_335 = tpu.memref_squeeze %dma_start3A_334 : memref<1x128xi32, #tpu.memory_space<vmem>> -> memref<128xi32, #tpu.memory_space<vmem>>
        %dma_start3A_336 = arith.constant 0 : i32
        %dma_start3A_337 = arith.constant 0 : i32
        %dma_start3A_338 = tpu.memref_slice %arg13[%dma_start3A_336, %dma_start3A_337] : memref<10240x128xf32, #tpu.memory_space<vmem_shared>> -> memref<10240x128xf32, #tpu.memory_space<vmem_shared>>
        tpu.enqueue_indirect_dma source(%arg11 : memref<128x128xf32, #tpu.memory_space<vmem>>) target(%dma_start3A_338 : memref<10240x128xf32, #tpu.memory_space<vmem_shared>>) offsets(%dma_start3A_335 : memref<128xi32, #tpu.memory_space<vmem>>) semaphore(%arg16 : memref<!tpu.dma_semaphore, #tpu.memory_space<semaphore_mem>>) {add = true}
        %dma_wait3A_339 = arith.constant 10 : i32
        %dma_wait3A_340 = arith.constant 0 : i32
        %dma_wait3A_341 = tpu.memref_slice %arg10[%dma_wait3A_339, %dma_wait3A_340] : memref<16x128xi32, #tpu.memory_space<vmem>> -> memref<1x128xi32, #tpu.memory_space<vmem>>
        %dma_wait3A_342 = tpu.memref_squeeze %dma_wait3A_341 : memref<1x128xi32, #tpu.memory_space<vmem>> -> memref<128xi32, #tpu.memory_space<vmem>>
        %dma_wait3A_343 = arith.constant 0 : i32
        %dma_wait3A_344 = arith.constant 0 : i32
        %dma_wait3A_345 = tpu.memref_slice %arg13[%dma_wait3A_343, %dma_wait3A_344] : memref<10240x128xf32, #tpu.memory_space<vmem_shared>> -> memref<10240x128xf32, #tpu.memory_space<vmem_shared>>
        tpu.wait_indirect_dma semaphore(%arg16 : memref<!tpu.dma_semaphore, #tpu.memory_space<semaphore_mem>>) src(%arg11 : memref<128x128xf32, #tpu.memory_space<vmem>>) dst(%dma_wait3A_345 : memref<10240x128xf32, #tpu.memory_space<vmem_shared>>)
        %dma_start3A_346 = arith.constant 12 : i32
        %dma_start3A_347 = arith.constant 0 : i32
        %dma_start3A_348 = tpu.memref_slice %arg9[%dma_start3A_346, %dma_start3A_347] : memref<16x128xi32, #tpu.memory_space<vmem>> -> memref<1x128xi32, #tpu.memory_space<vmem>>
        %dma_start3A_349 = tpu.memref_squeeze %dma_start3A_348 : memref<1x128xi32, #tpu.memory_space<vmem>> -> memref<128xi32, #tpu.memory_space<vmem>>
        %dma_start3A_350 = arith.constant 0 : i32
        %dma_start3A_351 = arith.constant 0 : i32
        %dma_start3A_352 = tpu.memref_slice %arg3[%dma_start3A_350, %dma_start3A_351] : memref<10000x128xf32, #tpu.memory_space<hbm>> -> memref<10000x128xf32, #tpu.memory_space<hbm>>
        tpu.enqueue_indirect_dma source(%dma_start3A_352 : memref<10000x128xf32, #tpu.memory_space<hbm>>) target(%arg11 : memref<128x128xf32, #tpu.memory_space<vmem>>) offsets(%dma_start3A_349 : memref<128xi32, #tpu.memory_space<vmem>>) semaphore(%arg14 : memref<!tpu.dma_semaphore, #tpu.memory_space<semaphore_mem>>)
        %dma_wait3A_353 = arith.constant 11 : i32
        %dma_wait3A_354 = arith.constant 0 : i32
        %dma_wait3A_355 = tpu.memref_slice %arg9[%dma_wait3A_353, %dma_wait3A_354] : memref<16x128xi32, #tpu.memory_space<vmem>> -> memref<1x128xi32, #tpu.memory_space<vmem>>
        %dma_wait3A_356 = tpu.memref_squeeze %dma_wait3A_355 : memref<1x128xi32, #tpu.memory_space<vmem>> -> memref<128xi32, #tpu.memory_space<vmem>>
        %dma_wait3A_357 = arith.constant 0 : i32
        %dma_wait3A_358 = arith.constant 0 : i32
        %dma_wait3A_359 = tpu.memref_slice %arg3[%dma_wait3A_357, %dma_wait3A_358] : memref<10000x128xf32, #tpu.memory_space<hbm>> -> memref<10000x128xf32, #tpu.memory_space<hbm>>
        tpu.wait_indirect_dma semaphore(%arg15 : memref<!tpu.dma_semaphore, #tpu.memory_space<semaphore_mem>>) src(%dma_wait3A_359 : memref<10000x128xf32, #tpu.memory_space<hbm>>) dst(%arg12 : memref<128x128xf32, #tpu.memory_space<vmem>>)
        %dma_start3A_360 = arith.constant 11 : i32
        %dma_start3A_361 = arith.constant 0 : i32
        %dma_start3A_362 = tpu.memref_slice %arg10[%dma_start3A_360, %dma_start3A_361] : memref<16x128xi32, #tpu.memory_space<vmem>> -> memref<1x128xi32, #tpu.memory_space<vmem>>
        %dma_start3A_363 = tpu.memref_squeeze %dma_start3A_362 : memref<1x128xi32, #tpu.memory_space<vmem>> -> memref<128xi32, #tpu.memory_space<vmem>>
        %dma_start3A_364 = arith.constant 0 : i32
        %dma_start3A_365 = arith.constant 0 : i32
        %dma_start3A_366 = tpu.memref_slice %arg13[%dma_start3A_364, %dma_start3A_365] : memref<10240x128xf32, #tpu.memory_space<vmem_shared>> -> memref<10240x128xf32, #tpu.memory_space<vmem_shared>>
        tpu.enqueue_indirect_dma source(%arg12 : memref<128x128xf32, #tpu.memory_space<vmem>>) target(%dma_start3A_366 : memref<10240x128xf32, #tpu.memory_space<vmem_shared>>) offsets(%dma_start3A_363 : memref<128xi32, #tpu.memory_space<vmem>>) semaphore(%arg17 : memref<!tpu.dma_semaphore, #tpu.memory_space<semaphore_mem>>) {add = true}
        %dma_wait3A_367 = arith.constant 11 : i32
        %dma_wait3A_368 = arith.constant 0 : i32
        %dma_wait3A_369 = tpu.memref_slice %arg10[%dma_wait3A_367, %dma_wait3A_368] : memref<16x128xi32, #tpu.memory_space<vmem>> -> memref<1x128xi32, #tpu.memory_space<vmem>>
        %dma_wait3A_370 = tpu.memref_squeeze %dma_wait3A_369 : memref<1x128xi32, #tpu.memory_space<vmem>> -> memref<128xi32, #tpu.memory_space<vmem>>
        %dma_wait3A_371 = arith.constant 0 : i32
        %dma_wait3A_372 = arith.constant 0 : i32
        %dma_wait3A_373 = tpu.memref_slice %arg13[%dma_wait3A_371, %dma_wait3A_372] : memref<10240x128xf32, #tpu.memory_space<vmem_shared>> -> memref<10240x128xf32, #tpu.memory_space<vmem_shared>>
        tpu.wait_indirect_dma semaphore(%arg17 : memref<!tpu.dma_semaphore, #tpu.memory_space<semaphore_mem>>) src(%arg12 : memref<128x128xf32, #tpu.memory_space<vmem>>) dst(%dma_wait3A_373 : memref<10240x128xf32, #tpu.memory_space<vmem_shared>>)
        %dma_start3A_374 = arith.constant 13 : i32
        %dma_start3A_375 = arith.constant 0 : i32
        %dma_start3A_376 = tpu.memref_slice %arg9[%dma_start3A_374, %dma_start3A_375] : memref<16x128xi32, #tpu.memory_space<vmem>> -> memref<1x128xi32, #tpu.memory_space<vmem>>
        %dma_start3A_377 = tpu.memref_squeeze %dma_start3A_376 : memref<1x128xi32, #tpu.memory_space<vmem>> -> memref<128xi32, #tpu.memory_space<vmem>>
        %dma_start3A_378 = arith.constant 0 : i32
        %dma_start3A_379 = arith.constant 0 : i32
        %dma_start3A_380 = tpu.memref_slice %arg3[%dma_start3A_378, %dma_start3A_379] : memref<10000x128xf32, #tpu.memory_space<hbm>> -> memref<10000x128xf32, #tpu.memory_space<hbm>>
        tpu.enqueue_indirect_dma source(%dma_start3A_380 : memref<10000x128xf32, #tpu.memory_space<hbm>>) target(%arg12 : memref<128x128xf32, #tpu.memory_space<vmem>>) offsets(%dma_start3A_377 : memref<128xi32, #tpu.memory_space<vmem>>) semaphore(%arg15 : memref<!tpu.dma_semaphore, #tpu.memory_space<semaphore_mem>>)
        %dma_wait3A_381 = arith.constant 12 : i32
        %dma_wait3A_382 = arith.constant 0 : i32
        %dma_wait3A_383 = tpu.memref_slice %arg9[%dma_wait3A_381, %dma_wait3A_382] : memref<16x128xi32, #tpu.memory_space<vmem>> -> memref<1x128xi32, #tpu.memory_space<vmem>>
        %dma_wait3A_384 = tpu.memref_squeeze %dma_wait3A_383 : memref<1x128xi32, #tpu.memory_space<vmem>> -> memref<128xi32, #tpu.memory_space<vmem>>
        %dma_wait3A_385 = arith.constant 0 : i32
        %dma_wait3A_386 = arith.constant 0 : i32
        %dma_wait3A_387 = tpu.memref_slice %arg3[%dma_wait3A_385, %dma_wait3A_386] : memref<10000x128xf32, #tpu.memory_space<hbm>> -> memref<10000x128xf32, #tpu.memory_space<hbm>>
        tpu.wait_indirect_dma semaphore(%arg14 : memref<!tpu.dma_semaphore, #tpu.memory_space<semaphore_mem>>) src(%dma_wait3A_387 : memref<10000x128xf32, #tpu.memory_space<hbm>>) dst(%arg11 : memref<128x128xf32, #tpu.memory_space<vmem>>)
        %dma_start3A_388 = arith.constant 12 : i32
        %dma_start3A_389 = arith.constant 0 : i32
        %dma_start3A_390 = tpu.memref_slice %arg10[%dma_start3A_388, %dma_start3A_389] : memref<16x128xi32, #tpu.memory_space<vmem>> -> memref<1x128xi32, #tpu.memory_space<vmem>>
        %dma_start3A_391 = tpu.memref_squeeze %dma_start3A_390 : memref<1x128xi32, #tpu.memory_space<vmem>> -> memref<128xi32, #tpu.memory_space<vmem>>
        %dma_start3A_392 = arith.constant 0 : i32
        %dma_start3A_393 = arith.constant 0 : i32
        %dma_start3A_394 = tpu.memref_slice %arg13[%dma_start3A_392, %dma_start3A_393] : memref<10240x128xf32, #tpu.memory_space<vmem_shared>> -> memref<10240x128xf32, #tpu.memory_space<vmem_shared>>
        tpu.enqueue_indirect_dma source(%arg11 : memref<128x128xf32, #tpu.memory_space<vmem>>) target(%dma_start3A_394 : memref<10240x128xf32, #tpu.memory_space<vmem_shared>>) offsets(%dma_start3A_391 : memref<128xi32, #tpu.memory_space<vmem>>) semaphore(%arg16 : memref<!tpu.dma_semaphore, #tpu.memory_space<semaphore_mem>>) {add = true}
        %dma_wait3A_395 = arith.constant 12 : i32
        %dma_wait3A_396 = arith.constant 0 : i32
        %dma_wait3A_397 = tpu.memref_slice %arg10[%dma_wait3A_395, %dma_wait3A_396] : memref<16x128xi32, #tpu.memory_space<vmem>> -> memref<1x128xi32, #tpu.memory_space<vmem>>
        %dma_wait3A_398 = tpu.memref_squeeze %dma_wait3A_397 : memref<1x128xi32, #tpu.memory_space<vmem>> -> memref<128xi32, #tpu.memory_space<vmem>>
        %dma_wait3A_399 = arith.constant 0 : i32
        %dma_wait3A_400 = arith.constant 0 : i32
        %dma_wait3A_401 = tpu.memref_slice %arg13[%dma_wait3A_399, %dma_wait3A_400] : memref<10240x128xf32, #tpu.memory_space<vmem_shared>> -> memref<10240x128xf32, #tpu.memory_space<vmem_shared>>
        tpu.wait_indirect_dma semaphore(%arg16 : memref<!tpu.dma_semaphore, #tpu.memory_space<semaphore_mem>>) src(%arg11 : memref<128x128xf32, #tpu.memory_space<vmem>>) dst(%dma_wait3A_401 : memref<10240x128xf32, #tpu.memory_space<vmem_shared>>)
        %dma_start3A_402 = arith.constant 14 : i32
        %dma_start3A_403 = arith.constant 0 : i32
        %dma_start3A_404 = tpu.memref_slice %arg9[%dma_start3A_402, %dma_start3A_403] : memref<16x128xi32, #tpu.memory_space<vmem>> -> memref<1x128xi32, #tpu.memory_space<vmem>>
        %dma_start3A_405 = tpu.memref_squeeze %dma_start3A_404 : memref<1x128xi32, #tpu.memory_space<vmem>> -> memref<128xi32, #tpu.memory_space<vmem>>
        %dma_start3A_406 = arith.constant 0 : i32
        %dma_start3A_407 = arith.constant 0 : i32
        %dma_start3A_408 = tpu.memref_slice %arg3[%dma_start3A_406, %dma_start3A_407] : memref<10000x128xf32, #tpu.memory_space<hbm>> -> memref<10000x128xf32, #tpu.memory_space<hbm>>
        tpu.enqueue_indirect_dma source(%dma_start3A_408 : memref<10000x128xf32, #tpu.memory_space<hbm>>) target(%arg11 : memref<128x128xf32, #tpu.memory_space<vmem>>) offsets(%dma_start3A_405 : memref<128xi32, #tpu.memory_space<vmem>>) semaphore(%arg14 : memref<!tpu.dma_semaphore, #tpu.memory_space<semaphore_mem>>)
        %dma_wait3A_409 = arith.constant 13 : i32
        %dma_wait3A_410 = arith.constant 0 : i32
        %dma_wait3A_411 = tpu.memref_slice %arg9[%dma_wait3A_409, %dma_wait3A_410] : memref<16x128xi32, #tpu.memory_space<vmem>> -> memref<1x128xi32, #tpu.memory_space<vmem>>
        %dma_wait3A_412 = tpu.memref_squeeze %dma_wait3A_411 : memref<1x128xi32, #tpu.memory_space<vmem>> -> memref<128xi32, #tpu.memory_space<vmem>>
        %dma_wait3A_413 = arith.constant 0 : i32
        %dma_wait3A_414 = arith.constant 0 : i32
        %dma_wait3A_415 = tpu.memref_slice %arg3[%dma_wait3A_413, %dma_wait3A_414] : memref<10000x128xf32, #tpu.memory_space<hbm>> -> memref<10000x128xf32, #tpu.memory_space<hbm>>
        tpu.wait_indirect_dma semaphore(%arg15 : memref<!tpu.dma_semaphore, #tpu.memory_space<semaphore_mem>>) src(%dma_wait3A_415 : memref<10000x128xf32, #tpu.memory_space<hbm>>) dst(%arg12 : memref<128x128xf32, #tpu.memory_space<vmem>>)
        %dma_start3A_416 = arith.constant 13 : i32
        %dma_start3A_417 = arith.constant 0 : i32
        %dma_start3A_418 = tpu.memref_slice %arg10[%dma_start3A_416, %dma_start3A_417] : memref<16x128xi32, #tpu.memory_space<vmem>> -> memref<1x128xi32, #tpu.memory_space<vmem>>
        %dma_start3A_419 = tpu.memref_squeeze %dma_start3A_418 : memref<1x128xi32, #tpu.memory_space<vmem>> -> memref<128xi32, #tpu.memory_space<vmem>>
        %dma_start3A_420 = arith.constant 0 : i32
        %dma_start3A_421 = arith.constant 0 : i32
        %dma_start3A_422 = tpu.memref_slice %arg13[%dma_start3A_420, %dma_start3A_421] : memref<10240x128xf32, #tpu.memory_space<vmem_shared>> -> memref<10240x128xf32, #tpu.memory_space<vmem_shared>>
        tpu.enqueue_indirect_dma source(%arg12 : memref<128x128xf32, #tpu.memory_space<vmem>>) target(%dma_start3A_422 : memref<10240x128xf32, #tpu.memory_space<vmem_shared>>) offsets(%dma_start3A_419 : memref<128xi32, #tpu.memory_space<vmem>>) semaphore(%arg17 : memref<!tpu.dma_semaphore, #tpu.memory_space<semaphore_mem>>) {add = true}
        %dma_wait3A_423 = arith.constant 13 : i32
        %dma_wait3A_424 = arith.constant 0 : i32
        %dma_wait3A_425 = tpu.memref_slice %arg10[%dma_wait3A_423, %dma_wait3A_424] : memref<16x128xi32, #tpu.memory_space<vmem>> -> memref<1x128xi32, #tpu.memory_space<vmem>>
        %dma_wait3A_426 = tpu.memref_squeeze %dma_wait3A_425 : memref<1x128xi32, #tpu.memory_space<vmem>> -> memref<128xi32, #tpu.memory_space<vmem>>
        %dma_wait3A_427 = arith.constant 0 : i32
        %dma_wait3A_428 = arith.constant 0 : i32
        %dma_wait3A_429 = tpu.memref_slice %arg13[%dma_wait3A_427, %dma_wait3A_428] : memref<10240x128xf32, #tpu.memory_space<vmem_shared>> -> memref<10240x128xf32, #tpu.memory_space<vmem_shared>>
        tpu.wait_indirect_dma semaphore(%arg17 : memref<!tpu.dma_semaphore, #tpu.memory_space<semaphore_mem>>) src(%arg12 : memref<128x128xf32, #tpu.memory_space<vmem>>) dst(%dma_wait3A_429 : memref<10240x128xf32, #tpu.memory_space<vmem_shared>>)
        %dma_start3A_430 = arith.constant 15 : i32
        %dma_start3A_431 = arith.constant 0 : i32
        %dma_start3A_432 = tpu.memref_slice %arg9[%dma_start3A_430, %dma_start3A_431] : memref<16x128xi32, #tpu.memory_space<vmem>> -> memref<1x128xi32, #tpu.memory_space<vmem>>
        %dma_start3A_433 = tpu.memref_squeeze %dma_start3A_432 : memref<1x128xi32, #tpu.memory_space<vmem>> -> memref<128xi32, #tpu.memory_space<vmem>>
        %dma_start3A_434 = arith.constant 0 : i32
        %dma_start3A_435 = arith.constant 0 : i32
        %dma_start3A_436 = tpu.memref_slice %arg3[%dma_start3A_434, %dma_start3A_435] : memref<10000x128xf32, #tpu.memory_space<hbm>> -> memref<10000x128xf32, #tpu.memory_space<hbm>>
        tpu.enqueue_indirect_dma source(%dma_start3A_436 : memref<10000x128xf32, #tpu.memory_space<hbm>>) target(%arg12 : memref<128x128xf32, #tpu.memory_space<vmem>>) offsets(%dma_start3A_433 : memref<128xi32, #tpu.memory_space<vmem>>) semaphore(%arg15 : memref<!tpu.dma_semaphore, #tpu.memory_space<semaphore_mem>>)
        %dma_wait3A_437 = arith.constant 14 : i32
        %dma_wait3A_438 = arith.constant 0 : i32
        %dma_wait3A_439 = tpu.memref_slice %arg9[%dma_wait3A_437, %dma_wait3A_438] : memref<16x128xi32, #tpu.memory_space<vmem>> -> memref<1x128xi32, #tpu.memory_space<vmem>>
        %dma_wait3A_440 = tpu.memref_squeeze %dma_wait3A_439 : memref<1x128xi32, #tpu.memory_space<vmem>> -> memref<128xi32, #tpu.memory_space<vmem>>
        %dma_wait3A_441 = arith.constant 0 : i32
        %dma_wait3A_442 = arith.constant 0 : i32
        %dma_wait3A_443 = tpu.memref_slice %arg3[%dma_wait3A_441, %dma_wait3A_442] : memref<10000x128xf32, #tpu.memory_space<hbm>> -> memref<10000x128xf32, #tpu.memory_space<hbm>>
        tpu.wait_indirect_dma semaphore(%arg14 : memref<!tpu.dma_semaphore, #tpu.memory_space<semaphore_mem>>) src(%dma_wait3A_443 : memref<10000x128xf32, #tpu.memory_space<hbm>>) dst(%arg11 : memref<128x128xf32, #tpu.memory_space<vmem>>)
        %dma_start3A_444 = arith.constant 14 : i32
        %dma_start3A_445 = arith.constant 0 : i32
        %dma_start3A_446 = tpu.memref_slice %arg10[%dma_start3A_444, %dma_start3A_445] : memref<16x128xi32, #tpu.memory_space<vmem>> -> memref<1x128xi32, #tpu.memory_space<vmem>>
        %dma_start3A_447 = tpu.memref_squeeze %dma_start3A_446 : memref<1x128xi32, #tpu.memory_space<vmem>> -> memref<128xi32, #tpu.memory_space<vmem>>
        %dma_start3A_448 = arith.constant 0 : i32
        %dma_start3A_449 = arith.constant 0 : i32
        %dma_start3A_450 = tpu.memref_slice %arg13[%dma_start3A_448, %dma_start3A_449] : memref<10240x128xf32, #tpu.memory_space<vmem_shared>> -> memref<10240x128xf32, #tpu.memory_space<vmem_shared>>
        tpu.enqueue_indirect_dma source(%arg11 : memref<128x128xf32, #tpu.memory_space<vmem>>) target(%dma_start3A_450 : memref<10240x128xf32, #tpu.memory_space<vmem_shared>>) offsets(%dma_start3A_447 : memref<128xi32, #tpu.memory_space<vmem>>) semaphore(%arg16 : memref<!tpu.dma_semaphore, #tpu.memory_space<semaphore_mem>>) {add = true}
        %dma_wait3A_451 = arith.constant 14 : i32
        %dma_wait3A_452 = arith.constant 0 : i32
        %dma_wait3A_453 = tpu.memref_slice %arg10[%dma_wait3A_451, %dma_wait3A_452] : memref<16x128xi32, #tpu.memory_space<vmem>> -> memref<1x128xi32, #tpu.memory_space<vmem>>
        %dma_wait3A_454 = tpu.memref_squeeze %dma_wait3A_453 : memref<1x128xi32, #tpu.memory_space<vmem>> -> memref<128xi32, #tpu.memory_space<vmem>>
        %dma_wait3A_455 = arith.constant 0 : i32
        %dma_wait3A_456 = arith.constant 0 : i32
        %dma_wait3A_457 = tpu.memref_slice %arg13[%dma_wait3A_455, %dma_wait3A_456] : memref<10240x128xf32, #tpu.memory_space<vmem_shared>> -> memref<10240x128xf32, #tpu.memory_space<vmem_shared>>
        tpu.wait_indirect_dma semaphore(%arg16 : memref<!tpu.dma_semaphore, #tpu.memory_space<semaphore_mem>>) src(%arg11 : memref<128x128xf32, #tpu.memory_space<vmem>>) dst(%dma_wait3A_457 : memref<10240x128xf32, #tpu.memory_space<vmem_shared>>)
        %dma_wait3A_458 = arith.constant 15 : i32
        %dma_wait3A_459 = arith.constant 0 : i32
        %dma_wait3A_460 = tpu.memref_slice %arg9[%dma_wait3A_458, %dma_wait3A_459] : memref<16x128xi32, #tpu.memory_space<vmem>> -> memref<1x128xi32, #tpu.memory_space<vmem>>
        %dma_wait3A_461 = tpu.memref_squeeze %dma_wait3A_460 : memref<1x128xi32, #tpu.memory_space<vmem>> -> memref<128xi32, #tpu.memory_space<vmem>>
        %dma_wait3A_462 = arith.constant 0 : i32
        %dma_wait3A_463 = arith.constant 0 : i32
        %dma_wait3A_464 = tpu.memref_slice %arg3[%dma_wait3A_462, %dma_wait3A_463] : memref<10000x128xf32, #tpu.memory_space<hbm>> -> memref<10000x128xf32, #tpu.memory_space<hbm>>
        tpu.wait_indirect_dma semaphore(%arg15 : memref<!tpu.dma_semaphore, #tpu.memory_space<semaphore_mem>>) src(%dma_wait3A_464 : memref<10000x128xf32, #tpu.memory_space<hbm>>) dst(%arg12 : memref<128x128xf32, #tpu.memory_space<vmem>>)
        %dma_start3A_465 = arith.constant 15 : i32
        %dma_start3A_466 = arith.constant 0 : i32
        %dma_start3A_467 = tpu.memref_slice %arg10[%dma_start3A_465, %dma_start3A_466] : memref<16x128xi32, #tpu.memory_space<vmem>> -> memref<1x128xi32, #tpu.memory_space<vmem>>
        %dma_start3A_468 = tpu.memref_squeeze %dma_start3A_467 : memref<1x128xi32, #tpu.memory_space<vmem>> -> memref<128xi32, #tpu.memory_space<vmem>>
        %dma_start3A_469 = arith.constant 0 : i32
        %dma_start3A_470 = arith.constant 0 : i32
        %dma_start3A_471 = tpu.memref_slice %arg13[%dma_start3A_469, %dma_start3A_470] : memref<10240x128xf32, #tpu.memory_space<vmem_shared>> -> memref<10240x128xf32, #tpu.memory_space<vmem_shared>>
        tpu.enqueue_indirect_dma source(%arg12 : memref<128x128xf32, #tpu.memory_space<vmem>>) target(%dma_start3A_471 : memref<10240x128xf32, #tpu.memory_space<vmem_shared>>) offsets(%dma_start3A_468 : memref<128xi32, #tpu.memory_space<vmem>>) semaphore(%arg17 : memref<!tpu.dma_semaphore, #tpu.memory_space<semaphore_mem>>) {add = true}
        %dma_wait3A_472 = arith.constant 15 : i32
        %dma_wait3A_473 = arith.constant 0 : i32
        %dma_wait3A_474 = tpu.memref_slice %arg10[%dma_wait3A_472, %dma_wait3A_473] : memref<16x128xi32, #tpu.memory_space<vmem>> -> memref<1x128xi32, #tpu.memory_space<vmem>>
        %dma_wait3A_475 = tpu.memref_squeeze %dma_wait3A_474 : memref<1x128xi32, #tpu.memory_space<vmem>> -> memref<128xi32, #tpu.memory_space<vmem>>
        %dma_wait3A_476 = arith.constant 0 : i32
        %dma_wait3A_477 = arith.constant 0 : i32
        %dma_wait3A_478 = tpu.memref_slice %arg13[%dma_wait3A_476, %dma_wait3A_477] : memref<10240x128xf32, #tpu.memory_space<vmem_shared>> -> memref<10240x128xf32, #tpu.memory_space<vmem_shared>>
        tpu.wait_indirect_dma semaphore(%arg17 : memref<!tpu.dma_semaphore, #tpu.memory_space<semaphore_mem>>) src(%arg12 : memref<128x128xf32, #tpu.memory_space<vmem>>) dst(%dma_wait3A_478 : memref<10240x128xf32, #tpu.memory_space<vmem_shared>>)
      }
      %scan3A_27 = arith.constant 5 : i32
    } else {
    }
    %barrier3A_10 = arith.constant 0 : index
    tpu.barrier barrier_id(%barrier3A_10)
    %mul3A_11 = arith.constant 640 : i32
    %mul3A_12 = arith.muli %arg1, %mul3A_11 : i32
    %eq3A_13 = arith.constant 0 : i32
    %eq3A_14 = arith.cmpi eq, %arg0, %eq3A_13 : i32
    %convert_element_type3A_15 = arith.extui %eq3A_14 : i1 to i32
    %cond3A_16 = arith.constant 0 : i32
    %cond3A_17 = arith.cmpi ne, %convert_element_type3A_15, %cond3A_16 : i32
    scf.if %cond3A_17 {
      "tpu.region"() ({
        %run_scoped3A = tpu.sem_alloc : memref<!tpu.dma_semaphore, #tpu.memory_space<semaphore_mem>>
        %dma_start3A = arith.constant 0 : i32
        %dma_start3A_23 = tpu.memref_slice %arg7[%mul3A_12, %dma_start3A] : memref<10240x128xf32, #tpu.memory_space<hbm>> -> memref<640x128xf32, #tpu.memory_space<hbm>>
        %dma_start3A_24 = arith.constant 0 : i32
        %dma_start3A_25 = tpu.memref_slice %arg13[%mul3A_12, %dma_start3A_24] : memref<10240x128xf32, #tpu.memory_space<vmem_shared>> -> memref<640x128xf32, #tpu.memory_space<vmem_shared>>
        tpu.enqueue_dma source(%dma_start3A_25 : memref<640x128xf32, #tpu.memory_space<vmem_shared>>) target(%dma_start3A_23 : memref<640x128xf32, #tpu.memory_space<hbm>>) target_semaphore(%run_scoped3A : memref<!tpu.dma_semaphore, #tpu.memory_space<semaphore_mem>>)
        %dma_wait3A = arith.constant 0 : i32
        %dma_wait3A_26 = tpu.memref_slice %arg7[%mul3A_12, %dma_wait3A] : memref<10240x128xf32, #tpu.memory_space<hbm>> -> memref<640x128xf32, #tpu.memory_space<hbm>>
        %dma_wait3A_27 = arith.constant 0 : i32
        %dma_wait3A_28 = tpu.memref_slice %arg13[%mul3A_12, %dma_wait3A_27] : memref<10240x128xf32, #tpu.memory_space<vmem_shared>> -> memref<640x128xf32, #tpu.memory_space<vmem_shared>>
        tpu.wait_dma2 semaphore(%run_scoped3A : memref<!tpu.dma_semaphore, #tpu.memory_space<semaphore_mem>>) src(%dma_wait3A_28 : memref<640x128xf32, #tpu.memory_space<vmem_shared>>) dst(%dma_wait3A_26 : memref<640x128xf32, #tpu.memory_space<hbm>>)
        tpu.yield
      }) : () -> ()
    } else {
    }
    %eq3A_18 = arith.constant 1 : i32
    %eq3A_19 = arith.cmpi eq, %arg0, %eq3A_18 : i32
    %convert_element_type3A_20 = arith.extui %eq3A_19 : i1 to i32
    %cond3A_21 = arith.constant 0 : i32
    %cond3A_22 = arith.cmpi ne, %convert_element_type3A_20, %cond3A_21 : i32
    scf.if %cond3A_22 {
      "tpu.region"() ({
        %run_scoped3A = tpu.sem_alloc : memref<!tpu.dma_semaphore, #tpu.memory_space<semaphore_mem>>
        %dma_start3A = arith.constant 0 : i32
        %dma_start3A_23 = tpu.memref_slice %arg8[%mul3A_12, %dma_start3A] : memref<10240x128xf32, #tpu.memory_space<hbm>> -> memref<640x128xf32, #tpu.memory_space<hbm>>
        %dma_start3A_24 = arith.constant 0 : i32
        %dma_start3A_25 = tpu.memref_slice %arg13[%mul3A_12, %dma_start3A_24] : memref<10240x128xf32, #tpu.memory_space<vmem_shared>> -> memref<640x128xf32, #tpu.memory_space<vmem_shared>>
        tpu.enqueue_dma source(%dma_start3A_25 : memref<640x128xf32, #tpu.memory_space<vmem_shared>>) target(%dma_start3A_23 : memref<640x128xf32, #tpu.memory_space<hbm>>) target_semaphore(%run_scoped3A : memref<!tpu.dma_semaphore, #tpu.memory_space<semaphore_mem>>)
        %dma_wait3A = arith.constant 0 : i32
        %dma_wait3A_26 = tpu.memref_slice %arg8[%mul3A_12, %dma_wait3A] : memref<10240x128xf32, #tpu.memory_space<hbm>> -> memref<640x128xf32, #tpu.memory_space<hbm>>
        %dma_wait3A_27 = arith.constant 0 : i32
        %dma_wait3A_28 = tpu.memref_slice %arg13[%mul3A_12, %dma_wait3A_27] : memref<10240x128xf32, #tpu.memory_space<vmem_shared>> -> memref<640x128xf32, #tpu.memory_space<vmem_shared>>
        tpu.wait_dma2 semaphore(%run_scoped3A : memref<!tpu.dma_semaphore, #tpu.memory_space<semaphore_mem>>) src(%dma_wait3A_28 : memref<640x128xf32, #tpu.memory_space<vmem_shared>>) dst(%dma_wait3A_26 : memref<640x128xf32, #tpu.memory_space<hbm>>)
        tpu.yield
      }) : () -> ()
    } else {
    }
    return
  }
}

#map = affine_map<(d0, d1) -> (0, 0)>
#map1 = affine_map<(d0, d1) -> (0, 0, 0)>
module attributes {stable_mosaic.version = 14 : i64} {
  func.func @spmm(%arg0: i32, %arg1: i32, %arg2: memref<10000x128xf32, #tpu.memory_space<hbm>>, %arg3: memref<10000x128xf32, #tpu.memory_space<hbm>>, %arg4: memref<32x80x128xi32, #tpu.memory_space<hbm>>, %arg5: memref<32x80x128xi32, #tpu.memory_space<hbm>>, %arg6: memref<640x128xf32, #tpu.memory_space<hbm>>, %arg7: memref<10240x128xf32, #tpu.memory_space<hbm>>, %arg8: memref<10240x128xf32, #tpu.memory_space<hbm>>, %arg9: memref<16x128xi32, #tpu.memory_space<vmem>>, %arg10: memref<16x128xi32, #tpu.memory_space<vmem>>, %arg11: memref<128x128xf32, #tpu.memory_space<vmem>>, %arg12: memref<128x128xf32, #tpu.memory_space<vmem>>, %arg13: memref<10240x128xf32, #tpu.memory_space<vmem_shared>>, %arg14: memref<!tpu.dma_semaphore, #tpu.memory_space<semaphore_mem>>, %arg15: memref<!tpu.dma_semaphore, #tpu.memory_space<semaphore_mem>>, %arg16: memref<!tpu.dma_semaphore, #tpu.memory_space<semaphore_mem>>, %arg17: memref<!tpu.dma_semaphore, #tpu.memory_space<semaphore_mem>>) attributes {dimension_semantics = [#tpu.dimension_semantics<core_parallel>, #tpu.dimension_semantics<subcore_parallel>], iteration_bounds = array<i64: 2, 16>, scalar_prefetch = 0 : i64, scratch_operands = 9 : i64, tpu.core_type = #tpu.core_type<sc_vector_subcore>, window_params = [{transform_indices = #map}, {transform_indices = #map}, {transform_indices = #map1}, {transform_indices = #map1}, {transform_indices = #map}, {transform_indices = #map}, {transform_indices = #map}]} {
    %mul3A = arith.constant 2 : i32
    %mul3A_0 = arith.muli %arg1, %mul3A : i32
    %add3A = arith.addi %mul3A_0, %arg0 : i32
    %mul3A_1 = arith.constant 640 : i32
    %mul3A_2 = arith.muli %arg1, %mul3A_1 : i32
    "tpu.region"() ({
      %run_scoped3A = tpu.sem_alloc : memref<!tpu.dma_semaphore, #tpu.memory_space<semaphore_mem>>
      %dma_start3A = arith.constant 0 : i32
      %dma_start3A_23 = tpu.memref_slice %arg13[%mul3A_2, %dma_start3A] : memref<10240x128xf32, #tpu.memory_space<vmem_shared>> -> memref<640x128xf32, #tpu.memory_space<vmem_shared>>
      tpu.enqueue_dma source(%arg6 : memref<640x128xf32, #tpu.memory_space<hbm>>) target(%dma_start3A_23 : memref<640x128xf32, #tpu.memory_space<vmem_shared>>) target_semaphore(%run_scoped3A : memref<!tpu.dma_semaphore, #tpu.memory_space<semaphore_mem>>)
      %dma_wait3A = arith.constant 0 : i32
      %dma_wait3A_24 = tpu.memref_slice %arg13[%mul3A_2, %dma_wait3A] : memref<10240x128xf32, #tpu.memory_space<vmem_shared>> -> memref<640x128xf32, #tpu.memory_space<vmem_shared>>
      tpu.wait_dma2 semaphore(%run_scoped3A : memref<!tpu.dma_semaphore, #tpu.memory_space<semaphore_mem>>) src(%arg6 : memref<640x128xf32, #tpu.memory_space<hbm>>) dst(%dma_wait3A_24 : memref<640x128xf32, #tpu.memory_space<vmem_shared>>)
      tpu.yield
    }) : () -> ()
    %barrier3A = arith.constant 0 : index
    tpu.barrier barrier_id(%barrier3A)
    %eq3A = arith.constant 0 : i32
    %eq3A_3 = arith.cmpi eq, %arg0, %eq3A : i32
    %convert_element_type3A = arith.extui %eq3A_3 : i1 to i32
    %cond3A = arith.constant 0 : i32
    %cond3A_4 = arith.cmpi ne, %convert_element_type3A, %cond3A : i32
    scf.if %cond3A_4 {
      %scan3A = arith.constant 0 : i32
      %scan3A_23 = arith.constant 0 : i32
      %scan3A_24 = arith.constant 5 : i32
      %scan3A_25 = arith.addi %scan3A_23, %scan3A_24 : i32
      %scan3A_26 = arith.constant 1 : i32
      scf.for %scan3A_28 = %scan3A_23 to %scan3A_25 step %scan3A_26  : i32 {
        %mul3A_29 = arith.constant 16 : i32
        %mul3A_30 = arith.muli %scan3A_28, %mul3A_29 : i32
        "tpu.region"() ({
          %run_scoped3A = tpu.sem_alloc : memref<!tpu.dma_semaphore, #tpu.memory_space<semaphore_mem>>
          %dma_start3A_479 = arith.constant 0 : i32
          %dma_start3A_480 = tpu.memref_slice %arg4[%add3A, %mul3A_30, %dma_start3A_479] : memref<32x80x128xi32, #tpu.memory_space<hbm>> -> memref<1x16x128xi32, #tpu.memory_space<hbm>>
          %dma_start3A_481 = tpu.memref_squeeze %dma_start3A_480 : memref<1x16x128xi32, #tpu.memory_space<hbm>> -> memref<16x128xi32, #tpu.memory_space<hbm>>
          %dma_start3A_482 = arith.constant 0 : i32
          %dma_start3A_483 = tpu.memref_slice %arg4[%add3A, %mul3A_30, %dma_start3A_482] : memref<32x80x128xi32, #tpu.memory_space<hbm>> -> memref<1x16x128xi32, #tpu.memory_space<hbm>>
          %dma_start3A_484 = tpu.memref_squeeze %dma_start3A_483 : memref<1x16x128xi32, #tpu.memory_space<hbm>> -> memref<16x128xi32, #tpu.memory_space<hbm>>
          tpu.enqueue_dma source(%dma_start3A_484 : memref<16x128xi32, #tpu.memory_space<hbm>>) target(%arg9 : memref<16x128xi32, #tpu.memory_space<vmem>>) target_semaphore(%run_scoped3A : memref<!tpu.dma_semaphore, #tpu.memory_space<semaphore_mem>>)
          %dma_wait3A_485 = arith.constant 0 : i32
          %dma_wait3A_486 = tpu.memref_slice %arg4[%add3A, %mul3A_30, %dma_wait3A_485] : memref<32x80x128xi32, #tpu.memory_space<hbm>> -> memref<1x16x128xi32, #tpu.memory_space<hbm>>
          %dma_wait3A_487 = tpu.memref_squeeze %dma_wait3A_486 : memref<1x16x128xi32, #tpu.memory_space<hbm>> -> memref<16x128xi32, #tpu.memory_space<hbm>>
          %dma_wait3A_488 = arith.constant 0 : i32
          %dma_wait3A_489 = tpu.memref_slice %arg4[%add3A, %mul3A_30, %dma_wait3A_488] : memref<32x80x128xi32, #tpu.memory_space<hbm>> -> memref<1x16x128xi32, #tpu.memory_space<hbm>>
          %dma_wait3A_490 = tpu.memref_squeeze %dma_wait3A_489 : memref<1x16x128xi32, #tpu.memory_space<hbm>> -> memref<16x128xi32, #tpu.memory_space<hbm>>
          tpu.wait_dma2 semaphore(%run_scoped3A : memref<!tpu.dma_semaphore, #tpu.memory_space<semaphore_mem>>) src(%dma_wait3A_490 : memref<16x128xi32, #tpu.memory_space<hbm>>) dst(%arg9 : memref<16x128xi32, #tpu.memory_space<vmem>>)
          tpu.yield
        }) : () -> ()
        %mul3A_31 = arith.constant 16 : i32
        %mul3A_32 = arith.muli %scan3A_28, %mul3A_31 : i32
        "tpu.region"() ({
          %run_scoped3A = tpu.sem_alloc : memref<!tpu.dma_semaphore, #tpu.memory_space<semaphore_mem>>
          %dma_start3A_479 = arith.constant 0 : i32
          %dma_start3A_480 = tpu.memref_slice %arg5[%add3A, %mul3A_32, %dma_start3A_479] : memref<32x80x128xi32, #tpu.memory_space<hbm>> -> memref<1x16x128xi32, #tpu.memory_space<hbm>>
          %dma_start3A_481 = tpu.memref_squeeze %dma_start3A_480 : memref<1x16x128xi32, #tpu.memory_space<hbm>> -> memref<16x128xi32, #tpu.memory_space<hbm>>
          %dma_start3A_482 = arith.constant 0 : i32
          %dma_start3A_483 = tpu.memref_slice %arg5[%add3A, %mul3A_32, %dma_start3A_482] : memref<32x80x128xi32, #tpu.memory_space<hbm>> -> memref<1x16x128xi32, #tpu.memory_space<hbm>>
          %dma_start3A_484 = tpu.memref_squeeze %dma_start3A_483 : memref<1x16x128xi32, #tpu.memory_space<hbm>> -> memref<16x128xi32, #tpu.memory_space<hbm>>
          tpu.enqueue_dma source(%dma_start3A_484 : memref<16x128xi32, #tpu.memory_space<hbm>>) target(%arg10 : memref<16x128xi32, #tpu.memory_space<vmem>>) target_semaphore(%run_scoped3A : memref<!tpu.dma_semaphore, #tpu.memory_space<semaphore_mem>>)
          %dma_wait3A_485 = arith.constant 0 : i32
          %dma_wait3A_486 = tpu.memref_slice %arg5[%add3A, %mul3A_32, %dma_wait3A_485] : memref<32x80x128xi32, #tpu.memory_space<hbm>> -> memref<1x16x128xi32, #tpu.memory_space<hbm>>
          %dma_wait3A_487 = tpu.memref_squeeze %dma_wait3A_486 : memref<1x16x128xi32, #tpu.memory_space<hbm>> -> memref<16x128xi32, #tpu.memory_space<hbm>>
          %dma_wait3A_488 = arith.constant 0 : i32
          %dma_wait3A_489 = tpu.memref_slice %arg5[%add3A, %mul3A_32, %dma_wait3A_488] : memref<32x80x128xi32, #tpu.memory_space<hbm>> -> memref<1x16x128xi32, #tpu.memory_space<hbm>>
          %dma_wait3A_490 = tpu.memref_squeeze %dma_wait3A_489 : memref<1x16x128xi32, #tpu.memory_space<hbm>> -> memref<16x128xi32, #tpu.memory_space<hbm>>
          tpu.wait_dma2 semaphore(%run_scoped3A : memref<!tpu.dma_semaphore, #tpu.memory_space<semaphore_mem>>) src(%dma_wait3A_490 : memref<16x128xi32, #tpu.memory_space<hbm>>) dst(%arg10 : memref<16x128xi32, #tpu.memory_space<vmem>>)
          tpu.yield
        }) : () -> ()
        %dma_start3A = arith.constant 0 : i32
        %dma_start3A_33 = arith.constant 0 : i32
        %dma_start3A_34 = tpu.memref_slice %arg9[%dma_start3A, %dma_start3A_33] : memref<16x128xi32, #tpu.memory_space<vmem>> -> memref<1x128xi32, #tpu.memory_space<vmem>>
        %dma_start3A_35 = tpu.memref_squeeze %dma_start3A_34 : memref<1x128xi32, #tpu.memory_space<vmem>> -> memref<128xi32, #tpu.memory_space<vmem>>
        %dma_start3A_36 = arith.constant 0 : i32
        %dma_start3A_37 = arith.constant 0 : i32
        %dma_start3A_38 = tpu.memref_slice %arg2[%dma_start3A_36, %dma_start3A_37] : memref<10000x128xf32, #tpu.memory_space<hbm>> -> memref<10000x128xf32, #tpu.memory_space<hbm>>
        tpu.enqueue_indirect_dma source(%dma_start3A_38 : memref<10000x128xf32, #tpu.memory_space<hbm>>) target(%arg11 : memref<128x128xf32, #tpu.memory_space<vmem>>) offsets(%dma_start3A_35 : memref<128xi32, #tpu.memory_space<vmem>>) semaphore(%arg14 : memref<!tpu.dma_semaphore, #tpu.memory_space<semaphore_mem>>)
        %dma_start3A_39 = arith.constant 1 : i32
        %dma_start3A_40 = arith.constant 0 : i32
        %dma_start3A_41 = tpu.memref_slice %arg9[%dma_start3A_39, %dma_start3A_40] : memref<16x128xi32, #tpu.memory_space<vmem>> -> memref<1x128xi32, #tpu.memory_space<vmem>>
        %dma_start3A_42 = tpu.memref_squeeze %dma_start3A_41 : memref<1x128xi32, #tpu.memory_space<vmem>> -> memref<128xi32, #tpu.memory_space<vmem>>
        %dma_start3A_43 = arith.constant 0 : i32
        %dma_start3A_44 = arith.constant 0 : i32
        %dma_start3A_45 = tpu.memref_slice %arg2[%dma_start3A_43, %dma_start3A_44] : memref<10000x128xf32, #tpu.memory_space<hbm>> -> memref<10000x128xf32, #tpu.memory_space<hbm>>
        tpu.enqueue_indirect_dma source(%dma_start3A_45 : memref<10000x128xf32, #tpu.memory_space<hbm>>) target(%arg12 : memref<128x128xf32, #tpu.memory_space<vmem>>) offsets(%dma_start3A_42 : memref<128xi32, #tpu.memory_space<vmem>>) semaphore(%arg15 : memref<!tpu.dma_semaphore, #tpu.memory_space<semaphore_mem>>)
        %dma_wait3A = arith.constant 0 : i32
        %dma_wait3A_46 = arith.constant 0 : i32
        %dma_wait3A_47 = tpu.memref_slice %arg9[%dma_wait3A, %dma_wait3A_46] : memref<16x128xi32, #tpu.memory_space<vmem>> -> memref<1x128xi32, #tpu.memory_space<vmem>>
        %dma_wait3A_48 = tpu.memref_squeeze %dma_wait3A_47 : memref<1x128xi32, #tpu.memory_space<vmem>> -> memref<128xi32, #tpu.memory_space<vmem>>
        %dma_wait3A_49 = arith.constant 0 : i32
        %dma_wait3A_50 = arith.constant 0 : i32
        %dma_wait3A_51 = tpu.memref_slice %arg2[%dma_wait3A_49, %dma_wait3A_50] : memref<10000x128xf32, #tpu.memory_space<hbm>> -> memref<10000x128xf32, #tpu.memory_space<hbm>>
        tpu.wait_indirect_dma semaphore(%arg14 : memref<!tpu.dma_semaphore, #tpu.memory_space<semaphore_mem>>) src(%dma_wait3A_51 : memref<10000x128xf32, #tpu.memory_space<hbm>>) dst(%arg11 : memref<128x128xf32, #tpu.memory_space<vmem>>)
        %dma_start3A_52 = arith.constant 0 : i32
        %dma_start3A_53 = arith.constant 0 : i32
        %dma_start3A_54 = tpu.memref_slice %arg10[%dma_start3A_52, %dma_start3A_53] : memref<16x128xi32, #tpu.memory_space<vmem>> -> memref<1x128xi32, #tpu.memory_space<vmem>>
        %dma_start3A_55 = tpu.memref_squeeze %dma_start3A_54 : memref<1x128xi32, #tpu.memory_space<vmem>> -> memref<128xi32, #tpu.memory_space<vmem>>
        %dma_start3A_56 = arith.constant 0 : i32
        %dma_start3A_57 = arith.constant 0 : i32
        %dma_start3A_58 = tpu.memref_slice %arg13[%dma_start3A_56, %dma_start3A_57] : memref<10240x128xf32, #tpu.memory_space<vmem_shared>> -> memref<10240x128xf32, #tpu.memory_space<vmem_shared>>
        tpu.enqueue_indirect_dma source(%arg11 : memref<128x128xf32, #tpu.memory_space<vmem>>) target(%dma_start3A_58 : memref<10240x128xf32, #tpu.memory_space<vmem_shared>>) offsets(%dma_start3A_55 : memref<128xi32, #tpu.memory_space<vmem>>) semaphore(%arg16 : memref<!tpu.dma_semaphore, #tpu.memory_space<semaphore_mem>>) {add = true}
        %dma_wait3A_59 = arith.constant 0 : i32
        %dma_wait3A_60 = arith.constant 0 : i32
        %dma_wait3A_61 = tpu.memref_slice %arg10[%dma_wait3A_59, %dma_wait3A_60] : memref<16x128xi32, #tpu.memory_space<vmem>> -> memref<1x128xi32, #tpu.memory_space<vmem>>
        %dma_wait3A_62 = tpu.memref_squeeze %dma_wait3A_61 : memref<1x128xi32, #tpu.memory_space<vmem>> -> memref<128xi32, #tpu.memory_space<vmem>>
        %dma_wait3A_63 = arith.constant 0 : i32
        %dma_wait3A_64 = arith.constant 0 : i32
        %dma_wait3A_65 = tpu.memref_slice %arg13[%dma_wait3A_63, %dma_wait3A_64] : memref<10240x128xf32, #tpu.memory_space<vmem_shared>> -> memref<10240x128xf32, #tpu.memory_space<vmem_shared>>
        tpu.wait_indirect_dma semaphore(%arg16 : memref<!tpu.dma_semaphore, #tpu.memory_space<semaphore_mem>>) src(%arg11 : memref<128x128xf32, #tpu.memory_space<vmem>>) dst(%dma_wait3A_65 : memref<10240x128xf32, #tpu.memory_space<vmem_shared>>)
        %dma_start3A_66 = arith.constant 2 : i32
        %dma_start3A_67 = arith.constant 0 : i32
        %dma_start3A_68 = tpu.memref_slice %arg9[%dma_start3A_66, %dma_start3A_67] : memref<16x128xi32, #tpu.memory_space<vmem>> -> memref<1x128xi32, #tpu.memory_space<vmem>>
        %dma_start3A_69 = tpu.memref_squeeze %dma_start3A_68 : memref<1x128xi32, #tpu.memory_space<vmem>> -> memref<128xi32, #tpu.memory_space<vmem>>
        %dma_start3A_70 = arith.constant 0 : i32
        %dma_start3A_71 = arith.constant 0 : i32
        %dma_start3A_72 = tpu.memref_slice %arg2[%dma_start3A_70, %dma_start3A_71] : memref<10000x128xf32, #tpu.memory_space<hbm>> -> memref<10000x128xf32, #tpu.memory_space<hbm>>
        tpu.enqueue_indirect_dma source(%dma_start3A_72 : memref<10000x128xf32, #tpu.memory_space<hbm>>) target(%arg11 : memref<128x128xf32, #tpu.memory_space<vmem>>) offsets(%dma_start3A_69 : memref<128xi32, #tpu.memory_space<vmem>>) semaphore(%arg14 : memref<!tpu.dma_semaphore, #tpu.memory_space<semaphore_mem>>)
        %dma_wait3A_73 = arith.constant 1 : i32
        %dma_wait3A_74 = arith.constant 0 : i32
        %dma_wait3A_75 = tpu.memref_slice %arg9[%dma_wait3A_73, %dma_wait3A_74] : memref<16x128xi32, #tpu.memory_space<vmem>> -> memref<1x128xi32, #tpu.memory_space<vmem>>
        %dma_wait3A_76 = tpu.memref_squeeze %dma_wait3A_75 : memref<1x128xi32, #tpu.memory_space<vmem>> -> memref<128xi32, #tpu.memory_space<vmem>>
        %dma_wait3A_77 = arith.constant 0 : i32
        %dma_wait3A_78 = arith.constant 0 : i32
        %dma_wait3A_79 = tpu.memref_slice %arg2[%dma_wait3A_77, %dma_wait3A_78] : memref<10000x128xf32, #tpu.memory_space<hbm>> -> memref<10000x128xf32, #tpu.memory_space<hbm>>
        tpu.wait_indirect_dma semaphore(%arg15 : memref<!tpu.dma_semaphore, #tpu.memory_space<semaphore_mem>>) src(%dma_wait3A_79 : memref<10000x128xf32, #tpu.memory_space<hbm>>) dst(%arg12 : memref<128x128xf32, #tpu.memory_space<vmem>>)
        %dma_start3A_80 = arith.constant 1 : i32
        %dma_start3A_81 = arith.constant 0 : i32
        %dma_start3A_82 = tpu.memref_slice %arg10[%dma_start3A_80, %dma_start3A_81] : memref<16x128xi32, #tpu.memory_space<vmem>> -> memref<1x128xi32, #tpu.memory_space<vmem>>
        %dma_start3A_83 = tpu.memref_squeeze %dma_start3A_82 : memref<1x128xi32, #tpu.memory_space<vmem>> -> memref<128xi32, #tpu.memory_space<vmem>>
        %dma_start3A_84 = arith.constant 0 : i32
        %dma_start3A_85 = arith.constant 0 : i32
        %dma_start3A_86 = tpu.memref_slice %arg13[%dma_start3A_84, %dma_start3A_85] : memref<10240x128xf32, #tpu.memory_space<vmem_shared>> -> memref<10240x128xf32, #tpu.memory_space<vmem_shared>>
        tpu.enqueue_indirect_dma source(%arg12 : memref<128x128xf32, #tpu.memory_space<vmem>>) target(%dma_start3A_86 : memref<10240x128xf32, #tpu.memory_space<vmem_shared>>) offsets(%dma_start3A_83 : memref<128xi32, #tpu.memory_space<vmem>>) semaphore(%arg17 : memref<!tpu.dma_semaphore, #tpu.memory_space<semaphore_mem>>) {add = true}
        %dma_wait3A_87 = arith.constant 1 : i32
        %dma_wait3A_88 = arith.constant 0 : i32
        %dma_wait3A_89 = tpu.memref_slice %arg10[%dma_wait3A_87, %dma_wait3A_88] : memref<16x128xi32, #tpu.memory_space<vmem>> -> memref<1x128xi32, #tpu.memory_space<vmem>>
        %dma_wait3A_90 = tpu.memref_squeeze %dma_wait3A_89 : memref<1x128xi32, #tpu.memory_space<vmem>> -> memref<128xi32, #tpu.memory_space<vmem>>
        %dma_wait3A_91 = arith.constant 0 : i32
        %dma_wait3A_92 = arith.constant 0 : i32
        %dma_wait3A_93 = tpu.memref_slice %arg13[%dma_wait3A_91, %dma_wait3A_92] : memref<10240x128xf32, #tpu.memory_space<vmem_shared>> -> memref<10240x128xf32, #tpu.memory_space<vmem_shared>>
        tpu.wait_indirect_dma semaphore(%arg17 : memref<!tpu.dma_semaphore, #tpu.memory_space<semaphore_mem>>) src(%arg12 : memref<128x128xf32, #tpu.memory_space<vmem>>) dst(%dma_wait3A_93 : memref<10240x128xf32, #tpu.memory_space<vmem_shared>>)
        %dma_start3A_94 = arith.constant 3 : i32
        %dma_start3A_95 = arith.constant 0 : i32
        %dma_start3A_96 = tpu.memref_slice %arg9[%dma_start3A_94, %dma_start3A_95] : memref<16x128xi32, #tpu.memory_space<vmem>> -> memref<1x128xi32, #tpu.memory_space<vmem>>
        %dma_start3A_97 = tpu.memref_squeeze %dma_start3A_96 : memref<1x128xi32, #tpu.memory_space<vmem>> -> memref<128xi32, #tpu.memory_space<vmem>>
        %dma_start3A_98 = arith.constant 0 : i32
        %dma_start3A_99 = arith.constant 0 : i32
        %dma_start3A_100 = tpu.memref_slice %arg2[%dma_start3A_98, %dma_start3A_99] : memref<10000x128xf32, #tpu.memory_space<hbm>> -> memref<10000x128xf32, #tpu.memory_space<hbm>>
        tpu.enqueue_indirect_dma source(%dma_start3A_100 : memref<10000x128xf32, #tpu.memory_space<hbm>>) target(%arg12 : memref<128x128xf32, #tpu.memory_space<vmem>>) offsets(%dma_start3A_97 : memref<128xi32, #tpu.memory_space<vmem>>) semaphore(%arg15 : memref<!tpu.dma_semaphore, #tpu.memory_space<semaphore_mem>>)
        %dma_wait3A_101 = arith.constant 2 : i32
        %dma_wait3A_102 = arith.constant 0 : i32
        %dma_wait3A_103 = tpu.memref_slice %arg9[%dma_wait3A_101, %dma_wait3A_102] : memref<16x128xi32, #tpu.memory_space<vmem>> -> memref<1x128xi32, #tpu.memory_space<vmem>>
        %dma_wait3A_104 = tpu.memref_squeeze %dma_wait3A_103 : memref<1x128xi32, #tpu.memory_space<vmem>> -> memref<128xi32, #tpu.memory_space<vmem>>
        %dma_wait3A_105 = arith.constant 0 : i32
        %dma_wait3A_106 = arith.constant 0 : i32
        %dma_wait3A_107 = tpu.memref_slice %arg2[%dma_wait3A_105, %dma_wait3A_106] : memref<10000x128xf32, #tpu.memory_space<hbm>> -> memref<10000x128xf32, #tpu.memory_space<hbm>>
        tpu.wait_indirect_dma semaphore(%arg14 : memref<!tpu.dma_semaphore, #tpu.memory_space<semaphore_mem>>) src(%dma_wait3A_107 : memref<10000x128xf32, #tpu.memory_space<hbm>>) dst(%arg11 : memref<128x128xf32, #tpu.memory_space<vmem>>)
        %dma_start3A_108 = arith.constant 2 : i32
        %dma_start3A_109 = arith.constant 0 : i32
        %dma_start3A_110 = tpu.memref_slice %arg10[%dma_start3A_108, %dma_start3A_109] : memref<16x128xi32, #tpu.memory_space<vmem>> -> memref<1x128xi32, #tpu.memory_space<vmem>>
        %dma_start3A_111 = tpu.memref_squeeze %dma_start3A_110 : memref<1x128xi32, #tpu.memory_space<vmem>> -> memref<128xi32, #tpu.memory_space<vmem>>
        %dma_start3A_112 = arith.constant 0 : i32
        %dma_start3A_113 = arith.constant 0 : i32
        %dma_start3A_114 = tpu.memref_slice %arg13[%dma_start3A_112, %dma_start3A_113] : memref<10240x128xf32, #tpu.memory_space<vmem_shared>> -> memref<10240x128xf32, #tpu.memory_space<vmem_shared>>
        tpu.enqueue_indirect_dma source(%arg11 : memref<128x128xf32, #tpu.memory_space<vmem>>) target(%dma_start3A_114 : memref<10240x128xf32, #tpu.memory_space<vmem_shared>>) offsets(%dma_start3A_111 : memref<128xi32, #tpu.memory_space<vmem>>) semaphore(%arg16 : memref<!tpu.dma_semaphore, #tpu.memory_space<semaphore_mem>>) {add = true}
        %dma_wait3A_115 = arith.constant 2 : i32
        %dma_wait3A_116 = arith.constant 0 : i32
        %dma_wait3A_117 = tpu.memref_slice %arg10[%dma_wait3A_115, %dma_wait3A_116] : memref<16x128xi32, #tpu.memory_space<vmem>> -> memref<1x128xi32, #tpu.memory_space<vmem>>
        %dma_wait3A_118 = tpu.memref_squeeze %dma_wait3A_117 : memref<1x128xi32, #tpu.memory_space<vmem>> -> memref<128xi32, #tpu.memory_space<vmem>>
        %dma_wait3A_119 = arith.constant 0 : i32
        %dma_wait3A_120 = arith.constant 0 : i32
        %dma_wait3A_121 = tpu.memref_slice %arg13[%dma_wait3A_119, %dma_wait3A_120] : memref<10240x128xf32, #tpu.memory_space<vmem_shared>> -> memref<10240x128xf32, #tpu.memory_space<vmem_shared>>
        tpu.wait_indirect_dma semaphore(%arg16 : memref<!tpu.dma_semaphore, #tpu.memory_space<semaphore_mem>>) src(%arg11 : memref<128x128xf32, #tpu.memory_space<vmem>>) dst(%dma_wait3A_121 : memref<10240x128xf32, #tpu.memory_space<vmem_shared>>)
        %dma_start3A_122 = arith.constant 4 : i32
        %dma_start3A_123 = arith.constant 0 : i32
        %dma_start3A_124 = tpu.memref_slice %arg9[%dma_start3A_122, %dma_start3A_123] : memref<16x128xi32, #tpu.memory_space<vmem>> -> memref<1x128xi32, #tpu.memory_space<vmem>>
        %dma_start3A_125 = tpu.memref_squeeze %dma_start3A_124 : memref<1x128xi32, #tpu.memory_space<vmem>> -> memref<128xi32, #tpu.memory_space<vmem>>
        %dma_start3A_126 = arith.constant 0 : i32
        %dma_start3A_127 = arith.constant 0 : i32
        %dma_start3A_128 = tpu.memref_slice %arg2[%dma_start3A_126, %dma_start3A_127] : memref<10000x128xf32, #tpu.memory_space<hbm>> -> memref<10000x128xf32, #tpu.memory_space<hbm>>
        tpu.enqueue_indirect_dma source(%dma_start3A_128 : memref<10000x128xf32, #tpu.memory_space<hbm>>) target(%arg11 : memref<128x128xf32, #tpu.memory_space<vmem>>) offsets(%dma_start3A_125 : memref<128xi32, #tpu.memory_space<vmem>>) semaphore(%arg14 : memref<!tpu.dma_semaphore, #tpu.memory_space<semaphore_mem>>)
        %dma_wait3A_129 = arith.constant 3 : i32
        %dma_wait3A_130 = arith.constant 0 : i32
        %dma_wait3A_131 = tpu.memref_slice %arg9[%dma_wait3A_129, %dma_wait3A_130] : memref<16x128xi32, #tpu.memory_space<vmem>> -> memref<1x128xi32, #tpu.memory_space<vmem>>
        %dma_wait3A_132 = tpu.memref_squeeze %dma_wait3A_131 : memref<1x128xi32, #tpu.memory_space<vmem>> -> memref<128xi32, #tpu.memory_space<vmem>>
        %dma_wait3A_133 = arith.constant 0 : i32
        %dma_wait3A_134 = arith.constant 0 : i32
        %dma_wait3A_135 = tpu.memref_slice %arg2[%dma_wait3A_133, %dma_wait3A_134] : memref<10000x128xf32, #tpu.memory_space<hbm>> -> memref<10000x128xf32, #tpu.memory_space<hbm>>
        tpu.wait_indirect_dma semaphore(%arg15 : memref<!tpu.dma_semaphore, #tpu.memory_space<semaphore_mem>>) src(%dma_wait3A_135 : memref<10000x128xf32, #tpu.memory_space<hbm>>) dst(%arg12 : memref<128x128xf32, #tpu.memory_space<vmem>>)
        %dma_start3A_136 = arith.constant 3 : i32
        %dma_start3A_137 = arith.constant 0 : i32
        %dma_start3A_138 = tpu.memref_slice %arg10[%dma_start3A_136, %dma_start3A_137] : memref<16x128xi32, #tpu.memory_space<vmem>> -> memref<1x128xi32, #tpu.memory_space<vmem>>
        %dma_start3A_139 = tpu.memref_squeeze %dma_start3A_138 : memref<1x128xi32, #tpu.memory_space<vmem>> -> memref<128xi32, #tpu.memory_space<vmem>>
        %dma_start3A_140 = arith.constant 0 : i32
        %dma_start3A_141 = arith.constant 0 : i32
        %dma_start3A_142 = tpu.memref_slice %arg13[%dma_start3A_140, %dma_start3A_141] : memref<10240x128xf32, #tpu.memory_space<vmem_shared>> -> memref<10240x128xf32, #tpu.memory_space<vmem_shared>>
        tpu.enqueue_indirect_dma source(%arg12 : memref<128x128xf32, #tpu.memory_space<vmem>>) target(%dma_start3A_142 : memref<10240x128xf32, #tpu.memory_space<vmem_shared>>) offsets(%dma_start3A_139 : memref<128xi32, #tpu.memory_space<vmem>>) semaphore(%arg17 : memref<!tpu.dma_semaphore, #tpu.memory_space<semaphore_mem>>) {add = true}
        %dma_wait3A_143 = arith.constant 3 : i32
        %dma_wait3A_144 = arith.constant 0 : i32
        %dma_wait3A_145 = tpu.memref_slice %arg10[%dma_wait3A_143, %dma_wait3A_144] : memref<16x128xi32, #tpu.memory_space<vmem>> -> memref<1x128xi32, #tpu.memory_space<vmem>>
        %dma_wait3A_146 = tpu.memref_squeeze %dma_wait3A_145 : memref<1x128xi32, #tpu.memory_space<vmem>> -> memref<128xi32, #tpu.memory_space<vmem>>
        %dma_wait3A_147 = arith.constant 0 : i32
        %dma_wait3A_148 = arith.constant 0 : i32
        %dma_wait3A_149 = tpu.memref_slice %arg13[%dma_wait3A_147, %dma_wait3A_148] : memref<10240x128xf32, #tpu.memory_space<vmem_shared>> -> memref<10240x128xf32, #tpu.memory_space<vmem_shared>>
        tpu.wait_indirect_dma semaphore(%arg17 : memref<!tpu.dma_semaphore, #tpu.memory_space<semaphore_mem>>) src(%arg12 : memref<128x128xf32, #tpu.memory_space<vmem>>) dst(%dma_wait3A_149 : memref<10240x128xf32, #tpu.memory_space<vmem_shared>>)
        %dma_start3A_150 = arith.constant 5 : i32
        %dma_start3A_151 = arith.constant 0 : i32
        %dma_start3A_152 = tpu.memref_slice %arg9[%dma_start3A_150, %dma_start3A_151] : memref<16x128xi32, #tpu.memory_space<vmem>> -> memref<1x128xi32, #tpu.memory_space<vmem>>
        %dma_start3A_153 = tpu.memref_squeeze %dma_start3A_152 : memref<1x128xi32, #tpu.memory_space<vmem>> -> memref<128xi32, #tpu.memory_space<vmem>>
        %dma_start3A_154 = arith.constant 0 : i32
        %dma_start3A_155 = arith.constant 0 : i32
        %dma_start3A_156 = tpu.memref_slice %arg2[%dma_start3A_154, %dma_start3A_155] : memref<10000x128xf32, #tpu.memory_space<hbm>> -> memref<10000x128xf32, #tpu.memory_space<hbm>>
        tpu.enqueue_indirect_dma source(%dma_start3A_156 : memref<10000x128xf32, #tpu.memory_space<hbm>>) target(%arg12 : memref<128x128xf32, #tpu.memory_space<vmem>>) offsets(%dma_start3A_153 : memref<128xi32, #tpu.memory_space<vmem>>) semaphore(%arg15 : memref<!tpu.dma_semaphore, #tpu.memory_space<semaphore_mem>>)
        %dma_wait3A_157 = arith.constant 4 : i32
        %dma_wait3A_158 = arith.constant 0 : i32
        %dma_wait3A_159 = tpu.memref_slice %arg9[%dma_wait3A_157, %dma_wait3A_158] : memref<16x128xi32, #tpu.memory_space<vmem>> -> memref<1x128xi32, #tpu.memory_space<vmem>>
        %dma_wait3A_160 = tpu.memref_squeeze %dma_wait3A_159 : memref<1x128xi32, #tpu.memory_space<vmem>> -> memref<128xi32, #tpu.memory_space<vmem>>
        %dma_wait3A_161 = arith.constant 0 : i32
        %dma_wait3A_162 = arith.constant 0 : i32
        %dma_wait3A_163 = tpu.memref_slice %arg2[%dma_wait3A_161, %dma_wait3A_162] : memref<10000x128xf32, #tpu.memory_space<hbm>> -> memref<10000x128xf32, #tpu.memory_space<hbm>>
        tpu.wait_indirect_dma semaphore(%arg14 : memref<!tpu.dma_semaphore, #tpu.memory_space<semaphore_mem>>) src(%dma_wait3A_163 : memref<10000x128xf32, #tpu.memory_space<hbm>>) dst(%arg11 : memref<128x128xf32, #tpu.memory_space<vmem>>)
        %dma_start3A_164 = arith.constant 4 : i32
        %dma_start3A_165 = arith.constant 0 : i32
        %dma_start3A_166 = tpu.memref_slice %arg10[%dma_start3A_164, %dma_start3A_165] : memref<16x128xi32, #tpu.memory_space<vmem>> -> memref<1x128xi32, #tpu.memory_space<vmem>>
        %dma_start3A_167 = tpu.memref_squeeze %dma_start3A_166 : memref<1x128xi32, #tpu.memory_space<vmem>> -> memref<128xi32, #tpu.memory_space<vmem>>
        %dma_start3A_168 = arith.constant 0 : i32
        %dma_start3A_169 = arith.constant 0 : i32
        %dma_start3A_170 = tpu.memref_slice %arg13[%dma_start3A_168, %dma_start3A_169] : memref<10240x128xf32, #tpu.memory_space<vmem_shared>> -> memref<10240x128xf32, #tpu.memory_space<vmem_shared>>
        tpu.enqueue_indirect_dma source(%arg11 : memref<128x128xf32, #tpu.memory_space<vmem>>) target(%dma_start3A_170 : memref<10240x128xf32, #tpu.memory_space<vmem_shared>>) offsets(%dma_start3A_167 : memref<128xi32, #tpu.memory_space<vmem>>) semaphore(%arg16 : memref<!tpu.dma_semaphore, #tpu.memory_space<semaphore_mem>>) {add = true}
        %dma_wait3A_171 = arith.constant 4 : i32
        %dma_wait3A_172 = arith.constant 0 : i32
        %dma_wait3A_173 = tpu.memref_slice %arg10[%dma_wait3A_171, %dma_wait3A_172] : memref<16x128xi32, #tpu.memory_space<vmem>> -> memref<1x128xi32, #tpu.memory_space<vmem>>
        %dma_wait3A_174 = tpu.memref_squeeze %dma_wait3A_173 : memref<1x128xi32, #tpu.memory_space<vmem>> -> memref<128xi32, #tpu.memory_space<vmem>>
        %dma_wait3A_175 = arith.constant 0 : i32
        %dma_wait3A_176 = arith.constant 0 : i32
        %dma_wait3A_177 = tpu.memref_slice %arg13[%dma_wait3A_175, %dma_wait3A_176] : memref<10240x128xf32, #tpu.memory_space<vmem_shared>> -> memref<10240x128xf32, #tpu.memory_space<vmem_shared>>
        tpu.wait_indirect_dma semaphore(%arg16 : memref<!tpu.dma_semaphore, #tpu.memory_space<semaphore_mem>>) src(%arg11 : memref<128x128xf32, #tpu.memory_space<vmem>>) dst(%dma_wait3A_177 : memref<10240x128xf32, #tpu.memory_space<vmem_shared>>)
        %dma_start3A_178 = arith.constant 6 : i32
        %dma_start3A_179 = arith.constant 0 : i32
        %dma_start3A_180 = tpu.memref_slice %arg9[%dma_start3A_178, %dma_start3A_179] : memref<16x128xi32, #tpu.memory_space<vmem>> -> memref<1x128xi32, #tpu.memory_space<vmem>>
        %dma_start3A_181 = tpu.memref_squeeze %dma_start3A_180 : memref<1x128xi32, #tpu.memory_space<vmem>> -> memref<128xi32, #tpu.memory_space<vmem>>
        %dma_start3A_182 = arith.constant 0 : i32
        %dma_start3A_183 = arith.constant 0 : i32
        %dma_start3A_184 = tpu.memref_slice %arg2[%dma_start3A_182, %dma_start3A_183] : memref<10000x128xf32, #tpu.memory_space<hbm>> -> memref<10000x128xf32, #tpu.memory_space<hbm>>
        tpu.enqueue_indirect_dma source(%dma_start3A_184 : memref<10000x128xf32, #tpu.memory_space<hbm>>) target(%arg11 : memref<128x128xf32, #tpu.memory_space<vmem>>) offsets(%dma_start3A_181 : memref<128xi32, #tpu.memory_space<vmem>>) semaphore(%arg14 : memref<!tpu.dma_semaphore, #tpu.memory_space<semaphore_mem>>)
        %dma_wait3A_185 = arith.constant 5 : i32
        %dma_wait3A_186 = arith.constant 0 : i32
        %dma_wait3A_187 = tpu.memref_slice %arg9[%dma_wait3A_185, %dma_wait3A_186] : memref<16x128xi32, #tpu.memory_space<vmem>> -> memref<1x128xi32, #tpu.memory_space<vmem>>
        %dma_wait3A_188 = tpu.memref_squeeze %dma_wait3A_187 : memref<1x128xi32, #tpu.memory_space<vmem>> -> memref<128xi32, #tpu.memory_space<vmem>>
        %dma_wait3A_189 = arith.constant 0 : i32
        %dma_wait3A_190 = arith.constant 0 : i32
        %dma_wait3A_191 = tpu.memref_slice %arg2[%dma_wait3A_189, %dma_wait3A_190] : memref<10000x128xf32, #tpu.memory_space<hbm>> -> memref<10000x128xf32, #tpu.memory_space<hbm>>
        tpu.wait_indirect_dma semaphore(%arg15 : memref<!tpu.dma_semaphore, #tpu.memory_space<semaphore_mem>>) src(%dma_wait3A_191 : memref<10000x128xf32, #tpu.memory_space<hbm>>) dst(%arg12 : memref<128x128xf32, #tpu.memory_space<vmem>>)
        %dma_start3A_192 = arith.constant 5 : i32
        %dma_start3A_193 = arith.constant 0 : i32
        %dma_start3A_194 = tpu.memref_slice %arg10[%dma_start3A_192, %dma_start3A_193] : memref<16x128xi32, #tpu.memory_space<vmem>> -> memref<1x128xi32, #tpu.memory_space<vmem>>
        %dma_start3A_195 = tpu.memref_squeeze %dma_start3A_194 : memref<1x128xi32, #tpu.memory_space<vmem>> -> memref<128xi32, #tpu.memory_space<vmem>>
        %dma_start3A_196 = arith.constant 0 : i32
        %dma_start3A_197 = arith.constant 0 : i32
        %dma_start3A_198 = tpu.memref_slice %arg13[%dma_start3A_196, %dma_start3A_197] : memref<10240x128xf32, #tpu.memory_space<vmem_shared>> -> memref<10240x128xf32, #tpu.memory_space<vmem_shared>>
        tpu.enqueue_indirect_dma source(%arg12 : memref<128x128xf32, #tpu.memory_space<vmem>>) target(%dma_start3A_198 : memref<10240x128xf32, #tpu.memory_space<vmem_shared>>) offsets(%dma_start3A_195 : memref<128xi32, #tpu.memory_space<vmem>>) semaphore(%arg17 : memref<!tpu.dma_semaphore, #tpu.memory_space<semaphore_mem>>) {add = true}
        %dma_wait3A_199 = arith.constant 5 : i32
        %dma_wait3A_200 = arith.constant 0 : i32
        %dma_wait3A_201 = tpu.memref_slice %arg10[%dma_wait3A_199, %dma_wait3A_200] : memref<16x128xi32, #tpu.memory_space<vmem>> -> memref<1x128xi32, #tpu.memory_space<vmem>>
        %dma_wait3A_202 = tpu.memref_squeeze %dma_wait3A_201 : memref<1x128xi32, #tpu.memory_space<vmem>> -> memref<128xi32, #tpu.memory_space<vmem>>
        %dma_wait3A_203 = arith.constant 0 : i32
        %dma_wait3A_204 = arith.constant 0 : i32
        %dma_wait3A_205 = tpu.memref_slice %arg13[%dma_wait3A_203, %dma_wait3A_204] : memref<10240x128xf32, #tpu.memory_space<vmem_shared>> -> memref<10240x128xf32, #tpu.memory_space<vmem_shared>>
        tpu.wait_indirect_dma semaphore(%arg17 : memref<!tpu.dma_semaphore, #tpu.memory_space<semaphore_mem>>) src(%arg12 : memref<128x128xf32, #tpu.memory_space<vmem>>) dst(%dma_wait3A_205 : memref<10240x128xf32, #tpu.memory_space<vmem_shared>>)
        %dma_start3A_206 = arith.constant 7 : i32
        %dma_start3A_207 = arith.constant 0 : i32
        %dma_start3A_208 = tpu.memref_slice %arg9[%dma_start3A_206, %dma_start3A_207] : memref<16x128xi32, #tpu.memory_space<vmem>> -> memref<1x128xi32, #tpu.memory_space<vmem>>
        %dma_start3A_209 = tpu.memref_squeeze %dma_start3A_208 : memref<1x128xi32, #tpu.memory_space<vmem>> -> memref<128xi32, #tpu.memory_space<vmem>>
        %dma_start3A_210 = arith.constant 0 : i32
        %dma_start3A_211 = arith.constant 0 : i32
        %dma_start3A_212 = tpu.memref_slice %arg2[%dma_start3A_210, %dma_start3A_211] : memref<10000x128xf32, #tpu.memory_space<hbm>> -> memref<10000x128xf32, #tpu.memory_space<hbm>>
        tpu.enqueue_indirect_dma source(%dma_start3A_212 : memref<10000x128xf32, #tpu.memory_space<hbm>>) target(%arg12 : memref<128x128xf32, #tpu.memory_space<vmem>>) offsets(%dma_start3A_209 : memref<128xi32, #tpu.memory_space<vmem>>) semaphore(%arg15 : memref<!tpu.dma_semaphore, #tpu.memory_space<semaphore_mem>>)
        %dma_wait3A_213 = arith.constant 6 : i32
        %dma_wait3A_214 = arith.constant 0 : i32
        %dma_wait3A_215 = tpu.memref_slice %arg9[%dma_wait3A_213, %dma_wait3A_214] : memref<16x128xi32, #tpu.memory_space<vmem>> -> memref<1x128xi32, #tpu.memory_space<vmem>>
        %dma_wait3A_216 = tpu.memref_squeeze %dma_wait3A_215 : memref<1x128xi32, #tpu.memory_space<vmem>> -> memref<128xi32, #tpu.memory_space<vmem>>
        %dma_wait3A_217 = arith.constant 0 : i32
        %dma_wait3A_218 = arith.constant 0 : i32
        %dma_wait3A_219 = tpu.memref_slice %arg2[%dma_wait3A_217, %dma_wait3A_218] : memref<10000x128xf32, #tpu.memory_space<hbm>> -> memref<10000x128xf32, #tpu.memory_space<hbm>>
        tpu.wait_indirect_dma semaphore(%arg14 : memref<!tpu.dma_semaphore, #tpu.memory_space<semaphore_mem>>) src(%dma_wait3A_219 : memref<10000x128xf32, #tpu.memory_space<hbm>>) dst(%arg11 : memref<128x128xf32, #tpu.memory_space<vmem>>)
        %dma_start3A_220 = arith.constant 6 : i32
        %dma_start3A_221 = arith.constant 0 : i32
        %dma_start3A_222 = tpu.memref_slice %arg10[%dma_start3A_220, %dma_start3A_221] : memref<16x128xi32, #tpu.memory_space<vmem>> -> memref<1x128xi32, #tpu.memory_space<vmem>>
        %dma_start3A_223 = tpu.memref_squeeze %dma_start3A_222 : memref<1x128xi32, #tpu.memory_space<vmem>> -> memref<128xi32, #tpu.memory_space<vmem>>
        %dma_start3A_224 = arith.constant 0 : i32
        %dma_start3A_225 = arith.constant 0 : i32
        %dma_start3A_226 = tpu.memref_slice %arg13[%dma_start3A_224, %dma_start3A_225] : memref<10240x128xf32, #tpu.memory_space<vmem_shared>> -> memref<10240x128xf32, #tpu.memory_space<vmem_shared>>
        tpu.enqueue_indirect_dma source(%arg11 : memref<128x128xf32, #tpu.memory_space<vmem>>) target(%dma_start3A_226 : memref<10240x128xf32, #tpu.memory_space<vmem_shared>>) offsets(%dma_start3A_223 : memref<128xi32, #tpu.memory_space<vmem>>) semaphore(%arg16 : memref<!tpu.dma_semaphore, #tpu.memory_space<semaphore_mem>>) {add = true}
        %dma_wait3A_227 = arith.constant 6 : i32
        %dma_wait3A_228 = arith.constant 0 : i32
        %dma_wait3A_229 = tpu.memref_slice %arg10[%dma_wait3A_227, %dma_wait3A_228] : memref<16x128xi32, #tpu.memory_space<vmem>> -> memref<1x128xi32, #tpu.memory_space<vmem>>
        %dma_wait3A_230 = tpu.memref_squeeze %dma_wait3A_229 : memref<1x128xi32, #tpu.memory_space<vmem>> -> memref<128xi32, #tpu.memory_space<vmem>>
        %dma_wait3A_231 = arith.constant 0 : i32
        %dma_wait3A_232 = arith.constant 0 : i32
        %dma_wait3A_233 = tpu.memref_slice %arg13[%dma_wait3A_231, %dma_wait3A_232] : memref<10240x128xf32, #tpu.memory_space<vmem_shared>> -> memref<10240x128xf32, #tpu.memory_space<vmem_shared>>
        tpu.wait_indirect_dma semaphore(%arg16 : memref<!tpu.dma_semaphore, #tpu.memory_space<semaphore_mem>>) src(%arg11 : memref<128x128xf32, #tpu.memory_space<vmem>>) dst(%dma_wait3A_233 : memref<10240x128xf32, #tpu.memory_space<vmem_shared>>)
        %dma_start3A_234 = arith.constant 8 : i32
        %dma_start3A_235 = arith.constant 0 : i32
        %dma_start3A_236 = tpu.memref_slice %arg9[%dma_start3A_234, %dma_start3A_235] : memref<16x128xi32, #tpu.memory_space<vmem>> -> memref<1x128xi32, #tpu.memory_space<vmem>>
        %dma_start3A_237 = tpu.memref_squeeze %dma_start3A_236 : memref<1x128xi32, #tpu.memory_space<vmem>> -> memref<128xi32, #tpu.memory_space<vmem>>
        %dma_start3A_238 = arith.constant 0 : i32
        %dma_start3A_239 = arith.constant 0 : i32
        %dma_start3A_240 = tpu.memref_slice %arg2[%dma_start3A_238, %dma_start3A_239] : memref<10000x128xf32, #tpu.memory_space<hbm>> -> memref<10000x128xf32, #tpu.memory_space<hbm>>
        tpu.enqueue_indirect_dma source(%dma_start3A_240 : memref<10000x128xf32, #tpu.memory_space<hbm>>) target(%arg11 : memref<128x128xf32, #tpu.memory_space<vmem>>) offsets(%dma_start3A_237 : memref<128xi32, #tpu.memory_space<vmem>>) semaphore(%arg14 : memref<!tpu.dma_semaphore, #tpu.memory_space<semaphore_mem>>)
        %dma_wait3A_241 = arith.constant 7 : i32
        %dma_wait3A_242 = arith.constant 0 : i32
        %dma_wait3A_243 = tpu.memref_slice %arg9[%dma_wait3A_241, %dma_wait3A_242] : memref<16x128xi32, #tpu.memory_space<vmem>> -> memref<1x128xi32, #tpu.memory_space<vmem>>
        %dma_wait3A_244 = tpu.memref_squeeze %dma_wait3A_243 : memref<1x128xi32, #tpu.memory_space<vmem>> -> memref<128xi32, #tpu.memory_space<vmem>>
        %dma_wait3A_245 = arith.constant 0 : i32
        %dma_wait3A_246 = arith.constant 0 : i32
        %dma_wait3A_247 = tpu.memref_slice %arg2[%dma_wait3A_245, %dma_wait3A_246] : memref<10000x128xf32, #tpu.memory_space<hbm>> -> memref<10000x128xf32, #tpu.memory_space<hbm>>
        tpu.wait_indirect_dma semaphore(%arg15 : memref<!tpu.dma_semaphore, #tpu.memory_space<semaphore_mem>>) src(%dma_wait3A_247 : memref<10000x128xf32, #tpu.memory_space<hbm>>) dst(%arg12 : memref<128x128xf32, #tpu.memory_space<vmem>>)
        %dma_start3A_248 = arith.constant 7 : i32
        %dma_start3A_249 = arith.constant 0 : i32
        %dma_start3A_250 = tpu.memref_slice %arg10[%dma_start3A_248, %dma_start3A_249] : memref<16x128xi32, #tpu.memory_space<vmem>> -> memref<1x128xi32, #tpu.memory_space<vmem>>
        %dma_start3A_251 = tpu.memref_squeeze %dma_start3A_250 : memref<1x128xi32, #tpu.memory_space<vmem>> -> memref<128xi32, #tpu.memory_space<vmem>>
        %dma_start3A_252 = arith.constant 0 : i32
        %dma_start3A_253 = arith.constant 0 : i32
        %dma_start3A_254 = tpu.memref_slice %arg13[%dma_start3A_252, %dma_start3A_253] : memref<10240x128xf32, #tpu.memory_space<vmem_shared>> -> memref<10240x128xf32, #tpu.memory_space<vmem_shared>>
        tpu.enqueue_indirect_dma source(%arg12 : memref<128x128xf32, #tpu.memory_space<vmem>>) target(%dma_start3A_254 : memref<10240x128xf32, #tpu.memory_space<vmem_shared>>) offsets(%dma_start3A_251 : memref<128xi32, #tpu.memory_space<vmem>>) semaphore(%arg17 : memref<!tpu.dma_semaphore, #tpu.memory_space<semaphore_mem>>) {add = true}
        %dma_wait3A_255 = arith.constant 7 : i32
        %dma_wait3A_256 = arith.constant 0 : i32
        %dma_wait3A_257 = tpu.memref_slice %arg10[%dma_wait3A_255, %dma_wait3A_256] : memref<16x128xi32, #tpu.memory_space<vmem>> -> memref<1x128xi32, #tpu.memory_space<vmem>>
        %dma_wait3A_258 = tpu.memref_squeeze %dma_wait3A_257 : memref<1x128xi32, #tpu.memory_space<vmem>> -> memref<128xi32, #tpu.memory_space<vmem>>
        %dma_wait3A_259 = arith.constant 0 : i32
        %dma_wait3A_260 = arith.constant 0 : i32
        %dma_wait3A_261 = tpu.memref_slice %arg13[%dma_wait3A_259, %dma_wait3A_260] : memref<10240x128xf32, #tpu.memory_space<vmem_shared>> -> memref<10240x128xf32, #tpu.memory_space<vmem_shared>>
        tpu.wait_indirect_dma semaphore(%arg17 : memref<!tpu.dma_semaphore, #tpu.memory_space<semaphore_mem>>) src(%arg12 : memref<128x128xf32, #tpu.memory_space<vmem>>) dst(%dma_wait3A_261 : memref<10240x128xf32, #tpu.memory_space<vmem_shared>>)
        %dma_start3A_262 = arith.constant 9 : i32
        %dma_start3A_263 = arith.constant 0 : i32
        %dma_start3A_264 = tpu.memref_slice %arg9[%dma_start3A_262, %dma_start3A_263] : memref<16x128xi32, #tpu.memory_space<vmem>> -> memref<1x128xi32, #tpu.memory_space<vmem>>
        %dma_start3A_265 = tpu.memref_squeeze %dma_start3A_264 : memref<1x128xi32, #tpu.memory_space<vmem>> -> memref<128xi32, #tpu.memory_space<vmem>>
        %dma_start3A_266 = arith.constant 0 : i32
        %dma_start3A_267 = arith.constant 0 : i32
        %dma_start3A_268 = tpu.memref_slice %arg2[%dma_start3A_266, %dma_start3A_267] : memref<10000x128xf32, #tpu.memory_space<hbm>> -> memref<10000x128xf32, #tpu.memory_space<hbm>>
        tpu.enqueue_indirect_dma source(%dma_start3A_268 : memref<10000x128xf32, #tpu.memory_space<hbm>>) target(%arg12 : memref<128x128xf32, #tpu.memory_space<vmem>>) offsets(%dma_start3A_265 : memref<128xi32, #tpu.memory_space<vmem>>) semaphore(%arg15 : memref<!tpu.dma_semaphore, #tpu.memory_space<semaphore_mem>>)
        %dma_wait3A_269 = arith.constant 8 : i32
        %dma_wait3A_270 = arith.constant 0 : i32
        %dma_wait3A_271 = tpu.memref_slice %arg9[%dma_wait3A_269, %dma_wait3A_270] : memref<16x128xi32, #tpu.memory_space<vmem>> -> memref<1x128xi32, #tpu.memory_space<vmem>>
        %dma_wait3A_272 = tpu.memref_squeeze %dma_wait3A_271 : memref<1x128xi32, #tpu.memory_space<vmem>> -> memref<128xi32, #tpu.memory_space<vmem>>
        %dma_wait3A_273 = arith.constant 0 : i32
        %dma_wait3A_274 = arith.constant 0 : i32
        %dma_wait3A_275 = tpu.memref_slice %arg2[%dma_wait3A_273, %dma_wait3A_274] : memref<10000x128xf32, #tpu.memory_space<hbm>> -> memref<10000x128xf32, #tpu.memory_space<hbm>>
        tpu.wait_indirect_dma semaphore(%arg14 : memref<!tpu.dma_semaphore, #tpu.memory_space<semaphore_mem>>) src(%dma_wait3A_275 : memref<10000x128xf32, #tpu.memory_space<hbm>>) dst(%arg11 : memref<128x128xf32, #tpu.memory_space<vmem>>)
        %dma_start3A_276 = arith.constant 8 : i32
        %dma_start3A_277 = arith.constant 0 : i32
        %dma_start3A_278 = tpu.memref_slice %arg10[%dma_start3A_276, %dma_start3A_277] : memref<16x128xi32, #tpu.memory_space<vmem>> -> memref<1x128xi32, #tpu.memory_space<vmem>>
        %dma_start3A_279 = tpu.memref_squeeze %dma_start3A_278 : memref<1x128xi32, #tpu.memory_space<vmem>> -> memref<128xi32, #tpu.memory_space<vmem>>
        %dma_start3A_280 = arith.constant 0 : i32
        %dma_start3A_281 = arith.constant 0 : i32
        %dma_start3A_282 = tpu.memref_slice %arg13[%dma_start3A_280, %dma_start3A_281] : memref<10240x128xf32, #tpu.memory_space<vmem_shared>> -> memref<10240x128xf32, #tpu.memory_space<vmem_shared>>
        tpu.enqueue_indirect_dma source(%arg11 : memref<128x128xf32, #tpu.memory_space<vmem>>) target(%dma_start3A_282 : memref<10240x128xf32, #tpu.memory_space<vmem_shared>>) offsets(%dma_start3A_279 : memref<128xi32, #tpu.memory_space<vmem>>) semaphore(%arg16 : memref<!tpu.dma_semaphore, #tpu.memory_space<semaphore_mem>>) {add = true}
        %dma_wait3A_283 = arith.constant 8 : i32
        %dma_wait3A_284 = arith.constant 0 : i32
        %dma_wait3A_285 = tpu.memref_slice %arg10[%dma_wait3A_283, %dma_wait3A_284] : memref<16x128xi32, #tpu.memory_space<vmem>> -> memref<1x128xi32, #tpu.memory_space<vmem>>
        %dma_wait3A_286 = tpu.memref_squeeze %dma_wait3A_285 : memref<1x128xi32, #tpu.memory_space<vmem>> -> memref<128xi32, #tpu.memory_space<vmem>>
        %dma_wait3A_287 = arith.constant 0 : i32
        %dma_wait3A_288 = arith.constant 0 : i32
        %dma_wait3A_289 = tpu.memref_slice %arg13[%dma_wait3A_287, %dma_wait3A_288] : memref<10240x128xf32, #tpu.memory_space<vmem_shared>> -> memref<10240x128xf32, #tpu.memory_space<vmem_shared>>
        tpu.wait_indirect_dma semaphore(%arg16 : memref<!tpu.dma_semaphore, #tpu.memory_space<semaphore_mem>>) src(%arg11 : memref<128x128xf32, #tpu.memory_space<vmem>>) dst(%dma_wait3A_289 : memref<10240x128xf32, #tpu.memory_space<vmem_shared>>)
        %dma_start3A_290 = arith.constant 10 : i32
        %dma_start3A_291 = arith.constant 0 : i32
        %dma_start3A_292 = tpu.memref_slice %arg9[%dma_start3A_290, %dma_start3A_291] : memref<16x128xi32, #tpu.memory_space<vmem>> -> memref<1x128xi32, #tpu.memory_space<vmem>>
        %dma_start3A_293 = tpu.memref_squeeze %dma_start3A_292 : memref<1x128xi32, #tpu.memory_space<vmem>> -> memref<128xi32, #tpu.memory_space<vmem>>
        %dma_start3A_294 = arith.constant 0 : i32
        %dma_start3A_295 = arith.constant 0 : i32
        %dma_start3A_296 = tpu.memref_slice %arg2[%dma_start3A_294, %dma_start3A_295] : memref<10000x128xf32, #tpu.memory_space<hbm>> -> memref<10000x128xf32, #tpu.memory_space<hbm>>
        tpu.enqueue_indirect_dma source(%dma_start3A_296 : memref<10000x128xf32, #tpu.memory_space<hbm>>) target(%arg11 : memref<128x128xf32, #tpu.memory_space<vmem>>) offsets(%dma_start3A_293 : memref<128xi32, #tpu.memory_space<vmem>>) semaphore(%arg14 : memref<!tpu.dma_semaphore, #tpu.memory_space<semaphore_mem>>)
        %dma_wait3A_297 = arith.constant 9 : i32
        %dma_wait3A_298 = arith.constant 0 : i32
        %dma_wait3A_299 = tpu.memref_slice %arg9[%dma_wait3A_297, %dma_wait3A_298] : memref<16x128xi32, #tpu.memory_space<vmem>> -> memref<1x128xi32, #tpu.memory_space<vmem>>
        %dma_wait3A_300 = tpu.memref_squeeze %dma_wait3A_299 : memref<1x128xi32, #tpu.memory_space<vmem>> -> memref<128xi32, #tpu.memory_space<vmem>>
        %dma_wait3A_301 = arith.constant 0 : i32
        %dma_wait3A_302 = arith.constant 0 : i32
        %dma_wait3A_303 = tpu.memref_slice %arg2[%dma_wait3A_301, %dma_wait3A_302] : memref<10000x128xf32, #tpu.memory_space<hbm>> -> memref<10000x128xf32, #tpu.memory_space<hbm>>
        tpu.wait_indirect_dma semaphore(%arg15 : memref<!tpu.dma_semaphore, #tpu.memory_space<semaphore_mem>>) src(%dma_wait3A_303 : memref<10000x128xf32, #tpu.memory_space<hbm>>) dst(%arg12 : memref<128x128xf32, #tpu.memory_space<vmem>>)
        %dma_start3A_304 = arith.constant 9 : i32
        %dma_start3A_305 = arith.constant 0 : i32
        %dma_start3A_306 = tpu.memref_slice %arg10[%dma_start3A_304, %dma_start3A_305] : memref<16x128xi32, #tpu.memory_space<vmem>> -> memref<1x128xi32, #tpu.memory_space<vmem>>
        %dma_start3A_307 = tpu.memref_squeeze %dma_start3A_306 : memref<1x128xi32, #tpu.memory_space<vmem>> -> memref<128xi32, #tpu.memory_space<vmem>>
        %dma_start3A_308 = arith.constant 0 : i32
        %dma_start3A_309 = arith.constant 0 : i32
        %dma_start3A_310 = tpu.memref_slice %arg13[%dma_start3A_308, %dma_start3A_309] : memref<10240x128xf32, #tpu.memory_space<vmem_shared>> -> memref<10240x128xf32, #tpu.memory_space<vmem_shared>>
        tpu.enqueue_indirect_dma source(%arg12 : memref<128x128xf32, #tpu.memory_space<vmem>>) target(%dma_start3A_310 : memref<10240x128xf32, #tpu.memory_space<vmem_shared>>) offsets(%dma_start3A_307 : memref<128xi32, #tpu.memory_space<vmem>>) semaphore(%arg17 : memref<!tpu.dma_semaphore, #tpu.memory_space<semaphore_mem>>) {add = true}
        %dma_wait3A_311 = arith.constant 9 : i32
        %dma_wait3A_312 = arith.constant 0 : i32
        %dma_wait3A_313 = tpu.memref_slice %arg10[%dma_wait3A_311, %dma_wait3A_312] : memref<16x128xi32, #tpu.memory_space<vmem>> -> memref<1x128xi32, #tpu.memory_space<vmem>>
        %dma_wait3A_314 = tpu.memref_squeeze %dma_wait3A_313 : memref<1x128xi32, #tpu.memory_space<vmem>> -> memref<128xi32, #tpu.memory_space<vmem>>
        %dma_wait3A_315 = arith.constant 0 : i32
        %dma_wait3A_316 = arith.constant 0 : i32
        %dma_wait3A_317 = tpu.memref_slice %arg13[%dma_wait3A_315, %dma_wait3A_316] : memref<10240x128xf32, #tpu.memory_space<vmem_shared>> -> memref<10240x128xf32, #tpu.memory_space<vmem_shared>>
        tpu.wait_indirect_dma semaphore(%arg17 : memref<!tpu.dma_semaphore, #tpu.memory_space<semaphore_mem>>) src(%arg12 : memref<128x128xf32, #tpu.memory_space<vmem>>) dst(%dma_wait3A_317 : memref<10240x128xf32, #tpu.memory_space<vmem_shared>>)
        %dma_start3A_318 = arith.constant 11 : i32
        %dma_start3A_319 = arith.constant 0 : i32
        %dma_start3A_320 = tpu.memref_slice %arg9[%dma_start3A_318, %dma_start3A_319] : memref<16x128xi32, #tpu.memory_space<vmem>> -> memref<1x128xi32, #tpu.memory_space<vmem>>
        %dma_start3A_321 = tpu.memref_squeeze %dma_start3A_320 : memref<1x128xi32, #tpu.memory_space<vmem>> -> memref<128xi32, #tpu.memory_space<vmem>>
        %dma_start3A_322 = arith.constant 0 : i32
        %dma_start3A_323 = arith.constant 0 : i32
        %dma_start3A_324 = tpu.memref_slice %arg2[%dma_start3A_322, %dma_start3A_323] : memref<10000x128xf32, #tpu.memory_space<hbm>> -> memref<10000x128xf32, #tpu.memory_space<hbm>>
        tpu.enqueue_indirect_dma source(%dma_start3A_324 : memref<10000x128xf32, #tpu.memory_space<hbm>>) target(%arg12 : memref<128x128xf32, #tpu.memory_space<vmem>>) offsets(%dma_start3A_321 : memref<128xi32, #tpu.memory_space<vmem>>) semaphore(%arg15 : memref<!tpu.dma_semaphore, #tpu.memory_space<semaphore_mem>>)
        %dma_wait3A_325 = arith.constant 10 : i32
        %dma_wait3A_326 = arith.constant 0 : i32
        %dma_wait3A_327 = tpu.memref_slice %arg9[%dma_wait3A_325, %dma_wait3A_326] : memref<16x128xi32, #tpu.memory_space<vmem>> -> memref<1x128xi32, #tpu.memory_space<vmem>>
        %dma_wait3A_328 = tpu.memref_squeeze %dma_wait3A_327 : memref<1x128xi32, #tpu.memory_space<vmem>> -> memref<128xi32, #tpu.memory_space<vmem>>
        %dma_wait3A_329 = arith.constant 0 : i32
        %dma_wait3A_330 = arith.constant 0 : i32
        %dma_wait3A_331 = tpu.memref_slice %arg2[%dma_wait3A_329, %dma_wait3A_330] : memref<10000x128xf32, #tpu.memory_space<hbm>> -> memref<10000x128xf32, #tpu.memory_space<hbm>>
        tpu.wait_indirect_dma semaphore(%arg14 : memref<!tpu.dma_semaphore, #tpu.memory_space<semaphore_mem>>) src(%dma_wait3A_331 : memref<10000x128xf32, #tpu.memory_space<hbm>>) dst(%arg11 : memref<128x128xf32, #tpu.memory_space<vmem>>)
        %dma_start3A_332 = arith.constant 10 : i32
        %dma_start3A_333 = arith.constant 0 : i32
        %dma_start3A_334 = tpu.memref_slice %arg10[%dma_start3A_332, %dma_start3A_333] : memref<16x128xi32, #tpu.memory_space<vmem>> -> memref<1x128xi32, #tpu.memory_space<vmem>>
        %dma_start3A_335 = tpu.memref_squeeze %dma_start3A_334 : memref<1x128xi32, #tpu.memory_space<vmem>> -> memref<128xi32, #tpu.memory_space<vmem>>
        %dma_start3A_336 = arith.constant 0 : i32
        %dma_start3A_337 = arith.constant 0 : i32
        %dma_start3A_338 = tpu.memref_slice %arg13[%dma_start3A_336, %dma_start3A_337] : memref<10240x128xf32, #tpu.memory_space<vmem_shared>> -> memref<10240x128xf32, #tpu.memory_space<vmem_shared>>
        tpu.enqueue_indirect_dma source(%arg11 : memref<128x128xf32, #tpu.memory_space<vmem>>) target(%dma_start3A_338 : memref<10240x128xf32, #tpu.memory_space<vmem_shared>>) offsets(%dma_start3A_335 : memref<128xi32, #tpu.memory_space<vmem>>) semaphore(%arg16 : memref<!tpu.dma_semaphore, #tpu.memory_space<semaphore_mem>>) {add = true}
        %dma_wait3A_339 = arith.constant 10 : i32
        %dma_wait3A_340 = arith.constant 0 : i32
        %dma_wait3A_341 = tpu.memref_slice %arg10[%dma_wait3A_339, %dma_wait3A_340] : memref<16x128xi32, #tpu.memory_space<vmem>> -> memref<1x128xi32, #tpu.memory_space<vmem>>
        %dma_wait3A_342 = tpu.memref_squeeze %dma_wait3A_341 : memref<1x128xi32, #tpu.memory_space<vmem>> -> memref<128xi32, #tpu.memory_space<vmem>>
        %dma_wait3A_343 = arith.constant 0 : i32
        %dma_wait3A_344 = arith.constant 0 : i32
        %dma_wait3A_345 = tpu.memref_slice %arg13[%dma_wait3A_343, %dma_wait3A_344] : memref<10240x128xf32, #tpu.memory_space<vmem_shared>> -> memref<10240x128xf32, #tpu.memory_space<vmem_shared>>
        tpu.wait_indirect_dma semaphore(%arg16 : memref<!tpu.dma_semaphore, #tpu.memory_space<semaphore_mem>>) src(%arg11 : memref<128x128xf32, #tpu.memory_space<vmem>>) dst(%dma_wait3A_345 : memref<10240x128xf32, #tpu.memory_space<vmem_shared>>)
        %dma_start3A_346 = arith.constant 12 : i32
        %dma_start3A_347 = arith.constant 0 : i32
        %dma_start3A_348 = tpu.memref_slice %arg9[%dma_start3A_346, %dma_start3A_347] : memref<16x128xi32, #tpu.memory_space<vmem>> -> memref<1x128xi32, #tpu.memory_space<vmem>>
        %dma_start3A_349 = tpu.memref_squeeze %dma_start3A_348 : memref<1x128xi32, #tpu.memory_space<vmem>> -> memref<128xi32, #tpu.memory_space<vmem>>
        %dma_start3A_350 = arith.constant 0 : i32
        %dma_start3A_351 = arith.constant 0 : i32
        %dma_start3A_352 = tpu.memref_slice %arg2[%dma_start3A_350, %dma_start3A_351] : memref<10000x128xf32, #tpu.memory_space<hbm>> -> memref<10000x128xf32, #tpu.memory_space<hbm>>
        tpu.enqueue_indirect_dma source(%dma_start3A_352 : memref<10000x128xf32, #tpu.memory_space<hbm>>) target(%arg11 : memref<128x128xf32, #tpu.memory_space<vmem>>) offsets(%dma_start3A_349 : memref<128xi32, #tpu.memory_space<vmem>>) semaphore(%arg14 : memref<!tpu.dma_semaphore, #tpu.memory_space<semaphore_mem>>)
        %dma_wait3A_353 = arith.constant 11 : i32
        %dma_wait3A_354 = arith.constant 0 : i32
        %dma_wait3A_355 = tpu.memref_slice %arg9[%dma_wait3A_353, %dma_wait3A_354] : memref<16x128xi32, #tpu.memory_space<vmem>> -> memref<1x128xi32, #tpu.memory_space<vmem>>
        %dma_wait3A_356 = tpu.memref_squeeze %dma_wait3A_355 : memref<1x128xi32, #tpu.memory_space<vmem>> -> memref<128xi32, #tpu.memory_space<vmem>>
        %dma_wait3A_357 = arith.constant 0 : i32
        %dma_wait3A_358 = arith.constant 0 : i32
        %dma_wait3A_359 = tpu.memref_slice %arg2[%dma_wait3A_357, %dma_wait3A_358] : memref<10000x128xf32, #tpu.memory_space<hbm>> -> memref<10000x128xf32, #tpu.memory_space<hbm>>
        tpu.wait_indirect_dma semaphore(%arg15 : memref<!tpu.dma_semaphore, #tpu.memory_space<semaphore_mem>>) src(%dma_wait3A_359 : memref<10000x128xf32, #tpu.memory_space<hbm>>) dst(%arg12 : memref<128x128xf32, #tpu.memory_space<vmem>>)
        %dma_start3A_360 = arith.constant 11 : i32
        %dma_start3A_361 = arith.constant 0 : i32
        %dma_start3A_362 = tpu.memref_slice %arg10[%dma_start3A_360, %dma_start3A_361] : memref<16x128xi32, #tpu.memory_space<vmem>> -> memref<1x128xi32, #tpu.memory_space<vmem>>
        %dma_start3A_363 = tpu.memref_squeeze %dma_start3A_362 : memref<1x128xi32, #tpu.memory_space<vmem>> -> memref<128xi32, #tpu.memory_space<vmem>>
        %dma_start3A_364 = arith.constant 0 : i32
        %dma_start3A_365 = arith.constant 0 : i32
        %dma_start3A_366 = tpu.memref_slice %arg13[%dma_start3A_364, %dma_start3A_365] : memref<10240x128xf32, #tpu.memory_space<vmem_shared>> -> memref<10240x128xf32, #tpu.memory_space<vmem_shared>>
        tpu.enqueue_indirect_dma source(%arg12 : memref<128x128xf32, #tpu.memory_space<vmem>>) target(%dma_start3A_366 : memref<10240x128xf32, #tpu.memory_space<vmem_shared>>) offsets(%dma_start3A_363 : memref<128xi32, #tpu.memory_space<vmem>>) semaphore(%arg17 : memref<!tpu.dma_semaphore, #tpu.memory_space<semaphore_mem>>) {add = true}
        %dma_wait3A_367 = arith.constant 11 : i32
        %dma_wait3A_368 = arith.constant 0 : i32
        %dma_wait3A_369 = tpu.memref_slice %arg10[%dma_wait3A_367, %dma_wait3A_368] : memref<16x128xi32, #tpu.memory_space<vmem>> -> memref<1x128xi32, #tpu.memory_space<vmem>>
        %dma_wait3A_370 = tpu.memref_squeeze %dma_wait3A_369 : memref<1x128xi32, #tpu.memory_space<vmem>> -> memref<128xi32, #tpu.memory_space<vmem>>
        %dma_wait3A_371 = arith.constant 0 : i32
        %dma_wait3A_372 = arith.constant 0 : i32
        %dma_wait3A_373 = tpu.memref_slice %arg13[%dma_wait3A_371, %dma_wait3A_372] : memref<10240x128xf32, #tpu.memory_space<vmem_shared>> -> memref<10240x128xf32, #tpu.memory_space<vmem_shared>>
        tpu.wait_indirect_dma semaphore(%arg17 : memref<!tpu.dma_semaphore, #tpu.memory_space<semaphore_mem>>) src(%arg12 : memref<128x128xf32, #tpu.memory_space<vmem>>) dst(%dma_wait3A_373 : memref<10240x128xf32, #tpu.memory_space<vmem_shared>>)
        %dma_start3A_374 = arith.constant 13 : i32
        %dma_start3A_375 = arith.constant 0 : i32
        %dma_start3A_376 = tpu.memref_slice %arg9[%dma_start3A_374, %dma_start3A_375] : memref<16x128xi32, #tpu.memory_space<vmem>> -> memref<1x128xi32, #tpu.memory_space<vmem>>
        %dma_start3A_377 = tpu.memref_squeeze %dma_start3A_376 : memref<1x128xi32, #tpu.memory_space<vmem>> -> memref<128xi32, #tpu.memory_space<vmem>>
        %dma_start3A_378 = arith.constant 0 : i32
        %dma_start3A_379 = arith.constant 0 : i32
        %dma_start3A_380 = tpu.memref_slice %arg2[%dma_start3A_378, %dma_start3A_379] : memref<10000x128xf32, #tpu.memory_space<hbm>> -> memref<10000x128xf32, #tpu.memory_space<hbm>>
        tpu.enqueue_indirect_dma source(%dma_start3A_380 : memref<10000x128xf32, #tpu.memory_space<hbm>>) target(%arg12 : memref<128x128xf32, #tpu.memory_space<vmem>>) offsets(%dma_start3A_377 : memref<128xi32, #tpu.memory_space<vmem>>) semaphore(%arg15 : memref<!tpu.dma_semaphore, #tpu.memory_space<semaphore_mem>>)
        %dma_wait3A_381 = arith.constant 12 : i32
        %dma_wait3A_382 = arith.constant 0 : i32
        %dma_wait3A_383 = tpu.memref_slice %arg9[%dma_wait3A_381, %dma_wait3A_382] : memref<16x128xi32, #tpu.memory_space<vmem>> -> memref<1x128xi32, #tpu.memory_space<vmem>>
        %dma_wait3A_384 = tpu.memref_squeeze %dma_wait3A_383 : memref<1x128xi32, #tpu.memory_space<vmem>> -> memref<128xi32, #tpu.memory_space<vmem>>
        %dma_wait3A_385 = arith.constant 0 : i32
        %dma_wait3A_386 = arith.constant 0 : i32
        %dma_wait3A_387 = tpu.memref_slice %arg2[%dma_wait3A_385, %dma_wait3A_386] : memref<10000x128xf32, #tpu.memory_space<hbm>> -> memref<10000x128xf32, #tpu.memory_space<hbm>>
        tpu.wait_indirect_dma semaphore(%arg14 : memref<!tpu.dma_semaphore, #tpu.memory_space<semaphore_mem>>) src(%dma_wait3A_387 : memref<10000x128xf32, #tpu.memory_space<hbm>>) dst(%arg11 : memref<128x128xf32, #tpu.memory_space<vmem>>)
        %dma_start3A_388 = arith.constant 12 : i32
        %dma_start3A_389 = arith.constant 0 : i32
        %dma_start3A_390 = tpu.memref_slice %arg10[%dma_start3A_388, %dma_start3A_389] : memref<16x128xi32, #tpu.memory_space<vmem>> -> memref<1x128xi32, #tpu.memory_space<vmem>>
        %dma_start3A_391 = tpu.memref_squeeze %dma_start3A_390 : memref<1x128xi32, #tpu.memory_space<vmem>> -> memref<128xi32, #tpu.memory_space<vmem>>
        %dma_start3A_392 = arith.constant 0 : i32
        %dma_start3A_393 = arith.constant 0 : i32
        %dma_start3A_394 = tpu.memref_slice %arg13[%dma_start3A_392, %dma_start3A_393] : memref<10240x128xf32, #tpu.memory_space<vmem_shared>> -> memref<10240x128xf32, #tpu.memory_space<vmem_shared>>
        tpu.enqueue_indirect_dma source(%arg11 : memref<128x128xf32, #tpu.memory_space<vmem>>) target(%dma_start3A_394 : memref<10240x128xf32, #tpu.memory_space<vmem_shared>>) offsets(%dma_start3A_391 : memref<128xi32, #tpu.memory_space<vmem>>) semaphore(%arg16 : memref<!tpu.dma_semaphore, #tpu.memory_space<semaphore_mem>>) {add = true}
        %dma_wait3A_395 = arith.constant 12 : i32
        %dma_wait3A_396 = arith.constant 0 : i32
        %dma_wait3A_397 = tpu.memref_slice %arg10[%dma_wait3A_395, %dma_wait3A_396] : memref<16x128xi32, #tpu.memory_space<vmem>> -> memref<1x128xi32, #tpu.memory_space<vmem>>
        %dma_wait3A_398 = tpu.memref_squeeze %dma_wait3A_397 : memref<1x128xi32, #tpu.memory_space<vmem>> -> memref<128xi32, #tpu.memory_space<vmem>>
        %dma_wait3A_399 = arith.constant 0 : i32
        %dma_wait3A_400 = arith.constant 0 : i32
        %dma_wait3A_401 = tpu.memref_slice %arg13[%dma_wait3A_399, %dma_wait3A_400] : memref<10240x128xf32, #tpu.memory_space<vmem_shared>> -> memref<10240x128xf32, #tpu.memory_space<vmem_shared>>
        tpu.wait_indirect_dma semaphore(%arg16 : memref<!tpu.dma_semaphore, #tpu.memory_space<semaphore_mem>>) src(%arg11 : memref<128x128xf32, #tpu.memory_space<vmem>>) dst(%dma_wait3A_401 : memref<10240x128xf32, #tpu.memory_space<vmem_shared>>)
        %dma_start3A_402 = arith.constant 14 : i32
        %dma_start3A_403 = arith.constant 0 : i32
        %dma_start3A_404 = tpu.memref_slice %arg9[%dma_start3A_402, %dma_start3A_403] : memref<16x128xi32, #tpu.memory_space<vmem>> -> memref<1x128xi32, #tpu.memory_space<vmem>>
        %dma_start3A_405 = tpu.memref_squeeze %dma_start3A_404 : memref<1x128xi32, #tpu.memory_space<vmem>> -> memref<128xi32, #tpu.memory_space<vmem>>
        %dma_start3A_406 = arith.constant 0 : i32
        %dma_start3A_407 = arith.constant 0 : i32
        %dma_start3A_408 = tpu.memref_slice %arg2[%dma_start3A_406, %dma_start3A_407] : memref<10000x128xf32, #tpu.memory_space<hbm>> -> memref<10000x128xf32, #tpu.memory_space<hbm>>
        tpu.enqueue_indirect_dma source(%dma_start3A_408 : memref<10000x128xf32, #tpu.memory_space<hbm>>) target(%arg11 : memref<128x128xf32, #tpu.memory_space<vmem>>) offsets(%dma_start3A_405 : memref<128xi32, #tpu.memory_space<vmem>>) semaphore(%arg14 : memref<!tpu.dma_semaphore, #tpu.memory_space<semaphore_mem>>)
        %dma_wait3A_409 = arith.constant 13 : i32
        %dma_wait3A_410 = arith.constant 0 : i32
        %dma_wait3A_411 = tpu.memref_slice %arg9[%dma_wait3A_409, %dma_wait3A_410] : memref<16x128xi32, #tpu.memory_space<vmem>> -> memref<1x128xi32, #tpu.memory_space<vmem>>
        %dma_wait3A_412 = tpu.memref_squeeze %dma_wait3A_411 : memref<1x128xi32, #tpu.memory_space<vmem>> -> memref<128xi32, #tpu.memory_space<vmem>>
        %dma_wait3A_413 = arith.constant 0 : i32
        %dma_wait3A_414 = arith.constant 0 : i32
        %dma_wait3A_415 = tpu.memref_slice %arg2[%dma_wait3A_413, %dma_wait3A_414] : memref<10000x128xf32, #tpu.memory_space<hbm>> -> memref<10000x128xf32, #tpu.memory_space<hbm>>
        tpu.wait_indirect_dma semaphore(%arg15 : memref<!tpu.dma_semaphore, #tpu.memory_space<semaphore_mem>>) src(%dma_wait3A_415 : memref<10000x128xf32, #tpu.memory_space<hbm>>) dst(%arg12 : memref<128x128xf32, #tpu.memory_space<vmem>>)
        %dma_start3A_416 = arith.constant 13 : i32
        %dma_start3A_417 = arith.constant 0 : i32
        %dma_start3A_418 = tpu.memref_slice %arg10[%dma_start3A_416, %dma_start3A_417] : memref<16x128xi32, #tpu.memory_space<vmem>> -> memref<1x128xi32, #tpu.memory_space<vmem>>
        %dma_start3A_419 = tpu.memref_squeeze %dma_start3A_418 : memref<1x128xi32, #tpu.memory_space<vmem>> -> memref<128xi32, #tpu.memory_space<vmem>>
        %dma_start3A_420 = arith.constant 0 : i32
        %dma_start3A_421 = arith.constant 0 : i32
        %dma_start3A_422 = tpu.memref_slice %arg13[%dma_start3A_420, %dma_start3A_421] : memref<10240x128xf32, #tpu.memory_space<vmem_shared>> -> memref<10240x128xf32, #tpu.memory_space<vmem_shared>>
        tpu.enqueue_indirect_dma source(%arg12 : memref<128x128xf32, #tpu.memory_space<vmem>>) target(%dma_start3A_422 : memref<10240x128xf32, #tpu.memory_space<vmem_shared>>) offsets(%dma_start3A_419 : memref<128xi32, #tpu.memory_space<vmem>>) semaphore(%arg17 : memref<!tpu.dma_semaphore, #tpu.memory_space<semaphore_mem>>) {add = true}
        %dma_wait3A_423 = arith.constant 13 : i32
        %dma_wait3A_424 = arith.constant 0 : i32
        %dma_wait3A_425 = tpu.memref_slice %arg10[%dma_wait3A_423, %dma_wait3A_424] : memref<16x128xi32, #tpu.memory_space<vmem>> -> memref<1x128xi32, #tpu.memory_space<vmem>>
        %dma_wait3A_426 = tpu.memref_squeeze %dma_wait3A_425 : memref<1x128xi32, #tpu.memory_space<vmem>> -> memref<128xi32, #tpu.memory_space<vmem>>
        %dma_wait3A_427 = arith.constant 0 : i32
        %dma_wait3A_428 = arith.constant 0 : i32
        %dma_wait3A_429 = tpu.memref_slice %arg13[%dma_wait3A_427, %dma_wait3A_428] : memref<10240x128xf32, #tpu.memory_space<vmem_shared>> -> memref<10240x128xf32, #tpu.memory_space<vmem_shared>>
        tpu.wait_indirect_dma semaphore(%arg17 : memref<!tpu.dma_semaphore, #tpu.memory_space<semaphore_mem>>) src(%arg12 : memref<128x128xf32, #tpu.memory_space<vmem>>) dst(%dma_wait3A_429 : memref<10240x128xf32, #tpu.memory_space<vmem_shared>>)
        %dma_start3A_430 = arith.constant 15 : i32
        %dma_start3A_431 = arith.constant 0 : i32
        %dma_start3A_432 = tpu.memref_slice %arg9[%dma_start3A_430, %dma_start3A_431] : memref<16x128xi32, #tpu.memory_space<vmem>> -> memref<1x128xi32, #tpu.memory_space<vmem>>
        %dma_start3A_433 = tpu.memref_squeeze %dma_start3A_432 : memref<1x128xi32, #tpu.memory_space<vmem>> -> memref<128xi32, #tpu.memory_space<vmem>>
        %dma_start3A_434 = arith.constant 0 : i32
        %dma_start3A_435 = arith.constant 0 : i32
        %dma_start3A_436 = tpu.memref_slice %arg2[%dma_start3A_434, %dma_start3A_435] : memref<10000x128xf32, #tpu.memory_space<hbm>> -> memref<10000x128xf32, #tpu.memory_space<hbm>>
        tpu.enqueue_indirect_dma source(%dma_start3A_436 : memref<10000x128xf32, #tpu.memory_space<hbm>>) target(%arg12 : memref<128x128xf32, #tpu.memory_space<vmem>>) offsets(%dma_start3A_433 : memref<128xi32, #tpu.memory_space<vmem>>) semaphore(%arg15 : memref<!tpu.dma_semaphore, #tpu.memory_space<semaphore_mem>>)
        %dma_wait3A_437 = arith.constant 14 : i32
        %dma_wait3A_438 = arith.constant 0 : i32
        %dma_wait3A_439 = tpu.memref_slice %arg9[%dma_wait3A_437, %dma_wait3A_438] : memref<16x128xi32, #tpu.memory_space<vmem>> -> memref<1x128xi32, #tpu.memory_space<vmem>>
        %dma_wait3A_440 = tpu.memref_squeeze %dma_wait3A_439 : memref<1x128xi32, #tpu.memory_space<vmem>> -> memref<128xi32, #tpu.memory_space<vmem>>
        %dma_wait3A_441 = arith.constant 0 : i32
        %dma_wait3A_442 = arith.constant 0 : i32
        %dma_wait3A_443 = tpu.memref_slice %arg2[%dma_wait3A_441, %dma_wait3A_442] : memref<10000x128xf32, #tpu.memory_space<hbm>> -> memref<10000x128xf32, #tpu.memory_space<hbm>>
        tpu.wait_indirect_dma semaphore(%arg14 : memref<!tpu.dma_semaphore, #tpu.memory_space<semaphore_mem>>) src(%dma_wait3A_443 : memref<10000x128xf32, #tpu.memory_space<hbm>>) dst(%arg11 : memref<128x128xf32, #tpu.memory_space<vmem>>)
        %dma_start3A_444 = arith.constant 14 : i32
        %dma_start3A_445 = arith.constant 0 : i32
        %dma_start3A_446 = tpu.memref_slice %arg10[%dma_start3A_444, %dma_start3A_445] : memref<16x128xi32, #tpu.memory_space<vmem>> -> memref<1x128xi32, #tpu.memory_space<vmem>>
        %dma_start3A_447 = tpu.memref_squeeze %dma_start3A_446 : memref<1x128xi32, #tpu.memory_space<vmem>> -> memref<128xi32, #tpu.memory_space<vmem>>
        %dma_start3A_448 = arith.constant 0 : i32
        %dma_start3A_449 = arith.constant 0 : i32
        %dma_start3A_450 = tpu.memref_slice %arg13[%dma_start3A_448, %dma_start3A_449] : memref<10240x128xf32, #tpu.memory_space<vmem_shared>> -> memref<10240x128xf32, #tpu.memory_space<vmem_shared>>
        tpu.enqueue_indirect_dma source(%arg11 : memref<128x128xf32, #tpu.memory_space<vmem>>) target(%dma_start3A_450 : memref<10240x128xf32, #tpu.memory_space<vmem_shared>>) offsets(%dma_start3A_447 : memref<128xi32, #tpu.memory_space<vmem>>) semaphore(%arg16 : memref<!tpu.dma_semaphore, #tpu.memory_space<semaphore_mem>>) {add = true}
        %dma_wait3A_451 = arith.constant 14 : i32
        %dma_wait3A_452 = arith.constant 0 : i32
        %dma_wait3A_453 = tpu.memref_slice %arg10[%dma_wait3A_451, %dma_wait3A_452] : memref<16x128xi32, #tpu.memory_space<vmem>> -> memref<1x128xi32, #tpu.memory_space<vmem>>
        %dma_wait3A_454 = tpu.memref_squeeze %dma_wait3A_453 : memref<1x128xi32, #tpu.memory_space<vmem>> -> memref<128xi32, #tpu.memory_space<vmem>>
        %dma_wait3A_455 = arith.constant 0 : i32
        %dma_wait3A_456 = arith.constant 0 : i32
        %dma_wait3A_457 = tpu.memref_slice %arg13[%dma_wait3A_455, %dma_wait3A_456] : memref<10240x128xf32, #tpu.memory_space<vmem_shared>> -> memref<10240x128xf32, #tpu.memory_space<vmem_shared>>
        tpu.wait_indirect_dma semaphore(%arg16 : memref<!tpu.dma_semaphore, #tpu.memory_space<semaphore_mem>>) src(%arg11 : memref<128x128xf32, #tpu.memory_space<vmem>>) dst(%dma_wait3A_457 : memref<10240x128xf32, #tpu.memory_space<vmem_shared>>)
        %dma_wait3A_458 = arith.constant 15 : i32
        %dma_wait3A_459 = arith.constant 0 : i32
        %dma_wait3A_460 = tpu.memref_slice %arg9[%dma_wait3A_458, %dma_wait3A_459] : memref<16x128xi32, #tpu.memory_space<vmem>> -> memref<1x128xi32, #tpu.memory_space<vmem>>
        %dma_wait3A_461 = tpu.memref_squeeze %dma_wait3A_460 : memref<1x128xi32, #tpu.memory_space<vmem>> -> memref<128xi32, #tpu.memory_space<vmem>>
        %dma_wait3A_462 = arith.constant 0 : i32
        %dma_wait3A_463 = arith.constant 0 : i32
        %dma_wait3A_464 = tpu.memref_slice %arg2[%dma_wait3A_462, %dma_wait3A_463] : memref<10000x128xf32, #tpu.memory_space<hbm>> -> memref<10000x128xf32, #tpu.memory_space<hbm>>
        tpu.wait_indirect_dma semaphore(%arg15 : memref<!tpu.dma_semaphore, #tpu.memory_space<semaphore_mem>>) src(%dma_wait3A_464 : memref<10000x128xf32, #tpu.memory_space<hbm>>) dst(%arg12 : memref<128x128xf32, #tpu.memory_space<vmem>>)
        %dma_start3A_465 = arith.constant 15 : i32
        %dma_start3A_466 = arith.constant 0 : i32
        %dma_start3A_467 = tpu.memref_slice %arg10[%dma_start3A_465, %dma_start3A_466] : memref<16x128xi32, #tpu.memory_space<vmem>> -> memref<1x128xi32, #tpu.memory_space<vmem>>
        %dma_start3A_468 = tpu.memref_squeeze %dma_start3A_467 : memref<1x128xi32, #tpu.memory_space<vmem>> -> memref<128xi32, #tpu.memory_space<vmem>>
        %dma_start3A_469 = arith.constant 0 : i32
        %dma_start3A_470 = arith.constant 0 : i32
        %dma_start3A_471 = tpu.memref_slice %arg13[%dma_start3A_469, %dma_start3A_470] : memref<10240x128xf32, #tpu.memory_space<vmem_shared>> -> memref<10240x128xf32, #tpu.memory_space<vmem_shared>>
        tpu.enqueue_indirect_dma source(%arg12 : memref<128x128xf32, #tpu.memory_space<vmem>>) target(%dma_start3A_471 : memref<10240x128xf32, #tpu.memory_space<vmem_shared>>) offsets(%dma_start3A_468 : memref<128xi32, #tpu.memory_space<vmem>>) semaphore(%arg17 : memref<!tpu.dma_semaphore, #tpu.memory_space<semaphore_mem>>) {add = true}
        %dma_wait3A_472 = arith.constant 15 : i32
        %dma_wait3A_473 = arith.constant 0 : i32
        %dma_wait3A_474 = tpu.memref_slice %arg10[%dma_wait3A_472, %dma_wait3A_473] : memref<16x128xi32, #tpu.memory_space<vmem>> -> memref<1x128xi32, #tpu.memory_space<vmem>>
        %dma_wait3A_475 = tpu.memref_squeeze %dma_wait3A_474 : memref<1x128xi32, #tpu.memory_space<vmem>> -> memref<128xi32, #tpu.memory_space<vmem>>
        %dma_wait3A_476 = arith.constant 0 : i32
        %dma_wait3A_477 = arith.constant 0 : i32
        %dma_wait3A_478 = tpu.memref_slice %arg13[%dma_wait3A_476, %dma_wait3A_477] : memref<10240x128xf32, #tpu.memory_space<vmem_shared>> -> memref<10240x128xf32, #tpu.memory_space<vmem_shared>>
        tpu.wait_indirect_dma semaphore(%arg17 : memref<!tpu.dma_semaphore, #tpu.memory_space<semaphore_mem>>) src(%arg12 : memref<128x128xf32, #tpu.memory_space<vmem>>) dst(%dma_wait3A_478 : memref<10240x128xf32, #tpu.memory_space<vmem_shared>>)
      }
      %scan3A_27 = arith.constant 5 : i32
    } else {
    }
    %eq3A_5 = arith.constant 1 : i32
    %eq3A_6 = arith.cmpi eq, %arg0, %eq3A_5 : i32
    %convert_element_type3A_7 = arith.extui %eq3A_6 : i1 to i32
    %cond3A_8 = arith.constant 0 : i32
    %cond3A_9 = arith.cmpi ne, %convert_element_type3A_7, %cond3A_8 : i32
    scf.if %cond3A_9 {
      %scan3A = arith.constant 0 : i32
      %scan3A_23 = arith.constant 0 : i32
      %scan3A_24 = arith.constant 5 : i32
      %scan3A_25 = arith.addi %scan3A_23, %scan3A_24 : i32
      %scan3A_26 = arith.constant 1 : i32
      scf.for %scan3A_28 = %scan3A_23 to %scan3A_25 step %scan3A_26  : i32 {
        %mul3A_29 = arith.constant 16 : i32
        %mul3A_30 = arith.muli %scan3A_28, %mul3A_29 : i32
        "tpu.region"() ({
          %run_scoped3A = tpu.sem_alloc : memref<!tpu.dma_semaphore, #tpu.memory_space<semaphore_mem>>
          %dma_start3A_479 = arith.constant 0 : i32
          %dma_start3A_480 = tpu.memref_slice %arg4[%add3A, %mul3A_30, %dma_start3A_479] : memref<32x80x128xi32, #tpu.memory_space<hbm>> -> memref<1x16x128xi32, #tpu.memory_space<hbm>>
          %dma_start3A_481 = tpu.memref_squeeze %dma_start3A_480 : memref<1x16x128xi32, #tpu.memory_space<hbm>> -> memref<16x128xi32, #tpu.memory_space<hbm>>
          %dma_start3A_482 = arith.constant 0 : i32
          %dma_start3A_483 = tpu.memref_slice %arg4[%add3A, %mul3A_30, %dma_start3A_482] : memref<32x80x128xi32, #tpu.memory_space<hbm>> -> memref<1x16x128xi32, #tpu.memory_space<hbm>>
          %dma_start3A_484 = tpu.memref_squeeze %dma_start3A_483 : memref<1x16x128xi32, #tpu.memory_space<hbm>> -> memref<16x128xi32, #tpu.memory_space<hbm>>
          tpu.enqueue_dma source(%dma_start3A_484 : memref<16x128xi32, #tpu.memory_space<hbm>>) target(%arg9 : memref<16x128xi32, #tpu.memory_space<vmem>>) target_semaphore(%run_scoped3A : memref<!tpu.dma_semaphore, #tpu.memory_space<semaphore_mem>>)
          %dma_wait3A_485 = arith.constant 0 : i32
          %dma_wait3A_486 = tpu.memref_slice %arg4[%add3A, %mul3A_30, %dma_wait3A_485] : memref<32x80x128xi32, #tpu.memory_space<hbm>> -> memref<1x16x128xi32, #tpu.memory_space<hbm>>
          %dma_wait3A_487 = tpu.memref_squeeze %dma_wait3A_486 : memref<1x16x128xi32, #tpu.memory_space<hbm>> -> memref<16x128xi32, #tpu.memory_space<hbm>>
          %dma_wait3A_488 = arith.constant 0 : i32
          %dma_wait3A_489 = tpu.memref_slice %arg4[%add3A, %mul3A_30, %dma_wait3A_488] : memref<32x80x128xi32, #tpu.memory_space<hbm>> -> memref<1x16x128xi32, #tpu.memory_space<hbm>>
          %dma_wait3A_490 = tpu.memref_squeeze %dma_wait3A_489 : memref<1x16x128xi32, #tpu.memory_space<hbm>> -> memref<16x128xi32, #tpu.memory_space<hbm>>
          tpu.wait_dma2 semaphore(%run_scoped3A : memref<!tpu.dma_semaphore, #tpu.memory_space<semaphore_mem>>) src(%dma_wait3A_490 : memref<16x128xi32, #tpu.memory_space<hbm>>) dst(%arg9 : memref<16x128xi32, #tpu.memory_space<vmem>>)
          tpu.yield
        }) : () -> ()
        %mul3A_31 = arith.constant 16 : i32
        %mul3A_32 = arith.muli %scan3A_28, %mul3A_31 : i32
        "tpu.region"() ({
          %run_scoped3A = tpu.sem_alloc : memref<!tpu.dma_semaphore, #tpu.memory_space<semaphore_mem>>
          %dma_start3A_479 = arith.constant 0 : i32
          %dma_start3A_480 = tpu.memref_slice %arg5[%add3A, %mul3A_32, %dma_start3A_479] : memref<32x80x128xi32, #tpu.memory_space<hbm>> -> memref<1x16x128xi32, #tpu.memory_space<hbm>>
          %dma_start3A_481 = tpu.memref_squeeze %dma_start3A_480 : memref<1x16x128xi32, #tpu.memory_space<hbm>> -> memref<16x128xi32, #tpu.memory_space<hbm>>
          %dma_start3A_482 = arith.constant 0 : i32
          %dma_start3A_483 = tpu.memref_slice %arg5[%add3A, %mul3A_32, %dma_start3A_482] : memref<32x80x128xi32, #tpu.memory_space<hbm>> -> memref<1x16x128xi32, #tpu.memory_space<hbm>>
          %dma_start3A_484 = tpu.memref_squeeze %dma_start3A_483 : memref<1x16x128xi32, #tpu.memory_space<hbm>> -> memref<16x128xi32, #tpu.memory_space<hbm>>
          tpu.enqueue_dma source(%dma_start3A_484 : memref<16x128xi32, #tpu.memory_space<hbm>>) target(%arg10 : memref<16x128xi32, #tpu.memory_space<vmem>>) target_semaphore(%run_scoped3A : memref<!tpu.dma_semaphore, #tpu.memory_space<semaphore_mem>>)
          %dma_wait3A_485 = arith.constant 0 : i32
          %dma_wait3A_486 = tpu.memref_slice %arg5[%add3A, %mul3A_32, %dma_wait3A_485] : memref<32x80x128xi32, #tpu.memory_space<hbm>> -> memref<1x16x128xi32, #tpu.memory_space<hbm>>
          %dma_wait3A_487 = tpu.memref_squeeze %dma_wait3A_486 : memref<1x16x128xi32, #tpu.memory_space<hbm>> -> memref<16x128xi32, #tpu.memory_space<hbm>>
          %dma_wait3A_488 = arith.constant 0 : i32
          %dma_wait3A_489 = tpu.memref_slice %arg5[%add3A, %mul3A_32, %dma_wait3A_488] : memref<32x80x128xi32, #tpu.memory_space<hbm>> -> memref<1x16x128xi32, #tpu.memory_space<hbm>>
          %dma_wait3A_490 = tpu.memref_squeeze %dma_wait3A_489 : memref<1x16x128xi32, #tpu.memory_space<hbm>> -> memref<16x128xi32, #tpu.memory_space<hbm>>
          tpu.wait_dma2 semaphore(%run_scoped3A : memref<!tpu.dma_semaphore, #tpu.memory_space<semaphore_mem>>) src(%dma_wait3A_490 : memref<16x128xi32, #tpu.memory_space<hbm>>) dst(%arg10 : memref<16x128xi32, #tpu.memory_space<vmem>>)
          tpu.yield
        }) : () -> ()
        %dma_start3A = arith.constant 0 : i32
        %dma_start3A_33 = arith.constant 0 : i32
        %dma_start3A_34 = tpu.memref_slice %arg9[%dma_start3A, %dma_start3A_33] : memref<16x128xi32, #tpu.memory_space<vmem>> -> memref<1x128xi32, #tpu.memory_space<vmem>>
        %dma_start3A_35 = tpu.memref_squeeze %dma_start3A_34 : memref<1x128xi32, #tpu.memory_space<vmem>> -> memref<128xi32, #tpu.memory_space<vmem>>
        %dma_start3A_36 = arith.constant 0 : i32
        %dma_start3A_37 = arith.constant 0 : i32
        %dma_start3A_38 = tpu.memref_slice %arg3[%dma_start3A_36, %dma_start3A_37] : memref<10000x128xf32, #tpu.memory_space<hbm>> -> memref<10000x128xf32, #tpu.memory_space<hbm>>
        tpu.enqueue_indirect_dma source(%dma_start3A_38 : memref<10000x128xf32, #tpu.memory_space<hbm>>) target(%arg11 : memref<128x128xf32, #tpu.memory_space<vmem>>) offsets(%dma_start3A_35 : memref<128xi32, #tpu.memory_space<vmem>>) semaphore(%arg14 : memref<!tpu.dma_semaphore, #tpu.memory_space<semaphore_mem>>)
        %dma_start3A_39 = arith.constant 1 : i32
        %dma_start3A_40 = arith.constant 0 : i32
        %dma_start3A_41 = tpu.memref_slice %arg9[%dma_start3A_39, %dma_start3A_40] : memref<16x128xi32, #tpu.memory_space<vmem>> -> memref<1x128xi32, #tpu.memory_space<vmem>>
        %dma_start3A_42 = tpu.memref_squeeze %dma_start3A_41 : memref<1x128xi32, #tpu.memory_space<vmem>> -> memref<128xi32, #tpu.memory_space<vmem>>
        %dma_start3A_43 = arith.constant 0 : i32
        %dma_start3A_44 = arith.constant 0 : i32
        %dma_start3A_45 = tpu.memref_slice %arg3[%dma_start3A_43, %dma_start3A_44] : memref<10000x128xf32, #tpu.memory_space<hbm>> -> memref<10000x128xf32, #tpu.memory_space<hbm>>
        tpu.enqueue_indirect_dma source(%dma_start3A_45 : memref<10000x128xf32, #tpu.memory_space<hbm>>) target(%arg12 : memref<128x128xf32, #tpu.memory_space<vmem>>) offsets(%dma_start3A_42 : memref<128xi32, #tpu.memory_space<vmem>>) semaphore(%arg15 : memref<!tpu.dma_semaphore, #tpu.memory_space<semaphore_mem>>)
        %dma_wait3A = arith.constant 0 : i32
        %dma_wait3A_46 = arith.constant 0 : i32
        %dma_wait3A_47 = tpu.memref_slice %arg9[%dma_wait3A, %dma_wait3A_46] : memref<16x128xi32, #tpu.memory_space<vmem>> -> memref<1x128xi32, #tpu.memory_space<vmem>>
        %dma_wait3A_48 = tpu.memref_squeeze %dma_wait3A_47 : memref<1x128xi32, #tpu.memory_space<vmem>> -> memref<128xi32, #tpu.memory_space<vmem>>
        %dma_wait3A_49 = arith.constant 0 : i32
        %dma_wait3A_50 = arith.constant 0 : i32
        %dma_wait3A_51 = tpu.memref_slice %arg3[%dma_wait3A_49, %dma_wait3A_50] : memref<10000x128xf32, #tpu.memory_space<hbm>> -> memref<10000x128xf32, #tpu.memory_space<hbm>>
        tpu.wait_indirect_dma semaphore(%arg14 : memref<!tpu.dma_semaphore, #tpu.memory_space<semaphore_mem>>) src(%dma_wait3A_51 : memref<10000x128xf32, #tpu.memory_space<hbm>>) dst(%arg11 : memref<128x128xf32, #tpu.memory_space<vmem>>)
        %dma_start3A_52 = arith.constant 0 : i32
        %dma_start3A_53 = arith.constant 0 : i32
        %dma_start3A_54 = tpu.memref_slice %arg10[%dma_start3A_52, %dma_start3A_53] : memref<16x128xi32, #tpu.memory_space<vmem>> -> memref<1x128xi32, #tpu.memory_space<vmem>>
        %dma_start3A_55 = tpu.memref_squeeze %dma_start3A_54 : memref<1x128xi32, #tpu.memory_space<vmem>> -> memref<128xi32, #tpu.memory_space<vmem>>
        %dma_start3A_56 = arith.constant 0 : i32
        %dma_start3A_57 = arith.constant 0 : i32
        %dma_start3A_58 = tpu.memref_slice %arg13[%dma_start3A_56, %dma_start3A_57] : memref<10240x128xf32, #tpu.memory_space<vmem_shared>> -> memref<10240x128xf32, #tpu.memory_space<vmem_shared>>
        tpu.enqueue_indirect_dma source(%arg11 : memref<128x128xf32, #tpu.memory_space<vmem>>) target(%dma_start3A_58 : memref<10240x128xf32, #tpu.memory_space<vmem_shared>>) offsets(%dma_start3A_55 : memref<128xi32, #tpu.memory_space<vmem>>) semaphore(%arg16 : memref<!tpu.dma_semaphore, #tpu.memory_space<semaphore_mem>>) {add = true}
        %dma_wait3A_59 = arith.constant 0 : i32
        %dma_wait3A_60 = arith.constant 0 : i32
        %dma_wait3A_61 = tpu.memref_slice %arg10[%dma_wait3A_59, %dma_wait3A_60] : memref<16x128xi32, #tpu.memory_space<vmem>> -> memref<1x128xi32, #tpu.memory_space<vmem>>
        %dma_wait3A_62 = tpu.memref_squeeze %dma_wait3A_61 : memref<1x128xi32, #tpu.memory_space<vmem>> -> memref<128xi32, #tpu.memory_space<vmem>>
        %dma_wait3A_63 = arith.constant 0 : i32
        %dma_wait3A_64 = arith.constant 0 : i32
        %dma_wait3A_65 = tpu.memref_slice %arg13[%dma_wait3A_63, %dma_wait3A_64] : memref<10240x128xf32, #tpu.memory_space<vmem_shared>> -> memref<10240x128xf32, #tpu.memory_space<vmem_shared>>
        tpu.wait_indirect_dma semaphore(%arg16 : memref<!tpu.dma_semaphore, #tpu.memory_space<semaphore_mem>>) src(%arg11 : memref<128x128xf32, #tpu.memory_space<vmem>>) dst(%dma_wait3A_65 : memref<10240x128xf32, #tpu.memory_space<vmem_shared>>)
        %dma_start3A_66 = arith.constant 2 : i32
        %dma_start3A_67 = arith.constant 0 : i32
        %dma_start3A_68 = tpu.memref_slice %arg9[%dma_start3A_66, %dma_start3A_67] : memref<16x128xi32, #tpu.memory_space<vmem>> -> memref<1x128xi32, #tpu.memory_space<vmem>>
        %dma_start3A_69 = tpu.memref_squeeze %dma_start3A_68 : memref<1x128xi32, #tpu.memory_space<vmem>> -> memref<128xi32, #tpu.memory_space<vmem>>
        %dma_start3A_70 = arith.constant 0 : i32
        %dma_start3A_71 = arith.constant 0 : i32
        %dma_start3A_72 = tpu.memref_slice %arg3[%dma_start3A_70, %dma_start3A_71] : memref<10000x128xf32, #tpu.memory_space<hbm>> -> memref<10000x128xf32, #tpu.memory_space<hbm>>
        tpu.enqueue_indirect_dma source(%dma_start3A_72 : memref<10000x128xf32, #tpu.memory_space<hbm>>) target(%arg11 : memref<128x128xf32, #tpu.memory_space<vmem>>) offsets(%dma_start3A_69 : memref<128xi32, #tpu.memory_space<vmem>>) semaphore(%arg14 : memref<!tpu.dma_semaphore, #tpu.memory_space<semaphore_mem>>)
        %dma_wait3A_73 = arith.constant 1 : i32
        %dma_wait3A_74 = arith.constant 0 : i32
        %dma_wait3A_75 = tpu.memref_slice %arg9[%dma_wait3A_73, %dma_wait3A_74] : memref<16x128xi32, #tpu.memory_space<vmem>> -> memref<1x128xi32, #tpu.memory_space<vmem>>
        %dma_wait3A_76 = tpu.memref_squeeze %dma_wait3A_75 : memref<1x128xi32, #tpu.memory_space<vmem>> -> memref<128xi32, #tpu.memory_space<vmem>>
        %dma_wait3A_77 = arith.constant 0 : i32
        %dma_wait3A_78 = arith.constant 0 : i32
        %dma_wait3A_79 = tpu.memref_slice %arg3[%dma_wait3A_77, %dma_wait3A_78] : memref<10000x128xf32, #tpu.memory_space<hbm>> -> memref<10000x128xf32, #tpu.memory_space<hbm>>
        tpu.wait_indirect_dma semaphore(%arg15 : memref<!tpu.dma_semaphore, #tpu.memory_space<semaphore_mem>>) src(%dma_wait3A_79 : memref<10000x128xf32, #tpu.memory_space<hbm>>) dst(%arg12 : memref<128x128xf32, #tpu.memory_space<vmem>>)
        %dma_start3A_80 = arith.constant 1 : i32
        %dma_start3A_81 = arith.constant 0 : i32
        %dma_start3A_82 = tpu.memref_slice %arg10[%dma_start3A_80, %dma_start3A_81] : memref<16x128xi32, #tpu.memory_space<vmem>> -> memref<1x128xi32, #tpu.memory_space<vmem>>
        %dma_start3A_83 = tpu.memref_squeeze %dma_start3A_82 : memref<1x128xi32, #tpu.memory_space<vmem>> -> memref<128xi32, #tpu.memory_space<vmem>>
        %dma_start3A_84 = arith.constant 0 : i32
        %dma_start3A_85 = arith.constant 0 : i32
        %dma_start3A_86 = tpu.memref_slice %arg13[%dma_start3A_84, %dma_start3A_85] : memref<10240x128xf32, #tpu.memory_space<vmem_shared>> -> memref<10240x128xf32, #tpu.memory_space<vmem_shared>>
        tpu.enqueue_indirect_dma source(%arg12 : memref<128x128xf32, #tpu.memory_space<vmem>>) target(%dma_start3A_86 : memref<10240x128xf32, #tpu.memory_space<vmem_shared>>) offsets(%dma_start3A_83 : memref<128xi32, #tpu.memory_space<vmem>>) semaphore(%arg17 : memref<!tpu.dma_semaphore, #tpu.memory_space<semaphore_mem>>) {add = true}
        %dma_wait3A_87 = arith.constant 1 : i32
        %dma_wait3A_88 = arith.constant 0 : i32
        %dma_wait3A_89 = tpu.memref_slice %arg10[%dma_wait3A_87, %dma_wait3A_88] : memref<16x128xi32, #tpu.memory_space<vmem>> -> memref<1x128xi32, #tpu.memory_space<vmem>>
        %dma_wait3A_90 = tpu.memref_squeeze %dma_wait3A_89 : memref<1x128xi32, #tpu.memory_space<vmem>> -> memref<128xi32, #tpu.memory_space<vmem>>
        %dma_wait3A_91 = arith.constant 0 : i32
        %dma_wait3A_92 = arith.constant 0 : i32
        %dma_wait3A_93 = tpu.memref_slice %arg13[%dma_wait3A_91, %dma_wait3A_92] : memref<10240x128xf32, #tpu.memory_space<vmem_shared>> -> memref<10240x128xf32, #tpu.memory_space<vmem_shared>>
        tpu.wait_indirect_dma semaphore(%arg17 : memref<!tpu.dma_semaphore, #tpu.memory_space<semaphore_mem>>) src(%arg12 : memref<128x128xf32, #tpu.memory_space<vmem>>) dst(%dma_wait3A_93 : memref<10240x128xf32, #tpu.memory_space<vmem_shared>>)
        %dma_start3A_94 = arith.constant 3 : i32
        %dma_start3A_95 = arith.constant 0 : i32
        %dma_start3A_96 = tpu.memref_slice %arg9[%dma_start3A_94, %dma_start3A_95] : memref<16x128xi32, #tpu.memory_space<vmem>> -> memref<1x128xi32, #tpu.memory_space<vmem>>
        %dma_start3A_97 = tpu.memref_squeeze %dma_start3A_96 : memref<1x128xi32, #tpu.memory_space<vmem>> -> memref<128xi32, #tpu.memory_space<vmem>>
        %dma_start3A_98 = arith.constant 0 : i32
        %dma_start3A_99 = arith.constant 0 : i32
        %dma_start3A_100 = tpu.memref_slice %arg3[%dma_start3A_98, %dma_start3A_99] : memref<10000x128xf32, #tpu.memory_space<hbm>> -> memref<10000x128xf32, #tpu.memory_space<hbm>>
        tpu.enqueue_indirect_dma source(%dma_start3A_100 : memref<10000x128xf32, #tpu.memory_space<hbm>>) target(%arg12 : memref<128x128xf32, #tpu.memory_space<vmem>>) offsets(%dma_start3A_97 : memref<128xi32, #tpu.memory_space<vmem>>) semaphore(%arg15 : memref<!tpu.dma_semaphore, #tpu.memory_space<semaphore_mem>>)
        %dma_wait3A_101 = arith.constant 2 : i32
        %dma_wait3A_102 = arith.constant 0 : i32
        %dma_wait3A_103 = tpu.memref_slice %arg9[%dma_wait3A_101, %dma_wait3A_102] : memref<16x128xi32, #tpu.memory_space<vmem>> -> memref<1x128xi32, #tpu.memory_space<vmem>>
        %dma_wait3A_104 = tpu.memref_squeeze %dma_wait3A_103 : memref<1x128xi32, #tpu.memory_space<vmem>> -> memref<128xi32, #tpu.memory_space<vmem>>
        %dma_wait3A_105 = arith.constant 0 : i32
        %dma_wait3A_106 = arith.constant 0 : i32
        %dma_wait3A_107 = tpu.memref_slice %arg3[%dma_wait3A_105, %dma_wait3A_106] : memref<10000x128xf32, #tpu.memory_space<hbm>> -> memref<10000x128xf32, #tpu.memory_space<hbm>>
        tpu.wait_indirect_dma semaphore(%arg14 : memref<!tpu.dma_semaphore, #tpu.memory_space<semaphore_mem>>) src(%dma_wait3A_107 : memref<10000x128xf32, #tpu.memory_space<hbm>>) dst(%arg11 : memref<128x128xf32, #tpu.memory_space<vmem>>)
        %dma_start3A_108 = arith.constant 2 : i32
        %dma_start3A_109 = arith.constant 0 : i32
        %dma_start3A_110 = tpu.memref_slice %arg10[%dma_start3A_108, %dma_start3A_109] : memref<16x128xi32, #tpu.memory_space<vmem>> -> memref<1x128xi32, #tpu.memory_space<vmem>>
        %dma_start3A_111 = tpu.memref_squeeze %dma_start3A_110 : memref<1x128xi32, #tpu.memory_space<vmem>> -> memref<128xi32, #tpu.memory_space<vmem>>
        %dma_start3A_112 = arith.constant 0 : i32
        %dma_start3A_113 = arith.constant 0 : i32
        %dma_start3A_114 = tpu.memref_slice %arg13[%dma_start3A_112, %dma_start3A_113] : memref<10240x128xf32, #tpu.memory_space<vmem_shared>> -> memref<10240x128xf32, #tpu.memory_space<vmem_shared>>
        tpu.enqueue_indirect_dma source(%arg11 : memref<128x128xf32, #tpu.memory_space<vmem>>) target(%dma_start3A_114 : memref<10240x128xf32, #tpu.memory_space<vmem_shared>>) offsets(%dma_start3A_111 : memref<128xi32, #tpu.memory_space<vmem>>) semaphore(%arg16 : memref<!tpu.dma_semaphore, #tpu.memory_space<semaphore_mem>>) {add = true}
        %dma_wait3A_115 = arith.constant 2 : i32
        %dma_wait3A_116 = arith.constant 0 : i32
        %dma_wait3A_117 = tpu.memref_slice %arg10[%dma_wait3A_115, %dma_wait3A_116] : memref<16x128xi32, #tpu.memory_space<vmem>> -> memref<1x128xi32, #tpu.memory_space<vmem>>
        %dma_wait3A_118 = tpu.memref_squeeze %dma_wait3A_117 : memref<1x128xi32, #tpu.memory_space<vmem>> -> memref<128xi32, #tpu.memory_space<vmem>>
        %dma_wait3A_119 = arith.constant 0 : i32
        %dma_wait3A_120 = arith.constant 0 : i32
        %dma_wait3A_121 = tpu.memref_slice %arg13[%dma_wait3A_119, %dma_wait3A_120] : memref<10240x128xf32, #tpu.memory_space<vmem_shared>> -> memref<10240x128xf32, #tpu.memory_space<vmem_shared>>
        tpu.wait_indirect_dma semaphore(%arg16 : memref<!tpu.dma_semaphore, #tpu.memory_space<semaphore_mem>>) src(%arg11 : memref<128x128xf32, #tpu.memory_space<vmem>>) dst(%dma_wait3A_121 : memref<10240x128xf32, #tpu.memory_space<vmem_shared>>)
        %dma_start3A_122 = arith.constant 4 : i32
        %dma_start3A_123 = arith.constant 0 : i32
        %dma_start3A_124 = tpu.memref_slice %arg9[%dma_start3A_122, %dma_start3A_123] : memref<16x128xi32, #tpu.memory_space<vmem>> -> memref<1x128xi32, #tpu.memory_space<vmem>>
        %dma_start3A_125 = tpu.memref_squeeze %dma_start3A_124 : memref<1x128xi32, #tpu.memory_space<vmem>> -> memref<128xi32, #tpu.memory_space<vmem>>
        %dma_start3A_126 = arith.constant 0 : i32
        %dma_start3A_127 = arith.constant 0 : i32
        %dma_start3A_128 = tpu.memref_slice %arg3[%dma_start3A_126, %dma_start3A_127] : memref<10000x128xf32, #tpu.memory_space<hbm>> -> memref<10000x128xf32, #tpu.memory_space<hbm>>
        tpu.enqueue_indirect_dma source(%dma_start3A_128 : memref<10000x128xf32, #tpu.memory_space<hbm>>) target(%arg11 : memref<128x128xf32, #tpu.memory_space<vmem>>) offsets(%dma_start3A_125 : memref<128xi32, #tpu.memory_space<vmem>>) semaphore(%arg14 : memref<!tpu.dma_semaphore, #tpu.memory_space<semaphore_mem>>)
        %dma_wait3A_129 = arith.constant 3 : i32
        %dma_wait3A_130 = arith.constant 0 : i32
        %dma_wait3A_131 = tpu.memref_slice %arg9[%dma_wait3A_129, %dma_wait3A_130] : memref<16x128xi32, #tpu.memory_space<vmem>> -> memref<1x128xi32, #tpu.memory_space<vmem>>
        %dma_wait3A_132 = tpu.memref_squeeze %dma_wait3A_131 : memref<1x128xi32, #tpu.memory_space<vmem>> -> memref<128xi32, #tpu.memory_space<vmem>>
        %dma_wait3A_133 = arith.constant 0 : i32
        %dma_wait3A_134 = arith.constant 0 : i32
        %dma_wait3A_135 = tpu.memref_slice %arg3[%dma_wait3A_133, %dma_wait3A_134] : memref<10000x128xf32, #tpu.memory_space<hbm>> -> memref<10000x128xf32, #tpu.memory_space<hbm>>
        tpu.wait_indirect_dma semaphore(%arg15 : memref<!tpu.dma_semaphore, #tpu.memory_space<semaphore_mem>>) src(%dma_wait3A_135 : memref<10000x128xf32, #tpu.memory_space<hbm>>) dst(%arg12 : memref<128x128xf32, #tpu.memory_space<vmem>>)
        %dma_start3A_136 = arith.constant 3 : i32
        %dma_start3A_137 = arith.constant 0 : i32
        %dma_start3A_138 = tpu.memref_slice %arg10[%dma_start3A_136, %dma_start3A_137] : memref<16x128xi32, #tpu.memory_space<vmem>> -> memref<1x128xi32, #tpu.memory_space<vmem>>
        %dma_start3A_139 = tpu.memref_squeeze %dma_start3A_138 : memref<1x128xi32, #tpu.memory_space<vmem>> -> memref<128xi32, #tpu.memory_space<vmem>>
        %dma_start3A_140 = arith.constant 0 : i32
        %dma_start3A_141 = arith.constant 0 : i32
        %dma_start3A_142 = tpu.memref_slice %arg13[%dma_start3A_140, %dma_start3A_141] : memref<10240x128xf32, #tpu.memory_space<vmem_shared>> -> memref<10240x128xf32, #tpu.memory_space<vmem_shared>>
        tpu.enqueue_indirect_dma source(%arg12 : memref<128x128xf32, #tpu.memory_space<vmem>>) target(%dma_start3A_142 : memref<10240x128xf32, #tpu.memory_space<vmem_shared>>) offsets(%dma_start3A_139 : memref<128xi32, #tpu.memory_space<vmem>>) semaphore(%arg17 : memref<!tpu.dma_semaphore, #tpu.memory_space<semaphore_mem>>) {add = true}
        %dma_wait3A_143 = arith.constant 3 : i32
        %dma_wait3A_144 = arith.constant 0 : i32
        %dma_wait3A_145 = tpu.memref_slice %arg10[%dma_wait3A_143, %dma_wait3A_144] : memref<16x128xi32, #tpu.memory_space<vmem>> -> memref<1x128xi32, #tpu.memory_space<vmem>>
        %dma_wait3A_146 = tpu.memref_squeeze %dma_wait3A_145 : memref<1x128xi32, #tpu.memory_space<vmem>> -> memref<128xi32, #tpu.memory_space<vmem>>
        %dma_wait3A_147 = arith.constant 0 : i32
        %dma_wait3A_148 = arith.constant 0 : i32
        %dma_wait3A_149 = tpu.memref_slice %arg13[%dma_wait3A_147, %dma_wait3A_148] : memref<10240x128xf32, #tpu.memory_space<vmem_shared>> -> memref<10240x128xf32, #tpu.memory_space<vmem_shared>>
        tpu.wait_indirect_dma semaphore(%arg17 : memref<!tpu.dma_semaphore, #tpu.memory_space<semaphore_mem>>) src(%arg12 : memref<128x128xf32, #tpu.memory_space<vmem>>) dst(%dma_wait3A_149 : memref<10240x128xf32, #tpu.memory_space<vmem_shared>>)
        %dma_start3A_150 = arith.constant 5 : i32
        %dma_start3A_151 = arith.constant 0 : i32
        %dma_start3A_152 = tpu.memref_slice %arg9[%dma_start3A_150, %dma_start3A_151] : memref<16x128xi32, #tpu.memory_space<vmem>> -> memref<1x128xi32, #tpu.memory_space<vmem>>
        %dma_start3A_153 = tpu.memref_squeeze %dma_start3A_152 : memref<1x128xi32, #tpu.memory_space<vmem>> -> memref<128xi32, #tpu.memory_space<vmem>>
        %dma_start3A_154 = arith.constant 0 : i32
        %dma_start3A_155 = arith.constant 0 : i32
        %dma_start3A_156 = tpu.memref_slice %arg3[%dma_start3A_154, %dma_start3A_155] : memref<10000x128xf32, #tpu.memory_space<hbm>> -> memref<10000x128xf32, #tpu.memory_space<hbm>>
        tpu.enqueue_indirect_dma source(%dma_start3A_156 : memref<10000x128xf32, #tpu.memory_space<hbm>>) target(%arg12 : memref<128x128xf32, #tpu.memory_space<vmem>>) offsets(%dma_start3A_153 : memref<128xi32, #tpu.memory_space<vmem>>) semaphore(%arg15 : memref<!tpu.dma_semaphore, #tpu.memory_space<semaphore_mem>>)
        %dma_wait3A_157 = arith.constant 4 : i32
        %dma_wait3A_158 = arith.constant 0 : i32
        %dma_wait3A_159 = tpu.memref_slice %arg9[%dma_wait3A_157, %dma_wait3A_158] : memref<16x128xi32, #tpu.memory_space<vmem>> -> memref<1x128xi32, #tpu.memory_space<vmem>>
        %dma_wait3A_160 = tpu.memref_squeeze %dma_wait3A_159 : memref<1x128xi32, #tpu.memory_space<vmem>> -> memref<128xi32, #tpu.memory_space<vmem>>
        %dma_wait3A_161 = arith.constant 0 : i32
        %dma_wait3A_162 = arith.constant 0 : i32
        %dma_wait3A_163 = tpu.memref_slice %arg3[%dma_wait3A_161, %dma_wait3A_162] : memref<10000x128xf32, #tpu.memory_space<hbm>> -> memref<10000x128xf32, #tpu.memory_space<hbm>>
        tpu.wait_indirect_dma semaphore(%arg14 : memref<!tpu.dma_semaphore, #tpu.memory_space<semaphore_mem>>) src(%dma_wait3A_163 : memref<10000x128xf32, #tpu.memory_space<hbm>>) dst(%arg11 : memref<128x128xf32, #tpu.memory_space<vmem>>)
        %dma_start3A_164 = arith.constant 4 : i32
        %dma_start3A_165 = arith.constant 0 : i32
        %dma_start3A_166 = tpu.memref_slice %arg10[%dma_start3A_164, %dma_start3A_165] : memref<16x128xi32, #tpu.memory_space<vmem>> -> memref<1x128xi32, #tpu.memory_space<vmem>>
        %dma_start3A_167 = tpu.memref_squeeze %dma_start3A_166 : memref<1x128xi32, #tpu.memory_space<vmem>> -> memref<128xi32, #tpu.memory_space<vmem>>
        %dma_start3A_168 = arith.constant 0 : i32
        %dma_start3A_169 = arith.constant 0 : i32
        %dma_start3A_170 = tpu.memref_slice %arg13[%dma_start3A_168, %dma_start3A_169] : memref<10240x128xf32, #tpu.memory_space<vmem_shared>> -> memref<10240x128xf32, #tpu.memory_space<vmem_shared>>
        tpu.enqueue_indirect_dma source(%arg11 : memref<128x128xf32, #tpu.memory_space<vmem>>) target(%dma_start3A_170 : memref<10240x128xf32, #tpu.memory_space<vmem_shared>>) offsets(%dma_start3A_167 : memref<128xi32, #tpu.memory_space<vmem>>) semaphore(%arg16 : memref<!tpu.dma_semaphore, #tpu.memory_space<semaphore_mem>>) {add = true}
        %dma_wait3A_171 = arith.constant 4 : i32
        %dma_wait3A_172 = arith.constant 0 : i32
        %dma_wait3A_173 = tpu.memref_slice %arg10[%dma_wait3A_171, %dma_wait3A_172] : memref<16x128xi32, #tpu.memory_space<vmem>> -> memref<1x128xi32, #tpu.memory_space<vmem>>
        %dma_wait3A_174 = tpu.memref_squeeze %dma_wait3A_173 : memref<1x128xi32, #tpu.memory_space<vmem>> -> memref<128xi32, #tpu.memory_space<vmem>>
        %dma_wait3A_175 = arith.constant 0 : i32
        %dma_wait3A_176 = arith.constant 0 : i32
        %dma_wait3A_177 = tpu.memref_slice %arg13[%dma_wait3A_175, %dma_wait3A_176] : memref<10240x128xf32, #tpu.memory_space<vmem_shared>> -> memref<10240x128xf32, #tpu.memory_space<vmem_shared>>
        tpu.wait_indirect_dma semaphore(%arg16 : memref<!tpu.dma_semaphore, #tpu.memory_space<semaphore_mem>>) src(%arg11 : memref<128x128xf32, #tpu.memory_space<vmem>>) dst(%dma_wait3A_177 : memref<10240x128xf32, #tpu.memory_space<vmem_shared>>)
        %dma_start3A_178 = arith.constant 6 : i32
        %dma_start3A_179 = arith.constant 0 : i32
        %dma_start3A_180 = tpu.memref_slice %arg9[%dma_start3A_178, %dma_start3A_179] : memref<16x128xi32, #tpu.memory_space<vmem>> -> memref<1x128xi32, #tpu.memory_space<vmem>>
        %dma_start3A_181 = tpu.memref_squeeze %dma_start3A_180 : memref<1x128xi32, #tpu.memory_space<vmem>> -> memref<128xi32, #tpu.memory_space<vmem>>
        %dma_start3A_182 = arith.constant 0 : i32
        %dma_start3A_183 = arith.constant 0 : i32
        %dma_start3A_184 = tpu.memref_slice %arg3[%dma_start3A_182, %dma_start3A_183] : memref<10000x128xf32, #tpu.memory_space<hbm>> -> memref<10000x128xf32, #tpu.memory_space<hbm>>
        tpu.enqueue_indirect_dma source(%dma_start3A_184 : memref<10000x128xf32, #tpu.memory_space<hbm>>) target(%arg11 : memref<128x128xf32, #tpu.memory_space<vmem>>) offsets(%dma_start3A_181 : memref<128xi32, #tpu.memory_space<vmem>>) semaphore(%arg14 : memref<!tpu.dma_semaphore, #tpu.memory_space<semaphore_mem>>)
        %dma_wait3A_185 = arith.constant 5 : i32
        %dma_wait3A_186 = arith.constant 0 : i32
        %dma_wait3A_187 = tpu.memref_slice %arg9[%dma_wait3A_185, %dma_wait3A_186] : memref<16x128xi32, #tpu.memory_space<vmem>> -> memref<1x128xi32, #tpu.memory_space<vmem>>
        %dma_wait3A_188 = tpu.memref_squeeze %dma_wait3A_187 : memref<1x128xi32, #tpu.memory_space<vmem>> -> memref<128xi32, #tpu.memory_space<vmem>>
        %dma_wait3A_189 = arith.constant 0 : i32
        %dma_wait3A_190 = arith.constant 0 : i32
        %dma_wait3A_191 = tpu.memref_slice %arg3[%dma_wait3A_189, %dma_wait3A_190] : memref<10000x128xf32, #tpu.memory_space<hbm>> -> memref<10000x128xf32, #tpu.memory_space<hbm>>
        tpu.wait_indirect_dma semaphore(%arg15 : memref<!tpu.dma_semaphore, #tpu.memory_space<semaphore_mem>>) src(%dma_wait3A_191 : memref<10000x128xf32, #tpu.memory_space<hbm>>) dst(%arg12 : memref<128x128xf32, #tpu.memory_space<vmem>>)
        %dma_start3A_192 = arith.constant 5 : i32
        %dma_start3A_193 = arith.constant 0 : i32
        %dma_start3A_194 = tpu.memref_slice %arg10[%dma_start3A_192, %dma_start3A_193] : memref<16x128xi32, #tpu.memory_space<vmem>> -> memref<1x128xi32, #tpu.memory_space<vmem>>
        %dma_start3A_195 = tpu.memref_squeeze %dma_start3A_194 : memref<1x128xi32, #tpu.memory_space<vmem>> -> memref<128xi32, #tpu.memory_space<vmem>>
        %dma_start3A_196 = arith.constant 0 : i32
        %dma_start3A_197 = arith.constant 0 : i32
        %dma_start3A_198 = tpu.memref_slice %arg13[%dma_start3A_196, %dma_start3A_197] : memref<10240x128xf32, #tpu.memory_space<vmem_shared>> -> memref<10240x128xf32, #tpu.memory_space<vmem_shared>>
        tpu.enqueue_indirect_dma source(%arg12 : memref<128x128xf32, #tpu.memory_space<vmem>>) target(%dma_start3A_198 : memref<10240x128xf32, #tpu.memory_space<vmem_shared>>) offsets(%dma_start3A_195 : memref<128xi32, #tpu.memory_space<vmem>>) semaphore(%arg17 : memref<!tpu.dma_semaphore, #tpu.memory_space<semaphore_mem>>) {add = true}
        %dma_wait3A_199 = arith.constant 5 : i32
        %dma_wait3A_200 = arith.constant 0 : i32
        %dma_wait3A_201 = tpu.memref_slice %arg10[%dma_wait3A_199, %dma_wait3A_200] : memref<16x128xi32, #tpu.memory_space<vmem>> -> memref<1x128xi32, #tpu.memory_space<vmem>>
        %dma_wait3A_202 = tpu.memref_squeeze %dma_wait3A_201 : memref<1x128xi32, #tpu.memory_space<vmem>> -> memref<128xi32, #tpu.memory_space<vmem>>
        %dma_wait3A_203 = arith.constant 0 : i32
        %dma_wait3A_204 = arith.constant 0 : i32
        %dma_wait3A_205 = tpu.memref_slice %arg13[%dma_wait3A_203, %dma_wait3A_204] : memref<10240x128xf32, #tpu.memory_space<vmem_shared>> -> memref<10240x128xf32, #tpu.memory_space<vmem_shared>>
        tpu.wait_indirect_dma semaphore(%arg17 : memref<!tpu.dma_semaphore, #tpu.memory_space<semaphore_mem>>) src(%arg12 : memref<128x128xf32, #tpu.memory_space<vmem>>) dst(%dma_wait3A_205 : memref<10240x128xf32, #tpu.memory_space<vmem_shared>>)
        %dma_start3A_206 = arith.constant 7 : i32
        %dma_start3A_207 = arith.constant 0 : i32
        %dma_start3A_208 = tpu.memref_slice %arg9[%dma_start3A_206, %dma_start3A_207] : memref<16x128xi32, #tpu.memory_space<vmem>> -> memref<1x128xi32, #tpu.memory_space<vmem>>
        %dma_start3A_209 = tpu.memref_squeeze %dma_start3A_208 : memref<1x128xi32, #tpu.memory_space<vmem>> -> memref<128xi32, #tpu.memory_space<vmem>>
        %dma_start3A_210 = arith.constant 0 : i32
        %dma_start3A_211 = arith.constant 0 : i32
        %dma_start3A_212 = tpu.memref_slice %arg3[%dma_start3A_210, %dma_start3A_211] : memref<10000x128xf32, #tpu.memory_space<hbm>> -> memref<10000x128xf32, #tpu.memory_space<hbm>>
        tpu.enqueue_indirect_dma source(%dma_start3A_212 : memref<10000x128xf32, #tpu.memory_space<hbm>>) target(%arg12 : memref<128x128xf32, #tpu.memory_space<vmem>>) offsets(%dma_start3A_209 : memref<128xi32, #tpu.memory_space<vmem>>) semaphore(%arg15 : memref<!tpu.dma_semaphore, #tpu.memory_space<semaphore_mem>>)
        %dma_wait3A_213 = arith.constant 6 : i32
        %dma_wait3A_214 = arith.constant 0 : i32
        %dma_wait3A_215 = tpu.memref_slice %arg9[%dma_wait3A_213, %dma_wait3A_214] : memref<16x128xi32, #tpu.memory_space<vmem>> -> memref<1x128xi32, #tpu.memory_space<vmem>>
        %dma_wait3A_216 = tpu.memref_squeeze %dma_wait3A_215 : memref<1x128xi32, #tpu.memory_space<vmem>> -> memref<128xi32, #tpu.memory_space<vmem>>
        %dma_wait3A_217 = arith.constant 0 : i32
        %dma_wait3A_218 = arith.constant 0 : i32
        %dma_wait3A_219 = tpu.memref_slice %arg3[%dma_wait3A_217, %dma_wait3A_218] : memref<10000x128xf32, #tpu.memory_space<hbm>> -> memref<10000x128xf32, #tpu.memory_space<hbm>>
        tpu.wait_indirect_dma semaphore(%arg14 : memref<!tpu.dma_semaphore, #tpu.memory_space<semaphore_mem>>) src(%dma_wait3A_219 : memref<10000x128xf32, #tpu.memory_space<hbm>>) dst(%arg11 : memref<128x128xf32, #tpu.memory_space<vmem>>)
        %dma_start3A_220 = arith.constant 6 : i32
        %dma_start3A_221 = arith.constant 0 : i32
        %dma_start3A_222 = tpu.memref_slice %arg10[%dma_start3A_220, %dma_start3A_221] : memref<16x128xi32, #tpu.memory_space<vmem>> -> memref<1x128xi32, #tpu.memory_space<vmem>>
        %dma_start3A_223 = tpu.memref_squeeze %dma_start3A_222 : memref<1x128xi32, #tpu.memory_space<vmem>> -> memref<128xi32, #tpu.memory_space<vmem>>
        %dma_start3A_224 = arith.constant 0 : i32
        %dma_start3A_225 = arith.constant 0 : i32
        %dma_start3A_226 = tpu.memref_slice %arg13[%dma_start3A_224, %dma_start3A_225] : memref<10240x128xf32, #tpu.memory_space<vmem_shared>> -> memref<10240x128xf32, #tpu.memory_space<vmem_shared>>
        tpu.enqueue_indirect_dma source(%arg11 : memref<128x128xf32, #tpu.memory_space<vmem>>) target(%dma_start3A_226 : memref<10240x128xf32, #tpu.memory_space<vmem_shared>>) offsets(%dma_start3A_223 : memref<128xi32, #tpu.memory_space<vmem>>) semaphore(%arg16 : memref<!tpu.dma_semaphore, #tpu.memory_space<semaphore_mem>>) {add = true}
        %dma_wait3A_227 = arith.constant 6 : i32
        %dma_wait3A_228 = arith.constant 0 : i32
        %dma_wait3A_229 = tpu.memref_slice %arg10[%dma_wait3A_227, %dma_wait3A_228] : memref<16x128xi32, #tpu.memory_space<vmem>> -> memref<1x128xi32, #tpu.memory_space<vmem>>
        %dma_wait3A_230 = tpu.memref_squeeze %dma_wait3A_229 : memref<1x128xi32, #tpu.memory_space<vmem>> -> memref<128xi32, #tpu.memory_space<vmem>>
        %dma_wait3A_231 = arith.constant 0 : i32
        %dma_wait3A_232 = arith.constant 0 : i32
        %dma_wait3A_233 = tpu.memref_slice %arg13[%dma_wait3A_231, %dma_wait3A_232] : memref<10240x128xf32, #tpu.memory_space<vmem_shared>> -> memref<10240x128xf32, #tpu.memory_space<vmem_shared>>
        tpu.wait_indirect_dma semaphore(%arg16 : memref<!tpu.dma_semaphore, #tpu.memory_space<semaphore_mem>>) src(%arg11 : memref<128x128xf32, #tpu.memory_space<vmem>>) dst(%dma_wait3A_233 : memref<10240x128xf32, #tpu.memory_space<vmem_shared>>)
        %dma_start3A_234 = arith.constant 8 : i32
        %dma_start3A_235 = arith.constant 0 : i32
        %dma_start3A_236 = tpu.memref_slice %arg9[%dma_start3A_234, %dma_start3A_235] : memref<16x128xi32, #tpu.memory_space<vmem>> -> memref<1x128xi32, #tpu.memory_space<vmem>>
        %dma_start3A_237 = tpu.memref_squeeze %dma_start3A_236 : memref<1x128xi32, #tpu.memory_space<vmem>> -> memref<128xi32, #tpu.memory_space<vmem>>
        %dma_start3A_238 = arith.constant 0 : i32
        %dma_start3A_239 = arith.constant 0 : i32
        %dma_start3A_240 = tpu.memref_slice %arg3[%dma_start3A_238, %dma_start3A_239] : memref<10000x128xf32, #tpu.memory_space<hbm>> -> memref<10000x128xf32, #tpu.memory_space<hbm>>
        tpu.enqueue_indirect_dma source(%dma_start3A_240 : memref<10000x128xf32, #tpu.memory_space<hbm>>) target(%arg11 : memref<128x128xf32, #tpu.memory_space<vmem>>) offsets(%dma_start3A_237 : memref<128xi32, #tpu.memory_space<vmem>>) semaphore(%arg14 : memref<!tpu.dma_semaphore, #tpu.memory_space<semaphore_mem>>)
        %dma_wait3A_241 = arith.constant 7 : i32
        %dma_wait3A_242 = arith.constant 0 : i32
        %dma_wait3A_243 = tpu.memref_slice %arg9[%dma_wait3A_241, %dma_wait3A_242] : memref<16x128xi32, #tpu.memory_space<vmem>> -> memref<1x128xi32, #tpu.memory_space<vmem>>
        %dma_wait3A_244 = tpu.memref_squeeze %dma_wait3A_243 : memref<1x128xi32, #tpu.memory_space<vmem>> -> memref<128xi32, #tpu.memory_space<vmem>>
        %dma_wait3A_245 = arith.constant 0 : i32
        %dma_wait3A_246 = arith.constant 0 : i32
        %dma_wait3A_247 = tpu.memref_slice %arg3[%dma_wait3A_245, %dma_wait3A_246] : memref<10000x128xf32, #tpu.memory_space<hbm>> -> memref<10000x128xf32, #tpu.memory_space<hbm>>
        tpu.wait_indirect_dma semaphore(%arg15 : memref<!tpu.dma_semaphore, #tpu.memory_space<semaphore_mem>>) src(%dma_wait3A_247 : memref<10000x128xf32, #tpu.memory_space<hbm>>) dst(%arg12 : memref<128x128xf32, #tpu.memory_space<vmem>>)
        %dma_start3A_248 = arith.constant 7 : i32
        %dma_start3A_249 = arith.constant 0 : i32
        %dma_start3A_250 = tpu.memref_slice %arg10[%dma_start3A_248, %dma_start3A_249] : memref<16x128xi32, #tpu.memory_space<vmem>> -> memref<1x128xi32, #tpu.memory_space<vmem>>
        %dma_start3A_251 = tpu.memref_squeeze %dma_start3A_250 : memref<1x128xi32, #tpu.memory_space<vmem>> -> memref<128xi32, #tpu.memory_space<vmem>>
        %dma_start3A_252 = arith.constant 0 : i32
        %dma_start3A_253 = arith.constant 0 : i32
        %dma_start3A_254 = tpu.memref_slice %arg13[%dma_start3A_252, %dma_start3A_253] : memref<10240x128xf32, #tpu.memory_space<vmem_shared>> -> memref<10240x128xf32, #tpu.memory_space<vmem_shared>>
        tpu.enqueue_indirect_dma source(%arg12 : memref<128x128xf32, #tpu.memory_space<vmem>>) target(%dma_start3A_254 : memref<10240x128xf32, #tpu.memory_space<vmem_shared>>) offsets(%dma_start3A_251 : memref<128xi32, #tpu.memory_space<vmem>>) semaphore(%arg17 : memref<!tpu.dma_semaphore, #tpu.memory_space<semaphore_mem>>) {add = true}
        %dma_wait3A_255 = arith.constant 7 : i32
        %dma_wait3A_256 = arith.constant 0 : i32
        %dma_wait3A_257 = tpu.memref_slice %arg10[%dma_wait3A_255, %dma_wait3A_256] : memref<16x128xi32, #tpu.memory_space<vmem>> -> memref<1x128xi32, #tpu.memory_space<vmem>>
        %dma_wait3A_258 = tpu.memref_squeeze %dma_wait3A_257 : memref<1x128xi32, #tpu.memory_space<vmem>> -> memref<128xi32, #tpu.memory_space<vmem>>
        %dma_wait3A_259 = arith.constant 0 : i32
        %dma_wait3A_260 = arith.constant 0 : i32
        %dma_wait3A_261 = tpu.memref_slice %arg13[%dma_wait3A_259, %dma_wait3A_260] : memref<10240x128xf32, #tpu.memory_space<vmem_shared>> -> memref<10240x128xf32, #tpu.memory_space<vmem_shared>>
        tpu.wait_indirect_dma semaphore(%arg17 : memref<!tpu.dma_semaphore, #tpu.memory_space<semaphore_mem>>) src(%arg12 : memref<128x128xf32, #tpu.memory_space<vmem>>) dst(%dma_wait3A_261 : memref<10240x128xf32, #tpu.memory_space<vmem_shared>>)
        %dma_start3A_262 = arith.constant 9 : i32
        %dma_start3A_263 = arith.constant 0 : i32
        %dma_start3A_264 = tpu.memref_slice %arg9[%dma_start3A_262, %dma_start3A_263] : memref<16x128xi32, #tpu.memory_space<vmem>> -> memref<1x128xi32, #tpu.memory_space<vmem>>
        %dma_start3A_265 = tpu.memref_squeeze %dma_start3A_264 : memref<1x128xi32, #tpu.memory_space<vmem>> -> memref<128xi32, #tpu.memory_space<vmem>>
        %dma_start3A_266 = arith.constant 0 : i32
        %dma_start3A_267 = arith.constant 0 : i32
        %dma_start3A_268 = tpu.memref_slice %arg3[%dma_start3A_266, %dma_start3A_267] : memref<10000x128xf32, #tpu.memory_space<hbm>> -> memref<10000x128xf32, #tpu.memory_space<hbm>>
        tpu.enqueue_indirect_dma source(%dma_start3A_268 : memref<10000x128xf32, #tpu.memory_space<hbm>>) target(%arg12 : memref<128x128xf32, #tpu.memory_space<vmem>>) offsets(%dma_start3A_265 : memref<128xi32, #tpu.memory_space<vmem>>) semaphore(%arg15 : memref<!tpu.dma_semaphore, #tpu.memory_space<semaphore_mem>>)
        %dma_wait3A_269 = arith.constant 8 : i32
        %dma_wait3A_270 = arith.constant 0 : i32
        %dma_wait3A_271 = tpu.memref_slice %arg9[%dma_wait3A_269, %dma_wait3A_270] : memref<16x128xi32, #tpu.memory_space<vmem>> -> memref<1x128xi32, #tpu.memory_space<vmem>>
        %dma_wait3A_272 = tpu.memref_squeeze %dma_wait3A_271 : memref<1x128xi32, #tpu.memory_space<vmem>> -> memref<128xi32, #tpu.memory_space<vmem>>
        %dma_wait3A_273 = arith.constant 0 : i32
        %dma_wait3A_274 = arith.constant 0 : i32
        %dma_wait3A_275 = tpu.memref_slice %arg3[%dma_wait3A_273, %dma_wait3A_274] : memref<10000x128xf32, #tpu.memory_space<hbm>> -> memref<10000x128xf32, #tpu.memory_space<hbm>>
        tpu.wait_indirect_dma semaphore(%arg14 : memref<!tpu.dma_semaphore, #tpu.memory_space<semaphore_mem>>) src(%dma_wait3A_275 : memref<10000x128xf32, #tpu.memory_space<hbm>>) dst(%arg11 : memref<128x128xf32, #tpu.memory_space<vmem>>)
        %dma_start3A_276 = arith.constant 8 : i32
        %dma_start3A_277 = arith.constant 0 : i32
        %dma_start3A_278 = tpu.memref_slice %arg10[%dma_start3A_276, %dma_start3A_277] : memref<16x128xi32, #tpu.memory_space<vmem>> -> memref<1x128xi32, #tpu.memory_space<vmem>>
        %dma_start3A_279 = tpu.memref_squeeze %dma_start3A_278 : memref<1x128xi32, #tpu.memory_space<vmem>> -> memref<128xi32, #tpu.memory_space<vmem>>
        %dma_start3A_280 = arith.constant 0 : i32
        %dma_start3A_281 = arith.constant 0 : i32
        %dma_start3A_282 = tpu.memref_slice %arg13[%dma_start3A_280, %dma_start3A_281] : memref<10240x128xf32, #tpu.memory_space<vmem_shared>> -> memref<10240x128xf32, #tpu.memory_space<vmem_shared>>
        tpu.enqueue_indirect_dma source(%arg11 : memref<128x128xf32, #tpu.memory_space<vmem>>) target(%dma_start3A_282 : memref<10240x128xf32, #tpu.memory_space<vmem_shared>>) offsets(%dma_start3A_279 : memref<128xi32, #tpu.memory_space<vmem>>) semaphore(%arg16 : memref<!tpu.dma_semaphore, #tpu.memory_space<semaphore_mem>>) {add = true}
        %dma_wait3A_283 = arith.constant 8 : i32
        %dma_wait3A_284 = arith.constant 0 : i32
        %dma_wait3A_285 = tpu.memref_slice %arg10[%dma_wait3A_283, %dma_wait3A_284] : memref<16x128xi32, #tpu.memory_space<vmem>> -> memref<1x128xi32, #tpu.memory_space<vmem>>
        %dma_wait3A_286 = tpu.memref_squeeze %dma_wait3A_285 : memref<1x128xi32, #tpu.memory_space<vmem>> -> memref<128xi32, #tpu.memory_space<vmem>>
        %dma_wait3A_287 = arith.constant 0 : i32
        %dma_wait3A_288 = arith.constant 0 : i32
        %dma_wait3A_289 = tpu.memref_slice %arg13[%dma_wait3A_287, %dma_wait3A_288] : memref<10240x128xf32, #tpu.memory_space<vmem_shared>> -> memref<10240x128xf32, #tpu.memory_space<vmem_shared>>
        tpu.wait_indirect_dma semaphore(%arg16 : memref<!tpu.dma_semaphore, #tpu.memory_space<semaphore_mem>>) src(%arg11 : memref<128x128xf32, #tpu.memory_space<vmem>>) dst(%dma_wait3A_289 : memref<10240x128xf32, #tpu.memory_space<vmem_shared>>)
        %dma_start3A_290 = arith.constant 10 : i32
        %dma_start3A_291 = arith.constant 0 : i32
        %dma_start3A_292 = tpu.memref_slice %arg9[%dma_start3A_290, %dma_start3A_291] : memref<16x128xi32, #tpu.memory_space<vmem>> -> memref<1x128xi32, #tpu.memory_space<vmem>>
        %dma_start3A_293 = tpu.memref_squeeze %dma_start3A_292 : memref<1x128xi32, #tpu.memory_space<vmem>> -> memref<128xi32, #tpu.memory_space<vmem>>
        %dma_start3A_294 = arith.constant 0 : i32
        %dma_start3A_295 = arith.constant 0 : i32
        %dma_start3A_296 = tpu.memref_slice %arg3[%dma_start3A_294, %dma_start3A_295] : memref<10000x128xf32, #tpu.memory_space<hbm>> -> memref<10000x128xf32, #tpu.memory_space<hbm>>
        tpu.enqueue_indirect_dma source(%dma_start3A_296 : memref<10000x128xf32, #tpu.memory_space<hbm>>) target(%arg11 : memref<128x128xf32, #tpu.memory_space<vmem>>) offsets(%dma_start3A_293 : memref<128xi32, #tpu.memory_space<vmem>>) semaphore(%arg14 : memref<!tpu.dma_semaphore, #tpu.memory_space<semaphore_mem>>)
        %dma_wait3A_297 = arith.constant 9 : i32
        %dma_wait3A_298 = arith.constant 0 : i32
        %dma_wait3A_299 = tpu.memref_slice %arg9[%dma_wait3A_297, %dma_wait3A_298] : memref<16x128xi32, #tpu.memory_space<vmem>> -> memref<1x128xi32, #tpu.memory_space<vmem>>
        %dma_wait3A_300 = tpu.memref_squeeze %dma_wait3A_299 : memref<1x128xi32, #tpu.memory_space<vmem>> -> memref<128xi32, #tpu.memory_space<vmem>>
        %dma_wait3A_301 = arith.constant 0 : i32
        %dma_wait3A_302 = arith.constant 0 : i32
        %dma_wait3A_303 = tpu.memref_slice %arg3[%dma_wait3A_301, %dma_wait3A_302] : memref<10000x128xf32, #tpu.memory_space<hbm>> -> memref<10000x128xf32, #tpu.memory_space<hbm>>
        tpu.wait_indirect_dma semaphore(%arg15 : memref<!tpu.dma_semaphore, #tpu.memory_space<semaphore_mem>>) src(%dma_wait3A_303 : memref<10000x128xf32, #tpu.memory_space<hbm>>) dst(%arg12 : memref<128x128xf32, #tpu.memory_space<vmem>>)
        %dma_start3A_304 = arith.constant 9 : i32
        %dma_start3A_305 = arith.constant 0 : i32
        %dma_start3A_306 = tpu.memref_slice %arg10[%dma_start3A_304, %dma_start3A_305] : memref<16x128xi32, #tpu.memory_space<vmem>> -> memref<1x128xi32, #tpu.memory_space<vmem>>
        %dma_start3A_307 = tpu.memref_squeeze %dma_start3A_306 : memref<1x128xi32, #tpu.memory_space<vmem>> -> memref<128xi32, #tpu.memory_space<vmem>>
        %dma_start3A_308 = arith.constant 0 : i32
        %dma_start3A_309 = arith.constant 0 : i32
        %dma_start3A_310 = tpu.memref_slice %arg13[%dma_start3A_308, %dma_start3A_309] : memref<10240x128xf32, #tpu.memory_space<vmem_shared>> -> memref<10240x128xf32, #tpu.memory_space<vmem_shared>>
        tpu.enqueue_indirect_dma source(%arg12 : memref<128x128xf32, #tpu.memory_space<vmem>>) target(%dma_start3A_310 : memref<10240x128xf32, #tpu.memory_space<vmem_shared>>) offsets(%dma_start3A_307 : memref<128xi32, #tpu.memory_space<vmem>>) semaphore(%arg17 : memref<!tpu.dma_semaphore, #tpu.memory_space<semaphore_mem>>) {add = true}
        %dma_wait3A_311 = arith.constant 9 : i32
        %dma_wait3A_312 = arith.constant 0 : i32
        %dma_wait3A_313 = tpu.memref_slice %arg10[%dma_wait3A_311, %dma_wait3A_312] : memref<16x128xi32, #tpu.memory_space<vmem>> -> memref<1x128xi32, #tpu.memory_space<vmem>>
        %dma_wait3A_314 = tpu.memref_squeeze %dma_wait3A_313 : memref<1x128xi32, #tpu.memory_space<vmem>> -> memref<128xi32, #tpu.memory_space<vmem>>
        %dma_wait3A_315 = arith.constant 0 : i32
        %dma_wait3A_316 = arith.constant 0 : i32
        %dma_wait3A_317 = tpu.memref_slice %arg13[%dma_wait3A_315, %dma_wait3A_316] : memref<10240x128xf32, #tpu.memory_space<vmem_shared>> -> memref<10240x128xf32, #tpu.memory_space<vmem_shared>>
        tpu.wait_indirect_dma semaphore(%arg17 : memref<!tpu.dma_semaphore, #tpu.memory_space<semaphore_mem>>) src(%arg12 : memref<128x128xf32, #tpu.memory_space<vmem>>) dst(%dma_wait3A_317 : memref<10240x128xf32, #tpu.memory_space<vmem_shared>>)
        %dma_start3A_318 = arith.constant 11 : i32
        %dma_start3A_319 = arith.constant 0 : i32
        %dma_start3A_320 = tpu.memref_slice %arg9[%dma_start3A_318, %dma_start3A_319] : memref<16x128xi32, #tpu.memory_space<vmem>> -> memref<1x128xi32, #tpu.memory_space<vmem>>
        %dma_start3A_321 = tpu.memref_squeeze %dma_start3A_320 : memref<1x128xi32, #tpu.memory_space<vmem>> -> memref<128xi32, #tpu.memory_space<vmem>>
        %dma_start3A_322 = arith.constant 0 : i32
        %dma_start3A_323 = arith.constant 0 : i32
        %dma_start3A_324 = tpu.memref_slice %arg3[%dma_start3A_322, %dma_start3A_323] : memref<10000x128xf32, #tpu.memory_space<hbm>> -> memref<10000x128xf32, #tpu.memory_space<hbm>>
        tpu.enqueue_indirect_dma source(%dma_start3A_324 : memref<10000x128xf32, #tpu.memory_space<hbm>>) target(%arg12 : memref<128x128xf32, #tpu.memory_space<vmem>>) offsets(%dma_start3A_321 : memref<128xi32, #tpu.memory_space<vmem>>) semaphore(%arg15 : memref<!tpu.dma_semaphore, #tpu.memory_space<semaphore_mem>>)
        %dma_wait3A_325 = arith.constant 10 : i32
        %dma_wait3A_326 = arith.constant 0 : i32
        %dma_wait3A_327 = tpu.memref_slice %arg9[%dma_wait3A_325, %dma_wait3A_326] : memref<16x128xi32, #tpu.memory_space<vmem>> -> memref<1x128xi32, #tpu.memory_space<vmem>>
        %dma_wait3A_328 = tpu.memref_squeeze %dma_wait3A_327 : memref<1x128xi32, #tpu.memory_space<vmem>> -> memref<128xi32, #tpu.memory_space<vmem>>
        %dma_wait3A_329 = arith.constant 0 : i32
        %dma_wait3A_330 = arith.constant 0 : i32
        %dma_wait3A_331 = tpu.memref_slice %arg3[%dma_wait3A_329, %dma_wait3A_330] : memref<10000x128xf32, #tpu.memory_space<hbm>> -> memref<10000x128xf32, #tpu.memory_space<hbm>>
        tpu.wait_indirect_dma semaphore(%arg14 : memref<!tpu.dma_semaphore, #tpu.memory_space<semaphore_mem>>) src(%dma_wait3A_331 : memref<10000x128xf32, #tpu.memory_space<hbm>>) dst(%arg11 : memref<128x128xf32, #tpu.memory_space<vmem>>)
        %dma_start3A_332 = arith.constant 10 : i32
        %dma_start3A_333 = arith.constant 0 : i32
        %dma_start3A_334 = tpu.memref_slice %arg10[%dma_start3A_332, %dma_start3A_333] : memref<16x128xi32, #tpu.memory_space<vmem>> -> memref<1x128xi32, #tpu.memory_space<vmem>>
        %dma_start3A_335 = tpu.memref_squeeze %dma_start3A_334 : memref<1x128xi32, #tpu.memory_space<vmem>> -> memref<128xi32, #tpu.memory_space<vmem>>
        %dma_start3A_336 = arith.constant 0 : i32
        %dma_start3A_337 = arith.constant 0 : i32
        %dma_start3A_338 = tpu.memref_slice %arg13[%dma_start3A_336, %dma_start3A_337] : memref<10240x128xf32, #tpu.memory_space<vmem_shared>> -> memref<10240x128xf32, #tpu.memory_space<vmem_shared>>
        tpu.enqueue_indirect_dma source(%arg11 : memref<128x128xf32, #tpu.memory_space<vmem>>) target(%dma_start3A_338 : memref<10240x128xf32, #tpu.memory_space<vmem_shared>>) offsets(%dma_start3A_335 : memref<128xi32, #tpu.memory_space<vmem>>) semaphore(%arg16 : memref<!tpu.dma_semaphore, #tpu.memory_space<semaphore_mem>>) {add = true}
        %dma_wait3A_339 = arith.constant 10 : i32
        %dma_wait3A_340 = arith.constant 0 : i32
        %dma_wait3A_341 = tpu.memref_slice %arg10[%dma_wait3A_339, %dma_wait3A_340] : memref<16x128xi32, #tpu.memory_space<vmem>> -> memref<1x128xi32, #tpu.memory_space<vmem>>
        %dma_wait3A_342 = tpu.memref_squeeze %dma_wait3A_341 : memref<1x128xi32, #tpu.memory_space<vmem>> -> memref<128xi32, #tpu.memory_space<vmem>>
        %dma_wait3A_343 = arith.constant 0 : i32
        %dma_wait3A_344 = arith.constant 0 : i32
        %dma_wait3A_345 = tpu.memref_slice %arg13[%dma_wait3A_343, %dma_wait3A_344] : memref<10240x128xf32, #tpu.memory_space<vmem_shared>> -> memref<10240x128xf32, #tpu.memory_space<vmem_shared>>
        tpu.wait_indirect_dma semaphore(%arg16 : memref<!tpu.dma_semaphore, #tpu.memory_space<semaphore_mem>>) src(%arg11 : memref<128x128xf32, #tpu.memory_space<vmem>>) dst(%dma_wait3A_345 : memref<10240x128xf32, #tpu.memory_space<vmem_shared>>)
        %dma_start3A_346 = arith.constant 12 : i32
        %dma_start3A_347 = arith.constant 0 : i32
        %dma_start3A_348 = tpu.memref_slice %arg9[%dma_start3A_346, %dma_start3A_347] : memref<16x128xi32, #tpu.memory_space<vmem>> -> memref<1x128xi32, #tpu.memory_space<vmem>>
        %dma_start3A_349 = tpu.memref_squeeze %dma_start3A_348 : memref<1x128xi32, #tpu.memory_space<vmem>> -> memref<128xi32, #tpu.memory_space<vmem>>
        %dma_start3A_350 = arith.constant 0 : i32
        %dma_start3A_351 = arith.constant 0 : i32
        %dma_start3A_352 = tpu.memref_slice %arg3[%dma_start3A_350, %dma_start3A_351] : memref<10000x128xf32, #tpu.memory_space<hbm>> -> memref<10000x128xf32, #tpu.memory_space<hbm>>
        tpu.enqueue_indirect_dma source(%dma_start3A_352 : memref<10000x128xf32, #tpu.memory_space<hbm>>) target(%arg11 : memref<128x128xf32, #tpu.memory_space<vmem>>) offsets(%dma_start3A_349 : memref<128xi32, #tpu.memory_space<vmem>>) semaphore(%arg14 : memref<!tpu.dma_semaphore, #tpu.memory_space<semaphore_mem>>)
        %dma_wait3A_353 = arith.constant 11 : i32
        %dma_wait3A_354 = arith.constant 0 : i32
        %dma_wait3A_355 = tpu.memref_slice %arg9[%dma_wait3A_353, %dma_wait3A_354] : memref<16x128xi32, #tpu.memory_space<vmem>> -> memref<1x128xi32, #tpu.memory_space<vmem>>
        %dma_wait3A_356 = tpu.memref_squeeze %dma_wait3A_355 : memref<1x128xi32, #tpu.memory_space<vmem>> -> memref<128xi32, #tpu.memory_space<vmem>>
        %dma_wait3A_357 = arith.constant 0 : i32
        %dma_wait3A_358 = arith.constant 0 : i32
        %dma_wait3A_359 = tpu.memref_slice %arg3[%dma_wait3A_357, %dma_wait3A_358] : memref<10000x128xf32, #tpu.memory_space<hbm>> -> memref<10000x128xf32, #tpu.memory_space<hbm>>
        tpu.wait_indirect_dma semaphore(%arg15 : memref<!tpu.dma_semaphore, #tpu.memory_space<semaphore_mem>>) src(%dma_wait3A_359 : memref<10000x128xf32, #tpu.memory_space<hbm>>) dst(%arg12 : memref<128x128xf32, #tpu.memory_space<vmem>>)
        %dma_start3A_360 = arith.constant 11 : i32
        %dma_start3A_361 = arith.constant 0 : i32
        %dma_start3A_362 = tpu.memref_slice %arg10[%dma_start3A_360, %dma_start3A_361] : memref<16x128xi32, #tpu.memory_space<vmem>> -> memref<1x128xi32, #tpu.memory_space<vmem>>
        %dma_start3A_363 = tpu.memref_squeeze %dma_start3A_362 : memref<1x128xi32, #tpu.memory_space<vmem>> -> memref<128xi32, #tpu.memory_space<vmem>>
        %dma_start3A_364 = arith.constant 0 : i32
        %dma_start3A_365 = arith.constant 0 : i32
        %dma_start3A_366 = tpu.memref_slice %arg13[%dma_start3A_364, %dma_start3A_365] : memref<10240x128xf32, #tpu.memory_space<vmem_shared>> -> memref<10240x128xf32, #tpu.memory_space<vmem_shared>>
        tpu.enqueue_indirect_dma source(%arg12 : memref<128x128xf32, #tpu.memory_space<vmem>>) target(%dma_start3A_366 : memref<10240x128xf32, #tpu.memory_space<vmem_shared>>) offsets(%dma_start3A_363 : memref<128xi32, #tpu.memory_space<vmem>>) semaphore(%arg17 : memref<!tpu.dma_semaphore, #tpu.memory_space<semaphore_mem>>) {add = true}
        %dma_wait3A_367 = arith.constant 11 : i32
        %dma_wait3A_368 = arith.constant 0 : i32
        %dma_wait3A_369 = tpu.memref_slice %arg10[%dma_wait3A_367, %dma_wait3A_368] : memref<16x128xi32, #tpu.memory_space<vmem>> -> memref<1x128xi32, #tpu.memory_space<vmem>>
        %dma_wait3A_370 = tpu.memref_squeeze %dma_wait3A_369 : memref<1x128xi32, #tpu.memory_space<vmem>> -> memref<128xi32, #tpu.memory_space<vmem>>
        %dma_wait3A_371 = arith.constant 0 : i32
        %dma_wait3A_372 = arith.constant 0 : i32
        %dma_wait3A_373 = tpu.memref_slice %arg13[%dma_wait3A_371, %dma_wait3A_372] : memref<10240x128xf32, #tpu.memory_space<vmem_shared>> -> memref<10240x128xf32, #tpu.memory_space<vmem_shared>>
        tpu.wait_indirect_dma semaphore(%arg17 : memref<!tpu.dma_semaphore, #tpu.memory_space<semaphore_mem>>) src(%arg12 : memref<128x128xf32, #tpu.memory_space<vmem>>) dst(%dma_wait3A_373 : memref<10240x128xf32, #tpu.memory_space<vmem_shared>>)
        %dma_start3A_374 = arith.constant 13 : i32
        %dma_start3A_375 = arith.constant 0 : i32
        %dma_start3A_376 = tpu.memref_slice %arg9[%dma_start3A_374, %dma_start3A_375] : memref<16x128xi32, #tpu.memory_space<vmem>> -> memref<1x128xi32, #tpu.memory_space<vmem>>
        %dma_start3A_377 = tpu.memref_squeeze %dma_start3A_376 : memref<1x128xi32, #tpu.memory_space<vmem>> -> memref<128xi32, #tpu.memory_space<vmem>>
        %dma_start3A_378 = arith.constant 0 : i32
        %dma_start3A_379 = arith.constant 0 : i32
        %dma_start3A_380 = tpu.memref_slice %arg3[%dma_start3A_378, %dma_start3A_379] : memref<10000x128xf32, #tpu.memory_space<hbm>> -> memref<10000x128xf32, #tpu.memory_space<hbm>>
        tpu.enqueue_indirect_dma source(%dma_start3A_380 : memref<10000x128xf32, #tpu.memory_space<hbm>>) target(%arg12 : memref<128x128xf32, #tpu.memory_space<vmem>>) offsets(%dma_start3A_377 : memref<128xi32, #tpu.memory_space<vmem>>) semaphore(%arg15 : memref<!tpu.dma_semaphore, #tpu.memory_space<semaphore_mem>>)
        %dma_wait3A_381 = arith.constant 12 : i32
        %dma_wait3A_382 = arith.constant 0 : i32
        %dma_wait3A_383 = tpu.memref_slice %arg9[%dma_wait3A_381, %dma_wait3A_382] : memref<16x128xi32, #tpu.memory_space<vmem>> -> memref<1x128xi32, #tpu.memory_space<vmem>>
        %dma_wait3A_384 = tpu.memref_squeeze %dma_wait3A_383 : memref<1x128xi32, #tpu.memory_space<vmem>> -> memref<128xi32, #tpu.memory_space<vmem>>
        %dma_wait3A_385 = arith.constant 0 : i32
        %dma_wait3A_386 = arith.constant 0 : i32
        %dma_wait3A_387 = tpu.memref_slice %arg3[%dma_wait3A_385, %dma_wait3A_386] : memref<10000x128xf32, #tpu.memory_space<hbm>> -> memref<10000x128xf32, #tpu.memory_space<hbm>>
        tpu.wait_indirect_dma semaphore(%arg14 : memref<!tpu.dma_semaphore, #tpu.memory_space<semaphore_mem>>) src(%dma_wait3A_387 : memref<10000x128xf32, #tpu.memory_space<hbm>>) dst(%arg11 : memref<128x128xf32, #tpu.memory_space<vmem>>)
        %dma_start3A_388 = arith.constant 12 : i32
        %dma_start3A_389 = arith.constant 0 : i32
        %dma_start3A_390 = tpu.memref_slice %arg10[%dma_start3A_388, %dma_start3A_389] : memref<16x128xi32, #tpu.memory_space<vmem>> -> memref<1x128xi32, #tpu.memory_space<vmem>>
        %dma_start3A_391 = tpu.memref_squeeze %dma_start3A_390 : memref<1x128xi32, #tpu.memory_space<vmem>> -> memref<128xi32, #tpu.memory_space<vmem>>
        %dma_start3A_392 = arith.constant 0 : i32
        %dma_start3A_393 = arith.constant 0 : i32
        %dma_start3A_394 = tpu.memref_slice %arg13[%dma_start3A_392, %dma_start3A_393] : memref<10240x128xf32, #tpu.memory_space<vmem_shared>> -> memref<10240x128xf32, #tpu.memory_space<vmem_shared>>
        tpu.enqueue_indirect_dma source(%arg11 : memref<128x128xf32, #tpu.memory_space<vmem>>) target(%dma_start3A_394 : memref<10240x128xf32, #tpu.memory_space<vmem_shared>>) offsets(%dma_start3A_391 : memref<128xi32, #tpu.memory_space<vmem>>) semaphore(%arg16 : memref<!tpu.dma_semaphore, #tpu.memory_space<semaphore_mem>>) {add = true}
        %dma_wait3A_395 = arith.constant 12 : i32
        %dma_wait3A_396 = arith.constant 0 : i32
        %dma_wait3A_397 = tpu.memref_slice %arg10[%dma_wait3A_395, %dma_wait3A_396] : memref<16x128xi32, #tpu.memory_space<vmem>> -> memref<1x128xi32, #tpu.memory_space<vmem>>
        %dma_wait3A_398 = tpu.memref_squeeze %dma_wait3A_397 : memref<1x128xi32, #tpu.memory_space<vmem>> -> memref<128xi32, #tpu.memory_space<vmem>>
        %dma_wait3A_399 = arith.constant 0 : i32
        %dma_wait3A_400 = arith.constant 0 : i32
        %dma_wait3A_401 = tpu.memref_slice %arg13[%dma_wait3A_399, %dma_wait3A_400] : memref<10240x128xf32, #tpu.memory_space<vmem_shared>> -> memref<10240x128xf32, #tpu.memory_space<vmem_shared>>
        tpu.wait_indirect_dma semaphore(%arg16 : memref<!tpu.dma_semaphore, #tpu.memory_space<semaphore_mem>>) src(%arg11 : memref<128x128xf32, #tpu.memory_space<vmem>>) dst(%dma_wait3A_401 : memref<10240x128xf32, #tpu.memory_space<vmem_shared>>)
        %dma_start3A_402 = arith.constant 14 : i32
        %dma_start3A_403 = arith.constant 0 : i32
        %dma_start3A_404 = tpu.memref_slice %arg9[%dma_start3A_402, %dma_start3A_403] : memref<16x128xi32, #tpu.memory_space<vmem>> -> memref<1x128xi32, #tpu.memory_space<vmem>>
        %dma_start3A_405 = tpu.memref_squeeze %dma_start3A_404 : memref<1x128xi32, #tpu.memory_space<vmem>> -> memref<128xi32, #tpu.memory_space<vmem>>
        %dma_start3A_406 = arith.constant 0 : i32
        %dma_start3A_407 = arith.constant 0 : i32
        %dma_start3A_408 = tpu.memref_slice %arg3[%dma_start3A_406, %dma_start3A_407] : memref<10000x128xf32, #tpu.memory_space<hbm>> -> memref<10000x128xf32, #tpu.memory_space<hbm>>
        tpu.enqueue_indirect_dma source(%dma_start3A_408 : memref<10000x128xf32, #tpu.memory_space<hbm>>) target(%arg11 : memref<128x128xf32, #tpu.memory_space<vmem>>) offsets(%dma_start3A_405 : memref<128xi32, #tpu.memory_space<vmem>>) semaphore(%arg14 : memref<!tpu.dma_semaphore, #tpu.memory_space<semaphore_mem>>)
        %dma_wait3A_409 = arith.constant 13 : i32
        %dma_wait3A_410 = arith.constant 0 : i32
        %dma_wait3A_411 = tpu.memref_slice %arg9[%dma_wait3A_409, %dma_wait3A_410] : memref<16x128xi32, #tpu.memory_space<vmem>> -> memref<1x128xi32, #tpu.memory_space<vmem>>
        %dma_wait3A_412 = tpu.memref_squeeze %dma_wait3A_411 : memref<1x128xi32, #tpu.memory_space<vmem>> -> memref<128xi32, #tpu.memory_space<vmem>>
        %dma_wait3A_413 = arith.constant 0 : i32
        %dma_wait3A_414 = arith.constant 0 : i32
        %dma_wait3A_415 = tpu.memref_slice %arg3[%dma_wait3A_413, %dma_wait3A_414] : memref<10000x128xf32, #tpu.memory_space<hbm>> -> memref<10000x128xf32, #tpu.memory_space<hbm>>
        tpu.wait_indirect_dma semaphore(%arg15 : memref<!tpu.dma_semaphore, #tpu.memory_space<semaphore_mem>>) src(%dma_wait3A_415 : memref<10000x128xf32, #tpu.memory_space<hbm>>) dst(%arg12 : memref<128x128xf32, #tpu.memory_space<vmem>>)
        %dma_start3A_416 = arith.constant 13 : i32
        %dma_start3A_417 = arith.constant 0 : i32
        %dma_start3A_418 = tpu.memref_slice %arg10[%dma_start3A_416, %dma_start3A_417] : memref<16x128xi32, #tpu.memory_space<vmem>> -> memref<1x128xi32, #tpu.memory_space<vmem>>
        %dma_start3A_419 = tpu.memref_squeeze %dma_start3A_418 : memref<1x128xi32, #tpu.memory_space<vmem>> -> memref<128xi32, #tpu.memory_space<vmem>>
        %dma_start3A_420 = arith.constant 0 : i32
        %dma_start3A_421 = arith.constant 0 : i32
        %dma_start3A_422 = tpu.memref_slice %arg13[%dma_start3A_420, %dma_start3A_421] : memref<10240x128xf32, #tpu.memory_space<vmem_shared>> -> memref<10240x128xf32, #tpu.memory_space<vmem_shared>>
        tpu.enqueue_indirect_dma source(%arg12 : memref<128x128xf32, #tpu.memory_space<vmem>>) target(%dma_start3A_422 : memref<10240x128xf32, #tpu.memory_space<vmem_shared>>) offsets(%dma_start3A_419 : memref<128xi32, #tpu.memory_space<vmem>>) semaphore(%arg17 : memref<!tpu.dma_semaphore, #tpu.memory_space<semaphore_mem>>) {add = true}
        %dma_wait3A_423 = arith.constant 13 : i32
        %dma_wait3A_424 = arith.constant 0 : i32
        %dma_wait3A_425 = tpu.memref_slice %arg10[%dma_wait3A_423, %dma_wait3A_424] : memref<16x128xi32, #tpu.memory_space<vmem>> -> memref<1x128xi32, #tpu.memory_space<vmem>>
        %dma_wait3A_426 = tpu.memref_squeeze %dma_wait3A_425 : memref<1x128xi32, #tpu.memory_space<vmem>> -> memref<128xi32, #tpu.memory_space<vmem>>
        %dma_wait3A_427 = arith.constant 0 : i32
        %dma_wait3A_428 = arith.constant 0 : i32
        %dma_wait3A_429 = tpu.memref_slice %arg13[%dma_wait3A_427, %dma_wait3A_428] : memref<10240x128xf32, #tpu.memory_space<vmem_shared>> -> memref<10240x128xf32, #tpu.memory_space<vmem_shared>>
        tpu.wait_indirect_dma semaphore(%arg17 : memref<!tpu.dma_semaphore, #tpu.memory_space<semaphore_mem>>) src(%arg12 : memref<128x128xf32, #tpu.memory_space<vmem>>) dst(%dma_wait3A_429 : memref<10240x128xf32, #tpu.memory_space<vmem_shared>>)
        %dma_start3A_430 = arith.constant 15 : i32
        %dma_start3A_431 = arith.constant 0 : i32
        %dma_start3A_432 = tpu.memref_slice %arg9[%dma_start3A_430, %dma_start3A_431] : memref<16x128xi32, #tpu.memory_space<vmem>> -> memref<1x128xi32, #tpu.memory_space<vmem>>
        %dma_start3A_433 = tpu.memref_squeeze %dma_start3A_432 : memref<1x128xi32, #tpu.memory_space<vmem>> -> memref<128xi32, #tpu.memory_space<vmem>>
        %dma_start3A_434 = arith.constant 0 : i32
        %dma_start3A_435 = arith.constant 0 : i32
        %dma_start3A_436 = tpu.memref_slice %arg3[%dma_start3A_434, %dma_start3A_435] : memref<10000x128xf32, #tpu.memory_space<hbm>> -> memref<10000x128xf32, #tpu.memory_space<hbm>>
        tpu.enqueue_indirect_dma source(%dma_start3A_436 : memref<10000x128xf32, #tpu.memory_space<hbm>>) target(%arg12 : memref<128x128xf32, #tpu.memory_space<vmem>>) offsets(%dma_start3A_433 : memref<128xi32, #tpu.memory_space<vmem>>) semaphore(%arg15 : memref<!tpu.dma_semaphore, #tpu.memory_space<semaphore_mem>>)
        %dma_wait3A_437 = arith.constant 14 : i32
        %dma_wait3A_438 = arith.constant 0 : i32
        %dma_wait3A_439 = tpu.memref_slice %arg9[%dma_wait3A_437, %dma_wait3A_438] : memref<16x128xi32, #tpu.memory_space<vmem>> -> memref<1x128xi32, #tpu.memory_space<vmem>>
        %dma_wait3A_440 = tpu.memref_squeeze %dma_wait3A_439 : memref<1x128xi32, #tpu.memory_space<vmem>> -> memref<128xi32, #tpu.memory_space<vmem>>
        %dma_wait3A_441 = arith.constant 0 : i32
        %dma_wait3A_442 = arith.constant 0 : i32
        %dma_wait3A_443 = tpu.memref_slice %arg3[%dma_wait3A_441, %dma_wait3A_442] : memref<10000x128xf32, #tpu.memory_space<hbm>> -> memref<10000x128xf32, #tpu.memory_space<hbm>>
        tpu.wait_indirect_dma semaphore(%arg14 : memref<!tpu.dma_semaphore, #tpu.memory_space<semaphore_mem>>) src(%dma_wait3A_443 : memref<10000x128xf32, #tpu.memory_space<hbm>>) dst(%arg11 : memref<128x128xf32, #tpu.memory_space<vmem>>)
        %dma_start3A_444 = arith.constant 14 : i32
        %dma_start3A_445 = arith.constant 0 : i32
        %dma_start3A_446 = tpu.memref_slice %arg10[%dma_start3A_444, %dma_start3A_445] : memref<16x128xi32, #tpu.memory_space<vmem>> -> memref<1x128xi32, #tpu.memory_space<vmem>>
        %dma_start3A_447 = tpu.memref_squeeze %dma_start3A_446 : memref<1x128xi32, #tpu.memory_space<vmem>> -> memref<128xi32, #tpu.memory_space<vmem>>
        %dma_start3A_448 = arith.constant 0 : i32
        %dma_start3A_449 = arith.constant 0 : i32
        %dma_start3A_450 = tpu.memref_slice %arg13[%dma_start3A_448, %dma_start3A_449] : memref<10240x128xf32, #tpu.memory_space<vmem_shared>> -> memref<10240x128xf32, #tpu.memory_space<vmem_shared>>
        tpu.enqueue_indirect_dma source(%arg11 : memref<128x128xf32, #tpu.memory_space<vmem>>) target(%dma_start3A_450 : memref<10240x128xf32, #tpu.memory_space<vmem_shared>>) offsets(%dma_start3A_447 : memref<128xi32, #tpu.memory_space<vmem>>) semaphore(%arg16 : memref<!tpu.dma_semaphore, #tpu.memory_space<semaphore_mem>>) {add = true}
        %dma_wait3A_451 = arith.constant 14 : i32
        %dma_wait3A_452 = arith.constant 0 : i32
        %dma_wait3A_453 = tpu.memref_slice %arg10[%dma_wait3A_451, %dma_wait3A_452] : memref<16x128xi32, #tpu.memory_space<vmem>> -> memref<1x128xi32, #tpu.memory_space<vmem>>
        %dma_wait3A_454 = tpu.memref_squeeze %dma_wait3A_453 : memref<1x128xi32, #tpu.memory_space<vmem>> -> memref<128xi32, #tpu.memory_space<vmem>>
        %dma_wait3A_455 = arith.constant 0 : i32
        %dma_wait3A_456 = arith.constant 0 : i32
        %dma_wait3A_457 = tpu.memref_slice %arg13[%dma_wait3A_455, %dma_wait3A_456] : memref<10240x128xf32, #tpu.memory_space<vmem_shared>> -> memref<10240x128xf32, #tpu.memory_space<vmem_shared>>
        tpu.wait_indirect_dma semaphore(%arg16 : memref<!tpu.dma_semaphore, #tpu.memory_space<semaphore_mem>>) src(%arg11 : memref<128x128xf32, #tpu.memory_space<vmem>>) dst(%dma_wait3A_457 : memref<10240x128xf32, #tpu.memory_space<vmem_shared>>)
        %dma_wait3A_458 = arith.constant 15 : i32
        %dma_wait3A_459 = arith.constant 0 : i32
        %dma_wait3A_460 = tpu.memref_slice %arg9[%dma_wait3A_458, %dma_wait3A_459] : memref<16x128xi32, #tpu.memory_space<vmem>> -> memref<1x128xi32, #tpu.memory_space<vmem>>
        %dma_wait3A_461 = tpu.memref_squeeze %dma_wait3A_460 : memref<1x128xi32, #tpu.memory_space<vmem>> -> memref<128xi32, #tpu.memory_space<vmem>>
        %dma_wait3A_462 = arith.constant 0 : i32
        %dma_wait3A_463 = arith.constant 0 : i32
        %dma_wait3A_464 = tpu.memref_slice %arg3[%dma_wait3A_462, %dma_wait3A_463] : memref<10000x128xf32, #tpu.memory_space<hbm>> -> memref<10000x128xf32, #tpu.memory_space<hbm>>
        tpu.wait_indirect_dma semaphore(%arg15 : memref<!tpu.dma_semaphore, #tpu.memory_space<semaphore_mem>>) src(%dma_wait3A_464 : memref<10000x128xf32, #tpu.memory_space<hbm>>) dst(%arg12 : memref<128x128xf32, #tpu.memory_space<vmem>>)
        %dma_start3A_465 = arith.constant 15 : i32
        %dma_start3A_466 = arith.constant 0 : i32
        %dma_start3A_467 = tpu.memref_slice %arg10[%dma_start3A_465, %dma_start3A_466] : memref<16x128xi32, #tpu.memory_space<vmem>> -> memref<1x128xi32, #tpu.memory_space<vmem>>
        %dma_start3A_468 = tpu.memref_squeeze %dma_start3A_467 : memref<1x128xi32, #tpu.memory_space<vmem>> -> memref<128xi32, #tpu.memory_space<vmem>>
        %dma_start3A_469 = arith.constant 0 : i32
        %dma_start3A_470 = arith.constant 0 : i32
        %dma_start3A_471 = tpu.memref_slice %arg13[%dma_start3A_469, %dma_start3A_470] : memref<10240x128xf32, #tpu.memory_space<vmem_shared>> -> memref<10240x128xf32, #tpu.memory_space<vmem_shared>>
        tpu.enqueue_indirect_dma source(%arg12 : memref<128x128xf32, #tpu.memory_space<vmem>>) target(%dma_start3A_471 : memref<10240x128xf32, #tpu.memory_space<vmem_shared>>) offsets(%dma_start3A_468 : memref<128xi32, #tpu.memory_space<vmem>>) semaphore(%arg17 : memref<!tpu.dma_semaphore, #tpu.memory_space<semaphore_mem>>) {add = true}
        %dma_wait3A_472 = arith.constant 15 : i32
        %dma_wait3A_473 = arith.constant 0 : i32
        %dma_wait3A_474 = tpu.memref_slice %arg10[%dma_wait3A_472, %dma_wait3A_473] : memref<16x128xi32, #tpu.memory_space<vmem>> -> memref<1x128xi32, #tpu.memory_space<vmem>>
        %dma_wait3A_475 = tpu.memref_squeeze %dma_wait3A_474 : memref<1x128xi32, #tpu.memory_space<vmem>> -> memref<128xi32, #tpu.memory_space<vmem>>
        %dma_wait3A_476 = arith.constant 0 : i32
        %dma_wait3A_477 = arith.constant 0 : i32
        %dma_wait3A_478 = tpu.memref_slice %arg13[%dma_wait3A_476, %dma_wait3A_477] : memref<10240x128xf32, #tpu.memory_space<vmem_shared>> -> memref<10240x128xf32, #tpu.memory_space<vmem_shared>>
        tpu.wait_indirect_dma semaphore(%arg17 : memref<!tpu.dma_semaphore, #tpu.memory_space<semaphore_mem>>) src(%arg12 : memref<128x128xf32, #tpu.memory_space<vmem>>) dst(%dma_wait3A_478 : memref<10240x128xf32, #tpu.memory_space<vmem_shared>>)
      }
      %scan3A_27 = arith.constant 5 : i32
    } else {
    }
    %barrier3A_10 = arith.constant 0 : index
    tpu.barrier barrier_id(%barrier3A_10)
    %mul3A_11 = arith.constant 640 : i32
    %mul3A_12 = arith.muli %arg1, %mul3A_11 : i32
    %eq3A_13 = arith.constant 0 : i32
    %eq3A_14 = arith.cmpi eq, %arg0, %eq3A_13 : i32
    %convert_element_type3A_15 = arith.extui %eq3A_14 : i1 to i32
    %cond3A_16 = arith.constant 0 : i32
    %cond3A_17 = arith.cmpi ne, %convert_element_type3A_15, %cond3A_16 : i32
    scf.if %cond3A_17 {
      "tpu.region"() ({
        %run_scoped3A = tpu.sem_alloc : memref<!tpu.dma_semaphore, #tpu.memory_space<semaphore_mem>>
        %dma_start3A = arith.constant 0 : i32
        %dma_start3A_23 = tpu.memref_slice %arg7[%mul3A_12, %dma_start3A] : memref<10240x128xf32, #tpu.memory_space<hbm>> -> memref<640x128xf32, #tpu.memory_space<hbm>>
        %dma_start3A_24 = arith.constant 0 : i32
        %dma_start3A_25 = tpu.memref_slice %arg13[%mul3A_12, %dma_start3A_24] : memref<10240x128xf32, #tpu.memory_space<vmem_shared>> -> memref<640x128xf32, #tpu.memory_space<vmem_shared>>
        tpu.enqueue_dma source(%dma_start3A_25 : memref<640x128xf32, #tpu.memory_space<vmem_shared>>) target(%dma_start3A_23 : memref<640x128xf32, #tpu.memory_space<hbm>>) target_semaphore(%run_scoped3A : memref<!tpu.dma_semaphore, #tpu.memory_space<semaphore_mem>>)
        %dma_wait3A = arith.constant 0 : i32
        %dma_wait3A_26 = tpu.memref_slice %arg7[%mul3A_12, %dma_wait3A] : memref<10240x128xf32, #tpu.memory_space<hbm>> -> memref<640x128xf32, #tpu.memory_space<hbm>>
        %dma_wait3A_27 = arith.constant 0 : i32
        %dma_wait3A_28 = tpu.memref_slice %arg13[%mul3A_12, %dma_wait3A_27] : memref<10240x128xf32, #tpu.memory_space<vmem_shared>> -> memref<640x128xf32, #tpu.memory_space<vmem_shared>>
        tpu.wait_dma2 semaphore(%run_scoped3A : memref<!tpu.dma_semaphore, #tpu.memory_space<semaphore_mem>>) src(%dma_wait3A_28 : memref<640x128xf32, #tpu.memory_space<vmem_shared>>) dst(%dma_wait3A_26 : memref<640x128xf32, #tpu.memory_space<hbm>>)
        tpu.yield
      }) : () -> ()
    } else {
    }
    %eq3A_18 = arith.constant 1 : i32
    %eq3A_19 = arith.cmpi eq, %arg0, %eq3A_18 : i32
    %convert_element_type3A_20 = arith.extui %eq3A_19 : i1 to i32
    %cond3A_21 = arith.constant 0 : i32
    %cond3A_22 = arith.cmpi ne, %convert_element_type3A_20, %cond3A_21 : i32
    scf.if %cond3A_22 {
      "tpu.region"() ({
        %run_scoped3A = tpu.sem_alloc : memref<!tpu.dma_semaphore, #tpu.memory_space<semaphore_mem>>
        %dma_start3A = arith.constant 0 : i32
        %dma_start3A_23 = tpu.memref_slice %arg8[%mul3A_12, %dma_start3A] : memref<10240x128xf32, #tpu.memory_space<hbm>> -> memref<640x128xf32, #tpu.memory_space<hbm>>
        %dma_start3A_24 = arith.constant 0 : i32
        %dma_start3A_25 = tpu.memref_slice %arg13[%mul3A_12, %dma_start3A_24] : memref<10240x128xf32, #tpu.memory_space<vmem_shared>> -> memref<640x128xf32, #tpu.memory_space<vmem_shared>>
        tpu.enqueue_dma source(%dma_start3A_25 : memref<640x128xf32, #tpu.memory_space<vmem_shared>>) target(%dma_start3A_23 : memref<640x128xf32, #tpu.memory_space<hbm>>) target_semaphore(%run_scoped3A : memref<!tpu.dma_semaphore, #tpu.memory_space<semaphore_mem>>)
        %dma_wait3A = arith.constant 0 : i32
        %dma_wait3A_26 = tpu.memref_slice %arg8[%mul3A_12, %dma_wait3A] : memref<10240x128xf32, #tpu.memory_space<hbm>> -> memref<640x128xf32, #tpu.memory_space<hbm>>
        %dma_wait3A_27 = arith.constant 0 : i32
        %dma_wait3A_28 = tpu.memref_slice %arg13[%mul3A_12, %dma_wait3A_27] : memref<10240x128xf32, #tpu.memory_space<vmem_shared>> -> memref<640x128xf32, #tpu.memory_space<vmem_shared>>
        tpu.wait_dma2 semaphore(%run_scoped3A : memref<!tpu.dma_semaphore, #tpu.memory_space<semaphore_mem>>) src(%dma_wait3A_28 : memref<640x128xf32, #tpu.memory_space<vmem_shared>>) dst(%dma_wait3A_26 : memref<640x128xf32, #tpu.memory_space<hbm>>)
        tpu.yield
      }) : () -> ()
    } else {
    }
    return
  }
}

module attributes {stable_mosaic.version = 14 : i64} {
  func.func @body(%arg0: i32, %arg1: memref<2000x128xf32, #tpu.memory_space<vmem>>, %arg2: memref<2000x1xf32, #tpu.memory_space<vmem>>, %arg3: memref<2000x1xf32, #tpu.memory_space<vmem>>, %arg4: memref<2000x128xf32, #tpu.memory_space<vmem>>, %arg5: memref<2000x128xf32, #tpu.memory_space<vmem>>, %arg6: memref<2000x1xf32, #tpu.memory_space<vmem>>) attributes {dimension_semantics = [#tpu.dimension_semantics<arbitrary>], iteration_bounds = array<i64: 5>, scalar_prefetch = 0 : i64, scratch_operands = 0 : i64, tpu.core_type = #tpu.core_type<tc>, window_params = [{transform_indices = @transform_0, window_bounds = array<i64: 2000, 128>}, {transform_indices = @transform_1, window_bounds = array<i64: 2000, 1>}, {transform_indices = @transform_2, window_bounds = array<i64: 2000, 1>}, {transform_indices = @transform_3, window_bounds = array<i64: 2000, 128>}, {transform_indices = @transform_4, window_bounds = array<i64: 2000, 128>}, {transform_indices = @transform_5, window_bounds = array<i64: 2000, 1>}]} {
    %get3A = arith.constant 0 : index
    %get3A_0 = arith.constant 0 : index
    %get3A_1 = vector.load %arg2[%get3A, %get3A_0] : memref<2000x1xf32, #tpu.memory_space<vmem>>, vector<2000x1xf32>
    %get3A_2 = arith.constant 0 : index
    %get3A_3 = arith.constant 0 : index
    %get3A_4 = vector.load %arg3[%get3A_2, %get3A_3] : memref<2000x1xf32, #tpu.memory_space<vmem>>, vector<2000x1xf32>
    %add3A = arith.addf %get3A_1, %get3A_4 : vector<2000x1xf32>
    %add3A_5 = arith.constant 1.000000e+00 : f32
    %add3A_6 = vector.broadcast %add3A_5 : f32 to vector<2000x1xf32>
    %add3A_7 = arith.addf %add3A, %add3A_6 : vector<2000x1xf32>
    %rsqrt3A = math.rsqrt %add3A_7 : vector<2000x1xf32>
    %get3A_8 = arith.constant 0 : index
    %get3A_9 = arith.constant 0 : index
    %get3A_10 = vector.load %arg1[%get3A_8, %get3A_9] : memref<2000x128xf32, #tpu.memory_space<vmem>>, vector<2000x128xf32>
    %mul3A = vector.broadcast %rsqrt3A : vector<2000x1xf32> to vector<2000x128xf32>
    %mul3A_11 = arith.mulf %mul3A, %get3A_10 : vector<2000x128xf32>
    %swap3A = arith.constant 0 : index
    %swap3A_12 = arith.constant 0 : index
    %swap3A_13 = vector.load %arg4[%swap3A, %swap3A_12] : memref<2000x128xf32, #tpu.memory_space<vmem>>, vector<2000x128xf32>
    tpu.vector_store %arg4[%swap3A, %swap3A_12], %mul3A_11 {strides = array<i32>} : memref<2000x128xf32, #tpu.memory_space<vmem>>, vector<2000x128xf32>,
    %swap3A_14 = arith.constant 0 : index
    %swap3A_15 = arith.constant 0 : index
    %swap3A_16 = vector.load %arg5[%swap3A_14, %swap3A_15] : memref<2000x128xf32, #tpu.memory_space<vmem>>, vector<2000x128xf32>
    tpu.vector_store %arg5[%swap3A_14, %swap3A_15], %mul3A_11 {strides = array<i32>} : memref<2000x128xf32, #tpu.memory_space<vmem>>, vector<2000x128xf32>,
    %swap3A_17 = arith.constant 0 : index
    %swap3A_18 = arith.constant 0 : index
    %swap3A_19 = vector.load %arg6[%swap3A_17, %swap3A_18] : memref<2000x1xf32, #tpu.memory_space<vmem>>, vector<2000x1xf32>
    tpu.vector_store %arg6[%swap3A_17, %swap3A_18], %rsqrt3A {strides = array<i32>} : memref<2000x1xf32, #tpu.memory_space<vmem>>, vector<2000x1xf32>,
    return
  }
  func.func @transform_0(%arg0: i32) -> (i32, i32) {
    %c0_i32 = arith.constant 0 : i32
    %c0_i32_0 = arith.constant 0 : i32
    return %arg0, %c0_i32 : i32, i32
  }
  func.func @transform_1(%arg0: i32) -> (i32, i32) {
    %c0_i32 = arith.constant 0 : i32
    %c0_i32_0 = arith.constant 0 : i32
    return %arg0, %c0_i32 : i32, i32
  }
  func.func @transform_2(%arg0: i32) -> (i32, i32) {
    %c0_i32 = arith.constant 0 : i32
    %c0_i32_0 = arith.constant 0 : i32
    return %arg0, %c0_i32 : i32, i32
  }
  func.func @transform_3(%arg0: i32) -> (i32, i32) {
    %c0_i32 = arith.constant 0 : i32
    %c0_i32_0 = arith.constant 0 : i32
    return %arg0, %c0_i32 : i32, i32
  }
  func.func @transform_4(%arg0: i32) -> (i32, i32) {
    %c0_i32 = arith.constant 0 : i32
    %c0_i32_0 = arith.constant 0 : i32
    return %arg0, %c0_i32 : i32, i32
  }
  func.func @transform_5(%arg0: i32) -> (i32, i32) {
    %c0_i32 = arith.constant 0 : i32
    %c0_i32_0 = arith.constant 0 : i32
    return %arg0, %c0_i32 : i32, i32
  }
}

module attributes {stable_mosaic.version = 14 : i64} {
  func.func @body(%arg0: i32, %arg1: memref<2000x128xf32, #tpu.memory_space<vmem>>, %arg2: memref<2000x128xf32, #tpu.memory_space<vmem>>, %arg3: memref<2000x128xf32, #tpu.memory_space<vmem>>, %arg4: memref<2000x1xf32, #tpu.memory_space<vmem>>, %arg5: memref<1x256xf32, #tpu.memory_space<vmem>>, %arg6: memref<128x256xf32, #tpu.memory_space<vmem>>, %arg7: memref<256x128xf32, #tpu.memory_space<vmem>>, %arg8: memref<2000x128xf32, #tpu.memory_space<vmem>>, %arg9: memref<2000x128xf32, #tpu.memory_space<vmem>>) attributes {dimension_semantics = [#tpu.dimension_semantics<arbitrary>], iteration_bounds = array<i64: 5>, scalar_prefetch = 0 : i64, scratch_operands = 0 : i64, tpu.core_type = #tpu.core_type<tc>, window_params = [{transform_indices = @transform_0, window_bounds = array<i64: 2000, 128>}, {transform_indices = @transform_1, window_bounds = array<i64: 2000, 128>}, {transform_indices = @transform_2, window_bounds = array<i64: 2000, 128>}, {transform_indices = @transform_3, window_bounds = array<i64: 2000, 1>}, {pipeline_mode = #tpu.pipeline_mode<synchronous>, transform_indices = @transform_4, window_bounds = array<i64: 1, 256>}, {pipeline_mode = #tpu.pipeline_mode<synchronous>, transform_indices = @transform_5, window_bounds = array<i64: 128, 256>}, {pipeline_mode = #tpu.pipeline_mode<synchronous>, transform_indices = @transform_6, window_bounds = array<i64: 256, 128>}, {transform_indices = @transform_7, window_bounds = array<i64: 2000, 128>}, {transform_indices = @transform_8, window_bounds = array<i64: 2000, 128>}]} {
    %get3A = arith.constant 0 : index
    %get3A_0 = arith.constant 0 : index
    %get3A_1 = vector.load %arg4[%get3A, %get3A_0] : memref<2000x1xf32, #tpu.memory_space<vmem>>, vector<2000x1xf32>
    %get3A_2 = arith.constant 0 : index
    %get3A_3 = arith.constant 0 : index
    %get3A_4 = vector.load %arg1[%get3A_2, %get3A_3] : memref<2000x128xf32, #tpu.memory_space<vmem>>, vector<2000x128xf32>
    %get3A_5 = arith.constant 0 : index
    %get3A_6 = arith.constant 0 : index
    %get3A_7 = vector.load %arg2[%get3A_5, %get3A_6] : memref<2000x128xf32, #tpu.memory_space<vmem>>, vector<2000x128xf32>
    %add3A = arith.addf %get3A_4, %get3A_7 : vector<2000x128xf32>
    %get3A_8 = arith.constant 0 : index
    %get3A_9 = arith.constant 0 : index
    %get3A_10 = vector.load %arg3[%get3A_8, %get3A_9] : memref<2000x128xf32, #tpu.memory_space<vmem>>, vector<2000x128xf32>
    %add3A_11 = arith.addf %add3A, %get3A_10 : vector<2000x128xf32>
    %get3A_12 = arith.constant 0 : index
    %get3A_13 = arith.constant 0 : index
    %get3A_14 = vector.load %arg6[%get3A_12, %get3A_13] : memref<128x256xf32, #tpu.memory_space<vmem>>, vector<128x256xf32>
    %dot_general3A = arith.constant dense<0.000000e+00> : vector<2000x256xf32>
    %dot_general3A_15 = tpu.matmul %add3A_11, %get3A_14, %dot_general3A {dimension_numbers = #tpu.dot_dimension_numbers<[1], [0], [0], [1], [0, 0, 1, 1], [], []>, transpose_lhs_hint = false} : vector<2000x128xf32>, vector<128x256xf32>, vector<2000x256xf32> -> vector<2000x256xf32>
    %mul3A = vector.broadcast %get3A_1 : vector<2000x1xf32> to vector<2000x256xf32>
    %mul3A_16 = arith.mulf %mul3A, %dot_general3A_15 : vector<2000x256xf32>
    %get3A_17 = arith.constant 0 : index
    %get3A_18 = arith.constant 0 : index
    %get3A_19 = vector.load %arg5[%get3A_17, %get3A_18] : memref<1x256xf32, #tpu.memory_space<vmem>>, vector<1x256xf32>
    %add3A_20 = vector.broadcast %get3A_19 : vector<1x256xf32> to vector<2000x256xf32>
    %add3A_21 = arith.addf %mul3A_16, %add3A_20 : vector<2000x256xf32>
    %max3A = arith.constant 0.000000e+00 : f32
    %max3A_22 = vector.broadcast %max3A : f32 to vector<2000x256xf32>
    %max3A_23 = arith.maximumf %add3A_21, %max3A_22 : vector<2000x256xf32>
    %get3A_24 = arith.constant 0 : index
    %get3A_25 = arith.constant 0 : index
    %get3A_26 = vector.load %arg7[%get3A_24, %get3A_25] : memref<256x128xf32, #tpu.memory_space<vmem>>, vector<256x128xf32>
    %dot_general3A_27 = arith.constant dense<0.000000e+00> : vector<2000x128xf32>
    %dot_general3A_28 = tpu.matmul %max3A_23, %get3A_26, %dot_general3A_27 {dimension_numbers = #tpu.dot_dimension_numbers<[1], [0], [0], [1], [0, 0, 1, 1], [], []>, transpose_lhs_hint = false} : vector<2000x256xf32>, vector<256x128xf32>, vector<2000x128xf32> -> vector<2000x128xf32>
    %mul3A_29 = vector.broadcast %get3A_1 : vector<2000x1xf32> to vector<2000x128xf32>
    %mul3A_30 = arith.mulf %mul3A_29, %dot_general3A_28 : vector<2000x128xf32>
    %swap3A = arith.constant 0 : index
    %swap3A_31 = arith.constant 0 : index
    %swap3A_32 = vector.load %arg8[%swap3A, %swap3A_31] : memref<2000x128xf32, #tpu.memory_space<vmem>>, vector<2000x128xf32>
    tpu.vector_store %arg8[%swap3A, %swap3A_31], %mul3A_30 {strides = array<i32>} : memref<2000x128xf32, #tpu.memory_space<vmem>>, vector<2000x128xf32>,
    %swap3A_33 = arith.constant 0 : index
    %swap3A_34 = arith.constant 0 : index
    %swap3A_35 = vector.load %arg9[%swap3A_33, %swap3A_34] : memref<2000x128xf32, #tpu.memory_space<vmem>>, vector<2000x128xf32>
    tpu.vector_store %arg9[%swap3A_33, %swap3A_34], %mul3A_30 {strides = array<i32>} : memref<2000x128xf32, #tpu.memory_space<vmem>>, vector<2000x128xf32>,
    return
  }
  func.func @transform_0(%arg0: i32) -> (i32, i32) {
    %c0_i32 = arith.constant 0 : i32
    %c0_i32_0 = arith.constant 0 : i32
    return %arg0, %c0_i32 : i32, i32
  }
  func.func @transform_1(%arg0: i32) -> (i32, i32) {
    %c0_i32 = arith.constant 0 : i32
    %c0_i32_0 = arith.constant 0 : i32
    return %arg0, %c0_i32 : i32, i32
  }
  func.func @transform_2(%arg0: i32) -> (i32, i32) {
    %c0_i32 = arith.constant 0 : i32
    %c0_i32_0 = arith.constant 0 : i32
    return %arg0, %c0_i32 : i32, i32
  }
  func.func @transform_3(%arg0: i32) -> (i32, i32) {
    %c0_i32 = arith.constant 0 : i32
    %c0_i32_0 = arith.constant 0 : i32
    return %arg0, %c0_i32 : i32, i32
  }
  func.func @transform_4(%arg0: i32) -> (i32, i32) {
    %c0_i32 = arith.constant 0 : i32
    %c0_i32_0 = arith.constant 0 : i32
    %c0_i32_1 = arith.constant 0 : i32
    return %c0_i32, %c0_i32_0 : i32, i32
  }
  func.func @transform_5(%arg0: i32) -> (i32, i32) {
    %c0_i32 = arith.constant 0 : i32
    %c0_i32_0 = arith.constant 0 : i32
    %c0_i32_1 = arith.constant 0 : i32
    return %c0_i32, %c0_i32_0 : i32, i32
  }
  func.func @transform_6(%arg0: i32) -> (i32, i32) {
    %c0_i32 = arith.constant 0 : i32
    %c0_i32_0 = arith.constant 0 : i32
    %c0_i32_1 = arith.constant 0 : i32
    return %c0_i32, %c0_i32_0 : i32, i32
  }
  func.func @transform_7(%arg0: i32) -> (i32, i32) {
    %c0_i32 = arith.constant 0 : i32
    %c0_i32_0 = arith.constant 0 : i32
    return %arg0, %c0_i32 : i32, i32
  }
  func.func @transform_8(%arg0: i32) -> (i32, i32) {
    %c0_i32 = arith.constant 0 : i32
    %c0_i32_0 = arith.constant 0 : i32
    return %arg0, %c0_i32 : i32, i32
  }
}

module attributes {stable_mosaic.version = 14 : i64} {
  func.func @body(%arg0: i32, %arg1: memref<2000x128xf32, #tpu.memory_space<vmem>>, %arg2: memref<2000x128xf32, #tpu.memory_space<vmem>>, %arg3: memref<2000x128xf32, #tpu.memory_space<vmem>>, %arg4: memref<2000x1xf32, #tpu.memory_space<vmem>>, %arg5: memref<1x128xf32, #tpu.memory_space<vmem>>, %arg6: memref<2000x128xf32, #tpu.memory_space<vmem>>) attributes {dimension_semantics = [#tpu.dimension_semantics<arbitrary>], iteration_bounds = array<i64: 5>, scalar_prefetch = 0 : i64, scratch_operands = 0 : i64, tpu.core_type = #tpu.core_type<tc>, window_params = [{transform_indices = @transform_0, window_bounds = array<i64: 2000, 128>}, {transform_indices = @transform_1, window_bounds = array<i64: 2000, 128>}, {transform_indices = @transform_2, window_bounds = array<i64: 2000, 128>}, {transform_indices = @transform_3, window_bounds = array<i64: 2000, 1>}, {pipeline_mode = #tpu.pipeline_mode<synchronous>, transform_indices = @transform_4, window_bounds = array<i64: 1, 128>}, {transform_indices = @transform_5, window_bounds = array<i64: 2000, 128>}]} {
    %get3A = arith.constant 0 : index
    %get3A_0 = arith.constant 0 : index
    %get3A_1 = vector.load %arg4[%get3A, %get3A_0] : memref<2000x1xf32, #tpu.memory_space<vmem>>, vector<2000x1xf32>
    %get3A_2 = arith.constant 0 : index
    %get3A_3 = arith.constant 0 : index
    %get3A_4 = vector.load %arg1[%get3A_2, %get3A_3] : memref<2000x128xf32, #tpu.memory_space<vmem>>, vector<2000x128xf32>
    %get3A_5 = arith.constant 0 : index
    %get3A_6 = arith.constant 0 : index
    %get3A_7 = vector.load %arg2[%get3A_5, %get3A_6] : memref<2000x128xf32, #tpu.memory_space<vmem>>, vector<2000x128xf32>
    %add3A = arith.addf %get3A_4, %get3A_7 : vector<2000x128xf32>
    %get3A_8 = arith.constant 0 : index
    %get3A_9 = arith.constant 0 : index
    %get3A_10 = vector.load %arg3[%get3A_8, %get3A_9] : memref<2000x128xf32, #tpu.memory_space<vmem>>, vector<2000x128xf32>
    %add3A_11 = arith.addf %add3A, %get3A_10 : vector<2000x128xf32>
    %mul3A = vector.broadcast %get3A_1 : vector<2000x1xf32> to vector<2000x128xf32>
    %mul3A_12 = arith.mulf %mul3A, %add3A_11 : vector<2000x128xf32>
    %get3A_13 = arith.constant 0 : index
    %get3A_14 = arith.constant 0 : index
    %get3A_15 = vector.load %arg5[%get3A_13, %get3A_14] : memref<1x128xf32, #tpu.memory_space<vmem>>, vector<1x128xf32>
    %add3A_16 = vector.broadcast %get3A_15 : vector<1x128xf32> to vector<2000x128xf32>
    %add3A_17 = arith.addf %mul3A_12, %add3A_16 : vector<2000x128xf32>
    %swap3A = arith.constant 0 : index
    %swap3A_18 = arith.constant 0 : index
    %swap3A_19 = vector.load %arg6[%swap3A, %swap3A_18] : memref<2000x128xf32, #tpu.memory_space<vmem>>, vector<2000x128xf32>
    tpu.vector_store %arg6[%swap3A, %swap3A_18], %add3A_17 {strides = array<i32>} : memref<2000x128xf32, #tpu.memory_space<vmem>>, vector<2000x128xf32>,
    return
  }
  func.func @transform_0(%arg0: i32) -> (i32, i32) {
    %c0_i32 = arith.constant 0 : i32
    %c0_i32_0 = arith.constant 0 : i32
    return %arg0, %c0_i32 : i32, i32
  }
  func.func @transform_1(%arg0: i32) -> (i32, i32) {
    %c0_i32 = arith.constant 0 : i32
    %c0_i32_0 = arith.constant 0 : i32
    return %arg0, %c0_i32 : i32, i32
  }
  func.func @transform_2(%arg0: i32) -> (i32, i32) {
    %c0_i32 = arith.constant 0 : i32
    %c0_i32_0 = arith.constant 0 : i32
    return %arg0, %c0_i32 : i32, i32
  }
  func.func @transform_3(%arg0: i32) -> (i32, i32) {
    %c0_i32 = arith.constant 0 : i32
    %c0_i32_0 = arith.constant 0 : i32
    return %arg0, %c0_i32 : i32, i32
  }
  func.func @transform_4(%arg0: i32) -> (i32, i32) {
    %c0_i32 = arith.constant 0 : i32
    %c0_i32_0 = arith.constant 0 : i32
    %c0_i32_1 = arith.constant 0 : i32
    return %c0_i32, %c0_i32_0 : i32, i32
  }
  func.func @transform_5(%arg0: i32) -> (i32, i32) {
    %c0_i32 = arith.constant 0 : i32
    %c0_i32_0 = arith.constant 0 : i32
    return %arg0, %c0_i32 : i32, i32
  }
}

</mosaic_0001>

<sc_bundles>
// kernel: kernel.11.cloned.1.call-start
scs
__scs_entry_jumppad:
0x0: {  	(pc) =	sbr.rel $0x88, $3  }
0x1: {  	(tag) =	ssettag $0x0;
	lr =	simm.s32 $0x1  }
0x2: {  	[smem:$0x3F9B] =	sst lr;
	_ =	strace $0xD0000000  }
0x3: {  	_ = 	snop  }
0x4: {  	_ = 	snop  }
0x5: {  	_ = 	snop  }
0x6: {  	_ = 	snop  }
0x7: {  	_ = 	snop  }
__scs_overlays_trampoline_lowered:
0x8: {  	[smem:$0x3FAA] =	sst s0  }
0x9: {  	[smem:$0x3FAB] =	sst s1  }
0xa: {  	[smem:$0x3FAC] =	sst s2  }
0xb: {  	[smem:$0x3FAD] =	sst s3  }
0xc: {  	[smem:$0x3FAE] =	sst s4  }
0xd: {  	[smem:$0x3FAF] =	sst s5  }
0xe: {  	[smem:$0x3FB0] =	sst s6  }
0xf: {  	[smem:$0x3FB1] =	sst s7  }
0x10: {  	[smem:$0x3FB2] =	sst s8  }
0x11: {  	[smem:$0x3FB3] =	sst s9;
	s0 =	simm.s32 @!p0 $0x0  }
0x12: {  	s1 =	sld [smem:$0x3F99];
	s0 =	simm.s32 @p0 $0x1  }
0x13: {  	[smem:$0x3FB4] =	sst s0;
	s0 =	simm.s32 @!p1 $0x0  }
0x14: {  	s2 =	sld [smem:$0x3F98];
	s0 =	simm.s32 @p1 $0x1  }
0x15: {  	[smem:$0x3FB5] =	sst s0;
	s0 =	simm.s32 @!p2 $0x0  }
0x16: {  	s3 =	sld [smem:$0x3FDB];
	s0 =	simm.s32 @p2 $0x1  }
0x17: {  	s4 =	simm.s32 $0x1BF5;
	[smem:$0x3FB7] =	sst s0  }
0x18: {  	s0 =	sld [smem:$0x3F9A];
	_ =	swait.ge [sflag:s4], $0x0  }
0x19: {  	s7 =	sld [smem:$0x3F9B]  }
0x1a: {  	s8 =	sadd.s32 $0xFFFFE003, lr  }
0x1b: {  	s9 =	sadd.s32 $0xFFFFFEF7, lr;
	s5 =	simm.s32 $0xFFFFFFFF;
	p2 =	slt.u32 s8, $0xFFFFF086  }
0x1c: {  	p1 =	slt.u32 s9, $0xF7A;
	s5 =	simm.s32 @!p2 $0x0  }
0x1d: {  	s5 =	simm.s32 @p1 $0x1;
	p0 =	seq.s32 s7, s2  }
0x1e: {  	s7 =	smul.u32 @!p0 $0xF7A, s2;
	p2 =	seq.s32 @!p0 s5, $0x0  }
0x1f: {  	s9 =	smul.u32 $0xF7A, s1;
	s8 =	simm.s32 @!p0 $0x1BF5;
	p2 =	por !p2, p0  }
0x20: {  	[sflag:s8] =	ssyncset.s32 @!p0 $0xFFFFF086;
	s6 =	sadd.s32 @!p0 s3, s7;
	s7 =	simm.s32 @!p0 $0x108  }
0x21: {  	s3 =	sadd.s32 s3, s9;
	s6 =	sadd.s32 @!p0 $0x88, s6;
	s7 =	simm.s32 @p2 $0x1082  }
0x22: {  	[simem:s7], [sflag:s8] =	dma.local @!p0 [hbm:s6], $0xF7A  }
0x23: {  	s9 =	sor.u32 $0xD0000000, s2;
	s6 =	simm.s32 $0x108;
	_ =	swait.ge @!p0 [sflag:s8], $0x0  }
0x24: {  	s3 =	sadd.s32 $0x88, s3;
	s6 =	simm.s32 @!p1 $0x1082;
	[sflag:s4] =	ssyncset.s32 $0xFFFFF086  }
0x25: {  	[simem:s6], [sflag:s4] =	dma.local [hbm:s3], $0xF7A  }
0x26: {  	[smem:$0x3F9B] =	sst s1;
	(tag) =	ssettag s2;
	_ =	strace s9  }
0x27: {  	s1 =	sld [smem:$0x3FAB]  }
0x28: {  	s2 =	sld [smem:$0x3FAC]  }
0x29: {  	s4 =	sld [smem:$0x3FAE]  }
0x2a: {  	p0 =	seq.s32 s5, $0x0;
	s5 =	sld [smem:$0x3FAF]  }
0x2b: {  	s6 =	sld [smem:$0x3FB0]  }
0x2c: {  	s7 =	sld [smem:$0x3FB1]  }
0x2d: {  	s3 =	simm.s32 $0x108;
	s8 =	sld [smem:$0x3FB2]  }
0x2e: {  	s3 =	simm.s32 @!p0 $0x1082;
	s9 =	sld [smem:$0x3FB3]  }
0x2f: {  	lr =	sadd.s32 s0, s3;
	s0 =	sld [smem:$0x3FAA]  }
0x30: {  	s3 =	sld [smem:$0x3FAD]  }
0x31: {  	[smem:$0x3FB6] =	sst s10  }
0x32: {  	s10 =	sld [smem:$0x3FB4];
	_ =	sdelay $0x3  }
0x33: {  	p0 =	seq.s32 s10, $0x1;
	s10 =	sld [smem:$0x3FB6];
	_ =	sdelay $0x3  }
0x34: {  	[smem:$0x3FB6] =	sst s10  }
0x35: {  	s10 =	sld [smem:$0x3FB5];
	_ =	sdelay $0x3  }
0x36: {  	p1 =	seq.s32 s10, $0x1;
	s10 =	sld [smem:$0x3FB6];
	_ =	sdelay $0x3  }
0x37: {  	[smem:$0x3FB6] =	sst s10  }
0x38: {  	s10 =	sld [smem:$0x3FB7]  }
0x39: {  	_ = 	snop;
	(pc) =	sbr.ind lr, $3  }
0x3a: {  	_ = 	snop  }
0x3b: {  	_ = 	snop  }
0x3c: {  	p2 =	seq.s32 s10, $0x1;
	s10 =	sld [smem:$0x3FB6]  }
0x3d: {  	_ =	shalt  }
0x3e: {  	_ =	shalt  }
0x3f: {  	_ =	shalt  }
0x40: {  	_ =	shalt  }
0x41: {  	_ =	shalt  }
0x42: {  	_ =	shalt  }
0x43: {  	_ =	shalt  }
0x44: {  	_ =	shalt  }
0x45: {  	_ =	shalt  }
0x46: {  	_ =	shalt  }
0x47: {  	_ =	shalt  }
0x48: {  	_ =	shalt  }
0x49: {  	_ =	shalt  }
0x4a: {  	_ =	shalt  }
0x4b: {  	_ =	shalt  }
0x4c: {  	_ =	shalt  }
0x4d: {  	_ =	shalt  }
0x4e: {  	_ =	shalt  }
0x4f: {  	_ =	shalt  }
0x50: {  	_ =	shalt  }
0x51: {  	_ =	shalt  }
0x52: {  	_ =	shalt  }
0x53: {  	_ =	shalt  }
0x54: {  	_ =	shalt  }
0x55: {  	_ =	shalt  }
0x56: {  	_ =	shalt  }
0x57: {  	_ =	shalt  }
0x58: {  	_ =	shalt  }
0x59: {  	_ =	shalt  }
0x5a: {  	_ =	shalt  }
0x5b: {  	_ =	shalt  }
0x5c: {  	_ =	shalt  }
0x5d: {  	_ =	shalt  }
0x5e: {  	_ =	shalt  }
0x5f: {  	_ =	shalt  }
0x60: {  	_ =	shalt  }
0x61: {  	_ =	shalt  }
0x62: {  	_ =	shalt  }
0x63: {  	_ =	shalt  }
0x64: {  	_ =	shalt  }
0x65: {  	_ =	shalt  }
0x66: {  	_ =	shalt  }
0x67: {  	_ =	shalt  }
0x68: {  	_ =	shalt  }
0x69: {  	_ =	shalt  }
0x6a: {  	_ =	shalt  }
0x6b: {  	_ =	shalt  }
0x6c: {  	_ =	shalt  }
0x6d: {  	_ =	shalt  }
0x6e: {  	_ =	shalt  }
0x6f: {  	_ =	shalt  }
0x70: {  	_ =	shalt  }
0x71: {  	_ =	shalt  }
0x72: {  	_ =	shalt  }
0x73: {  	_ =	shalt  }
0x74: {  	_ =	shalt  }
0x75: {  	_ =	shalt  }
0x76: {  	_ =	shalt  }
0x77: {  	_ =	shalt  }
0x78: {  	_ =	shalt  }
0x79: {  	_ =	shalt  }
0x7a: {  	_ =	shalt  }
0x7b: {  	_ =	shalt  }
0x7c: {  	_ =	shalt  }
0x7d: {  	_ =	shalt  }
0x7e: {  	_ =	shalt  }
0x7f: {  	_ =	shalt  }
0x80: {  	_ =	shalt  }
0x81: {  	_ =	shalt  }
0x82: {  	_ =	shalt  }
0x83: {  	_ =	shalt  }
0x84: {  	_ =	shalt  }
0x85: {  	_ =	shalt  }
0x86: {  	_ =	shalt  }
0x87: {  	_ =	shalt  }
.Lfunc_end0:
.L_simem_size_0:
called_computation.1_lowered:
.L_overlay_start_0:
0x88: {  	s2 =	sld [smem:$0x3FD9]  }
0x89: {  	s3 =	sld [smem:$0x3FFE];
	_ =	sdelay $0x1  }
0x8a: {  	s1 =	srdreg.scid  }
0x8b: {  	s0 =	sand.u32 $0x1, s1  }
0x8c: {  	s17 =	sshll.u32 s0, $0xA;
	s2 =	sadd.s32 s3, s2  }
0x8d: {  	s2 =	sadd.s32 s2, s17  }
0x8e: {  	[smem:$0x3FC2] =	sst s2  }
0x8f: {  	_ = 	snop  }
0x90: {  	s2 =	sld [smem:$0x3FD0];
	(tm) =	ssettm $0x1  }
0x91: {  	s18 =	sld [smem:$0x3FFB];
	_ =	sdelay $0x3  }
0x92: {  	_ =	strace s18  }
0x93: {  	s3 =	sld [smem:$0x3FFC];
	_ =	sdelay $0x3  }
0x94: {  	_ =	strace s3  }
0x95: {  	s3 =	sld [smem:$0x3FFD];
	_ =	sdelay $0x3  }
0x96: {  	_ =	strace s3  }
0x97: {  	_ =	strace $0x8FFFFFFF  }
0x98: {  	s19 =	sld [smem:$0x3FDB];
	_ =	sdelay $0x1  }
0x99: {  	s4 =	simm.s32 $_scs_section_size  }
0x9a: {  	s5 =	simm.s32 $_size__tile_overlayer_lowered;
	s6 =	simm.s32 $_tile_overlayer_lowered  }
0x9b: {  	s22 =	simm.s32 $0x1BFF;
	s21 =	sshll.u32 s6, $0x1;
	s3 =	sadd.s32 s4, s19  }
0x9c: {  	s7 =	simm.s32 $0x0;
	s20 =	sshll.u32 s5, $0x1;
	s5 =	sadd.s32 s21, s3  }
0x9d: {  	[timem:s7], [sflag:s22] =	dma.local [hbm:s5], s20  }
0x9e: {  	_ =	swait.ge [sflag:s22], s20  }
0x9f: {  	s4 =	ssub.s32 $0x0, s20;
	[sflag:s22] =	ssyncset.done $0x0  }
0xa0: {  	[sflag:s22] =	ssyncadd.s32 s4;
	_ =	sdelay $0x1  }
0xa1: {  	s23 =	simm.s32 $0x1B8B  }
0xa2: {  	_ =	swait.ge [sflag:s23], $0x1  }
0xa3: {  	[sflag:s23] =	ssyncset.done $0x0  }
0xa4: {  	s25 =	simm.s32 $0x1B8E;
	s24 =	sld [smem:$0x3FFE];
	[sflag:s23] =	ssyncadd.s32 $0xFFFFFFFF  }
0xa5: {  	s26 =	simm.s32 $execute0_lowered;
	[smem:$0x3FD2] =	sst s25  }
0xa6: {  	s5 =	sshll.u32 s26, $0x1;
	_ =	strace $0x80000049;
	[dreg:$0x1] =	wrdreg $0xFFFFFFFF  }
0xa7: {  	s28 =	simm.s32 $_size_execute0_lowered;
	s3 =	sadd.s32 s3, s5;
	[dreg:$0x0] =	wrdreg $0x0  }
0xa8: {  	s5 =	sshll.u32 s28, $0x1;
	[dreg:$0x2] =	wrdreg s3  }
0xa9: {  	[dreg:$0x3] =	wrdreg s5  }
0xaa: {  	[dreg:$0x4] =	wrdreg $0xC0  }
0xab: {  	_ =	task [dreg:s7], $0x5FFFF  }
0xac: {  	[dreg:$0x1] =	wrdreg $0xFFFFFFFF  }
0xad: {  	[dreg:$0x0] =	wrdreg $0x60  }
0xae: {  	[dreg:$0x2] =	wrdreg s2  }
0xaf: {  	[dreg:$0x3] =	wrdreg s24  }
0xb0: {  	[dreg:$0x4] =	wrdreg $0x90000  }
0xb1: {  	[dreg:$0x5] =	wrdreg $0x9  }
0xb2: {  	_ =	task.clear_ibuf [dreg:s7], $0x6FFFF;
	_ =	strace $0x90000049  }
0xb3: {  	s29 =	simm.s32 $0x9;
	_ =	strace $0x8000004B  }
0xb4: {  	_ =	swait.ge [sflag:s29], $0x1  }
0xb5: {  	[sflag:s29] =	ssyncadd.s32 $0xFFFFFFFF  }
0xb6: {  	_ =	strace $0x9000004B  }
0xb7: {  	_ =	sfence  }
0xb8: {  	s30 =	sld [smem:$0x0];
	_ =	sdelay $0x2  }
0xb9: {  	s31 =	sshll.u32 s1, $0xD;
	s1 =	sshrl.u32 s1, $0x2  }
0xba: {  	s3 =	sand.u32 $0x4000, s31;
	s1 =	sadd.s32 s1, s30  }
0xbb: {  	s0 =	sor.u32 s3, s0;
	s1 =	sshll.u32 s1, $0x11  }
0xbc: {  	s0 =	sor.u32 s1, s0  }
0xbd: {  	s0 =	sadd.s32 $0x8F2B, s0  }
0xbe: {  	[sflag:s0] =	ssyncadd.remote.s32 $0x1  }
0xbf: {  	_ =	sfence.sel $0xFFFF  }
0xc0: {  	[dreg:$0x0] =	wrdreg $0xFFFFFFFF;
	(pc) =	sbr.abs _section_cstart, $3  }
0xc1: {  	[dreg:$0x1] =	wrdreg $0xFFFFFFFF  }
0xc2: {  	_ =	task.clear_ibuf [dreg:s7], $0x2FFFF;
	_ =	strace $0x9FFFFFFF  }
0xc3: {  	(tm) =	ssettm $0x7FFFFFFF  }
tec
execute0_lowered:
.L_overlay_start_1:
0x0: {  	(tag) =	ssettag $0x1  }
0x1: {  	s1 =	rddreg [dreg:$0x0]  }
0x2: {  	s0 =	rddreg [dreg:$0x1]  }
0x3: {  	s3 =	rddreg [dreg:$0x2]  }
0x4: {  	s4 =	simm.s32 $0x0;
	s10 =	stileid.u32;
	s6 =	srdreg.scid  }
0x5: {  	s13 =	simm.s32 $0x5;
	s14 =	simm.s32 $0x800;
	s15 =	simm.s32 $0x80  }
0x6: {  	s12 =	simm.s32 $0xC80;
	s28 =	simm.s32 $0xE00;
	s29 =	simm.s32 $0x700  }
0x7: {  	s30 =	simm.s32 $0xE80;
	s31 =	simm.s32 $0x780;
	[smem:$0x7FF] =	sst s4  }
0x8: {  	s2 =	smul.u32 $0xA00, s10;
	s5 =	sadd.s32 $0x18000, s0;
	s6 =	sand.u32 $0x1, s6  }
0x9: {  	s8 =	smul.u32 $0x50000, s10;
	s9 =	sadd.s32 $0x3F200, s0;
	s16 =	sadd.s32 $0x41A00, s0  }
0xa: {  	s20 =	sshll.u32 s10, $0x6;
	s23 =	smul.u32 $0x2800, s10;
	s10 =	simm.s32 $0x480  }
0xb: {  	_ =	strace $0x8000004A;
	s7 =	ssub.s32 $0x2, s6;
	[dreg:$0x8] =	wrdreg s9  }
0xc: {  	[dreg:$0x9] =	wrdreg s16;
	s11 =	sor.u32 $0x1C05, s20;
	p0 =	sne.s32 s6, $0x0  }
0xd: {  	s16 =	simm.s32 $0x1000;
	s9 =	simm.s32 $0x500;
	s20 =	simm.s32 $0x580  }
0xe: {  	s2 =	sadd.s32 s2, s0;
	s17 =	sshrl.u32 s7, $0x1;
	s0 =	sadd.s32 $0x69A00, s0  }
0xf: {  	s19 =	sshrl.u32 s8, $0x2;
	[dreg:$0xc] =	wrdreg s23;
	s23 =	simm.s32 $0x4  }
0x10: {  	s8 =	simm.s32 $0x0;
	[dreg:$0xa] =	wrdreg s0;
	s18 =	ssub.s32 s7, s17  }
0x11: {  	s7 =	sadd.s32 s19, s3;
	s21 =	sadd.s32 $0x4000, s2;
	s22 =	sadd.s32 $0x4500, s2  }
0x12: {  	s24 =	sadd.s32 $0xE000, s2;
	s25 =	sadd.s32 $0xE500, s2;
	[dreg:$0x6] =	wrdreg s21  }
0x13: {  	s17 =	simm.s32 $0x5000;
	s19 =	simm.s32 $0x3;
	[dreg:$0x4] =	wrdreg s22  }
0x14: {  	s2 =	simm.s32 $0xF80;
	s0 =	smax.u32 s18, $0x1;
	[dreg:$0x7] =	wrdreg s24  }
.Ltmp0:
0x15: {  	[dreg:$0x5] =	wrdreg s25;
	s26 =	sshrl.u32 s7, $0x3;
	(pc) =	sbr.rel .LBB2_1-.Ltmp0, $4  }
0x16: {  	s7 =	smov.u32 s11;
	s18 =	simm.s32 $0x1;
	s21 =	simm.s32 $0x2  }
0x17: {  	s11 =	simm.s32 $0xC00;
	s22 =	simm.s32 $0xD00;
	[dreg:$0xd] =	wrdreg s0  }
0x18: {  	s24 =	simm.s32 $0x600;
	s25 =	simm.s32 $0xD80;
	[dreg:$0xe] =	wrdreg s26  }
0x19: {  	s26 =	simm.s32 $0x680;
	s0 =	simm.s32 $0xF00;
	[dreg:$0xb] =	wrdreg s7  }
.LBB2_7:
0x1a: {  	[sflag:s23] =	ssyncset.done $0x0  }
0x1b: {  	s7 =	rddreg [dreg:$0xa];
	[sflag:s23] =	ssyncadd.s32 $0xFFFFC000  }
.LBB2_8:
0x1c: {  	s6 =	rddreg [dreg:$0xc]  }
0x1d: {  	s6 =	sadd.s32 s7, s6  }
0x1e: {  	[dreg:$0x10] =	wrdreg s6  }
0x1f: {  	[bflag:$0x0] =	sbarrier.arrive $0xFFFF  }
0x20: {  	s7 =	rddreg [dreg:$0x10]  }
0x21: {  	s6 =	rddreg [dreg:$0xb]  }
0x22: {  	s8 =	rddreg [dreg:$0xe]  }
0x23: {  	[hbm:s7], [sflag:s6] =	dma.local [spmem:s8], $0x2800  }
0x24: {  	s7 =	rddreg [dreg:$0xb];
	_ =	swait.ge [sflag:s13], $0x2800  }
0x25: {  	s6 =	rddreg [dreg:$0xf]  }
0x26: {  	s8 =	sadd.s32 $0x1, s6;
	s6 =	rddreg [dreg:$0xd]  }
0x27: {  	p1 =	sne.s32 s8, s6  }
.Ltmp1:
0x28: {  	_ = 	snop;
	(pc) =	sbr.rel @!p1 .LBB2_9-.Ltmp1, $3  }
0x29: {  	_ =	sdelay $0x1  }
0x2a: {  	[sflag:s13] =	ssyncset.done $0x0  }
0x2b: {  	[sflag:s13] =	ssyncadd.s32 $0xFFFFD800  }
.LBB2_1:
0x2c: {  	[dreg:$0xf] =	wrdreg s8  }
0x2d: {  	s6 =	rddreg [dreg:$0x8]  }
0x2e: {  	s8 =	rddreg [dreg:$0xe]  }
0x2f: {  	[spmem:s8], [sflag:s7] =	dma.local [hbm:s6], $0x2800  }
.Ltmp2:
0x30: {  	_ =	swait.ge [sflag:s13], $0x2800;
	(pc) =	sbr.rel @p0 .LBB2_5-.Ltmp2, $3  }
0x31: {  	[sflag:s13] =	ssyncset.done $0x0  }
0x32: {  	[sflag:s13] =	ssyncadd.s32 $0xFFFFD800  }
0x33: {  	[bflag:$0x0] =	sbarrier.arrive $0xFFFF;
	_ =	sdelay $0x1  }
0x34: {  	s7 =	rddreg [dreg:$0x7]  }
0x35: {  	s7 =	sadd.s32 $0x0, s7  }
0x36: {  	[tilespmem:s4], [sflag:$0x5] =	stream.linear.gather [hbm4b:s7+s4], $0x800, $0x38;
	[tilespmem:$0x1D000] =	vst v63  }
0x37: {  	_ =	swait.ge [sflag:s13], $0x800  }
0x38: {  	s6 =	rddreg [dreg:$0x6];
	[sflag:s13] =	ssyncset.done $0x0  }
0x39: {  	[sflag:s13] =	ssyncadd.s32 $0xFFFFF800;
	s7 =	sadd.s32 $0x0, s6  }
0x3a: {  	[tilespmem:s14], [sflag:$0x5] =	stream.linear.gather [hbm4b:s7+s4], $0x800, $0x38;
	[tilespmem:$0x1D000] =	vst v63  }
0x3b: {  	_ =	swait.ge [sflag:s13], $0x800  }
0x3c: {  	[sflag:s13] =	ssyncset.done $0x0  }
0x3d: {  	[sflag:s13] =	ssyncadd.s32 $0xFFFFF800  }
0x3e: {  	[tilespmem:s16], [sflag:$0x1] =	stream.indirect.gather [hbm4b:s1+s15], $0x80, s4, s15, $0xb8;
	[tilespmem:$0x1D000] =	vst v63  }
0x3f: {  	_ = 	snop  }
0x40: {  	[tilespmem:s17], [sflag:$0x2] =	stream.indirect.gather [hbm4b:s1+s15], $0x80, s15, s15, $0xb8;
	[tilespmem:$0x1D000] =	vst v63  }
0x41: {  	_ =	swait.ge [sflag:s18], $0x4000  }
0x42: {  	[sflag:s18] =	ssyncset.done $0x0  }
0x43: {  	[sflag:s18] =	ssyncadd.s32 $0xFFFFC000  }
0x44: {  	[spmem:s3] =	stream.indirect.scatter.add.f32 [tilespmem:s16], [sflag:$0x3], $0x80, s14, s15, $0xb8;
	[tilespmem:$0x1D000] =	vst v63  }
0x45: {  	_ =	swait.ge [sflag:s19], $0x4000  }
0x46: {  	[sflag:s19] =	ssyncset.done $0x0  }
0x47: {  	s6 =	simm.s32 $0x100;
	[sflag:s19] =	ssyncadd.s32 $0xFFFFC000  }
0x48: {  	[tilespmem:s16], [sflag:$0x1] =	stream.indirect.gather [hbm4b:s1+s15], $0x80, s6, s15, $0xb8;
	[tilespmem:$0x1D000] =	vst v63  }
0x49: {  	_ =	swait.ge [sflag:s21], $0x4000  }
0x4a: {  	[sflag:s21] =	ssyncset.done $0x0  }
0x4b: {  	s8 =	simm.s32 $0x880;
	[sflag:s21] =	ssyncadd.s32 $0xFFFFC000  }
0x4c: {  	[spmem:s3] =	stream.indirect.scatter.add.f32 [tilespmem:s17], [sflag:$0x4], $0x80, s8, s15, $0xb8;
	[tilespmem:$0x1D000] =	vst v63  }
0x4d: {  	_ =	swait.ge [sflag:s23], $0x4000  }
0x4e: {  	[sflag:s23] =	ssyncset.done $0x0  }
0x4f: {  	s7 =	simm.s32 $0x180;
	[sflag:s23] =	ssyncadd.s32 $0xFFFFC000  }
0x50: {  	[tilespmem:s17], [sflag:$0x2] =	stream.indirect.gather [hbm4b:s1+s15], $0x80, s7, s15, $0xb8;
	[tilespmem:$0x1D000] =	vst v63  }
0x51: {  	_ =	swait.ge [sflag:s18], $0x4000  }
0x52: {  	[sflag:s18] =	ssyncset.done $0x0  }
0x53: {  	s8 =	simm.s32 $0x900;
	[sflag:s18] =	ssyncadd.s32 $0xFFFFC000  }
0x54: {  	[spmem:s3] =	stream.indirect.scatter.add.f32 [tilespmem:s16], [sflag:$0x3], $0x80, s8, s15, $0xb8;
	[tilespmem:$0x1D000] =	vst v63  }
0x55: {  	_ =	swait.ge [sflag:s19], $0x4000  }
0x56: {  	[sflag:s19] =	ssyncset.done $0x0  }
0x57: {  	s7 =	simm.s32 $0x200;
	[sflag:s19] =	ssyncadd.s32 $0xFFFFC000  }
0x58: {  	[tilespmem:s16], [sflag:$0x1] =	stream.indirect.gather [hbm4b:s1+s15], $0x80, s7, s15, $0xb8;
	[tilespmem:$0x1D000] =	vst v63  }
0x59: {  	_ =	swait.ge [sflag:s21], $0x4000  }
0x5a: {  	[sflag:s21] =	ssyncset.done $0x0  }
0x5b: {  	s8 =	simm.s32 $0x980;
	[sflag:s21] =	ssyncadd.s32 $0xFFFFC000  }
0x5c: {  	[spmem:s3] =	stream.indirect.scatter.add.f32 [tilespmem:s17], [sflag:$0x4], $0x80, s8, s15, $0xb8;
	[tilespmem:$0x1D000] =	vst v63  }
0x5d: {  	_ =	swait.ge [sflag:s23], $0x4000  }
0x5e: {  	[sflag:s23] =	ssyncset.done $0x0  }
0x5f: {  	s7 =	simm.s32 $0x280;
	[sflag:s23] =	ssyncadd.s32 $0xFFFFC000  }
0x60: {  	[tilespmem:s17], [sflag:$0x2] =	stream.indirect.gather [hbm4b:s1+s15], $0x80, s7, s15, $0xb8;
	[tilespmem:$0x1D000] =	vst v63  }
0x61: {  	_ =	swait.ge [sflag:s18], $0x4000  }
0x62: {  	[sflag:s18] =	ssyncset.done $0x0  }
0x63: {  	s8 =	simm.s32 $0xA00;
	[sflag:s18] =	ssyncadd.s32 $0xFFFFC000  }
0x64: {  	[spmem:s3] =	stream.indirect.scatter.add.f32 [tilespmem:s16], [sflag:$0x3], $0x80, s8, s15, $0xb8;
	[tilespmem:$0x1D000] =	vst v63  }
0x65: {  	_ =	swait.ge [sflag:s19], $0x4000  }
0x66: {  	[sflag:s19] =	ssyncset.done $0x0  }
0x67: {  	s7 =	simm.s32 $0x300;
	[sflag:s19] =	ssyncadd.s32 $0xFFFFC000  }
0x68: {  	[tilespmem:s16], [sflag:$0x1] =	stream.indirect.gather [hbm4b:s1+s15], $0x80, s7, s15, $0xb8;
	[tilespmem:$0x1D000] =	vst v63  }
0x69: {  	_ =	swait.ge [sflag:s21], $0x4000  }
0x6a: {  	[sflag:s21] =	ssyncset.done $0x0  }
0x6b: {  	s8 =	simm.s32 $0xA80;
	[sflag:s21] =	ssyncadd.s32 $0xFFFFC000  }
0x6c: {  	[spmem:s3] =	stream.indirect.scatter.add.f32 [tilespmem:s17], [sflag:$0x4], $0x80, s8, s15, $0xb8;
	[tilespmem:$0x1D000] =	vst v63  }
0x6d: {  	_ =	swait.ge [sflag:s23], $0x4000  }
0x6e: {  	[sflag:s23] =	ssyncset.done $0x0  }
0x6f: {  	s7 =	simm.s32 $0x380;
	[sflag:s23] =	ssyncadd.s32 $0xFFFFC000  }
0x70: {  	[tilespmem:s17], [sflag:$0x2] =	stream.indirect.gather [hbm4b:s1+s15], $0x80, s7, s15, $0xb8;
	[tilespmem:$0x1D000] =	vst v63  }
0x71: {  	_ =	swait.ge [sflag:s18], $0x4000  }
0x72: {  	[sflag:s18] =	ssyncset.done $0x0  }
0x73: {  	s8 =	simm.s32 $0xB00;
	[sflag:s18] =	ssyncadd.s32 $0xFFFFC000  }
0x74: {  	[spmem:s3] =	stream.indirect.scatter.add.f32 [tilespmem:s16], [sflag:$0x3], $0x80, s8, s15, $0xb8;
	[tilespmem:$0x1D000] =	vst v63  }
0x75: {  	_ =	swait.ge [sflag:s19], $0x4000  }
0x76: {  	[sflag:s19] =	ssyncset.done $0x0  }
0x77: {  	s7 =	simm.s32 $0x400;
	[sflag:s19] =	ssyncadd.s32 $0xFFFFC000  }
0x78: {  	[tilespmem:s16], [sflag:$0x1] =	stream.indirect.gather [hbm4b:s1+s15], $0x80, s7, s15, $0xb8;
	[tilespmem:$0x1D000] =	vst v63  }
0x79: {  	_ =	swait.ge [sflag:s21], $0x4000  }
0x7a: {  	[sflag:s21] =	ssyncset.done $0x0  }
0x7b: {  	s8 =	simm.s32 $0xB80;
	[sflag:s21] =	ssyncadd.s32 $0xFFFFC000  }
0x7c: {  	[spmem:s3] =	stream.indirect.scatter.add.f32 [tilespmem:s17], [sflag:$0x4], $0x80, s8, s15, $0xb8;
	[tilespmem:$0x1D000] =	vst v63  }
0x7d: {  	_ =	swait.ge [sflag:s23], $0x4000  }
0x7e: {  	[sflag:s23] =	ssyncset.done $0x0  }
0x7f: {  	[sflag:s23] =	ssyncadd.s32 $0xFFFFC000  }
0x80: {  	[tilespmem:s17], [sflag:$0x2] =	stream.indirect.gather [hbm4b:s1+s15], $0x80, s10, s15, $0xb8;
	[tilespmem:$0x1D000] =	vst v63  }
0x81: {  	_ =	swait.ge [sflag:s18], $0x4000  }
0x82: {  	[sflag:s18] =	ssyncset.done $0x0  }
0x83: {  	[sflag:s18] =	ssyncadd.s32 $0xFFFFC000  }
0x84: {  	[spmem:s3] =	stream.indirect.scatter.add.f32 [tilespmem:s16], [sflag:$0x3], $0x80, s11, s15, $0xb8;
	[tilespmem:$0x1D000] =	vst v63  }
0x85: {  	_ =	swait.ge [sflag:s19], $0x4000  }
0x86: {  	[sflag:s19] =	ssyncset.done $0x0  }
0x87: {  	[sflag:s19] =	ssyncadd.s32 $0xFFFFC000  }
0x88: {  	[tilespmem:s16], [sflag:$0x1] =	stream.indirect.gather [hbm4b:s1+s15], $0x80, s9, s15, $0xb8;
	[tilespmem:$0x1D000] =	vst v63  }
0x89: {  	_ =	swait.ge [sflag:s21], $0x4000  }
0x8a: {  	[sflag:s21] =	ssyncset.done $0x0  }
0x8b: {  	[sflag:s21] =	ssyncadd.s32 $0xFFFFC000  }
0x8c: {  	[spmem:s3] =	stream.indirect.scatter.add.f32 [tilespmem:s17], [sflag:$0x4], $0x80, s12, s15, $0xb8;
	[tilespmem:$0x1D000] =	vst v63  }
0x8d: {  	_ =	swait.ge [sflag:s23], $0x4000  }
0x8e: {  	[sflag:s23] =	ssyncset.done $0x0  }
0x8f: {  	[sflag:s23] =	ssyncadd.s32 $0xFFFFC000  }
0x90: {  	[tilespmem:s17], [sflag:$0x2] =	stream.indirect.gather [hbm4b:s1+s15], $0x80, s20, s15, $0xb8;
	[tilespmem:$0x1D000] =	vst v63  }
0x91: {  	_ =	swait.ge [sflag:s18], $0x4000  }
0x92: {  	[sflag:s18] =	ssyncset.done $0x0  }
0x93: {  	[sflag:s18] =	ssyncadd.s32 $0xFFFFC000  }
0x94: {  	[spmem:s3] =	stream.indirect.scatter.add.f32 [tilespmem:s16], [sflag:$0x3], $0x80, s22, s15, $0xb8;
	[tilespmem:$0x1D000] =	vst v63  }
0x95: {  	_ =	swait.ge [sflag:s19], $0x4000  }
0x96: {  	[sflag:s19] =	ssyncset.done $0x0  }
0x97: {  	[sflag:s19] =	ssyncadd.s32 $0xFFFFC000  }
0x98: {  	[tilespmem:s16], [sflag:$0x1] =	stream.indirect.gather [hbm4b:s1+s15], $0x80, s24, s15, $0xb8;
	[tilespmem:$0x1D000] =	vst v63  }
0x99: {  	_ =	swait.ge [sflag:s21], $0x4000  }
0x9a: {  	[sflag:s21] =	ssyncset.done $0x0  }
0x9b: {  	[sflag:s21] =	ssyncadd.s32 $0xFFFFC000  }
0x9c: {  	[spmem:s3] =	stream.indirect.scatter.add.f32 [tilespmem:s17], [sflag:$0x4], $0x80, s25, s15, $0xb8;
	[tilespmem:$0x1D000] =	vst v63  }
0x9d: {  	_ =	swait.ge [sflag:s23], $0x4000  }
0x9e: {  	[sflag:s23] =	ssyncset.done $0x0  }
0x9f: {  	[sflag:s23] =	ssyncadd.s32 $0xFFFFC000  }
0xa0: {  	[tilespmem:s17], [sflag:$0x2] =	stream.indirect.gather [hbm4b:s1+s15], $0x80, s26, s15, $0xb8;
	[tilespmem:$0x1D000] =	vst v63  }
0xa1: {  	_ =	swait.ge [sflag:s18], $0x4000  }
0xa2: {  	[sflag:s18] =	ssyncset.done $0x0  }
0xa3: {  	[sflag:s18] =	ssyncadd.s32 $0xFFFFC000  }
0xa4: {  	[spmem:s3] =	stream.indirect.scatter.add.f32 [tilespmem:s16], [sflag:$0x3], $0x80, s28, s15, $0xb8;
	[tilespmem:$0x1D000] =	vst v63  }
0xa5: {  	_ =	swait.ge [sflag:s19], $0x4000  }
0xa6: {  	[sflag:s19] =	ssyncset.done $0x0  }
0xa7: {  	[sflag:s19] =	ssyncadd.s32 $0xFFFFC000  }
0xa8: {  	[tilespmem:s16], [sflag:$0x1] =	stream.indirect.gather [hbm4b:s1+s15], $0x80, s29, s15, $0xb8;
	[tilespmem:$0x1D000] =	vst v63  }
0xa9: {  	_ =	swait.ge [sflag:s21], $0x4000  }
0xaa: {  	[sflag:s21] =	ssyncset.done $0x0  }
0xab: {  	[sflag:s21] =	ssyncadd.s32 $0xFFFFC000  }
0xac: {  	[spmem:s3] =	stream.indirect.scatter.add.f32 [tilespmem:s17], [sflag:$0x4], $0x80, s30, s15, $0xb8;
	[tilespmem:$0x1D000] =	vst v63  }
0xad: {  	_ =	swait.ge [sflag:s23], $0x4000  }
0xae: {  	[sflag:s23] =	ssyncset.done $0x0  }
0xaf: {  	[sflag:s23] =	ssyncadd.s32 $0xFFFFC000  }
0xb0: {  	[tilespmem:s17], [sflag:$0x2] =	stream.indirect.gather [hbm4b:s1+s15], $0x80, s31, s15, $0xb8;
	[tilespmem:$0x1D000] =	vst v63  }
0xb1: {  	_ =	swait.ge [sflag:s18], $0x4000  }
0xb2: {  	[sflag:s18] =	ssyncset.done $0x0  }
0xb3: {  	[sflag:s18] =	ssyncadd.s32 $0xFFFFC000  }
0xb4: {  	[spmem:s3] =	stream.indirect.scatter.add.f32 [tilespmem:s16], [sflag:$0x3], $0x80, s0, s15, $0xb8;
	[tilespmem:$0x1D000] =	vst v63  }
0xb5: {  	_ =	swait.ge [sflag:s19], $0x4000  }
0xb6: {  	[sflag:s19] =	ssyncset.done $0x0  }
0xb7: {  	[sflag:s19] =	ssyncadd.s32 $0xFFFFC000  }
0xb8: {  	_ =	swait.ge [sflag:s21], $0x4000  }
0xb9: {  	[sflag:s21] =	ssyncset.done $0x0  }
0xba: {  	[sflag:s21] =	ssyncadd.s32 $0xFFFFC000  }
0xbb: {  	[spmem:s3] =	stream.indirect.scatter.add.f32 [tilespmem:s17], [sflag:$0x4], $0x80, s2, s15, $0xb8;
	[tilespmem:$0x1D000] =	vst v63  }
0xbc: {  	s7 =	simm.s32 $0x100;
	_ =	swait.ge [sflag:s23], $0x4000  }
.LBB2_3:
0xbd: {  	s8 =	rddreg [dreg:$0x7];
	s6 =	smov.u32 s7;
	[sflag:s23] =	ssyncset.done $0x0  }
0xbe: {  	s8 =	sadd.s32 s6, s8;
	[sflag:s23] =	ssyncadd.s32 $0xFFFFC000  }
0xbf: {  	[tilespmem:s4], [sflag:$0x5] =	stream.linear.gather [hbm4b:s8+s4], $0x800, $0x38;
	[tilespmem:$0x1D000] =	vst v63  }
0xc0: {  	_ =	swait.ge [sflag:s13], $0x800  }
0xc1: {  	s8 =	rddreg [dreg:$0x6];
	[sflag:s13] =	ssyncset.done $0x0  }
0xc2: {  	[sflag:s13] =	ssyncadd.s32 $0xFFFFF800;
	s6 =	sadd.s32 s6, s8  }
0xc3: {  	[tilespmem:s14], [sflag:$0x5] =	stream.linear.gather [hbm4b:s6+s4], $0x800, $0x38;
	[tilespmem:$0x1D000] =	vst v63  }
0xc4: {  	_ =	swait.ge [sflag:s13], $0x800  }
0xc5: {  	[sflag:s13] =	ssyncset.done $0x0  }
0xc6: {  	[sflag:s13] =	ssyncadd.s32 $0xFFFFF800  }
0xc7: {  	[tilespmem:s16], [sflag:$0x1] =	stream.indirect.gather [hbm4b:s1+s15], $0x80, s4, s15, $0xb8;
	[tilespmem:$0x1D000] =	vst v63  }
0xc8: {  	_ = 	snop  }
0xc9: {  	[tilespmem:s17], [sflag:$0x2] =	stream.indirect.gather [hbm4b:s1+s15], $0x80, s15, s15, $0xb8;
	[tilespmem:$0x1D000] =	vst v63  }
0xca: {  	_ =	swait.ge [sflag:s18], $0x4000  }
0xcb: {  	[sflag:s18] =	ssyncset.done $0x0  }
0xcc: {  	[sflag:s18] =	ssyncadd.s32 $0xFFFFC000  }
0xcd: {  	[spmem:s3] =	stream.indirect.scatter.add.f32 [tilespmem:s16], [sflag:$0x3], $0x80, s14, s15, $0xb8;
	[tilespmem:$0x1D000] =	vst v63  }
0xce: {  	_ =	swait.ge [sflag:s19], $0x4000  }
0xcf: {  	[sflag:s19] =	ssyncset.done $0x0  }
0xd0: {  	s8 =	simm.s32 $0x100;
	[sflag:s19] =	ssyncadd.s32 $0xFFFFC000  }
0xd1: {  	[tilespmem:s16], [sflag:$0x1] =	stream.indirect.gather [hbm4b:s1+s15], $0x80, s8, s15, $0xb8;
	[tilespmem:$0x1D000] =	vst v63  }
0xd2: {  	_ =	swait.ge [sflag:s21], $0x4000  }
0xd3: {  	[sflag:s21] =	ssyncset.done $0x0  }
0xd4: {  	s8 =	simm.s32 $0x880;
	[sflag:s21] =	ssyncadd.s32 $0xFFFFC000  }
0xd5: {  	[spmem:s3] =	stream.indirect.scatter.add.f32 [tilespmem:s17], [sflag:$0x4], $0x80, s8, s15, $0xb8;
	[tilespmem:$0x1D000] =	vst v63  }
0xd6: {  	_ =	swait.ge [sflag:s23], $0x4000  }
0xd7: {  	[sflag:s23] =	ssyncset.done $0x0  }
0xd8: {  	s8 =	simm.s32 $0x180;
	[sflag:s23] =	ssyncadd.s32 $0xFFFFC000  }
0xd9: {  	[tilespmem:s17], [sflag:$0x2] =	stream.indirect.gather [hbm4b:s1+s15], $0x80, s8, s15, $0xb8;
	[tilespmem:$0x1D000] =	vst v63  }
0xda: {  	_ =	swait.ge [sflag:s18], $0x4000  }
0xdb: {  	[sflag:s18] =	ssyncset.done $0x0  }
0xdc: {  	s8 =	simm.s32 $0x900;
	[sflag:s18] =	ssyncadd.s32 $0xFFFFC000  }
0xdd: {  	[spmem:s3] =	stream.indirect.scatter.add.f32 [tilespmem:s16], [sflag:$0x3], $0x80, s8, s15, $0xb8;
	[tilespmem:$0x1D000] =	vst v63  }
0xde: {  	_ =	swait.ge [sflag:s19], $0x4000  }
0xdf: {  	[sflag:s19] =	ssyncset.done $0x0  }
0xe0: {  	s8 =	simm.s32 $0x200;
	[sflag:s19] =	ssyncadd.s32 $0xFFFFC000  }
0xe1: {  	[tilespmem:s16], [sflag:$0x1] =	stream.indirect.gather [hbm4b:s1+s15], $0x80, s8, s15, $0xb8;
	[tilespmem:$0x1D000] =	vst v63  }
0xe2: {  	_ =	swait.ge [sflag:s21], $0x4000  }
0xe3: {  	[sflag:s21] =	ssyncset.done $0x0  }
0xe4: {  	s8 =	simm.s32 $0x980;
	[sflag:s21] =	ssyncadd.s32 $0xFFFFC000  }
0xe5: {  	[spmem:s3] =	stream.indirect.scatter.add.f32 [tilespmem:s17], [sflag:$0x4], $0x80, s8, s15, $0xb8;
	[tilespmem:$0x1D000] =	vst v63  }
0xe6: {  	_ =	swait.ge [sflag:s23], $0x4000  }
0xe7: {  	[sflag:s23] =	ssyncset.done $0x0  }
0xe8: {  	s8 =	simm.s32 $0x280;
	[sflag:s23] =	ssyncadd.s32 $0xFFFFC000  }
0xe9: {  	[tilespmem:s17], [sflag:$0x2] =	stream.indirect.gather [hbm4b:s1+s15], $0x80, s8, s15, $0xb8;
	[tilespmem:$0x1D000] =	vst v63  }
0xea: {  	_ =	swait.ge [sflag:s18], $0x4000  }
0xeb: {  	[sflag:s18] =	ssyncset.done $0x0  }
0xec: {  	s8 =	simm.s32 $0xA00;
	[sflag:s18] =	ssyncadd.s32 $0xFFFFC000  }
0xed: {  	[spmem:s3] =	stream.indirect.scatter.add.f32 [tilespmem:s16], [sflag:$0x3], $0x80, s8, s15, $0xb8;
	[tilespmem:$0x1D000] =	vst v63  }
0xee: {  	_ =	swait.ge [sflag:s19], $0x4000  }
0xef: {  	[sflag:s19] =	ssyncset.done $0x0  }
0xf0: {  	s8 =	simm.s32 $0x300;
	[sflag:s19] =	ssyncadd.s32 $0xFFFFC000  }
0xf1: {  	[tilespmem:s16], [sflag:$0x1] =	stream.indirect.gather [hbm4b:s1+s15], $0x80, s8, s15, $0xb8;
	[tilespmem:$0x1D000] =	vst v63  }
0xf2: {  	_ =	swait.ge [sflag:s21], $0x4000  }
0xf3: {  	[sflag:s21] =	ssyncset.done $0x0  }
0xf4: {  	s8 =	simm.s32 $0xA80;
	[sflag:s21] =	ssyncadd.s32 $0xFFFFC000  }
0xf5: {  	[spmem:s3] =	stream.indirect.scatter.add.f32 [tilespmem:s17], [sflag:$0x4], $0x80, s8, s15, $0xb8;
	[tilespmem:$0x1D000] =	vst v63  }
0xf6: {  	_ =	swait.ge [sflag:s23], $0x4000  }
0xf7: {  	[sflag:s23] =	ssyncset.done $0x0  }
0xf8: {  	s8 =	simm.s32 $0x380;
	[sflag:s23] =	ssyncadd.s32 $0xFFFFC000  }
0xf9: {  	[tilespmem:s17], [sflag:$0x2] =	stream.indirect.gather [hbm4b:s1+s15], $0x80, s8, s15, $0xb8;
	[tilespmem:$0x1D000] =	vst v63  }
0xfa: {  	_ =	swait.ge [sflag:s18], $0x4000  }
0xfb: {  	[sflag:s18] =	ssyncset.done $0x0  }
0xfc: {  	s8 =	simm.s32 $0xB00;
	[sflag:s18] =	ssyncadd.s32 $0xFFFFC000  }
0xfd: {  	[spmem:s3] =	stream.indirect.scatter.add.f32 [tilespmem:s16], [sflag:$0x3], $0x80, s8, s15, $0xb8;
	[tilespmem:$0x1D000] =	vst v63  }
0xfe: {  	_ =	swait.ge [sflag:s19], $0x4000  }
0xff: {  	[sflag:s19] =	ssyncset.done $0x0  }
0x100: {  	s8 =	simm.s32 $0x400;
	[sflag:s19] =	ssyncadd.s32 $0xFFFFC000  }
0x101: {  	[tilespmem:s16], [sflag:$0x1] =	stream.indirect.gather [hbm4b:s1+s15], $0x80, s8, s15, $0xb8;
	[tilespmem:$0x1D000] =	vst v63  }
0x102: {  	_ =	swait.ge [sflag:s21], $0x4000  }
0x103: {  	[sflag:s21] =	ssyncset.done $0x0  }
0x104: {  	s8 =	simm.s32 $0xB80;
	[sflag:s21] =	ssyncadd.s32 $0xFFFFC000  }
0x105: {  	[spmem:s3] =	stream.indirect.scatter.add.f32 [tilespmem:s17], [sflag:$0x4], $0x80, s8, s15, $0xb8;
	[tilespmem:$0x1D000] =	vst v63  }
0x106: {  	_ =	swait.ge [sflag:s23], $0x4000  }
0x107: {  	[sflag:s23] =	ssyncset.done $0x0  }
0x108: {  	[sflag:s23] =	ssyncadd.s32 $0xFFFFC000  }
0x109: {  	[tilespmem:s17], [sflag:$0x2] =	stream.indirect.gather [hbm4b:s1+s15], $0x80, s10, s15, $0xb8;
	[tilespmem:$0x1D000] =	vst v63  }
0x10a: {  	_ =	swait.ge [sflag:s18], $0x4000  }
0x10b: {  	[sflag:s18] =	ssyncset.done $0x0  }
0x10c: {  	[sflag:s18] =	ssyncadd.s32 $0xFFFFC000  }
0x10d: {  	[spmem:s3] =	stream.indirect.scatter.add.f32 [tilespmem:s16], [sflag:$0x3], $0x80, s11, s15, $0xb8;
	[tilespmem:$0x1D000] =	vst v63  }
0x10e: {  	_ =	swait.ge [sflag:s19], $0x4000  }
0x10f: {  	[sflag:s19] =	ssyncset.done $0x0  }
0x110: {  	[sflag:s19] =	ssyncadd.s32 $0xFFFFC000  }
0x111: {  	[tilespmem:s16], [sflag:$0x1] =	stream.indirect.gather [hbm4b:s1+s15], $0x80, s9, s15, $0xb8;
	[tilespmem:$0x1D000] =	vst v63  }
0x112: {  	_ =	swait.ge [sflag:s21], $0x4000  }
0x113: {  	[sflag:s21] =	ssyncset.done $0x0  }
0x114: {  	[sflag:s21] =	ssyncadd.s32 $0xFFFFC000  }
0x115: {  	[spmem:s3] =	stream.indirect.scatter.add.f32 [tilespmem:s17], [sflag:$0x4], $0x80, s12, s15, $0xb8;
	[tilespmem:$0x1D000] =	vst v63  }
0x116: {  	_ =	swait.ge [sflag:s23], $0x4000  }
0x117: {  	[sflag:s23] =	ssyncset.done $0x0  }
0x118: {  	[sflag:s23] =	ssyncadd.s32 $0xFFFFC000  }
0x119: {  	[tilespmem:s17], [sflag:$0x2] =	stream.indirect.gather [hbm4b:s1+s15], $0x80, s20, s15, $0xb8;
	[tilespmem:$0x1D000] =	vst v63  }
0x11a: {  	_ =	swait.ge [sflag:s18], $0x4000  }
0x11b: {  	[sflag:s18] =	ssyncset.done $0x0  }
0x11c: {  	[sflag:s18] =	ssyncadd.s32 $0xFFFFC000  }
0x11d: {  	[spmem:s3] =	stream.indirect.scatter.add.f32 [tilespmem:s16], [sflag:$0x3], $0x80, s22, s15, $0xb8;
	[tilespmem:$0x1D000] =	vst v63  }
0x11e: {  	_ =	swait.ge [sflag:s19], $0x4000  }
0x11f: {  	[sflag:s19] =	ssyncset.done $0x0  }
0x120: {  	[sflag:s19] =	ssyncadd.s32 $0xFFFFC000  }
0x121: {  	[tilespmem:s16], [sflag:$0x1] =	stream.indirect.gather [hbm4b:s1+s15], $0x80, s24, s15, $0xb8;
	[tilespmem:$0x1D000] =	vst v63  }
0x122: {  	_ =	swait.ge [sflag:s21], $0x4000  }
0x123: {  	[sflag:s21] =	ssyncset.done $0x0  }
0x124: {  	[sflag:s21] =	ssyncadd.s32 $0xFFFFC000  }
0x125: {  	[spmem:s3] =	stream.indirect.scatter.add.f32 [tilespmem:s17], [sflag:$0x4], $0x80, s25, s15, $0xb8;
	[tilespmem:$0x1D000] =	vst v63  }
0x126: {  	_ =	swait.ge [sflag:s23], $0x4000  }
0x127: {  	[sflag:s23] =	ssyncset.done $0x0  }
0x128: {  	[sflag:s23] =	ssyncadd.s32 $0xFFFFC000  }
0x129: {  	[tilespmem:s17], [sflag:$0x2] =	stream.indirect.gather [hbm4b:s1+s15], $0x80, s26, s15, $0xb8;
	[tilespmem:$0x1D000] =	vst v63  }
0x12a: {  	_ =	swait.ge [sflag:s18], $0x4000  }
0x12b: {  	[sflag:s18] =	ssyncset.done $0x0  }
0x12c: {  	[sflag:s18] =	ssyncadd.s32 $0xFFFFC000  }
0x12d: {  	[spmem:s3] =	stream.indirect.scatter.add.f32 [tilespmem:s16], [sflag:$0x3], $0x80, s28, s15, $0xb8;
	[tilespmem:$0x1D000] =	vst v63  }
0x12e: {  	_ =	swait.ge [sflag:s19], $0x4000  }
0x12f: {  	[sflag:s19] =	ssyncset.done $0x0  }
0x130: {  	[sflag:s19] =	ssyncadd.s32 $0xFFFFC000  }
0x131: {  	[tilespmem:s16], [sflag:$0x1] =	stream.indirect.gather [hbm4b:s1+s15], $0x80, s29, s15, $0xb8;
	[tilespmem:$0x1D000] =	vst v63  }
0x132: {  	_ =	swait.ge [sflag:s21], $0x4000  }
0x133: {  	[sflag:s21] =	ssyncset.done $0x0  }
0x134: {  	[sflag:s21] =	ssyncadd.s32 $0xFFFFC000  }
0x135: {  	[spmem:s3] =	stream.indirect.scatter.add.f32 [tilespmem:s17], [sflag:$0x4], $0x80, s30, s15, $0xb8;
	[tilespmem:$0x1D000] =	vst v63  }
0x136: {  	_ =	swait.ge [sflag:s23], $0x4000  }
0x137: {  	[sflag:s23] =	ssyncset.done $0x0  }
0x138: {  	[sflag:s23] =	ssyncadd.s32 $0xFFFFC000  }
0x139: {  	[tilespmem:s17], [sflag:$0x2] =	stream.indirect.gather [hbm4b:s1+s15], $0x80, s31, s15, $0xb8;
	[tilespmem:$0x1D000] =	vst v63  }
0x13a: {  	_ =	swait.ge [sflag:s18], $0x4000  }
0x13b: {  	[sflag:s18] =	ssyncset.done $0x0  }
0x13c: {  	[sflag:s18] =	ssyncadd.s32 $0xFFFFC000  }
0x13d: {  	[spmem:s3] =	stream.indirect.scatter.add.f32 [tilespmem:s16], [sflag:$0x3], $0x80, s0, s15, $0xb8;
	[tilespmem:$0x1D000] =	vst v63  }
0x13e: {  	_ =	swait.ge [sflag:s19], $0x4000  }
0x13f: {  	[sflag:s19] =	ssyncset.done $0x0  }
0x140: {  	p1 =	seq.s32 s7, $0x400;
	[sflag:s19] =	ssyncadd.s32 $0xFFFFC000  }
.Ltmp3:
0x141: {  	_ =	swait.ge [sflag:s21], $0x4000;
	(pc) =	sbr.rel @!p1 .LBB2_3-.Ltmp3, $4  }
0x142: {  	[sflag:s21] =	ssyncset.done $0x0  }
0x143: {  	[sflag:s21] =	ssyncadd.s32 $0xFFFFC000  }
0x144: {  	[spmem:s3] =	stream.indirect.scatter.add.f32 [tilespmem:s17], [sflag:$0x4], $0x80, s2, s15, $0xb8;
	[tilespmem:$0x1D000] =	vst v63  }
0x145: {  	s7 =	sadd.s32 $0x100, s7;
	_ =	swait.ge [sflag:s23], $0x4000  }
.Ltmp4:
0x146: {  	(pc) =	sbr.rel .LBB2_8-.Ltmp4, $3  }
0x147: {  	_ =	sdelay $0x1  }
0x148: {  	[sflag:s23] =	ssyncset.done $0x0  }
0x149: {  	s7 =	rddreg [dreg:$0x9];
	[sflag:s23] =	ssyncadd.s32 $0xFFFFC000  }
.LBB2_5:
0x14a: {  	s6 =	rddreg [dreg:$0x5]  }
0x14b: {  	s6 =	sadd.s32 $0x0, s6  }
0x14c: {  	[tilespmem:s4], [sflag:$0x5] =	stream.linear.gather [hbm4b:s6+s4], $0x800, $0x38;
	[tilespmem:$0x1D000] =	vst v63  }
0x14d: {  	_ =	swait.ge [sflag:s13], $0x800  }
0x14e: {  	s8 =	rddreg [dreg:$0x4];
	[sflag:s13] =	ssyncset.done $0x0  }
0x14f: {  	[sflag:s13] =	ssyncadd.s32 $0xFFFFF800;
	s6 =	sadd.s32 $0x0, s8  }
0x150: {  	[tilespmem:s14], [sflag:$0x5] =	stream.linear.gather [hbm4b:s6+s4], $0x800, $0x38;
	[tilespmem:$0x1D000] =	vst v63  }
0x151: {  	_ =	swait.ge [sflag:s13], $0x800  }
0x152: {  	[sflag:s13] =	ssyncset.done $0x0  }
0x153: {  	[sflag:s13] =	ssyncadd.s32 $0xFFFFF800  }
0x154: {  	[tilespmem:s16], [sflag:$0x1] =	stream.indirect.gather [hbm4b:s5+s15], $0x80, s4, s15, $0xb8;
	[tilespmem:$0x1D000] =	vst v63  }
0x155: {  	_ = 	snop  }
0x156: {  	[tilespmem:s17], [sflag:$0x2] =	stream.indirect.gather [hbm4b:s5+s15], $0x80, s15, s15, $0xb8;
	[tilespmem:$0x1D000] =	vst v63  }
0x157: {  	_ =	swait.ge [sflag:s18], $0x4000  }
0x158: {  	[sflag:s18] =	ssyncset.done $0x0  }
0x159: {  	[sflag:s18] =	ssyncadd.s32 $0xFFFFC000  }
0x15a: {  	[spmem:s3] =	stream.indirect.scatter.add.f32 [tilespmem:s16], [sflag:$0x3], $0x80, s14, s15, $0xb8;
	[tilespmem:$0x1D000] =	vst v63  }
0x15b: {  	_ =	swait.ge [sflag:s19], $0x4000  }
0x15c: {  	[sflag:s19] =	ssyncset.done $0x0  }
0x15d: {  	s7 =	simm.s32 $0x100;
	[sflag:s19] =	ssyncadd.s32 $0xFFFFC000  }
0x15e: {  	[tilespmem:s16], [sflag:$0x1] =	stream.indirect.gather [hbm4b:s5+s15], $0x80, s7, s15, $0xb8;
	[tilespmem:$0x1D000] =	vst v63  }
0x15f: {  	_ =	swait.ge [sflag:s21], $0x4000  }
0x160: {  	[sflag:s21] =	ssyncset.done $0x0  }
0x161: {  	s8 =	simm.s32 $0x880;
	[sflag:s21] =	ssyncadd.s32 $0xFFFFC000  }
0x162: {  	[spmem:s3] =	stream.indirect.scatter.add.f32 [tilespmem:s17], [sflag:$0x4], $0x80, s8, s15, $0xb8;
	[tilespmem:$0x1D000] =	vst v63  }
0x163: {  	_ =	swait.ge [sflag:s23], $0x4000  }
0x164: {  	[sflag:s23] =	ssyncset.done $0x0  }
0x165: {  	s7 =	simm.s32 $0x180;
	[sflag:s23] =	ssyncadd.s32 $0xFFFFC000  }
0x166: {  	[tilespmem:s17], [sflag:$0x2] =	stream.indirect.gather [hbm4b:s5+s15], $0x80, s7, s15, $0xb8;
	[tilespmem:$0x1D000] =	vst v63  }
0x167: {  	_ =	swait.ge [sflag:s18], $0x4000  }
0x168: {  	[sflag:s18] =	ssyncset.done $0x0  }
0x169: {  	s8 =	simm.s32 $0x900;
	[sflag:s18] =	ssyncadd.s32 $0xFFFFC000  }
0x16a: {  	[spmem:s3] =	stream.indirect.scatter.add.f32 [tilespmem:s16], [sflag:$0x3], $0x80, s8, s15, $0xb8;
	[tilespmem:$0x1D000] =	vst v63  }
0x16b: {  	_ =	swait.ge [sflag:s19], $0x4000  }
0x16c: {  	[sflag:s19] =	ssyncset.done $0x0  }
0x16d: {  	s7 =	simm.s32 $0x200;
	[sflag:s19] =	ssyncadd.s32 $0xFFFFC000  }
0x16e: {  	[tilespmem:s16], [sflag:$0x1] =	stream.indirect.gather [hbm4b:s5+s15], $0x80, s7, s15, $0xb8;
	[tilespmem:$0x1D000] =	vst v63  }
0x16f: {  	_ =	swait.ge [sflag:s21], $0x4000  }
0x170: {  	[sflag:s21] =	ssyncset.done $0x0  }
0x171: {  	s8 =	simm.s32 $0x980;
	[sflag:s21] =	ssyncadd.s32 $0xFFFFC000  }
0x172: {  	[spmem:s3] =	stream.indirect.scatter.add.f32 [tilespmem:s17], [sflag:$0x4], $0x80, s8, s15, $0xb8;
	[tilespmem:$0x1D000] =	vst v63  }
0x173: {  	_ =	swait.ge [sflag:s23], $0x4000  }
0x174: {  	[sflag:s23] =	ssyncset.done $0x0  }
0x175: {  	s7 =	simm.s32 $0x280;
	[sflag:s23] =	ssyncadd.s32 $0xFFFFC000  }
0x176: {  	[tilespmem:s17], [sflag:$0x2] =	stream.indirect.gather [hbm4b:s5+s15], $0x80, s7, s15, $0xb8;
	[tilespmem:$0x1D000] =	vst v63  }
0x177: {  	_ =	swait.ge [sflag:s18], $0x4000  }
0x178: {  	[sflag:s18] =	ssyncset.done $0x0  }
0x179: {  	s8 =	simm.s32 $0xA00;
	[sflag:s18] =	ssyncadd.s32 $0xFFFFC000  }
0x17a: {  	[spmem:s3] =	stream.indirect.scatter.add.f32 [tilespmem:s16], [sflag:$0x3], $0x80, s8, s15, $0xb8;
	[tilespmem:$0x1D000] =	vst v63  }
0x17b: {  	_ =	swait.ge [sflag:s19], $0x4000  }
0x17c: {  	[sflag:s19] =	ssyncset.done $0x0  }
0x17d: {  	s7 =	simm.s32 $0x300;
	[sflag:s19] =	ssyncadd.s32 $0xFFFFC000  }
0x17e: {  	[tilespmem:s16], [sflag:$0x1] =	stream.indirect.gather [hbm4b:s5+s15], $0x80, s7, s15, $0xb8;
	[tilespmem:$0x1D000] =	vst v63  }
0x17f: {  	_ =	swait.ge [sflag:s21], $0x4000  }
0x180: {  	[sflag:s21] =	ssyncset.done $0x0  }
0x181: {  	s8 =	simm.s32 $0xA80;
	[sflag:s21] =	ssyncadd.s32 $0xFFFFC000  }
0x182: {  	[spmem:s3] =	stream.indirect.scatter.add.f32 [tilespmem:s17], [sflag:$0x4], $0x80, s8, s15, $0xb8;
	[tilespmem:$0x1D000] =	vst v63  }
0x183: {  	_ =	swait.ge [sflag:s23], $0x4000  }
0x184: {  	[sflag:s23] =	ssyncset.done $0x0  }
0x185: {  	s7 =	simm.s32 $0x380;
	[sflag:s23] =	ssyncadd.s32 $0xFFFFC000  }
0x186: {  	[tilespmem:s17], [sflag:$0x2] =	stream.indirect.gather [hbm4b:s5+s15], $0x80, s7, s15, $0xb8;
	[tilespmem:$0x1D000] =	vst v63  }
0x187: {  	_ =	swait.ge [sflag:s18], $0x4000  }
0x188: {  	[sflag:s18] =	ssyncset.done $0x0  }
0x189: {  	s8 =	simm.s32 $0xB00;
	[sflag:s18] =	ssyncadd.s32 $0xFFFFC000  }
0x18a: {  	[spmem:s3] =	stream.indirect.scatter.add.f32 [tilespmem:s16], [sflag:$0x3], $0x80, s8, s15, $0xb8;
	[tilespmem:$0x1D000] =	vst v63  }
0x18b: {  	_ =	swait.ge [sflag:s19], $0x4000  }
0x18c: {  	[sflag:s19] =	ssyncset.done $0x0  }
0x18d: {  	s7 =	simm.s32 $0x400;
	[sflag:s19] =	ssyncadd.s32 $0xFFFFC000  }
0x18e: {  	[tilespmem:s16], [sflag:$0x1] =	stream.indirect.gather [hbm4b:s5+s15], $0x80, s7, s15, $0xb8;
	[tilespmem:$0x1D000] =	vst v63  }
0x18f: {  	_ =	swait.ge [sflag:s21], $0x4000  }
0x190: {  	[sflag:s21] =	ssyncset.done $0x0  }
0x191: {  	s8 =	simm.s32 $0xB80;
	[sflag:s21] =	ssyncadd.s32 $0xFFFFC000  }
0x192: {  	[spmem:s3] =	stream.indirect.scatter.add.f32 [tilespmem:s17], [sflag:$0x4], $0x80, s8, s15, $0xb8;
	[tilespmem:$0x1D000] =	vst v63  }
0x193: {  	_ =	swait.ge [sflag:s23], $0x4000  }
0x194: {  	[sflag:s23] =	ssyncset.done $0x0  }
0x195: {  	[sflag:s23] =	ssyncadd.s32 $0xFFFFC000  }
0x196: {  	[tilespmem:s17], [sflag:$0x2] =	stream.indirect.gather [hbm4b:s5+s15], $0x80, s10, s15, $0xb8;
	[tilespmem:$0x1D000] =	vst v63  }
0x197: {  	_ =	swait.ge [sflag:s18], $0x4000  }
0x198: {  	[sflag:s18] =	ssyncset.done $0x0  }
0x199: {  	[sflag:s18] =	ssyncadd.s32 $0xFFFFC000  }
0x19a: {  	[spmem:s3] =	stream.indirect.scatter.add.f32 [tilespmem:s16], [sflag:$0x3], $0x80, s11, s15, $0xb8;
	[tilespmem:$0x1D000] =	vst v63  }
0x19b: {  	_ =	swait.ge [sflag:s19], $0x4000  }
0x19c: {  	[sflag:s19] =	ssyncset.done $0x0  }
0x19d: {  	[sflag:s19] =	ssyncadd.s32 $0xFFFFC000  }
0x19e: {  	[tilespmem:s16], [sflag:$0x1] =	stream.indirect.gather [hbm4b:s5+s15], $0x80, s9, s15, $0xb8;
	[tilespmem:$0x1D000] =	vst v63  }
0x19f: {  	_ =	swait.ge [sflag:s21], $0x4000  }
0x1a0: {  	[sflag:s21] =	ssyncset.done $0x0  }
0x1a1: {  	[sflag:s21] =	ssyncadd.s32 $0xFFFFC000  }
0x1a2: {  	[spmem:s3] =	stream.indirect.scatter.add.f32 [tilespmem:s17], [sflag:$0x4], $0x80, s12, s15, $0xb8;
	[tilespmem:$0x1D000] =	vst v63  }
0x1a3: {  	_ =	swait.ge [sflag:s23], $0x4000  }
0x1a4: {  	[sflag:s23] =	ssyncset.done $0x0  }
0x1a5: {  	[sflag:s23] =	ssyncadd.s32 $0xFFFFC000  }
0x1a6: {  	[tilespmem:s17], [sflag:$0x2] =	stream.indirect.gather [hbm4b:s5+s15], $0x80, s20, s15, $0xb8;
	[tilespmem:$0x1D000] =	vst v63  }
0x1a7: {  	_ =	swait.ge [sflag:s18], $0x4000  }
0x1a8: {  	[sflag:s18] =	ssyncset.done $0x0  }
0x1a9: {  	[sflag:s18] =	ssyncadd.s32 $0xFFFFC000  }
0x1aa: {  	[spmem:s3] =	stream.indirect.scatter.add.f32 [tilespmem:s16], [sflag:$0x3], $0x80, s22, s15, $0xb8;
	[tilespmem:$0x1D000] =	vst v63  }
0x1ab: {  	_ =	swait.ge [sflag:s19], $0x4000  }
0x1ac: {  	[sflag:s19] =	ssyncset.done $0x0  }
0x1ad: {  	[sflag:s19] =	ssyncadd.s32 $0xFFFFC000  }
0x1ae: {  	[tilespmem:s16], [sflag:$0x1] =	stream.indirect.gather [hbm4b:s5+s15], $0x80, s24, s15, $0xb8;
	[tilespmem:$0x1D000] =	vst v63  }
0x1af: {  	_ =	swait.ge [sflag:s21], $0x4000  }
0x1b0: {  	[sflag:s21] =	ssyncset.done $0x0  }
0x1b1: {  	[sflag:s21] =	ssyncadd.s32 $0xFFFFC000  }
0x1b2: {  	[spmem:s3] =	stream.indirect.scatter.add.f32 [tilespmem:s17], [sflag:$0x4], $0x80, s25, s15, $0xb8;
	[tilespmem:$0x1D000] =	vst v63  }
0x1b3: {  	_ =	swait.ge [sflag:s23], $0x4000  }
0x1b4: {  	[sflag:s23] =	ssyncset.done $0x0  }
0x1b5: {  	[sflag:s23] =	ssyncadd.s32 $0xFFFFC000  }
0x1b6: {  	[tilespmem:s17], [sflag:$0x2] =	stream.indirect.gather [hbm4b:s5+s15], $0x80, s26, s15, $0xb8;
	[tilespmem:$0x1D000] =	vst v63  }
0x1b7: {  	_ =	swait.ge [sflag:s18], $0x4000  }
0x1b8: {  	[sflag:s18] =	ssyncset.done $0x0  }
0x1b9: {  	[sflag:s18] =	ssyncadd.s32 $0xFFFFC000  }
0x1ba: {  	[spmem:s3] =	stream.indirect.scatter.add.f32 [tilespmem:s16], [sflag:$0x3], $0x80, s28, s15, $0xb8;
	[tilespmem:$0x1D000] =	vst v63  }
0x1bb: {  	_ =	swait.ge [sflag:s19], $0x4000  }
0x1bc: {  	[sflag:s19] =	ssyncset.done $0x0  }
0x1bd: {  	[sflag:s19] =	ssyncadd.s32 $0xFFFFC000  }
0x1be: {  	[tilespmem:s16], [sflag:$0x1] =	stream.indirect.gather [hbm4b:s5+s15], $0x80, s29, s15, $0xb8;
	[tilespmem:$0x1D000] =	vst v63  }
0x1bf: {  	_ =	swait.ge [sflag:s21], $0x4000  }
0x1c0: {  	[sflag:s21] =	ssyncset.done $0x0  }
0x1c1: {  	[sflag:s21] =	ssyncadd.s32 $0xFFFFC000  }
0x1c2: {  	[spmem:s3] =	stream.indirect.scatter.add.f32 [tilespmem:s17], [sflag:$0x4], $0x80, s30, s15, $0xb8;
	[tilespmem:$0x1D000] =	vst v63  }
0x1c3: {  	_ =	swait.ge [sflag:s23], $0x4000  }
0x1c4: {  	[sflag:s23] =	ssyncset.done $0x0  }
0x1c5: {  	[sflag:s23] =	ssyncadd.s32 $0xFFFFC000  }
0x1c6: {  	[tilespmem:s17], [sflag:$0x2] =	stream.indirect.gather [hbm4b:s5+s15], $0x80, s31, s15, $0xb8;
	[tilespmem:$0x1D000] =	vst v63  }
0x1c7: {  	_ =	swait.ge [sflag:s18], $0x4000  }
0x1c8: {  	[sflag:s18] =	ssyncset.done $0x0  }
0x1c9: {  	[sflag:s18] =	ssyncadd.s32 $0xFFFFC000  }
0x1ca: {  	[spmem:s3] =	stream.indirect.scatter.add.f32 [tilespmem:s16], [sflag:$0x3], $0x80, s0, s15, $0xb8;
	[tilespmem:$0x1D000] =	vst v63  }
0x1cb: {  	_ =	swait.ge [sflag:s19], $0x4000  }
0x1cc: {  	[sflag:s19] =	ssyncset.done $0x0  }
0x1cd: {  	[sflag:s19] =	ssyncadd.s32 $0xFFFFC000  }
0x1ce: {  	_ =	swait.ge [sflag:s21], $0x4000  }
0x1cf: {  	[sflag:s21] =	ssyncset.done $0x0  }
0x1d0: {  	[sflag:s21] =	ssyncadd.s32 $0xFFFFC000  }
0x1d1: {  	[spmem:s3] =	stream.indirect.scatter.add.f32 [tilespmem:s17], [sflag:$0x4], $0x80, s2, s15, $0xb8;
	[tilespmem:$0x1D000] =	vst v63  }
0x1d2: {  	s7 =	simm.s32 $0x100;
	_ =	swait.ge [sflag:s23], $0x4000  }
.LBB2_6:
0x1d3: {  	s6 =	rddreg [dreg:$0x5];
	s8 =	smov.u32 s7;
	[sflag:s23] =	ssyncset.done $0x0  }
0x1d4: {  	s6 =	sadd.s32 s8, s6;
	[sflag:s23] =	ssyncadd.s32 $0xFFFFC000  }
0x1d5: {  	[tilespmem:s4], [sflag:$0x5] =	stream.linear.gather [hbm4b:s6+s4], $0x800, $0x38;
	[tilespmem:$0x1D000] =	vst v63  }
0x1d6: {  	_ =	swait.ge [sflag:s13], $0x800  }
0x1d7: {  	s6 =	rddreg [dreg:$0x4];
	[sflag:s13] =	ssyncset.done $0x0  }
0x1d8: {  	[sflag:s13] =	ssyncadd.s32 $0xFFFFF800;
	s6 =	sadd.s32 s8, s6  }
0x1d9: {  	[tilespmem:s14], [sflag:$0x5] =	stream.linear.gather [hbm4b:s6+s4], $0x800, $0x38;
	[tilespmem:$0x1D000] =	vst v63  }
0x1da: {  	_ =	swait.ge [sflag:s13], $0x800  }
0x1db: {  	[sflag:s13] =	ssyncset.done $0x0  }
0x1dc: {  	[sflag:s13] =	ssyncadd.s32 $0xFFFFF800  }
0x1dd: {  	[tilespmem:s16], [sflag:$0x1] =	stream.indirect.gather [hbm4b:s5+s15], $0x80, s4, s15, $0xb8;
	[tilespmem:$0x1D000] =	vst v63  }
0x1de: {  	_ = 	snop  }
0x1df: {  	[tilespmem:s17], [sflag:$0x2] =	stream.indirect.gather [hbm4b:s5+s15], $0x80, s15, s15, $0xb8;
	[tilespmem:$0x1D000] =	vst v63  }
0x1e0: {  	_ =	swait.ge [sflag:s18], $0x4000  }
0x1e1: {  	[sflag:s18] =	ssyncset.done $0x0  }
0x1e2: {  	[sflag:s18] =	ssyncadd.s32 $0xFFFFC000  }
0x1e3: {  	[spmem:s3] =	stream.indirect.scatter.add.f32 [tilespmem:s16], [sflag:$0x3], $0x80, s14, s15, $0xb8;
	[tilespmem:$0x1D000] =	vst v63  }
0x1e4: {  	_ =	swait.ge [sflag:s19], $0x4000  }
0x1e5: {  	[sflag:s19] =	ssyncset.done $0x0  }
0x1e6: {  	s8 =	simm.s32 $0x100;
	[sflag:s19] =	ssyncadd.s32 $0xFFFFC000  }
0x1e7: {  	[tilespmem:s16], [sflag:$0x1] =	stream.indirect.gather [hbm4b:s5+s15], $0x80, s8, s15, $0xb8;
	[tilespmem:$0x1D000] =	vst v63  }
0x1e8: {  	_ =	swait.ge [sflag:s21], $0x4000  }
0x1e9: {  	[sflag:s21] =	ssyncset.done $0x0  }
0x1ea: {  	s8 =	simm.s32 $0x880;
	[sflag:s21] =	ssyncadd.s32 $0xFFFFC000  }
0x1eb: {  	[spmem:s3] =	stream.indirect.scatter.add.f32 [tilespmem:s17], [sflag:$0x4], $0x80, s8, s15, $0xb8;
	[tilespmem:$0x1D000] =	vst v63  }
0x1ec: {  	_ =	swait.ge [sflag:s23], $0x4000  }
0x1ed: {  	[sflag:s23] =	ssyncset.done $0x0  }
0x1ee: {  	s8 =	simm.s32 $0x180;
	[sflag:s23] =	ssyncadd.s32 $0xFFFFC000  }
0x1ef: {  	[tilespmem:s17], [sflag:$0x2] =	stream.indirect.gather [hbm4b:s5+s15], $0x80, s8, s15, $0xb8;
	[tilespmem:$0x1D000] =	vst v63  }
0x1f0: {  	_ =	swait.ge [sflag:s18], $0x4000  }
0x1f1: {  	[sflag:s18] =	ssyncset.done $0x0  }
0x1f2: {  	s8 =	simm.s32 $0x900;
	[sflag:s18] =	ssyncadd.s32 $0xFFFFC000  }
0x1f3: {  	[spmem:s3] =	stream.indirect.scatter.add.f32 [tilespmem:s16], [sflag:$0x3], $0x80, s8, s15, $0xb8;
	[tilespmem:$0x1D000] =	vst v63  }
0x1f4: {  	_ =	swait.ge [sflag:s19], $0x4000  }
0x1f5: {  	[sflag:s19] =	ssyncset.done $0x0  }
0x1f6: {  	s8 =	simm.s32 $0x200;
	[sflag:s19] =	ssyncadd.s32 $0xFFFFC000  }
0x1f7: {  	[tilespmem:s16], [sflag:$0x1] =	stream.indirect.gather [hbm4b:s5+s15], $0x80, s8, s15, $0xb8;
	[tilespmem:$0x1D000] =	vst v63  }
0x1f8: {  	_ =	swait.ge [sflag:s21], $0x4000  }
0x1f9: {  	[sflag:s21] =	ssyncset.done $0x0  }
0x1fa: {  	s8 =	simm.s32 $0x980;
	[sflag:s21] =	ssyncadd.s32 $0xFFFFC000  }
0x1fb: {  	[spmem:s3] =	stream.indirect.scatter.add.f32 [tilespmem:s17], [sflag:$0x4], $0x80, s8, s15, $0xb8;
	[tilespmem:$0x1D000] =	vst v63  }
0x1fc: {  	_ =	swait.ge [sflag:s23], $0x4000  }
0x1fd: {  	[sflag:s23] =	ssyncset.done $0x0  }
0x1fe: {  	s8 =	simm.s32 $0x280;
	[sflag:s23] =	ssyncadd.s32 $0xFFFFC000  }
0x1ff: {  	[tilespmem:s17], [sflag:$0x2] =	stream.indirect.gather [hbm4b:s5+s15], $0x80, s8, s15, $0xb8;
	[tilespmem:$0x1D000] =	vst v63  }
0x200: {  	_ =	swait.ge [sflag:s18], $0x4000  }
0x201: {  	[sflag:s18] =	ssyncset.done $0x0  }
0x202: {  	s8 =	simm.s32 $0xA00;
	[sflag:s18] =	ssyncadd.s32 $0xFFFFC000  }
0x203: {  	[spmem:s3] =	stream.indirect.scatter.add.f32 [tilespmem:s16], [sflag:$0x3], $0x80, s8, s15, $0xb8;
	[tilespmem:$0x1D000] =	vst v63  }
0x204: {  	_ =	swait.ge [sflag:s19], $0x4000  }
0x205: {  	[sflag:s19] =	ssyncset.done $0x0  }
0x206: {  	s8 =	simm.s32 $0x300;
	[sflag:s19] =	ssyncadd.s32 $0xFFFFC000  }
0x207: {  	[tilespmem:s16], [sflag:$0x1] =	stream.indirect.gather [hbm4b:s5+s15], $0x80, s8, s15, $0xb8;
	[tilespmem:$0x1D000] =	vst v63  }
0x208: {  	_ =	swait.ge [sflag:s21], $0x4000  }
0x209: {  	[sflag:s21] =	ssyncset.done $0x0  }
0x20a: {  	s8 =	simm.s32 $0xA80;
	[sflag:s21] =	ssyncadd.s32 $0xFFFFC000  }
0x20b: {  	[spmem:s3] =	stream.indirect.scatter.add.f32 [tilespmem:s17], [sflag:$0x4], $0x80, s8, s15, $0xb8;
	[tilespmem:$0x1D000] =	vst v63  }
0x20c: {  	_ =	swait.ge [sflag:s23], $0x4000  }
0x20d: {  	[sflag:s23] =	ssyncset.done $0x0  }
0x20e: {  	s8 =	simm.s32 $0x380;
	[sflag:s23] =	ssyncadd.s32 $0xFFFFC000  }
0x20f: {  	[tilespmem:s17], [sflag:$0x2] =	stream.indirect.gather [hbm4b:s5+s15], $0x80, s8, s15, $0xb8;
	[tilespmem:$0x1D000] =	vst v63  }
0x210: {  	_ =	swait.ge [sflag:s18], $0x4000  }
0x211: {  	[sflag:s18] =	ssyncset.done $0x0  }
0x212: {  	s8 =	simm.s32 $0xB00;
	[sflag:s18] =	ssyncadd.s32 $0xFFFFC000  }
0x213: {  	[spmem:s3] =	stream.indirect.scatter.add.f32 [tilespmem:s16], [sflag:$0x3], $0x80, s8, s15, $0xb8;
	[tilespmem:$0x1D000] =	vst v63  }
0x214: {  	_ =	swait.ge [sflag:s19], $0x4000  }
0x215: {  	[sflag:s19] =	ssyncset.done $0x0  }
0x216: {  	s8 =	simm.s32 $0x400;
	[sflag:s19] =	ssyncadd.s32 $0xFFFFC000  }
0x217: {  	[tilespmem:s16], [sflag:$0x1] =	stream.indirect.gather [hbm4b:s5+s15], $0x80, s8, s15, $0xb8;
	[tilespmem:$0x1D000] =	vst v63  }
0x218: {  	_ =	swait.ge [sflag:s21], $0x4000  }
0x219: {  	[sflag:s21] =	ssyncset.done $0x0  }
0x21a: {  	s8 =	simm.s32 $0xB80;
	[sflag:s21] =	ssyncadd.s32 $0xFFFFC000  }
0x21b: {  	[spmem:s3] =	stream.indirect.scatter.add.f32 [tilespmem:s17], [sflag:$0x4], $0x80, s8, s15, $0xb8;
	[tilespmem:$0x1D000] =	vst v63  }
0x21c: {  	_ =	swait.ge [sflag:s23], $0x4000  }
0x21d: {  	[sflag:s23] =	ssyncset.done $0x0  }
0x21e: {  	[sflag:s23] =	ssyncadd.s32 $0xFFFFC000  }
0x21f: {  	[tilespmem:s17], [sflag:$0x2] =	stream.indirect.gather [hbm4b:s5+s15], $0x80, s10, s15, $0xb8;
	[tilespmem:$0x1D000] =	vst v63  }
0x220: {  	_ =	swait.ge [sflag:s18], $0x4000  }
0x221: {  	[sflag:s18] =	ssyncset.done $0x0  }
0x222: {  	[sflag:s18] =	ssyncadd.s32 $0xFFFFC000  }
0x223: {  	[spmem:s3] =	stream.indirect.scatter.add.f32 [tilespmem:s16], [sflag:$0x3], $0x80, s11, s15, $0xb8;
	[tilespmem:$0x1D000] =	vst v63  }
0x224: {  	_ =	swait.ge [sflag:s19], $0x4000  }
0x225: {  	[sflag:s19] =	ssyncset.done $0x0  }
0x226: {  	[sflag:s19] =	ssyncadd.s32 $0xFFFFC000  }
0x227: {  	[tilespmem:s16], [sflag:$0x1] =	stream.indirect.gather [hbm4b:s5+s15], $0x80, s9, s15, $0xb8;
	[tilespmem:$0x1D000] =	vst v63  }
0x228: {  	_ =	swait.ge [sflag:s21], $0x4000  }
0x229: {  	[sflag:s21] =	ssyncset.done $0x0  }
0x22a: {  	[sflag:s21] =	ssyncadd.s32 $0xFFFFC000  }
0x22b: {  	[spmem:s3] =	stream.indirect.scatter.add.f32 [tilespmem:s17], [sflag:$0x4], $0x80, s12, s15, $0xb8;
	[tilespmem:$0x1D000] =	vst v63  }
0x22c: {  	_ =	swait.ge [sflag:s23], $0x4000  }
0x22d: {  	[sflag:s23] =	ssyncset.done $0x0  }
0x22e: {  	[sflag:s23] =	ssyncadd.s32 $0xFFFFC000  }
0x22f: {  	[tilespmem:s17], [sflag:$0x2] =	stream.indirect.gather [hbm4b:s5+s15], $0x80, s20, s15, $0xb8;
	[tilespmem:$0x1D000] =	vst v63  }
0x230: {  	_ =	swait.ge [sflag:s18], $0x4000  }
0x231: {  	[sflag:s18] =	ssyncset.done $0x0  }
0x232: {  	[sflag:s18] =	ssyncadd.s32 $0xFFFFC000  }
0x233: {  	[spmem:s3] =	stream.indirect.scatter.add.f32 [tilespmem:s16], [sflag:$0x3], $0x80, s22, s15, $0xb8;
	[tilespmem:$0x1D000] =	vst v63  }
0x234: {  	_ =	swait.ge [sflag:s19], $0x4000  }
0x235: {  	[sflag:s19] =	ssyncset.done $0x0  }
0x236: {  	[sflag:s19] =	ssyncadd.s32 $0xFFFFC000  }
0x237: {  	[tilespmem:s16], [sflag:$0x1] =	stream.indirect.gather [hbm4b:s5+s15], $0x80, s24, s15, $0xb8;
	[tilespmem:$0x1D000] =	vst v63  }
0x238: {  	_ =	swait.ge [sflag:s21], $0x4000  }
0x239: {  	[sflag:s21] =	ssyncset.done $0x0  }
0x23a: {  	[sflag:s21] =	ssyncadd.s32 $0xFFFFC000  }
0x23b: {  	[spmem:s3] =	stream.indirect.scatter.add.f32 [tilespmem:s17], [sflag:$0x4], $0x80, s25, s15, $0xb8;
	[tilespmem:$0x1D000] =	vst v63  }
0x23c: {  	_ =	swait.ge [sflag:s23], $0x4000  }
0x23d: {  	[sflag:s23] =	ssyncset.done $0x0  }
0x23e: {  	[sflag:s23] =	ssyncadd.s32 $0xFFFFC000  }
0x23f: {  	[tilespmem:s17], [sflag:$0x2] =	stream.indirect.gather [hbm4b:s5+s15], $0x80, s26, s15, $0xb8;
	[tilespmem:$0x1D000] =	vst v63  }
0x240: {  	_ =	swait.ge [sflag:s18], $0x4000  }
0x241: {  	[sflag:s18] =	ssyncset.done $0x0  }
0x242: {  	[sflag:s18] =	ssyncadd.s32 $0xFFFFC000  }
0x243: {  	[spmem:s3] =	stream.indirect.scatter.add.f32 [tilespmem:s16], [sflag:$0x3], $0x80, s28, s15, $0xb8;
	[tilespmem:$0x1D000] =	vst v63  }
0x244: {  	_ =	swait.ge [sflag:s19], $0x4000  }
0x245: {  	[sflag:s19] =	ssyncset.done $0x0  }
0x246: {  	[sflag:s19] =	ssyncadd.s32 $0xFFFFC000  }
0x247: {  	[tilespmem:s16], [sflag:$0x1] =	stream.indirect.gather [hbm4b:s5+s15], $0x80, s29, s15, $0xb8;
	[tilespmem:$0x1D000] =	vst v63  }
0x248: {  	_ =	swait.ge [sflag:s21], $0x4000  }
0x249: {  	[sflag:s21] =	ssyncset.done $0x0  }
0x24a: {  	[sflag:s21] =	ssyncadd.s32 $0xFFFFC000  }
0x24b: {  	[spmem:s3] =	stream.indirect.scatter.add.f32 [tilespmem:s17], [sflag:$0x4], $0x80, s30, s15, $0xb8;
	[tilespmem:$0x1D000] =	vst v63  }
0x24c: {  	_ =	swait.ge [sflag:s23], $0x4000  }
0x24d: {  	[sflag:s23] =	ssyncset.done $0x0  }
0x24e: {  	[sflag:s23] =	ssyncadd.s32 $0xFFFFC000  }
0x24f: {  	[tilespmem:s17], [sflag:$0x2] =	stream.indirect.gather [hbm4b:s5+s15], $0x80, s31, s15, $0xb8;
	[tilespmem:$0x1D000] =	vst v63  }
0x250: {  	_ =	swait.ge [sflag:s18], $0x4000  }
0x251: {  	[sflag:s18] =	ssyncset.done $0x0  }
0x252: {  	[sflag:s18] =	ssyncadd.s32 $0xFFFFC000  }
0x253: {  	[spmem:s3] =	stream.indirect.scatter.add.f32 [tilespmem:s16], [sflag:$0x3], $0x80, s0, s15, $0xb8;
	[tilespmem:$0x1D000] =	vst v63  }
0x254: {  	_ =	swait.ge [sflag:s19], $0x4000  }
0x255: {  	[sflag:s19] =	ssyncset.done $0x0  }
0x256: {  	p1 =	sne.s32 s7, $0x400;
	[sflag:s19] =	ssyncadd.s32 $0xFFFFC000  }
.Ltmp5:
0x257: {  	_ =	swait.ge [sflag:s21], $0x4000;
	(pc) =	sbr.rel @p1 .LBB2_6-.Ltmp5, $4  }
0x258: {  	[sflag:s21] =	ssyncset.done $0x0  }
0x259: {  	[sflag:s21] =	ssyncadd.s32 $0xFFFFC000  }
0x25a: {  	[spmem:s3] =	stream.indirect.scatter.add.f32 [tilespmem:s17], [sflag:$0x4], $0x80, s2, s15, $0xb8;
	[tilespmem:$0x1D000] =	vst v63  }
0x25b: {  	s7 =	sadd.s32 $0x100, s7;
	_ =	swait.ge [sflag:s23], $0x4000  }
.Ltmp6:
0x25c: {  	_ = 	snop;
	(pc) =	sbr.rel .LBB2_7-.Ltmp6, $1  }
0x25d: {  	_ =	sdelay $0x3  }
.LBB2_9:
0x25e: {  	_ =	sfence.sel $0x180000  }
0x25f: {  	[bflag:$0x0] =	sbarrier.arrive $0xFFFF  }
0x260: {  	_ =	strace $0x9000004A  }
0x261: {  	s0 =	stileid.u32;
	[bflag:$0x2] =	sbarrier.arrive $0xFFFF  }
0x262: {  	p0 =	sne.s32 s0, $0x0;
	s0 =	rddreg [dreg:$0x3]  }
0x263: {  	s0 =	sadd.s32 @!p0 $0x100000, s0  }
0x264: {  	[sflag:s0] =	ssyncadd.tile.s32 @!p0 $0x1;
	_ =	shalt  }
.Lfunc_end2:
_tile_overlayer_lowered:
.L_overlay_start_2:
0x265: {  	(tag) =	ssettag $0x2  }
0x266: {  	s0 =	rddreg [dreg:$0x0];
	s2 =	stileid.u32  }
0x267: {  	s1 =	rddreg [dreg:$0x1];
	p0 =	sne.s32 s2, $0x0  }
0x268: {  	s3 =	rddreg [dreg:$0x2];
	[bflag:$0x3] =	sbarrier.arrive $0xFFFF;
	s2 =	simm.s32 @!p0 $0x1C05  }
0x269: {  	[timem:s3], [sflag:s2] =	dma.local @!p0 [hbm:s0], s1  }
0x26a: {  	s0 =	simm.s32 @!p0 $0x5  }
0x26b: {  	_ =	swait.ge @!p0 [sflag:s0], s1  }
0x26c: {  	s1 =	ssub.s32 @!p0 $0x0, s1;
	[sflag:s0] =	ssyncset.done @!p0 $0x0  }
0x26d: {  	[sflag:s0] =	ssyncadd.s32 @!p0 s1  }
0x26e: {  	[bflag:$0x3] =	sbarrier.arrive $0xFFFF  }
0x26f: {  	_ =	shalt  }

// kernel: kernel.14.cloned.1.call-start
scs
__scs_entry_jumppad:
0x0: {  	(pc) =	sbr.rel $0x88, $3  }
0x1: {  	(tag) =	ssettag $0x0;
	lr =	simm.s32 $0x1  }
0x2: {  	[smem:$0x3F9B] =	sst lr;
	_ =	strace $0xD0000000  }
0x3: {  	_ = 	snop  }
0x4: {  	_ = 	snop  }
0x5: {  	_ = 	snop  }
0x6: {  	_ = 	snop  }
0x7: {  	_ = 	snop  }
__scs_overlays_trampoline_lowered:
0x8: {  	[smem:$0x3FAA] =	sst s0  }
0x9: {  	[smem:$0x3FAB] =	sst s1  }
0xa: {  	[smem:$0x3FAC] =	sst s2  }
0xb: {  	[smem:$0x3FAD] =	sst s3  }
0xc: {  	[smem:$0x3FAE] =	sst s4  }
0xd: {  	[smem:$0x3FAF] =	sst s5  }
0xe: {  	[smem:$0x3FB0] =	sst s6  }
0xf: {  	[smem:$0x3FB1] =	sst s7  }
0x10: {  	[smem:$0x3FB2] =	sst s8  }
0x11: {  	[smem:$0x3FB3] =	sst s9;
	s0 =	simm.s32 @!p0 $0x0  }
0x12: {  	s1 =	sld [smem:$0x3F99];
	s0 =	simm.s32 @p0 $0x1  }
0x13: {  	[smem:$0x3FB4] =	sst s0;
	s0 =	simm.s32 @!p1 $0x0  }
0x14: {  	s2 =	sld [smem:$0x3F98];
	s0 =	simm.s32 @p1 $0x1  }
0x15: {  	[smem:$0x3FB5] =	sst s0;
	s0 =	simm.s32 @!p2 $0x0  }
0x16: {  	s3 =	sld [smem:$0x3FDB];
	s0 =	simm.s32 @p2 $0x1  }
0x17: {  	s4 =	simm.s32 $0x1BF5;
	[smem:$0x3FB7] =	sst s0  }
0x18: {  	s0 =	sld [smem:$0x3F9A];
	_ =	swait.ge [sflag:s4], $0x0  }
0x19: {  	s7 =	sld [smem:$0x3F9B]  }
0x1a: {  	s8 =	sadd.s32 $0xFFFFE003, lr  }
0x1b: {  	s9 =	sadd.s32 $0xFFFFFEF7, lr;
	s5 =	simm.s32 $0xFFFFFFFF;
	p2 =	slt.u32 s8, $0xFFFFF086  }
0x1c: {  	p1 =	slt.u32 s9, $0xF7A;
	s5 =	simm.s32 @!p2 $0x0  }
0x1d: {  	s5 =	simm.s32 @p1 $0x1;
	p0 =	seq.s32 s7, s2  }
0x1e: {  	s7 =	smul.u32 @!p0 $0xF7A, s2;
	p2 =	seq.s32 @!p0 s5, $0x0  }
0x1f: {  	s9 =	smul.u32 $0xF7A, s1;
	s8 =	simm.s32 @!p0 $0x1BF5;
	p2 =	por !p2, p0  }
0x20: {  	[sflag:s8] =	ssyncset.s32 @!p0 $0xFFFFF086;
	s6 =	sadd.s32 @!p0 s3, s7;
	s7 =	simm.s32 @!p0 $0x108  }
0x21: {  	s3 =	sadd.s32 s3, s9;
	s6 =	sadd.s32 @!p0 $0x88, s6;
	s7 =	simm.s32 @p2 $0x1082  }
0x22: {  	[simem:s7], [sflag:s8] =	dma.local @!p0 [hbm:s6], $0xF7A  }
0x23: {  	s9 =	sor.u32 $0xD0000000, s2;
	s6 =	simm.s32 $0x108;
	_ =	swait.ge @!p0 [sflag:s8], $0x0  }
0x24: {  	s3 =	sadd.s32 $0x88, s3;
	s6 =	simm.s32 @!p1 $0x1082;
	[sflag:s4] =	ssyncset.s32 $0xFFFFF086  }
0x25: {  	[simem:s6], [sflag:s4] =	dma.local [hbm:s3], $0xF7A  }
0x26: {  	[smem:$0x3F9B] =	sst s1;
	(tag) =	ssettag s2;
	_ =	strace s9  }
0x27: {  	s1 =	sld [smem:$0x3FAB]  }
0x28: {  	s2 =	sld [smem:$0x3FAC]  }
0x29: {  	s4 =	sld [smem:$0x3FAE]  }
0x2a: {  	p0 =	seq.s32 s5, $0x0;
	s5 =	sld [smem:$0x3FAF]  }
0x2b: {  	s6 =	sld [smem:$0x3FB0]  }
0x2c: {  	s7 =	sld [smem:$0x3FB1]  }
0x2d: {  	s3 =	simm.s32 $0x108;
	s8 =	sld [smem:$0x3FB2]  }
0x2e: {  	s3 =	simm.s32 @!p0 $0x1082;
	s9 =	sld [smem:$0x3FB3]  }
0x2f: {  	lr =	sadd.s32 s0, s3;
	s0 =	sld [smem:$0x3FAA]  }
0x30: {  	s3 =	sld [smem:$0x3FAD]  }
0x31: {  	[smem:$0x3FB6] =	sst s10  }
0x32: {  	s10 =	sld [smem:$0x3FB4];
	_ =	sdelay $0x3  }
0x33: {  	p0 =	seq.s32 s10, $0x1;
	s10 =	sld [smem:$0x3FB6];
	_ =	sdelay $0x3  }
0x34: {  	[smem:$0x3FB6] =	sst s10  }
0x35: {  	s10 =	sld [smem:$0x3FB5];
	_ =	sdelay $0x3  }
0x36: {  	p1 =	seq.s32 s10, $0x1;
	s10 =	sld [smem:$0x3FB6];
	_ =	sdelay $0x3  }
0x37: {  	[smem:$0x3FB6] =	sst s10  }
0x38: {  	s10 =	sld [smem:$0x3FB7]  }
0x39: {  	_ = 	snop;
	(pc) =	sbr.ind lr, $3  }
0x3a: {  	_ = 	snop  }
0x3b: {  	_ = 	snop  }
0x3c: {  	p2 =	seq.s32 s10, $0x1;
	s10 =	sld [smem:$0x3FB6]  }
0x3d: {  	_ =	shalt  }
0x3e: {  	_ =	shalt  }
0x3f: {  	_ =	shalt  }
0x40: {  	_ =	shalt  }
0x41: {  	_ =	shalt  }
0x42: {  	_ =	shalt  }
0x43: {  	_ =	shalt  }
0x44: {  	_ =	shalt  }
0x45: {  	_ =	shalt  }
0x46: {  	_ =	shalt  }
0x47: {  	_ =	shalt  }
0x48: {  	_ =	shalt  }
0x49: {  	_ =	shalt  }
0x4a: {  	_ =	shalt  }
0x4b: {  	_ =	shalt  }
0x4c: {  	_ =	shalt  }
0x4d: {  	_ =	shalt  }
0x4e: {  	_ =	shalt  }
0x4f: {  	_ =	shalt  }
0x50: {  	_ =	shalt  }
0x51: {  	_ =	shalt  }
0x52: {  	_ =	shalt  }
0x53: {  	_ =	shalt  }
0x54: {  	_ =	shalt  }
0x55: {  	_ =	shalt  }
0x56: {  	_ =	shalt  }
0x57: {  	_ =	shalt  }
0x58: {  	_ =	shalt  }
0x59: {  	_ =	shalt  }
0x5a: {  	_ =	shalt  }
0x5b: {  	_ =	shalt  }
0x5c: {  	_ =	shalt  }
0x5d: {  	_ =	shalt  }
0x5e: {  	_ =	shalt  }
0x5f: {  	_ =	shalt  }
0x60: {  	_ =	shalt  }
0x61: {  	_ =	shalt  }
0x62: {  	_ =	shalt  }
0x63: {  	_ =	shalt  }
0x64: {  	_ =	shalt  }
0x65: {  	_ =	shalt  }
0x66: {  	_ =	shalt  }
0x67: {  	_ =	shalt  }
0x68: {  	_ =	shalt  }
0x69: {  	_ =	shalt  }
0x6a: {  	_ =	shalt  }
0x6b: {  	_ =	shalt  }
0x6c: {  	_ =	shalt  }
0x6d: {  	_ =	shalt  }
0x6e: {  	_ =	shalt  }
0x6f: {  	_ =	shalt  }
0x70: {  	_ =	shalt  }
0x71: {  	_ =	shalt  }
0x72: {  	_ =	shalt  }
0x73: {  	_ =	shalt  }
0x74: {  	_ =	shalt  }
0x75: {  	_ =	shalt  }
0x76: {  	_ =	shalt  }
0x77: {  	_ =	shalt  }
0x78: {  	_ =	shalt  }
0x79: {  	_ =	shalt  }
0x7a: {  	_ =	shalt  }
0x7b: {  	_ =	shalt  }
0x7c: {  	_ =	shalt  }
0x7d: {  	_ =	shalt  }
0x7e: {  	_ =	shalt  }
0x7f: {  	_ =	shalt  }
0x80: {  	_ =	shalt  }
0x81: {  	_ =	shalt  }
0x82: {  	_ =	shalt  }
0x83: {  	_ =	shalt  }
0x84: {  	_ =	shalt  }
0x85: {  	_ =	shalt  }
0x86: {  	_ =	shalt  }
0x87: {  	_ =	shalt  }
.Lfunc_end0:
.L_simem_size_0:
called_computation.2_lowered:
.L_overlay_start_0:
0x88: {  	s2 =	sld [smem:$0x3FD9]  }
0x89: {  	s3 =	sld [smem:$0x3FFE];
	_ =	sdelay $0x1  }
0x8a: {  	s1 =	srdreg.scid  }
0x8b: {  	s0 =	sand.u32 $0x1, s1  }
0x8c: {  	s17 =	sshll.u32 s0, $0xA;
	s2 =	sadd.s32 s3, s2  }
0x8d: {  	s2 =	sadd.s32 s2, s17  }
0x8e: {  	[smem:$0x3FC2] =	sst s2  }
0x8f: {  	_ = 	snop  }
0x90: {  	s2 =	sld [smem:$0x3FD0];
	(tm) =	ssettm $0x1  }
0x91: {  	s18 =	sld [smem:$0x3FFB];
	_ =	sdelay $0x3  }
0x92: {  	_ =	strace s18  }
0x93: {  	s3 =	sld [smem:$0x3FFC];
	_ =	sdelay $0x3  }
0x94: {  	_ =	strace s3  }
0x95: {  	s3 =	sld [smem:$0x3FFD];
	_ =	sdelay $0x3  }
0x96: {  	_ =	strace s3  }
0x97: {  	_ =	strace $0x8FFFFFFF  }
0x98: {  	s19 =	sld [smem:$0x3FDB];
	_ =	sdelay $0x1  }
0x99: {  	s4 =	simm.s32 $_scs_section_size  }
0x9a: {  	s5 =	simm.s32 $_size__tile_overlayer_lowered;
	s6 =	simm.s32 $_tile_overlayer_lowered  }
0x9b: {  	s22 =	simm.s32 $0x1BFF;
	s21 =	sshll.u32 s6, $0x1;
	s3 =	sadd.s32 s4, s19  }
0x9c: {  	s7 =	simm.s32 $0x0;
	s20 =	sshll.u32 s5, $0x1;
	s5 =	sadd.s32 s21, s3  }
0x9d: {  	[timem:s7], [sflag:s22] =	dma.local [hbm:s5], s20  }
0x9e: {  	_ =	swait.ge [sflag:s22], s20  }
0x9f: {  	s4 =	ssub.s32 $0x0, s20;
	[sflag:s22] =	ssyncset.done $0x0  }
0xa0: {  	[sflag:s22] =	ssyncadd.s32 s4;
	_ =	sdelay $0x1  }
0xa1: {  	s23 =	simm.s32 $0x1B8B  }
0xa2: {  	_ =	swait.ge [sflag:s23], $0x1  }
0xa3: {  	[sflag:s23] =	ssyncset.done $0x0  }
0xa4: {  	s25 =	simm.s32 $0x1B8E;
	s24 =	sld [smem:$0x3FFE];
	[sflag:s23] =	ssyncadd.s32 $0xFFFFFFFF  }
0xa5: {  	s26 =	simm.s32 $execute0_lowered;
	[smem:$0x3FD2] =	sst s25  }
0xa6: {  	s5 =	sshll.u32 s26, $0x1;
	_ =	strace $0x8000004C;
	[dreg:$0x1] =	wrdreg $0xFFFFFFFF  }
0xa7: {  	s28 =	simm.s32 $_size_execute0_lowered;
	s3 =	sadd.s32 s3, s5;
	[dreg:$0x0] =	wrdreg $0x0  }
0xa8: {  	s5 =	sshll.u32 s28, $0x1;
	[dreg:$0x2] =	wrdreg s3  }
0xa9: {  	[dreg:$0x3] =	wrdreg s5  }
0xaa: {  	[dreg:$0x4] =	wrdreg $0xC0  }
0xab: {  	_ =	task [dreg:s7], $0x5FFFF  }
0xac: {  	[dreg:$0x1] =	wrdreg $0xFFFFFFFF  }
0xad: {  	[dreg:$0x0] =	wrdreg $0x60  }
0xae: {  	[dreg:$0x2] =	wrdreg s2  }
0xaf: {  	[dreg:$0x3] =	wrdreg s24  }
0xb0: {  	[dreg:$0x4] =	wrdreg $0x90000  }
0xb1: {  	[dreg:$0x5] =	wrdreg $0x9  }
0xb2: {  	_ =	task.clear_ibuf [dreg:s7], $0x6FFFF;
	_ =	strace $0x9000004C  }
0xb3: {  	s29 =	simm.s32 $0x9;
	_ =	strace $0x8000004E  }
0xb4: {  	_ =	swait.ge [sflag:s29], $0x1  }
0xb5: {  	[sflag:s29] =	ssyncadd.s32 $0xFFFFFFFF  }
0xb6: {  	_ =	strace $0x9000004E  }
0xb7: {  	_ =	sfence  }
0xb8: {  	s30 =	sld [smem:$0x0];
	_ =	sdelay $0x2  }
0xb9: {  	s31 =	sshll.u32 s1, $0xD;
	s1 =	sshrl.u32 s1, $0x2  }
0xba: {  	s3 =	sand.u32 $0x4000, s31;
	s1 =	sadd.s32 s1, s30  }
0xbb: {  	s0 =	sor.u32 s3, s0;
	s1 =	sshll.u32 s1, $0x11  }
0xbc: {  	s0 =	sor.u32 s1, s0  }
0xbd: {  	s0 =	sadd.s32 $0x8F2B, s0  }
0xbe: {  	[sflag:s0] =	ssyncadd.remote.s32 $0x1  }
0xbf: {  	_ =	sfence.sel $0xFFFF  }
0xc0: {  	[dreg:$0x0] =	wrdreg $0xFFFFFFFF;
	(pc) =	sbr.abs _section_cstart, $3  }
0xc1: {  	[dreg:$0x1] =	wrdreg $0xFFFFFFFF  }
0xc2: {  	_ =	task.clear_ibuf [dreg:s7], $0x2FFFF;
	_ =	strace $0x9FFFFFFF  }
0xc3: {  	(tm) =	ssettm $0x7FFFFFFF  }
tec
execute0_lowered:
.L_overlay_start_1:
0x0: {  	(tag) =	ssettag $0x1  }
0x1: {  	s1 =	rddreg [dreg:$0x0]  }
0x2: {  	s0 =	rddreg [dreg:$0x1]  }
0x3: {  	s3 =	rddreg [dreg:$0x2]  }
0x4: {  	s4 =	simm.s32 $0x0;
	s10 =	stileid.u32;
	s6 =	srdreg.scid  }
0x5: {  	s13 =	simm.s32 $0x5;
	s14 =	simm.s32 $0x800;
	s15 =	simm.s32 $0x80  }
0x6: {  	s12 =	simm.s32 $0xC80;
	s28 =	simm.s32 $0xE00;
	s29 =	simm.s32 $0x700  }
0x7: {  	s30 =	simm.s32 $0xE80;
	s31 =	simm.s32 $0x780;
	[smem:$0x7FF] =	sst s4  }
0x8: {  	s2 =	smul.u32 $0xA00, s10;
	s5 =	sadd.s32 $0x18000, s0;
	s6 =	sand.u32 $0x1, s6  }
0x9: {  	s8 =	smul.u32 $0x50000, s10;
	s9 =	sadd.s32 $0x3F200, s0;
	s16 =	sadd.s32 $0x41A00, s0  }
0xa: {  	s20 =	sshll.u32 s10, $0x6;
	s23 =	smul.u32 $0x2800, s10;
	s10 =	simm.s32 $0x480  }
0xb: {  	_ =	strace $0x8000004D;
	s7 =	ssub.s32 $0x2, s6;
	[dreg:$0x8] =	wrdreg s9  }
0xc: {  	[dreg:$0x9] =	wrdreg s16;
	s11 =	sor.u32 $0x1C05, s20;
	p0 =	sne.s32 s6, $0x0  }
0xd: {  	s16 =	simm.s32 $0x1000;
	s9 =	simm.s32 $0x500;
	s20 =	simm.s32 $0x580  }
0xe: {  	s2 =	sadd.s32 s2, s0;
	s17 =	sshrl.u32 s7, $0x1;
	s0 =	sadd.s32 $0x69A00, s0  }
0xf: {  	s19 =	sshrl.u32 s8, $0x2;
	[dreg:$0xc] =	wrdreg s23;
	s23 =	simm.s32 $0x4  }
0x10: {  	s8 =	simm.s32 $0x0;
	[dreg:$0xa] =	wrdreg s0;
	s18 =	ssub.s32 s7, s17  }
0x11: {  	s7 =	sadd.s32 s19, s3;
	s21 =	sadd.s32 $0x4000, s2;
	s22 =	sadd.s32 $0x4500, s2  }
0x12: {  	s24 =	sadd.s32 $0xE000, s2;
	s25 =	sadd.s32 $0xE500, s2;
	[dreg:$0x6] =	wrdreg s21  }
0x13: {  	s17 =	simm.s32 $0x5000;
	s19 =	simm.s32 $0x3;
	[dreg:$0x4] =	wrdreg s22  }
0x14: {  	s2 =	simm.s32 $0xF80;
	s0 =	smax.u32 s18, $0x1;
	[dreg:$0x7] =	wrdreg s24  }
.Ltmp0:
0x15: {  	[dreg:$0x5] =	wrdreg s25;
	s26 =	sshrl.u32 s7, $0x3;
	(pc) =	sbr.rel .LBB2_1-.Ltmp0, $4  }
0x16: {  	s7 =	smov.u32 s11;
	s18 =	simm.s32 $0x1;
	s21 =	simm.s32 $0x2  }
0x17: {  	s11 =	simm.s32 $0xC00;
	s22 =	simm.s32 $0xD00;
	[dreg:$0xd] =	wrdreg s0  }
0x18: {  	s24 =	simm.s32 $0x600;
	s25 =	simm.s32 $0xD80;
	[dreg:$0xe] =	wrdreg s26  }
0x19: {  	s26 =	simm.s32 $0x680;
	s0 =	simm.s32 $0xF00;
	[dreg:$0xb] =	wrdreg s7  }
.LBB2_7:
0x1a: {  	[sflag:s23] =	ssyncset.done $0x0  }
0x1b: {  	s7 =	rddreg [dreg:$0xa];
	[sflag:s23] =	ssyncadd.s32 $0xFFFFC000  }
.LBB2_8:
0x1c: {  	s6 =	rddreg [dreg:$0xc]  }
0x1d: {  	s6 =	sadd.s32 s7, s6  }
0x1e: {  	[dreg:$0x10] =	wrdreg s6  }
0x1f: {  	[bflag:$0x0] =	sbarrier.arrive $0xFFFF  }
0x20: {  	s7 =	rddreg [dreg:$0x10]  }
0x21: {  	s6 =	rddreg [dreg:$0xb]  }
0x22: {  	s8 =	rddreg [dreg:$0xe]  }
0x23: {  	[hbm:s7], [sflag:s6] =	dma.local [spmem:s8], $0x2800  }
0x24: {  	s7 =	rddreg [dreg:$0xb];
	_ =	swait.ge [sflag:s13], $0x2800  }
0x25: {  	s6 =	rddreg [dreg:$0xf]  }
0x26: {  	s8 =	sadd.s32 $0x1, s6;
	s6 =	rddreg [dreg:$0xd]  }
0x27: {  	p1 =	sne.s32 s8, s6  }
.Ltmp1:
0x28: {  	_ = 	snop;
	(pc) =	sbr.rel @!p1 .LBB2_9-.Ltmp1, $3  }
0x29: {  	_ =	sdelay $0x1  }
0x2a: {  	[sflag:s13] =	ssyncset.done $0x0  }
0x2b: {  	[sflag:s13] =	ssyncadd.s32 $0xFFFFD800  }
.LBB2_1:
0x2c: {  	[dreg:$0xf] =	wrdreg s8  }
0x2d: {  	s6 =	rddreg [dreg:$0x8]  }
0x2e: {  	s8 =	rddreg [dreg:$0xe]  }
0x2f: {  	[spmem:s8], [sflag:s7] =	dma.local [hbm:s6], $0x2800  }
.Ltmp2:
0x30: {  	_ =	swait.ge [sflag:s13], $0x2800;
	(pc) =	sbr.rel @p0 .LBB2_5-.Ltmp2, $3  }
0x31: {  	[sflag:s13] =	ssyncset.done $0x0  }
0x32: {  	[sflag:s13] =	ssyncadd.s32 $0xFFFFD800  }
0x33: {  	[bflag:$0x0] =	sbarrier.arrive $0xFFFF;
	_ =	sdelay $0x1  }
0x34: {  	s7 =	rddreg [dreg:$0x7]  }
0x35: {  	s7 =	sadd.s32 $0x0, s7  }
0x36: {  	[tilespmem:s4], [sflag:$0x5] =	stream.linear.gather [hbm4b:s7+s4], $0x800, $0x38;
	[tilespmem:$0x1D000] =	vst v63  }
0x37: {  	_ =	swait.ge [sflag:s13], $0x800  }
0x38: {  	s6 =	rddreg [dreg:$0x6];
	[sflag:s13] =	ssyncset.done $0x0  }
0x39: {  	[sflag:s13] =	ssyncadd.s32 $0xFFFFF800;
	s7 =	sadd.s32 $0x0, s6  }
0x3a: {  	[tilespmem:s14], [sflag:$0x5] =	stream.linear.gather [hbm4b:s7+s4], $0x800, $0x38;
	[tilespmem:$0x1D000] =	vst v63  }
0x3b: {  	_ =	swait.ge [sflag:s13], $0x800  }
0x3c: {  	[sflag:s13] =	ssyncset.done $0x0  }
0x3d: {  	[sflag:s13] =	ssyncadd.s32 $0xFFFFF800  }
0x3e: {  	[tilespmem:s16], [sflag:$0x1] =	stream.indirect.gather [hbm4b:s1+s15], $0x80, s4, s15, $0xb8;
	[tilespmem:$0x1D000] =	vst v63  }
0x3f: {  	_ = 	snop  }
0x40: {  	[tilespmem:s17], [sflag:$0x2] =	stream.indirect.gather [hbm4b:s1+s15], $0x80, s15, s15, $0xb8;
	[tilespmem:$0x1D000] =	vst v63  }
0x41: {  	_ =	swait.ge [sflag:s18], $0x4000  }
0x42: {  	[sflag:s18] =	ssyncset.done $0x0  }
0x43: {  	[sflag:s18] =	ssyncadd.s32 $0xFFFFC000  }
0x44: {  	[spmem:s3] =	stream.indirect.scatter.add.f32 [tilespmem:s16], [sflag:$0x3], $0x80, s14, s15, $0xb8;
	[tilespmem:$0x1D000] =	vst v63  }
0x45: {  	_ =	swait.ge [sflag:s19], $0x4000  }
0x46: {  	[sflag:s19] =	ssyncset.done $0x0  }
0x47: {  	s6 =	simm.s32 $0x100;
	[sflag:s19] =	ssyncadd.s32 $0xFFFFC000  }
0x48: {  	[tilespmem:s16], [sflag:$0x1] =	stream.indirect.gather [hbm4b:s1+s15], $0x80, s6, s15, $0xb8;
	[tilespmem:$0x1D000] =	vst v63  }
0x49: {  	_ =	swait.ge [sflag:s21], $0x4000  }
0x4a: {  	[sflag:s21] =	ssyncset.done $0x0  }
0x4b: {  	s8 =	simm.s32 $0x880;
	[sflag:s21] =	ssyncadd.s32 $0xFFFFC000  }
0x4c: {  	[spmem:s3] =	stream.indirect.scatter.add.f32 [tilespmem:s17], [sflag:$0x4], $0x80, s8, s15, $0xb8;
	[tilespmem:$0x1D000] =	vst v63  }
0x4d: {  	_ =	swait.ge [sflag:s23], $0x4000  }
0x4e: {  	[sflag:s23] =	ssyncset.done $0x0  }
0x4f: {  	s7 =	simm.s32 $0x180;
	[sflag:s23] =	ssyncadd.s32 $0xFFFFC000  }
0x50: {  	[tilespmem:s17], [sflag:$0x2] =	stream.indirect.gather [hbm4b:s1+s15], $0x80, s7, s15, $0xb8;
	[tilespmem:$0x1D000] =	vst v63  }
0x51: {  	_ =	swait.ge [sflag:s18], $0x4000  }
0x52: {  	[sflag:s18] =	ssyncset.done $0x0  }
0x53: {  	s8 =	simm.s32 $0x900;
	[sflag:s18] =	ssyncadd.s32 $0xFFFFC000  }
0x54: {  	[spmem:s3] =	stream.indirect.scatter.add.f32 [tilespmem:s16], [sflag:$0x3], $0x80, s8, s15, $0xb8;
	[tilespmem:$0x1D000] =	vst v63  }
0x55: {  	_ =	swait.ge [sflag:s19], $0x4000  }
0x56: {  	[sflag:s19] =	ssyncset.done $0x0  }
0x57: {  	s7 =	simm.s32 $0x200;
	[sflag:s19] =	ssyncadd.s32 $0xFFFFC000  }
0x58: {  	[tilespmem:s16], [sflag:$0x1] =	stream.indirect.gather [hbm4b:s1+s15], $0x80, s7, s15, $0xb8;
	[tilespmem:$0x1D000] =	vst v63  }
0x59: {  	_ =	swait.ge [sflag:s21], $0x4000  }
0x5a: {  	[sflag:s21] =	ssyncset.done $0x0  }
0x5b: {  	s8 =	simm.s32 $0x980;
	[sflag:s21] =	ssyncadd.s32 $0xFFFFC000  }
0x5c: {  	[spmem:s3] =	stream.indirect.scatter.add.f32 [tilespmem:s17], [sflag:$0x4], $0x80, s8, s15, $0xb8;
	[tilespmem:$0x1D000] =	vst v63  }
0x5d: {  	_ =	swait.ge [sflag:s23], $0x4000  }
0x5e: {  	[sflag:s23] =	ssyncset.done $0x0  }
0x5f: {  	s7 =	simm.s32 $0x280;
	[sflag:s23] =	ssyncadd.s32 $0xFFFFC000  }
0x60: {  	[tilespmem:s17], [sflag:$0x2] =	stream.indirect.gather [hbm4b:s1+s15], $0x80, s7, s15, $0xb8;
	[tilespmem:$0x1D000] =	vst v63  }
0x61: {  	_ =	swait.ge [sflag:s18], $0x4000  }
0x62: {  	[sflag:s18] =	ssyncset.done $0x0  }
0x63: {  	s8 =	simm.s32 $0xA00;
	[sflag:s18] =	ssyncadd.s32 $0xFFFFC000  }
0x64: {  	[spmem:s3] =	stream.indirect.scatter.add.f32 [tilespmem:s16], [sflag:$0x3], $0x80, s8, s15, $0xb8;
	[tilespmem:$0x1D000] =	vst v63  }
0x65: {  	_ =	swait.ge [sflag:s19], $0x4000  }
0x66: {  	[sflag:s19] =	ssyncset.done $0x0  }
0x67: {  	s7 =	simm.s32 $0x300;
	[sflag:s19] =	ssyncadd.s32 $0xFFFFC000  }
0x68: {  	[tilespmem:s16], [sflag:$0x1] =	stream.indirect.gather [hbm4b:s1+s15], $0x80, s7, s15, $0xb8;
	[tilespmem:$0x1D000] =	vst v63  }
0x69: {  	_ =	swait.ge [sflag:s21], $0x4000  }
0x6a: {  	[sflag:s21] =	ssyncset.done $0x0  }
0x6b: {  	s8 =	simm.s32 $0xA80;
	[sflag:s21] =	ssyncadd.s32 $0xFFFFC000  }
0x6c: {  	[spmem:s3] =	stream.indirect.scatter.add.f32 [tilespmem:s17], [sflag:$0x4], $0x80, s8, s15, $0xb8;
	[tilespmem:$0x1D000] =	vst v63  }
0x6d: {  	_ =	swait.ge [sflag:s23], $0x4000  }
0x6e: {  	[sflag:s23] =	ssyncset.done $0x0  }
0x6f: {  	s7 =	simm.s32 $0x380;
	[sflag:s23] =	ssyncadd.s32 $0xFFFFC000  }
0x70: {  	[tilespmem:s17], [sflag:$0x2] =	stream.indirect.gather [hbm4b:s1+s15], $0x80, s7, s15, $0xb8;
	[tilespmem:$0x1D000] =	vst v63  }
0x71: {  	_ =	swait.ge [sflag:s18], $0x4000  }
0x72: {  	[sflag:s18] =	ssyncset.done $0x0  }
0x73: {  	s8 =	simm.s32 $0xB00;
	[sflag:s18] =	ssyncadd.s32 $0xFFFFC000  }
0x74: {  	[spmem:s3] =	stream.indirect.scatter.add.f32 [tilespmem:s16], [sflag:$0x3], $0x80, s8, s15, $0xb8;
	[tilespmem:$0x1D000] =	vst v63  }
0x75: {  	_ =	swait.ge [sflag:s19], $0x4000  }
0x76: {  	[sflag:s19] =	ssyncset.done $0x0  }
0x77: {  	s7 =	simm.s32 $0x400;
	[sflag:s19] =	ssyncadd.s32 $0xFFFFC000  }
0x78: {  	[tilespmem:s16], [sflag:$0x1] =	stream.indirect.gather [hbm4b:s1+s15], $0x80, s7, s15, $0xb8;
	[tilespmem:$0x1D000] =	vst v63  }
0x79: {  	_ =	swait.ge [sflag:s21], $0x4000  }
0x7a: {  	[sflag:s21] =	ssyncset.done $0x0  }
0x7b: {  	s8 =	simm.s32 $0xB80;
	[sflag:s21] =	ssyncadd.s32 $0xFFFFC000  }
0x7c: {  	[spmem:s3] =	stream.indirect.scatter.add.f32 [tilespmem:s17], [sflag:$0x4], $0x80, s8, s15, $0xb8;
	[tilespmem:$0x1D000] =	vst v63  }
0x7d: {  	_ =	swait.ge [sflag:s23], $0x4000  }
0x7e: {  	[sflag:s23] =	ssyncset.done $0x0  }
0x7f: {  	[sflag:s23] =	ssyncadd.s32 $0xFFFFC000  }
0x80: {  	[tilespmem:s17], [sflag:$0x2] =	stream.indirect.gather [hbm4b:s1+s15], $0x80, s10, s15, $0xb8;
	[tilespmem:$0x1D000] =	vst v63  }
0x81: {  	_ =	swait.ge [sflag:s18], $0x4000  }
0x82: {  	[sflag:s18] =	ssyncset.done $0x0  }
0x83: {  	[sflag:s18] =	ssyncadd.s32 $0xFFFFC000  }
0x84: {  	[spmem:s3] =	stream.indirect.scatter.add.f32 [tilespmem:s16], [sflag:$0x3], $0x80, s11, s15, $0xb8;
	[tilespmem:$0x1D000] =	vst v63  }
0x85: {  	_ =	swait.ge [sflag:s19], $0x4000  }
0x86: {  	[sflag:s19] =	ssyncset.done $0x0  }
0x87: {  	[sflag:s19] =	ssyncadd.s32 $0xFFFFC000  }
0x88: {  	[tilespmem:s16], [sflag:$0x1] =	stream.indirect.gather [hbm4b:s1+s15], $0x80, s9, s15, $0xb8;
	[tilespmem:$0x1D000] =	vst v63  }
0x89: {  	_ =	swait.ge [sflag:s21], $0x4000  }
0x8a: {  	[sflag:s21] =	ssyncset.done $0x0  }
0x8b: {  	[sflag:s21] =	ssyncadd.s32 $0xFFFFC000  }
0x8c: {  	[spmem:s3] =	stream.indirect.scatter.add.f32 [tilespmem:s17], [sflag:$0x4], $0x80, s12, s15, $0xb8;
	[tilespmem:$0x1D000] =	vst v63  }
0x8d: {  	_ =	swait.ge [sflag:s23], $0x4000  }
0x8e: {  	[sflag:s23] =	ssyncset.done $0x0  }
0x8f: {  	[sflag:s23] =	ssyncadd.s32 $0xFFFFC000  }
0x90: {  	[tilespmem:s17], [sflag:$0x2] =	stream.indirect.gather [hbm4b:s1+s15], $0x80, s20, s15, $0xb8;
	[tilespmem:$0x1D000] =	vst v63  }
0x91: {  	_ =	swait.ge [sflag:s18], $0x4000  }
0x92: {  	[sflag:s18] =	ssyncset.done $0x0  }
0x93: {  	[sflag:s18] =	ssyncadd.s32 $0xFFFFC000  }
0x94: {  	[spmem:s3] =	stream.indirect.scatter.add.f32 [tilespmem:s16], [sflag:$0x3], $0x80, s22, s15, $0xb8;
	[tilespmem:$0x1D000] =	vst v63  }
0x95: {  	_ =	swait.ge [sflag:s19], $0x4000  }
0x96: {  	[sflag:s19] =	ssyncset.done $0x0  }
0x97: {  	[sflag:s19] =	ssyncadd.s32 $0xFFFFC000  }
0x98: {  	[tilespmem:s16], [sflag:$0x1] =	stream.indirect.gather [hbm4b:s1+s15], $0x80, s24, s15, $0xb8;
	[tilespmem:$0x1D000] =	vst v63  }
0x99: {  	_ =	swait.ge [sflag:s21], $0x4000  }
0x9a: {  	[sflag:s21] =	ssyncset.done $0x0  }
0x9b: {  	[sflag:s21] =	ssyncadd.s32 $0xFFFFC000  }
0x9c: {  	[spmem:s3] =	stream.indirect.scatter.add.f32 [tilespmem:s17], [sflag:$0x4], $0x80, s25, s15, $0xb8;
	[tilespmem:$0x1D000] =	vst v63  }
0x9d: {  	_ =	swait.ge [sflag:s23], $0x4000  }
0x9e: {  	[sflag:s23] =	ssyncset.done $0x0  }
0x9f: {  	[sflag:s23] =	ssyncadd.s32 $0xFFFFC000  }
0xa0: {  	[tilespmem:s17], [sflag:$0x2] =	stream.indirect.gather [hbm4b:s1+s15], $0x80, s26, s15, $0xb8;
	[tilespmem:$0x1D000] =	vst v63  }
0xa1: {  	_ =	swait.ge [sflag:s18], $0x4000  }
0xa2: {  	[sflag:s18] =	ssyncset.done $0x0  }
0xa3: {  	[sflag:s18] =	ssyncadd.s32 $0xFFFFC000  }
0xa4: {  	[spmem:s3] =	stream.indirect.scatter.add.f32 [tilespmem:s16], [sflag:$0x3], $0x80, s28, s15, $0xb8;
	[tilespmem:$0x1D000] =	vst v63  }
0xa5: {  	_ =	swait.ge [sflag:s19], $0x4000  }
0xa6: {  	[sflag:s19] =	ssyncset.done $0x0  }
0xa7: {  	[sflag:s19] =	ssyncadd.s32 $0xFFFFC000  }
0xa8: {  	[tilespmem:s16], [sflag:$0x1] =	stream.indirect.gather [hbm4b:s1+s15], $0x80, s29, s15, $0xb8;
	[tilespmem:$0x1D000] =	vst v63  }
0xa9: {  	_ =	swait.ge [sflag:s21], $0x4000  }
0xaa: {  	[sflag:s21] =	ssyncset.done $0x0  }
0xab: {  	[sflag:s21] =	ssyncadd.s32 $0xFFFFC000  }
0xac: {  	[spmem:s3] =	stream.indirect.scatter.add.f32 [tilespmem:s17], [sflag:$0x4], $0x80, s30, s15, $0xb8;
	[tilespmem:$0x1D000] =	vst v63  }
0xad: {  	_ =	swait.ge [sflag:s23], $0x4000  }
0xae: {  	[sflag:s23] =	ssyncset.done $0x0  }
0xaf: {  	[sflag:s23] =	ssyncadd.s32 $0xFFFFC000  }
0xb0: {  	[tilespmem:s17], [sflag:$0x2] =	stream.indirect.gather [hbm4b:s1+s15], $0x80, s31, s15, $0xb8;
	[tilespmem:$0x1D000] =	vst v63  }
0xb1: {  	_ =	swait.ge [sflag:s18], $0x4000  }
0xb2: {  	[sflag:s18] =	ssyncset.done $0x0  }
0xb3: {  	[sflag:s18] =	ssyncadd.s32 $0xFFFFC000  }
0xb4: {  	[spmem:s3] =	stream.indirect.scatter.add.f32 [tilespmem:s16], [sflag:$0x3], $0x80, s0, s15, $0xb8;
	[tilespmem:$0x1D000] =	vst v63  }
0xb5: {  	_ =	swait.ge [sflag:s19], $0x4000  }
0xb6: {  	[sflag:s19] =	ssyncset.done $0x0  }
0xb7: {  	[sflag:s19] =	ssyncadd.s32 $0xFFFFC000  }
0xb8: {  	_ =	swait.ge [sflag:s21], $0x4000  }
0xb9: {  	[sflag:s21] =	ssyncset.done $0x0  }
0xba: {  	[sflag:s21] =	ssyncadd.s32 $0xFFFFC000  }
0xbb: {  	[spmem:s3] =	stream.indirect.scatter.add.f32 [tilespmem:s17], [sflag:$0x4], $0x80, s2, s15, $0xb8;
	[tilespmem:$0x1D000] =	vst v63  }
0xbc: {  	s7 =	simm.s32 $0x100;
	_ =	swait.ge [sflag:s23], $0x4000  }
.LBB2_3:
0xbd: {  	s8 =	rddreg [dreg:$0x7];
	s6 =	smov.u32 s7;
	[sflag:s23] =	ssyncset.done $0x0  }
0xbe: {  	s8 =	sadd.s32 s6, s8;
	[sflag:s23] =	ssyncadd.s32 $0xFFFFC000  }
0xbf: {  	[tilespmem:s4], [sflag:$0x5] =	stream.linear.gather [hbm4b:s8+s4], $0x800, $0x38;
	[tilespmem:$0x1D000] =	vst v63  }
0xc0: {  	_ =	swait.ge [sflag:s13], $0x800  }
0xc1: {  	s8 =	rddreg [dreg:$0x6];
	[sflag:s13] =	ssyncset.done $0x0  }
0xc2: {  	[sflag:s13] =	ssyncadd.s32 $0xFFFFF800;
	s6 =	sadd.s32 s6, s8  }
0xc3: {  	[tilespmem:s14], [sflag:$0x5] =	stream.linear.gather [hbm4b:s6+s4], $0x800, $0x38;
	[tilespmem:$0x1D000] =	vst v63  }
0xc4: {  	_ =	swait.ge [sflag:s13], $0x800  }
0xc5: {  	[sflag:s13] =	ssyncset.done $0x0  }
0xc6: {  	[sflag:s13] =	ssyncadd.s32 $0xFFFFF800  }
0xc7: {  	[tilespmem:s16], [sflag:$0x1] =	stream.indirect.gather [hbm4b:s1+s15], $0x80, s4, s15, $0xb8;
	[tilespmem:$0x1D000] =	vst v63  }
0xc8: {  	_ = 	snop  }
0xc9: {  	[tilespmem:s17], [sflag:$0x2] =	stream.indirect.gather [hbm4b:s1+s15], $0x80, s15, s15, $0xb8;
	[tilespmem:$0x1D000] =	vst v63  }
0xca: {  	_ =	swait.ge [sflag:s18], $0x4000  }
0xcb: {  	[sflag:s18] =	ssyncset.done $0x0  }
0xcc: {  	[sflag:s18] =	ssyncadd.s32 $0xFFFFC000  }
0xcd: {  	[spmem:s3] =	stream.indirect.scatter.add.f32 [tilespmem:s16], [sflag:$0x3], $0x80, s14, s15, $0xb8;
	[tilespmem:$0x1D000] =	vst v63  }
0xce: {  	_ =	swait.ge [sflag:s19], $0x4000  }
0xcf: {  	[sflag:s19] =	ssyncset.done $0x0  }
0xd0: {  	s8 =	simm.s32 $0x100;
	[sflag:s19] =	ssyncadd.s32 $0xFFFFC000  }
0xd1: {  	[tilespmem:s16], [sflag:$0x1] =	stream.indirect.gather [hbm4b:s1+s15], $0x80, s8, s15, $0xb8;
	[tilespmem:$0x1D000] =	vst v63  }
0xd2: {  	_ =	swait.ge [sflag:s21], $0x4000  }
0xd3: {  	[sflag:s21] =	ssyncset.done $0x0  }
0xd4: {  	s8 =	simm.s32 $0x880;
	[sflag:s21] =	ssyncadd.s32 $0xFFFFC000  }
0xd5: {  	[spmem:s3] =	stream.indirect.scatter.add.f32 [tilespmem:s17], [sflag:$0x4], $0x80, s8, s15, $0xb8;
	[tilespmem:$0x1D000] =	vst v63  }
0xd6: {  	_ =	swait.ge [sflag:s23], $0x4000  }
0xd7: {  	[sflag:s23] =	ssyncset.done $0x0  }
0xd8: {  	s8 =	simm.s32 $0x180;
	[sflag:s23] =	ssyncadd.s32 $0xFFFFC000  }
0xd9: {  	[tilespmem:s17], [sflag:$0x2] =	stream.indirect.gather [hbm4b:s1+s15], $0x80, s8, s15, $0xb8;
	[tilespmem:$0x1D000] =	vst v63  }
0xda: {  	_ =	swait.ge [sflag:s18], $0x4000  }
0xdb: {  	[sflag:s18] =	ssyncset.done $0x0  }
0xdc: {  	s8 =	simm.s32 $0x900;
	[sflag:s18] =	ssyncadd.s32 $0xFFFFC000  }
0xdd: {  	[spmem:s3] =	stream.indirect.scatter.add.f32 [tilespmem:s16], [sflag:$0x3], $0x80, s8, s15, $0xb8;
	[tilespmem:$0x1D000] =	vst v63  }
0xde: {  	_ =	swait.ge [sflag:s19], $0x4000  }
0xdf: {  	[sflag:s19] =	ssyncset.done $0x0  }
0xe0: {  	s8 =	simm.s32 $0x200;
	[sflag:s19] =	ssyncadd.s32 $0xFFFFC000  }
0xe1: {  	[tilespmem:s16], [sflag:$0x1] =	stream.indirect.gather [hbm4b:s1+s15], $0x80, s8, s15, $0xb8;
	[tilespmem:$0x1D000] =	vst v63  }
0xe2: {  	_ =	swait.ge [sflag:s21], $0x4000  }
0xe3: {  	[sflag:s21] =	ssyncset.done $0x0  }
0xe4: {  	s8 =	simm.s32 $0x980;
	[sflag:s21] =	ssyncadd.s32 $0xFFFFC000  }
0xe5: {  	[spmem:s3] =	stream.indirect.scatter.add.f32 [tilespmem:s17], [sflag:$0x4], $0x80, s8, s15, $0xb8;
	[tilespmem:$0x1D000] =	vst v63  }
0xe6: {  	_ =	swait.ge [sflag:s23], $0x4000  }
0xe7: {  	[sflag:s23] =	ssyncset.done $0x0  }
0xe8: {  	s8 =	simm.s32 $0x280;
	[sflag:s23] =	ssyncadd.s32 $0xFFFFC000  }
0xe9: {  	[tilespmem:s17], [sflag:$0x2] =	stream.indirect.gather [hbm4b:s1+s15], $0x80, s8, s15, $0xb8;
	[tilespmem:$0x1D000] =	vst v63  }
0xea: {  	_ =	swait.ge [sflag:s18], $0x4000  }
0xeb: {  	[sflag:s18] =	ssyncset.done $0x0  }
0xec: {  	s8 =	simm.s32 $0xA00;
	[sflag:s18] =	ssyncadd.s32 $0xFFFFC000  }
0xed: {  	[spmem:s3] =	stream.indirect.scatter.add.f32 [tilespmem:s16], [sflag:$0x3], $0x80, s8, s15, $0xb8;
	[tilespmem:$0x1D000] =	vst v63  }
0xee: {  	_ =	swait.ge [sflag:s19], $0x4000  }
0xef: {  	[sflag:s19] =	ssyncset.done $0x0  }
0xf0: {  	s8 =	simm.s32 $0x300;
	[sflag:s19] =	ssyncadd.s32 $0xFFFFC000  }
0xf1: {  	[tilespmem:s16], [sflag:$0x1] =	stream.indirect.gather [hbm4b:s1+s15], $0x80, s8, s15, $0xb8;
	[tilespmem:$0x1D000] =	vst v63  }
0xf2: {  	_ =	swait.ge [sflag:s21], $0x4000  }
0xf3: {  	[sflag:s21] =	ssyncset.done $0x0  }
0xf4: {  	s8 =	simm.s32 $0xA80;
	[sflag:s21] =	ssyncadd.s32 $0xFFFFC000  }
0xf5: {  	[spmem:s3] =	stream.indirect.scatter.add.f32 [tilespmem:s17], [sflag:$0x4], $0x80, s8, s15, $0xb8;
	[tilespmem:$0x1D000] =	vst v63  }
0xf6: {  	_ =	swait.ge [sflag:s23], $0x4000  }
0xf7: {  	[sflag:s23] =	ssyncset.done $0x0  }
0xf8: {  	s8 =	simm.s32 $0x380;
	[sflag:s23] =	ssyncadd.s32 $0xFFFFC000  }
0xf9: {  	[tilespmem:s17], [sflag:$0x2] =	stream.indirect.gather [hbm4b:s1+s15], $0x80, s8, s15, $0xb8;
	[tilespmem:$0x1D000] =	vst v63  }
0xfa: {  	_ =	swait.ge [sflag:s18], $0x4000  }
0xfb: {  	[sflag:s18] =	ssyncset.done $0x0  }
0xfc: {  	s8 =	simm.s32 $0xB00;
	[sflag:s18] =	ssyncadd.s32 $0xFFFFC000  }
0xfd: {  	[spmem:s3] =	stream.indirect.scatter.add.f32 [tilespmem:s16], [sflag:$0x3], $0x80, s8, s15, $0xb8;
	[tilespmem:$0x1D000] =	vst v63  }
0xfe: {  	_ =	swait.ge [sflag:s19], $0x4000  }
0xff: {  	[sflag:s19] =	ssyncset.done $0x0  }
0x100: {  	s8 =	simm.s32 $0x400;
	[sflag:s19] =	ssyncadd.s32 $0xFFFFC000  }
0x101: {  	[tilespmem:s16], [sflag:$0x1] =	stream.indirect.gather [hbm4b:s1+s15], $0x80, s8, s15, $0xb8;
	[tilespmem:$0x1D000] =	vst v63  }
0x102: {  	_ =	swait.ge [sflag:s21], $0x4000  }
0x103: {  	[sflag:s21] =	ssyncset.done $0x0  }
0x104: {  	s8 =	simm.s32 $0xB80;
	[sflag:s21] =	ssyncadd.s32 $0xFFFFC000  }
0x105: {  	[spmem:s3] =	stream.indirect.scatter.add.f32 [tilespmem:s17], [sflag:$0x4], $0x80, s8, s15, $0xb8;
	[tilespmem:$0x1D000] =	vst v63  }
0x106: {  	_ =	swait.ge [sflag:s23], $0x4000  }
0x107: {  	[sflag:s23] =	ssyncset.done $0x0  }
0x108: {  	[sflag:s23] =	ssyncadd.s32 $0xFFFFC000  }
0x109: {  	[tilespmem:s17], [sflag:$0x2] =	stream.indirect.gather [hbm4b:s1+s15], $0x80, s10, s15, $0xb8;
	[tilespmem:$0x1D000] =	vst v63  }
0x10a: {  	_ =	swait.ge [sflag:s18], $0x4000  }
0x10b: {  	[sflag:s18] =	ssyncset.done $0x0  }
0x10c: {  	[sflag:s18] =	ssyncadd.s32 $0xFFFFC000  }
0x10d: {  	[spmem:s3] =	stream.indirect.scatter.add.f32 [tilespmem:s16], [sflag:$0x3], $0x80, s11, s15, $0xb8;
	[tilespmem:$0x1D000] =	vst v63  }
0x10e: {  	_ =	swait.ge [sflag:s19], $0x4000  }
0x10f: {  	[sflag:s19] =	ssyncset.done $0x0  }
0x110: {  	[sflag:s19] =	ssyncadd.s32 $0xFFFFC000  }
0x111: {  	[tilespmem:s16], [sflag:$0x1] =	stream.indirect.gather [hbm4b:s1+s15], $0x80, s9, s15, $0xb8;
	[tilespmem:$0x1D000] =	vst v63  }
0x112: {  	_ =	swait.ge [sflag:s21], $0x4000  }
0x113: {  	[sflag:s21] =	ssyncset.done $0x0  }
0x114: {  	[sflag:s21] =	ssyncadd.s32 $0xFFFFC000  }
0x115: {  	[spmem:s3] =	stream.indirect.scatter.add.f32 [tilespmem:s17], [sflag:$0x4], $0x80, s12, s15, $0xb8;
	[tilespmem:$0x1D000] =	vst v63  }
0x116: {  	_ =	swait.ge [sflag:s23], $0x4000  }
0x117: {  	[sflag:s23] =	ssyncset.done $0x0  }
0x118: {  	[sflag:s23] =	ssyncadd.s32 $0xFFFFC000  }
0x119: {  	[tilespmem:s17], [sflag:$0x2] =	stream.indirect.gather [hbm4b:s1+s15], $0x80, s20, s15, $0xb8;
	[tilespmem:$0x1D000] =	vst v63  }
0x11a: {  	_ =	swait.ge [sflag:s18], $0x4000  }
0x11b: {  	[sflag:s18] =	ssyncset.done $0x0  }
0x11c: {  	[sflag:s18] =	ssyncadd.s32 $0xFFFFC000  }
0x11d: {  	[spmem:s3] =	stream.indirect.scatter.add.f32 [tilespmem:s16], [sflag:$0x3], $0x80, s22, s15, $0xb8;
	[tilespmem:$0x1D000] =	vst v63  }
0x11e: {  	_ =	swait.ge [sflag:s19], $0x4000  }
0x11f: {  	[sflag:s19] =	ssyncset.done $0x0  }
0x120: {  	[sflag:s19] =	ssyncadd.s32 $0xFFFFC000  }
0x121: {  	[tilespmem:s16], [sflag:$0x1] =	stream.indirect.gather [hbm4b:s1+s15], $0x80, s24, s15, $0xb8;
	[tilespmem:$0x1D000] =	vst v63  }
0x122: {  	_ =	swait.ge [sflag:s21], $0x4000  }
0x123: {  	[sflag:s21] =	ssyncset.done $0x0  }
0x124: {  	[sflag:s21] =	ssyncadd.s32 $0xFFFFC000  }
0x125: {  	[spmem:s3] =	stream.indirect.scatter.add.f32 [tilespmem:s17], [sflag:$0x4], $0x80, s25, s15, $0xb8;
	[tilespmem:$0x1D000] =	vst v63  }
0x126: {  	_ =	swait.ge [sflag:s23], $0x4000  }
0x127: {  	[sflag:s23] =	ssyncset.done $0x0  }
0x128: {  	[sflag:s23] =	ssyncadd.s32 $0xFFFFC000  }
0x129: {  	[tilespmem:s17], [sflag:$0x2] =	stream.indirect.gather [hbm4b:s1+s15], $0x80, s26, s15, $0xb8;
	[tilespmem:$0x1D000] =	vst v63  }
0x12a: {  	_ =	swait.ge [sflag:s18], $0x4000  }
0x12b: {  	[sflag:s18] =	ssyncset.done $0x0  }
0x12c: {  	[sflag:s18] =	ssyncadd.s32 $0xFFFFC000  }
0x12d: {  	[spmem:s3] =	stream.indirect.scatter.add.f32 [tilespmem:s16], [sflag:$0x3], $0x80, s28, s15, $0xb8;
	[tilespmem:$0x1D000] =	vst v63  }
0x12e: {  	_ =	swait.ge [sflag:s19], $0x4000  }
0x12f: {  	[sflag:s19] =	ssyncset.done $0x0  }
0x130: {  	[sflag:s19] =	ssyncadd.s32 $0xFFFFC000  }
0x131: {  	[tilespmem:s16], [sflag:$0x1] =	stream.indirect.gather [hbm4b:s1+s15], $0x80, s29, s15, $0xb8;
	[tilespmem:$0x1D000] =	vst v63  }
0x132: {  	_ =	swait.ge [sflag:s21], $0x4000  }
0x133: {  	[sflag:s21] =	ssyncset.done $0x0  }
0x134: {  	[sflag:s21] =	ssyncadd.s32 $0xFFFFC000  }
0x135: {  	[spmem:s3] =	stream.indirect.scatter.add.f32 [tilespmem:s17], [sflag:$0x4], $0x80, s30, s15, $0xb8;
	[tilespmem:$0x1D000] =	vst v63  }
0x136: {  	_ =	swait.ge [sflag:s23], $0x4000  }
0x137: {  	[sflag:s23] =	ssyncset.done $0x0  }
0x138: {  	[sflag:s23] =	ssyncadd.s32 $0xFFFFC000  }
0x139: {  	[tilespmem:s17], [sflag:$0x2] =	stream.indirect.gather [hbm4b:s1+s15], $0x80, s31, s15, $0xb8;
	[tilespmem:$0x1D000] =	vst v63  }
0x13a: {  	_ =	swait.ge [sflag:s18], $0x4000  }
0x13b: {  	[sflag:s18] =	ssyncset.done $0x0  }
0x13c: {  	[sflag:s18] =	ssyncadd.s32 $0xFFFFC000  }
0x13d: {  	[spmem:s3] =	stream.indirect.scatter.add.f32 [tilespmem:s16], [sflag:$0x3], $0x80, s0, s15, $0xb8;
	[tilespmem:$0x1D000] =	vst v63  }
0x13e: {  	_ =	swait.ge [sflag:s19], $0x4000  }
0x13f: {  	[sflag:s19] =	ssyncset.done $0x0  }
0x140: {  	p1 =	seq.s32 s7, $0x400;
	[sflag:s19] =	ssyncadd.s32 $0xFFFFC000  }
.Ltmp3:
0x141: {  	_ =	swait.ge [sflag:s21], $0x4000;
	(pc) =	sbr.rel @!p1 .LBB2_3-.Ltmp3, $4  }
0x142: {  	[sflag:s21] =	ssyncset.done $0x0  }
0x143: {  	[sflag:s21] =	ssyncadd.s32 $0xFFFFC000  }
0x144: {  	[spmem:s3] =	stream.indirect.scatter.add.f32 [tilespmem:s17], [sflag:$0x4], $0x80, s2, s15, $0xb8;
	[tilespmem:$0x1D000] =	vst v63  }
0x145: {  	s7 =	sadd.s32 $0x100, s7;
	_ =	swait.ge [sflag:s23], $0x4000  }
.Ltmp4:
0x146: {  	(pc) =	sbr.rel .LBB2_8-.Ltmp4, $3  }
0x147: {  	_ =	sdelay $0x1  }
0x148: {  	[sflag:s23] =	ssyncset.done $0x0  }
0x149: {  	s7 =	rddreg [dreg:$0x9];
	[sflag:s23] =	ssyncadd.s32 $0xFFFFC000  }
.LBB2_5:
0x14a: {  	s6 =	rddreg [dreg:$0x5]  }
0x14b: {  	s6 =	sadd.s32 $0x0, s6  }
0x14c: {  	[tilespmem:s4], [sflag:$0x5] =	stream.linear.gather [hbm4b:s6+s4], $0x800, $0x38;
	[tilespmem:$0x1D000] =	vst v63  }
0x14d: {  	_ =	swait.ge [sflag:s13], $0x800  }
0x14e: {  	s8 =	rddreg [dreg:$0x4];
	[sflag:s13] =	ssyncset.done $0x0  }
0x14f: {  	[sflag:s13] =	ssyncadd.s32 $0xFFFFF800;
	s6 =	sadd.s32 $0x0, s8  }
0x150: {  	[tilespmem:s14], [sflag:$0x5] =	stream.linear.gather [hbm4b:s6+s4], $0x800, $0x38;
	[tilespmem:$0x1D000] =	vst v63  }
0x151: {  	_ =	swait.ge [sflag:s13], $0x800  }
0x152: {  	[sflag:s13] =	ssyncset.done $0x0  }
0x153: {  	[sflag:s13] =	ssyncadd.s32 $0xFFFFF800  }
0x154: {  	[tilespmem:s16], [sflag:$0x1] =	stream.indirect.gather [hbm4b:s5+s15], $0x80, s4, s15, $0xb8;
	[tilespmem:$0x1D000] =	vst v63  }
0x155: {  	_ = 	snop  }
0x156: {  	[tilespmem:s17], [sflag:$0x2] =	stream.indirect.gather [hbm4b:s5+s15], $0x80, s15, s15, $0xb8;
	[tilespmem:$0x1D000] =	vst v63  }
0x157: {  	_ =	swait.ge [sflag:s18], $0x4000  }
0x158: {  	[sflag:s18] =	ssyncset.done $0x0  }
0x159: {  	[sflag:s18] =	ssyncadd.s32 $0xFFFFC000  }
0x15a: {  	[spmem:s3] =	stream.indirect.scatter.add.f32 [tilespmem:s16], [sflag:$0x3], $0x80, s14, s15, $0xb8;
	[tilespmem:$0x1D000] =	vst v63  }
0x15b: {  	_ =	swait.ge [sflag:s19], $0x4000  }
0x15c: {  	[sflag:s19] =	ssyncset.done $0x0  }
0x15d: {  	s7 =	simm.s32 $0x100;
	[sflag:s19] =	ssyncadd.s32 $0xFFFFC000  }
0x15e: {  	[tilespmem:s16], [sflag:$0x1] =	stream.indirect.gather [hbm4b:s5+s15], $0x80, s7, s15, $0xb8;
	[tilespmem:$0x1D000] =	vst v63  }
0x15f: {  	_ =	swait.ge [sflag:s21], $0x4000  }
0x160: {  	[sflag:s21] =	ssyncset.done $0x0  }
0x161: {  	s8 =	simm.s32 $0x880;
	[sflag:s21] =	ssyncadd.s32 $0xFFFFC000  }
0x162: {  	[spmem:s3] =	stream.indirect.scatter.add.f32 [tilespmem:s17], [sflag:$0x4], $0x80, s8, s15, $0xb8;
	[tilespmem:$0x1D000] =	vst v63  }
0x163: {  	_ =	swait.ge [sflag:s23], $0x4000  }
0x164: {  	[sflag:s23] =	ssyncset.done $0x0  }
0x165: {  	s7 =	simm.s32 $0x180;
	[sflag:s23] =	ssyncadd.s32 $0xFFFFC000  }
0x166: {  	[tilespmem:s17], [sflag:$0x2] =	stream.indirect.gather [hbm4b:s5+s15], $0x80, s7, s15, $0xb8;
	[tilespmem:$0x1D000] =	vst v63  }
0x167: {  	_ =	swait.ge [sflag:s18], $0x4000  }
0x168: {  	[sflag:s18] =	ssyncset.done $0x0  }
0x169: {  	s8 =	simm.s32 $0x900;
	[sflag:s18] =	ssyncadd.s32 $0xFFFFC000  }
0x16a: {  	[spmem:s3] =	stream.indirect.scatter.add.f32 [tilespmem:s16], [sflag:$0x3], $0x80, s8, s15, $0xb8;
	[tilespmem:$0x1D000] =	vst v63  }
0x16b: {  	_ =	swait.ge [sflag:s19], $0x4000  }
0x16c: {  	[sflag:s19] =	ssyncset.done $0x0  }
0x16d: {  	s7 =	simm.s32 $0x200;
	[sflag:s19] =	ssyncadd.s32 $0xFFFFC000  }
0x16e: {  	[tilespmem:s16], [sflag:$0x1] =	stream.indirect.gather [hbm4b:s5+s15], $0x80, s7, s15, $0xb8;
	[tilespmem:$0x1D000] =	vst v63  }
0x16f: {  	_ =	swait.ge [sflag:s21], $0x4000  }
0x170: {  	[sflag:s21] =	ssyncset.done $0x0  }
0x171: {  	s8 =	simm.s32 $0x980;
	[sflag:s21] =	ssyncadd.s32 $0xFFFFC000  }
0x172: {  	[spmem:s3] =	stream.indirect.scatter.add.f32 [tilespmem:s17], [sflag:$0x4], $0x80, s8, s15, $0xb8;
	[tilespmem:$0x1D000] =	vst v63  }
0x173: {  	_ =	swait.ge [sflag:s23], $0x4000  }
0x174: {  	[sflag:s23] =	ssyncset.done $0x0  }
0x175: {  	s7 =	simm.s32 $0x280;
	[sflag:s23] =	ssyncadd.s32 $0xFFFFC000  }
0x176: {  	[tilespmem:s17], [sflag:$0x2] =	stream.indirect.gather [hbm4b:s5+s15], $0x80, s7, s15, $0xb8;
	[tilespmem:$0x1D000] =	vst v63  }
0x177: {  	_ =	swait.ge [sflag:s18], $0x4000  }
0x178: {  	[sflag:s18] =	ssyncset.done $0x0  }
0x179: {  	s8 =	simm.s32 $0xA00;
	[sflag:s18] =	ssyncadd.s32 $0xFFFFC000  }
0x17a: {  	[spmem:s3] =	stream.indirect.scatter.add.f32 [tilespmem:s16], [sflag:$0x3], $0x80, s8, s15, $0xb8;
	[tilespmem:$0x1D000] =	vst v63  }
0x17b: {  	_ =	swait.ge [sflag:s19], $0x4000  }
0x17c: {  	[sflag:s19] =	ssyncset.done $0x0  }
0x17d: {  	s7 =	simm.s32 $0x300;
	[sflag:s19] =	ssyncadd.s32 $0xFFFFC000  }
0x17e: {  	[tilespmem:s16], [sflag:$0x1] =	stream.indirect.gather [hbm4b:s5+s15], $0x80, s7, s15, $0xb8;
	[tilespmem:$0x1D000] =	vst v63  }
0x17f: {  	_ =	swait.ge [sflag:s21], $0x4000  }
0x180: {  	[sflag:s21] =	ssyncset.done $0x0  }
0x181: {  	s8 =	simm.s32 $0xA80;
	[sflag:s21] =	ssyncadd.s32 $0xFFFFC000  }
0x182: {  	[spmem:s3] =	stream.indirect.scatter.add.f32 [tilespmem:s17], [sflag:$0x4], $0x80, s8, s15, $0xb8;
	[tilespmem:$0x1D000] =	vst v63  }
0x183: {  	_ =	swait.ge [sflag:s23], $0x4000  }
0x184: {  	[sflag:s23] =	ssyncset.done $0x0  }
0x185: {  	s7 =	simm.s32 $0x380;
	[sflag:s23] =	ssyncadd.s32 $0xFFFFC000  }
0x186: {  	[tilespmem:s17], [sflag:$0x2] =	stream.indirect.gather [hbm4b:s5+s15], $0x80, s7, s15, $0xb8;
	[tilespmem:$0x1D000] =	vst v63  }
0x187: {  	_ =	swait.ge [sflag:s18], $0x4000  }
0x188: {  	[sflag:s18] =	ssyncset.done $0x0  }
0x189: {  	s8 =	simm.s32 $0xB00;
	[sflag:s18] =	ssyncadd.s32 $0xFFFFC000  }
0x18a: {  	[spmem:s3] =	stream.indirect.scatter.add.f32 [tilespmem:s16], [sflag:$0x3], $0x80, s8, s15, $0xb8;
	[tilespmem:$0x1D000] =	vst v63  }
0x18b: {  	_ =	swait.ge [sflag:s19], $0x4000  }
0x18c: {  	[sflag:s19] =	ssyncset.done $0x0  }
0x18d: {  	s7 =	simm.s32 $0x400;
	[sflag:s19] =	ssyncadd.s32 $0xFFFFC000  }
0x18e: {  	[tilespmem:s16], [sflag:$0x1] =	stream.indirect.gather [hbm4b:s5+s15], $0x80, s7, s15, $0xb8;
	[tilespmem:$0x1D000] =	vst v63  }
0x18f: {  	_ =	swait.ge [sflag:s21], $0x4000  }
0x190: {  	[sflag:s21] =	ssyncset.done $0x0  }
0x191: {  	s8 =	simm.s32 $0xB80;
	[sflag:s21] =	ssyncadd.s32 $0xFFFFC000  }
0x192: {  	[spmem:s3] =	stream.indirect.scatter.add.f32 [tilespmem:s17], [sflag:$0x4], $0x80, s8, s15, $0xb8;
	[tilespmem:$0x1D000] =	vst v63  }
0x193: {  	_ =	swait.ge [sflag:s23], $0x4000  }
0x194: {  	[sflag:s23] =	ssyncset.done $0x0  }
0x195: {  	[sflag:s23] =	ssyncadd.s32 $0xFFFFC000  }
0x196: {  	[tilespmem:s17], [sflag:$0x2] =	stream.indirect.gather [hbm4b:s5+s15], $0x80, s10, s15, $0xb8;
	[tilespmem:$0x1D000] =	vst v63  }
0x197: {  	_ =	swait.ge [sflag:s18], $0x4000  }
0x198: {  	[sflag:s18] =	ssyncset.done $0x0  }
0x199: {  	[sflag:s18] =	ssyncadd.s32 $0xFFFFC000  }
0x19a: {  	[spmem:s3] =	stream.indirect.scatter.add.f32 [tilespmem:s16], [sflag:$0x3], $0x80, s11, s15, $0xb8;
	[tilespmem:$0x1D000] =	vst v63  }
0x19b: {  	_ =	swait.ge [sflag:s19], $0x4000  }
0x19c: {  	[sflag:s19] =	ssyncset.done $0x0  }
0x19d: {  	[sflag:s19] =	ssyncadd.s32 $0xFFFFC000  }
0x19e: {  	[tilespmem:s16], [sflag:$0x1] =	stream.indirect.gather [hbm4b:s5+s15], $0x80, s9, s15, $0xb8;
	[tilespmem:$0x1D000] =	vst v63  }
0x19f: {  	_ =	swait.ge [sflag:s21], $0x4000  }
0x1a0: {  	[sflag:s21] =	ssyncset.done $0x0  }
0x1a1: {  	[sflag:s21] =	ssyncadd.s32 $0xFFFFC000  }
0x1a2: {  	[spmem:s3] =	stream.indirect.scatter.add.f32 [tilespmem:s17], [sflag:$0x4], $0x80, s12, s15, $0xb8;
	[tilespmem:$0x1D000] =	vst v63  }
0x1a3: {  	_ =	swait.ge [sflag:s23], $0x4000  }
0x1a4: {  	[sflag:s23] =	ssyncset.done $0x0  }
0x1a5: {  	[sflag:s23] =	ssyncadd.s32 $0xFFFFC000  }
0x1a6: {  	[tilespmem:s17], [sflag:$0x2] =	stream.indirect.gather [hbm4b:s5+s15], $0x80, s20, s15, $0xb8;
	[tilespmem:$0x1D000] =	vst v63  }
0x1a7: {  	_ =	swait.ge [sflag:s18], $0x4000  }
0x1a8: {  	[sflag:s18] =	ssyncset.done $0x0  }
0x1a9: {  	[sflag:s18] =	ssyncadd.s32 $0xFFFFC000  }
0x1aa: {  	[spmem:s3] =	stream.indirect.scatter.add.f32 [tilespmem:s16], [sflag:$0x3], $0x80, s22, s15, $0xb8;
	[tilespmem:$0x1D000] =	vst v63  }
0x1ab: {  	_ =	swait.ge [sflag:s19], $0x4000  }
0x1ac: {  	[sflag:s19] =	ssyncset.done $0x0  }
0x1ad: {  	[sflag:s19] =	ssyncadd.s32 $0xFFFFC000  }
0x1ae: {  	[tilespmem:s16], [sflag:$0x1] =	stream.indirect.gather [hbm4b:s5+s15], $0x80, s24, s15, $0xb8;
	[tilespmem:$0x1D000] =	vst v63  }
0x1af: {  	_ =	swait.ge [sflag:s21], $0x4000  }
0x1b0: {  	[sflag:s21] =	ssyncset.done $0x0  }
0x1b1: {  	[sflag:s21] =	ssyncadd.s32 $0xFFFFC000  }
0x1b2: {  	[spmem:s3] =	stream.indirect.scatter.add.f32 [tilespmem:s17], [sflag:$0x4], $0x80, s25, s15, $0xb8;
	[tilespmem:$0x1D000] =	vst v63  }
0x1b3: {  	_ =	swait.ge [sflag:s23], $0x4000  }
0x1b4: {  	[sflag:s23] =	ssyncset.done $0x0  }
0x1b5: {  	[sflag:s23] =	ssyncadd.s32 $0xFFFFC000  }
0x1b6: {  	[tilespmem:s17], [sflag:$0x2] =	stream.indirect.gather [hbm4b:s5+s15], $0x80, s26, s15, $0xb8;
	[tilespmem:$0x1D000] =	vst v63  }
0x1b7: {  	_ =	swait.ge [sflag:s18], $0x4000  }
0x1b8: {  	[sflag:s18] =	ssyncset.done $0x0  }
0x1b9: {  	[sflag:s18] =	ssyncadd.s32 $0xFFFFC000  }
0x1ba: {  	[spmem:s3] =	stream.indirect.scatter.add.f32 [tilespmem:s16], [sflag:$0x3], $0x80, s28, s15, $0xb8;
	[tilespmem:$0x1D000] =	vst v63  }
0x1bb: {  	_ =	swait.ge [sflag:s19], $0x4000  }
0x1bc: {  	[sflag:s19] =	ssyncset.done $0x0  }
0x1bd: {  	[sflag:s19] =	ssyncadd.s32 $0xFFFFC000  }
0x1be: {  	[tilespmem:s16], [sflag:$0x1] =	stream.indirect.gather [hbm4b:s5+s15], $0x80, s29, s15, $0xb8;
	[tilespmem:$0x1D000] =	vst v63  }
0x1bf: {  	_ =	swait.ge [sflag:s21], $0x4000  }
0x1c0: {  	[sflag:s21] =	ssyncset.done $0x0  }
0x1c1: {  	[sflag:s21] =	ssyncadd.s32 $0xFFFFC000  }
0x1c2: {  	[spmem:s3] =	stream.indirect.scatter.add.f32 [tilespmem:s17], [sflag:$0x4], $0x80, s30, s15, $0xb8;
	[tilespmem:$0x1D000] =	vst v63  }
0x1c3: {  	_ =	swait.ge [sflag:s23], $0x4000  }
0x1c4: {  	[sflag:s23] =	ssyncset.done $0x0  }
0x1c5: {  	[sflag:s23] =	ssyncadd.s32 $0xFFFFC000  }
0x1c6: {  	[tilespmem:s17], [sflag:$0x2] =	stream.indirect.gather [hbm4b:s5+s15], $0x80, s31, s15, $0xb8;
	[tilespmem:$0x1D000] =	vst v63  }
0x1c7: {  	_ =	swait.ge [sflag:s18], $0x4000  }
0x1c8: {  	[sflag:s18] =	ssyncset.done $0x0  }
0x1c9: {  	[sflag:s18] =	ssyncadd.s32 $0xFFFFC000  }
0x1ca: {  	[spmem:s3] =	stream.indirect.scatter.add.f32 [tilespmem:s16], [sflag:$0x3], $0x80, s0, s15, $0xb8;
	[tilespmem:$0x1D000] =	vst v63  }
0x1cb: {  	_ =	swait.ge [sflag:s19], $0x4000  }
0x1cc: {  	[sflag:s19] =	ssyncset.done $0x0  }
0x1cd: {  	[sflag:s19] =	ssyncadd.s32 $0xFFFFC000  }
0x1ce: {  	_ =	swait.ge [sflag:s21], $0x4000  }
0x1cf: {  	[sflag:s21] =	ssyncset.done $0x0  }
0x1d0: {  	[sflag:s21] =	ssyncadd.s32 $0xFFFFC000  }
0x1d1: {  	[spmem:s3] =	stream.indirect.scatter.add.f32 [tilespmem:s17], [sflag:$0x4], $0x80, s2, s15, $0xb8;
	[tilespmem:$0x1D000] =	vst v63  }
0x1d2: {  	s7 =	simm.s32 $0x100;
	_ =	swait.ge [sflag:s23], $0x4000  }
.LBB2_6:
0x1d3: {  	s6 =	rddreg [dreg:$0x5];
	s8 =	smov.u32 s7;
	[sflag:s23] =	ssyncset.done $0x0  }
0x1d4: {  	s6 =	sadd.s32 s8, s6;
	[sflag:s23] =	ssyncadd.s32 $0xFFFFC000  }
0x1d5: {  	[tilespmem:s4], [sflag:$0x5] =	stream.linear.gather [hbm4b:s6+s4], $0x800, $0x38;
	[tilespmem:$0x1D000] =	vst v63  }
0x1d6: {  	_ =	swait.ge [sflag:s13], $0x800  }
0x1d7: {  	s6 =	rddreg [dreg:$0x4];
	[sflag:s13] =	ssyncset.done $0x0  }
0x1d8: {  	[sflag:s13] =	ssyncadd.s32 $0xFFFFF800;
	s6 =	sadd.s32 s8, s6  }
0x1d9: {  	[tilespmem:s14], [sflag:$0x5] =	stream.linear.gather [hbm4b:s6+s4], $0x800, $0x38;
	[tilespmem:$0x1D000] =	vst v63  }
0x1da: {  	_ =	swait.ge [sflag:s13], $0x800  }
0x1db: {  	[sflag:s13] =	ssyncset.done $0x0  }
0x1dc: {  	[sflag:s13] =	ssyncadd.s32 $0xFFFFF800  }
0x1dd: {  	[tilespmem:s16], [sflag:$0x1] =	stream.indirect.gather [hbm4b:s5+s15], $0x80, s4, s15, $0xb8;
	[tilespmem:$0x1D000] =	vst v63  }
0x1de: {  	_ = 	snop  }
0x1df: {  	[tilespmem:s17], [sflag:$0x2] =	stream.indirect.gather [hbm4b:s5+s15], $0x80, s15, s15, $0xb8;
	[tilespmem:$0x1D000] =	vst v63  }
0x1e0: {  	_ =	swait.ge [sflag:s18], $0x4000  }
0x1e1: {  	[sflag:s18] =	ssyncset.done $0x0  }
0x1e2: {  	[sflag:s18] =	ssyncadd.s32 $0xFFFFC000  }
0x1e3: {  	[spmem:s3] =	stream.indirect.scatter.add.f32 [tilespmem:s16], [sflag:$0x3], $0x80, s14, s15, $0xb8;
	[tilespmem:$0x1D000] =	vst v63  }
0x1e4: {  	_ =	swait.ge [sflag:s19], $0x4000  }
0x1e5: {  	[sflag:s19] =	ssyncset.done $0x0  }
0x1e6: {  	s8 =	simm.s32 $0x100;
	[sflag:s19] =	ssyncadd.s32 $0xFFFFC000  }
0x1e7: {  	[tilespmem:s16], [sflag:$0x1] =	stream.indirect.gather [hbm4b:s5+s15], $0x80, s8, s15, $0xb8;
	[tilespmem:$0x1D000] =	vst v63  }
0x1e8: {  	_ =	swait.ge [sflag:s21], $0x4000  }
0x1e9: {  	[sflag:s21] =	ssyncset.done $0x0  }
0x1ea: {  	s8 =	simm.s32 $0x880;
	[sflag:s21] =	ssyncadd.s32 $0xFFFFC000  }
0x1eb: {  	[spmem:s3] =	stream.indirect.scatter.add.f32 [tilespmem:s17], [sflag:$0x4], $0x80, s8, s15, $0xb8;
	[tilespmem:$0x1D000] =	vst v63  }
0x1ec: {  	_ =	swait.ge [sflag:s23], $0x4000  }
0x1ed: {  	[sflag:s23] =	ssyncset.done $0x0  }
0x1ee: {  	s8 =	simm.s32 $0x180;
	[sflag:s23] =	ssyncadd.s32 $0xFFFFC000  }
0x1ef: {  	[tilespmem:s17], [sflag:$0x2] =	stream.indirect.gather [hbm4b:s5+s15], $0x80, s8, s15, $0xb8;
	[tilespmem:$0x1D000] =	vst v63  }
0x1f0: {  	_ =	swait.ge [sflag:s18], $0x4000  }
0x1f1: {  	[sflag:s18] =	ssyncset.done $0x0  }
0x1f2: {  	s8 =	simm.s32 $0x900;
	[sflag:s18] =	ssyncadd.s32 $0xFFFFC000  }
0x1f3: {  	[spmem:s3] =	stream.indirect.scatter.add.f32 [tilespmem:s16], [sflag:$0x3], $0x80, s8, s15, $0xb8;
	[tilespmem:$0x1D000] =	vst v63  }
0x1f4: {  	_ =	swait.ge [sflag:s19], $0x4000  }
0x1f5: {  	[sflag:s19] =	ssyncset.done $0x0  }
0x1f6: {  	s8 =	simm.s32 $0x200;
	[sflag:s19] =	ssyncadd.s32 $0xFFFFC000  }
0x1f7: {  	[tilespmem:s16], [sflag:$0x1] =	stream.indirect.gather [hbm4b:s5+s15], $0x80, s8, s15, $0xb8;
	[tilespmem:$0x1D000] =	vst v63  }
0x1f8: {  	_ =	swait.ge [sflag:s21], $0x4000  }
0x1f9: {  	[sflag:s21] =	ssyncset.done $0x0  }
0x1fa: {  	s8 =	simm.s32 $0x980;
	[sflag:s21] =	ssyncadd.s32 $0xFFFFC000  }
0x1fb: {  	[spmem:s3] =	stream.indirect.scatter.add.f32 [tilespmem:s17], [sflag:$0x4], $0x80, s8, s15, $0xb8;
	[tilespmem:$0x1D000] =	vst v63  }
0x1fc: {  	_ =	swait.ge [sflag:s23], $0x4000  }
0x1fd: {  	[sflag:s23] =	ssyncset.done $0x0  }
0x1fe: {  	s8 =	simm.s32 $0x280;
	[sflag:s23] =	ssyncadd.s32 $0xFFFFC000  }
0x1ff: {  	[tilespmem:s17], [sflag:$0x2] =	stream.indirect.gather [hbm4b:s5+s15], $0x80, s8, s15, $0xb8;
	[tilespmem:$0x1D000] =	vst v63  }
0x200: {  	_ =	swait.ge [sflag:s18], $0x4000  }
0x201: {  	[sflag:s18] =	ssyncset.done $0x0  }
0x202: {  	s8 =	simm.s32 $0xA00;
	[sflag:s18] =	ssyncadd.s32 $0xFFFFC000  }
0x203: {  	[spmem:s3] =	stream.indirect.scatter.add.f32 [tilespmem:s16], [sflag:$0x3], $0x80, s8, s15, $0xb8;
	[tilespmem:$0x1D000] =	vst v63  }
0x204: {  	_ =	swait.ge [sflag:s19], $0x4000  }
0x205: {  	[sflag:s19] =	ssyncset.done $0x0  }
0x206: {  	s8 =	simm.s32 $0x300;
	[sflag:s19] =	ssyncadd.s32 $0xFFFFC000  }
0x207: {  	[tilespmem:s16], [sflag:$0x1] =	stream.indirect.gather [hbm4b:s5+s15], $0x80, s8, s15, $0xb8;
	[tilespmem:$0x1D000] =	vst v63  }
0x208: {  	_ =	swait.ge [sflag:s21], $0x4000  }
0x209: {  	[sflag:s21] =	ssyncset.done $0x0  }
0x20a: {  	s8 =	simm.s32 $0xA80;
	[sflag:s21] =	ssyncadd.s32 $0xFFFFC000  }
0x20b: {  	[spmem:s3] =	stream.indirect.scatter.add.f32 [tilespmem:s17], [sflag:$0x4], $0x80, s8, s15, $0xb8;
	[tilespmem:$0x1D000] =	vst v63  }
0x20c: {  	_ =	swait.ge [sflag:s23], $0x4000  }
0x20d: {  	[sflag:s23] =	ssyncset.done $0x0  }
0x20e: {  	s8 =	simm.s32 $0x380;
	[sflag:s23] =	ssyncadd.s32 $0xFFFFC000  }
0x20f: {  	[tilespmem:s17], [sflag:$0x2] =	stream.indirect.gather [hbm4b:s5+s15], $0x80, s8, s15, $0xb8;
	[tilespmem:$0x1D000] =	vst v63  }
0x210: {  	_ =	swait.ge [sflag:s18], $0x4000  }
0x211: {  	[sflag:s18] =	ssyncset.done $0x0  }
0x212: {  	s8 =	simm.s32 $0xB00;
	[sflag:s18] =	ssyncadd.s32 $0xFFFFC000  }
0x213: {  	[spmem:s3] =	stream.indirect.scatter.add.f32 [tilespmem:s16], [sflag:$0x3], $0x80, s8, s15, $0xb8;
	[tilespmem:$0x1D000] =	vst v63  }
0x214: {  	_ =	swait.ge [sflag:s19], $0x4000  }
0x215: {  	[sflag:s19] =	ssyncset.done $0x0  }
0x216: {  	s8 =	simm.s32 $0x400;
	[sflag:s19] =	ssyncadd.s32 $0xFFFFC000  }
0x217: {  	[tilespmem:s16], [sflag:$0x1] =	stream.indirect.gather [hbm4b:s5+s15], $0x80, s8, s15, $0xb8;
	[tilespmem:$0x1D000] =	vst v63  }
0x218: {  	_ =	swait.ge [sflag:s21], $0x4000  }
0x219: {  	[sflag:s21] =	ssyncset.done $0x0  }
0x21a: {  	s8 =	simm.s32 $0xB80;
	[sflag:s21] =	ssyncadd.s32 $0xFFFFC000  }
0x21b: {  	[spmem:s3] =	stream.indirect.scatter.add.f32 [tilespmem:s17], [sflag:$0x4], $0x80, s8, s15, $0xb8;
	[tilespmem:$0x1D000] =	vst v63  }
0x21c: {  	_ =	swait.ge [sflag:s23], $0x4000  }
0x21d: {  	[sflag:s23] =	ssyncset.done $0x0  }
0x21e: {  	[sflag:s23] =	ssyncadd.s32 $0xFFFFC000  }
0x21f: {  	[tilespmem:s17], [sflag:$0x2] =	stream.indirect.gather [hbm4b:s5+s15], $0x80, s10, s15, $0xb8;
	[tilespmem:$0x1D000] =	vst v63  }
0x220: {  	_ =	swait.ge [sflag:s18], $0x4000  }
0x221: {  	[sflag:s18] =	ssyncset.done $0x0  }
0x222: {  	[sflag:s18] =	ssyncadd.s32 $0xFFFFC000  }
0x223: {  	[spmem:s3] =	stream.indirect.scatter.add.f32 [tilespmem:s16], [sflag:$0x3], $0x80, s11, s15, $0xb8;
	[tilespmem:$0x1D000] =	vst v63  }
0x224: {  	_ =	swait.ge [sflag:s19], $0x4000  }
0x225: {  	[sflag:s19] =	ssyncset.done $0x0  }
0x226: {  	[sflag:s19] =	ssyncadd.s32 $0xFFFFC000  }
0x227: {  	[tilespmem:s16], [sflag:$0x1] =	stream.indirect.gather [hbm4b:s5+s15], $0x80, s9, s15, $0xb8;
	[tilespmem:$0x1D000] =	vst v63  }
0x228: {  	_ =	swait.ge [sflag:s21], $0x4000  }
0x229: {  	[sflag:s21] =	ssyncset.done $0x0  }
0x22a: {  	[sflag:s21] =	ssyncadd.s32 $0xFFFFC000  }
0x22b: {  	[spmem:s3] =	stream.indirect.scatter.add.f32 [tilespmem:s17], [sflag:$0x4], $0x80, s12, s15, $0xb8;
	[tilespmem:$0x1D000] =	vst v63  }
0x22c: {  	_ =	swait.ge [sflag:s23], $0x4000  }
0x22d: {  	[sflag:s23] =	ssyncset.done $0x0  }
0x22e: {  	[sflag:s23] =	ssyncadd.s32 $0xFFFFC000  }
0x22f: {  	[tilespmem:s17], [sflag:$0x2] =	stream.indirect.gather [hbm4b:s5+s15], $0x80, s20, s15, $0xb8;
	[tilespmem:$0x1D000] =	vst v63  }
0x230: {  	_ =	swait.ge [sflag:s18], $0x4000  }
0x231: {  	[sflag:s18] =	ssyncset.done $0x0  }
0x232: {  	[sflag:s18] =	ssyncadd.s32 $0xFFFFC000  }
0x233: {  	[spmem:s3] =	stream.indirect.scatter.add.f32 [tilespmem:s16], [sflag:$0x3], $0x80, s22, s15, $0xb8;
	[tilespmem:$0x1D000] =	vst v63  }
0x234: {  	_ =	swait.ge [sflag:s19], $0x4000  }
0x235: {  	[sflag:s19] =	ssyncset.done $0x0  }
0x236: {  	[sflag:s19] =	ssyncadd.s32 $0xFFFFC000  }
0x237: {  	[tilespmem:s16], [sflag:$0x1] =	stream.indirect.gather [hbm4b:s5+s15], $0x80, s24, s15, $0xb8;
	[tilespmem:$0x1D000] =	vst v63  }
0x238: {  	_ =	swait.ge [sflag:s21], $0x4000  }
0x239: {  	[sflag:s21] =	ssyncset.done $0x0  }
0x23a: {  	[sflag:s21] =	ssyncadd.s32 $0xFFFFC000  }
0x23b: {  	[spmem:s3] =	stream.indirect.scatter.add.f32 [tilespmem:s17], [sflag:$0x4], $0x80, s25, s15, $0xb8;
	[tilespmem:$0x1D000] =	vst v63  }
0x23c: {  	_ =	swait.ge [sflag:s23], $0x4000  }
0x23d: {  	[sflag:s23] =	ssyncset.done $0x0  }
0x23e: {  	[sflag:s23] =	ssyncadd.s32 $0xFFFFC000  }
0x23f: {  	[tilespmem:s17], [sflag:$0x2] =	stream.indirect.gather [hbm4b:s5+s15], $0x80, s26, s15, $0xb8;
	[tilespmem:$0x1D000] =	vst v63  }
0x240: {  	_ =	swait.ge [sflag:s18], $0x4000  }
0x241: {  	[sflag:s18] =	ssyncset.done $0x0  }
0x242: {  	[sflag:s18] =	ssyncadd.s32 $0xFFFFC000  }
0x243: {  	[spmem:s3] =	stream.indirect.scatter.add.f32 [tilespmem:s16], [sflag:$0x3], $0x80, s28, s15, $0xb8;
	[tilespmem:$0x1D000] =	vst v63  }
0x244: {  	_ =	swait.ge [sflag:s19], $0x4000  }
0x245: {  	[sflag:s19] =	ssyncset.done $0x0  }
0x246: {  	[sflag:s19] =	ssyncadd.s32 $0xFFFFC000  }
0x247: {  	[tilespmem:s16], [sflag:$0x1] =	stream.indirect.gather [hbm4b:s5+s15], $0x80, s29, s15, $0xb8;
	[tilespmem:$0x1D000] =	vst v63  }
0x248: {  	_ =	swait.ge [sflag:s21], $0x4000  }
0x249: {  	[sflag:s21] =	ssyncset.done $0x0  }
0x24a: {  	[sflag:s21] =	ssyncadd.s32 $0xFFFFC000  }
0x24b: {  	[spmem:s3] =	stream.indirect.scatter.add.f32 [tilespmem:s17], [sflag:$0x4], $0x80, s30, s15, $0xb8;
	[tilespmem:$0x1D000] =	vst v63  }
0x24c: {  	_ =	swait.ge [sflag:s23], $0x4000  }
0x24d: {  	[sflag:s23] =	ssyncset.done $0x0  }
0x24e: {  	[sflag:s23] =	ssyncadd.s32 $0xFFFFC000  }
0x24f: {  	[tilespmem:s17], [sflag:$0x2] =	stream.indirect.gather [hbm4b:s5+s15], $0x80, s31, s15, $0xb8;
	[tilespmem:$0x1D000] =	vst v63  }
0x250: {  	_ =	swait.ge [sflag:s18], $0x4000  }
0x251: {  	[sflag:s18] =	ssyncset.done $0x0  }
0x252: {  	[sflag:s18] =	ssyncadd.s32 $0xFFFFC000  }
0x253: {  	[spmem:s3] =	stream.indirect.scatter.add.f32 [tilespmem:s16], [sflag:$0x3], $0x80, s0, s15, $0xb8;
	[tilespmem:$0x1D000] =	vst v63  }
0x254: {  	_ =	swait.ge [sflag:s19], $0x4000  }
0x255: {  	[sflag:s19] =	ssyncset.done $0x0  }
0x256: {  	p1 =	sne.s32 s7, $0x400;
	[sflag:s19] =	ssyncadd.s32 $0xFFFFC000  }
.Ltmp5:
0x257: {  	_ =	swait.ge [sflag:s21], $0x4000;
	(pc) =	sbr.rel @p1 .LBB2_6-.Ltmp5, $4  }
0x258: {  	[sflag:s21] =	ssyncset.done $0x0  }
0x259: {  	[sflag:s21] =	ssyncadd.s32 $0xFFFFC000  }
0x25a: {  	[spmem:s3] =	stream.indirect.scatter.add.f32 [tilespmem:s17], [sflag:$0x4], $0x80, s2, s15, $0xb8;
	[tilespmem:$0x1D000] =	vst v63  }
0x25b: {  	s7 =	sadd.s32 $0x100, s7;
	_ =	swait.ge [sflag:s23], $0x4000  }
.Ltmp6:
0x25c: {  	_ = 	snop;
	(pc) =	sbr.rel .LBB2_7-.Ltmp6, $1  }
0x25d: {  	_ =	sdelay $0x3  }
.LBB2_9:
0x25e: {  	_ =	sfence.sel $0x180000  }
0x25f: {  	[bflag:$0x0] =	sbarrier.arrive $0xFFFF  }
0x260: {  	_ =	strace $0x9000004D  }
0x261: {  	s0 =	stileid.u32;
	[bflag:$0x2] =	sbarrier.arrive $0xFFFF  }
0x262: {  	p0 =	sne.s32 s0, $0x0;
	s0 =	rddreg [dreg:$0x3]  }
0x263: {  	s0 =	sadd.s32 @!p0 $0x100000, s0  }
0x264: {  	[sflag:s0] =	ssyncadd.tile.s32 @!p0 $0x1;
	_ =	shalt  }
.Lfunc_end2:
_tile_overlayer_lowered:
.L_overlay_start_2:
0x265: {  	(tag) =	ssettag $0x2  }
0x266: {  	s0 =	rddreg [dreg:$0x0];
	s2 =	stileid.u32  }
0x267: {  	s1 =	rddreg [dreg:$0x1];
	p0 =	sne.s32 s2, $0x0  }
0x268: {  	s3 =	rddreg [dreg:$0x2];
	[bflag:$0x3] =	sbarrier.arrive $0xFFFF;
	s2 =	simm.s32 @!p0 $0x1C05  }
0x269: {  	[timem:s3], [sflag:s2] =	dma.local @!p0 [hbm:s0], s1  }
0x26a: {  	s0 =	simm.s32 @!p0 $0x5  }
0x26b: {  	_ =	swait.ge @!p0 [sflag:s0], s1  }
0x26c: {  	s1 =	ssub.s32 @!p0 $0x0, s1;
	[sflag:s0] =	ssyncset.done @!p0 $0x0  }
0x26d: {  	[sflag:s0] =	ssyncadd.s32 @!p0 s1  }
0x26e: {  	[bflag:$0x3] =	sbarrier.arrive $0xFFFF  }
0x26f: {  	_ =	shalt  }

// kernel: kernel.8.cloned.1.call-start
scs
__scs_entry_jumppad:
0x0: {  	(pc) =	sbr.rel $0x88, $3  }
0x1: {  	(tag) =	ssettag $0x0;
	lr =	simm.s32 $0x1  }
0x2: {  	[smem:$0x3F9B] =	sst lr;
	_ =	strace $0xD0000000  }
0x3: {  	_ = 	snop  }
0x4: {  	_ = 	snop  }
0x5: {  	_ = 	snop  }
0x6: {  	_ = 	snop  }
0x7: {  	_ = 	snop  }
__scs_overlays_trampoline_lowered:
0x8: {  	[smem:$0x3FAA] =	sst s0  }
0x9: {  	[smem:$0x3FAB] =	sst s1  }
0xa: {  	[smem:$0x3FAC] =	sst s2  }
0xb: {  	[smem:$0x3FAD] =	sst s3  }
0xc: {  	[smem:$0x3FAE] =	sst s4  }
0xd: {  	[smem:$0x3FAF] =	sst s5  }
0xe: {  	[smem:$0x3FB0] =	sst s6  }
0xf: {  	[smem:$0x3FB1] =	sst s7  }
0x10: {  	[smem:$0x3FB2] =	sst s8  }
0x11: {  	[smem:$0x3FB3] =	sst s9;
	s0 =	simm.s32 @!p0 $0x0  }
0x12: {  	s1 =	sld [smem:$0x3F99];
	s0 =	simm.s32 @p0 $0x1  }
0x13: {  	[smem:$0x3FB4] =	sst s0;
	s0 =	simm.s32 @!p1 $0x0  }
0x14: {  	s2 =	sld [smem:$0x3F98];
	s0 =	simm.s32 @p1 $0x1  }
0x15: {  	[smem:$0x3FB5] =	sst s0;
	s0 =	simm.s32 @!p2 $0x0  }
0x16: {  	s3 =	sld [smem:$0x3FDB];
	s0 =	simm.s32 @p2 $0x1  }
0x17: {  	s4 =	simm.s32 $0x1BF5;
	[smem:$0x3FB7] =	sst s0  }
0x18: {  	s0 =	sld [smem:$0x3F9A];
	_ =	swait.ge [sflag:s4], $0x0  }
0x19: {  	s7 =	sld [smem:$0x3F9B]  }
0x1a: {  	s8 =	sadd.s32 $0xFFFFE003, lr  }
0x1b: {  	s9 =	sadd.s32 $0xFFFFFEF7, lr;
	s5 =	simm.s32 $0xFFFFFFFF;
	p2 =	slt.u32 s8, $0xFFFFF086  }
0x1c: {  	p1 =	slt.u32 s9, $0xF7A;
	s5 =	simm.s32 @!p2 $0x0  }
0x1d: {  	s5 =	simm.s32 @p1 $0x1;
	p0 =	seq.s32 s7, s2  }
0x1e: {  	s7 =	smul.u32 @!p0 $0xF7A, s2;
	p2 =	seq.s32 @!p0 s5, $0x0  }
0x1f: {  	s9 =	smul.u32 $0xF7A, s1;
	s8 =	simm.s32 @!p0 $0x1BF5;
	p2 =	por !p2, p0  }
0x20: {  	[sflag:s8] =	ssyncset.s32 @!p0 $0xFFFFF086;
	s6 =	sadd.s32 @!p0 s3, s7;
	s7 =	simm.s32 @!p0 $0x108  }
0x21: {  	s3 =	sadd.s32 s3, s9;
	s6 =	sadd.s32 @!p0 $0x88, s6;
	s7 =	simm.s32 @p2 $0x1082  }
0x22: {  	[simem:s7], [sflag:s8] =	dma.local @!p0 [hbm:s6], $0xF7A  }
0x23: {  	s9 =	sor.u32 $0xD0000000, s2;
	s6 =	simm.s32 $0x108;
	_ =	swait.ge @!p0 [sflag:s8], $0x0  }
0x24: {  	s3 =	sadd.s32 $0x88, s3;
	s6 =	simm.s32 @!p1 $0x1082;
	[sflag:s4] =	ssyncset.s32 $0xFFFFF086  }
0x25: {  	[simem:s6], [sflag:s4] =	dma.local [hbm:s3], $0xF7A  }
0x26: {  	[smem:$0x3F9B] =	sst s1;
	(tag) =	ssettag s2;
	_ =	strace s9  }
0x27: {  	s1 =	sld [smem:$0x3FAB]  }
0x28: {  	s2 =	sld [smem:$0x3FAC]  }
0x29: {  	s4 =	sld [smem:$0x3FAE]  }
0x2a: {  	p0 =	seq.s32 s5, $0x0;
	s5 =	sld [smem:$0x3FAF]  }
0x2b: {  	s6 =	sld [smem:$0x3FB0]  }
0x2c: {  	s7 =	sld [smem:$0x3FB1]  }
0x2d: {  	s3 =	simm.s32 $0x108;
	s8 =	sld [smem:$0x3FB2]  }
0x2e: {  	s3 =	simm.s32 @!p0 $0x1082;
	s9 =	sld [smem:$0x3FB3]  }
0x2f: {  	lr =	sadd.s32 s0, s3;
	s0 =	sld [smem:$0x3FAA]  }
0x30: {  	s3 =	sld [smem:$0x3FAD]  }
0x31: {  	[smem:$0x3FB6] =	sst s10  }
0x32: {  	s10 =	sld [smem:$0x3FB4];
	_ =	sdelay $0x3  }
0x33: {  	p0 =	seq.s32 s10, $0x1;
	s10 =	sld [smem:$0x3FB6];
	_ =	sdelay $0x3  }
0x34: {  	[smem:$0x3FB6] =	sst s10  }
0x35: {  	s10 =	sld [smem:$0x3FB5];
	_ =	sdelay $0x3  }
0x36: {  	p1 =	seq.s32 s10, $0x1;
	s10 =	sld [smem:$0x3FB6];
	_ =	sdelay $0x3  }
0x37: {  	[smem:$0x3FB6] =	sst s10  }
0x38: {  	s10 =	sld [smem:$0x3FB7]  }
0x39: {  	_ = 	snop;
	(pc) =	sbr.ind lr, $3  }
0x3a: {  	_ = 	snop  }
0x3b: {  	_ = 	snop  }
0x3c: {  	p2 =	seq.s32 s10, $0x1;
	s10 =	sld [smem:$0x3FB6]  }
0x3d: {  	_ =	shalt  }
0x3e: {  	_ =	shalt  }
0x3f: {  	_ =	shalt  }
0x40: {  	_ =	shalt  }
0x41: {  	_ =	shalt  }
0x42: {  	_ =	shalt  }
0x43: {  	_ =	shalt  }
0x44: {  	_ =	shalt  }
0x45: {  	_ =	shalt  }
0x46: {  	_ =	shalt  }
0x47: {  	_ =	shalt  }
0x48: {  	_ =	shalt  }
0x49: {  	_ =	shalt  }
0x4a: {  	_ =	shalt  }
0x4b: {  	_ =	shalt  }
0x4c: {  	_ =	shalt  }
0x4d: {  	_ =	shalt  }
0x4e: {  	_ =	shalt  }
0x4f: {  	_ =	shalt  }
0x50: {  	_ =	shalt  }
0x51: {  	_ =	shalt  }
0x52: {  	_ =	shalt  }
0x53: {  	_ =	shalt  }
0x54: {  	_ =	shalt  }
0x55: {  	_ =	shalt  }
0x56: {  	_ =	shalt  }
0x57: {  	_ =	shalt  }
0x58: {  	_ =	shalt  }
0x59: {  	_ =	shalt  }
0x5a: {  	_ =	shalt  }
0x5b: {  	_ =	shalt  }
0x5c: {  	_ =	shalt  }
0x5d: {  	_ =	shalt  }
0x5e: {  	_ =	shalt  }
0x5f: {  	_ =	shalt  }
0x60: {  	_ =	shalt  }
0x61: {  	_ =	shalt  }
0x62: {  	_ =	shalt  }
0x63: {  	_ =	shalt  }
0x64: {  	_ =	shalt  }
0x65: {  	_ =	shalt  }
0x66: {  	_ =	shalt  }
0x67: {  	_ =	shalt  }
0x68: {  	_ =	shalt  }
0x69: {  	_ =	shalt  }
0x6a: {  	_ =	shalt  }
0x6b: {  	_ =	shalt  }
0x6c: {  	_ =	shalt  }
0x6d: {  	_ =	shalt  }
0x6e: {  	_ =	shalt  }
0x6f: {  	_ =	shalt  }
0x70: {  	_ =	shalt  }
0x71: {  	_ =	shalt  }
0x72: {  	_ =	shalt  }
0x73: {  	_ =	shalt  }
0x74: {  	_ =	shalt  }
0x75: {  	_ =	shalt  }
0x76: {  	_ =	shalt  }
0x77: {  	_ =	shalt  }
0x78: {  	_ =	shalt  }
0x79: {  	_ =	shalt  }
0x7a: {  	_ =	shalt  }
0x7b: {  	_ =	shalt  }
0x7c: {  	_ =	shalt  }
0x7d: {  	_ =	shalt  }
0x7e: {  	_ =	shalt  }
0x7f: {  	_ =	shalt  }
0x80: {  	_ =	shalt  }
0x81: {  	_ =	shalt  }
0x82: {  	_ =	shalt  }
0x83: {  	_ =	shalt  }
0x84: {  	_ =	shalt  }
0x85: {  	_ =	shalt  }
0x86: {  	_ =	shalt  }
0x87: {  	_ =	shalt  }
.Lfunc_end0:
.L_simem_size_0:
called_computation_lowered:
.L_overlay_start_0:
0x88: {  	s2 =	sld [smem:$0x3FD9]  }
0x89: {  	s3 =	sld [smem:$0x3FFE];
	_ =	sdelay $0x1  }
0x8a: {  	s1 =	srdreg.scid  }
0x8b: {  	s0 =	sand.u32 $0x1, s1  }
0x8c: {  	s17 =	sshll.u32 s0, $0xA;
	s2 =	sadd.s32 s3, s2  }
0x8d: {  	s2 =	sadd.s32 s2, s17  }
0x8e: {  	[smem:$0x3FC2] =	sst s2  }
0x8f: {  	_ = 	snop  }
0x90: {  	s2 =	sld [smem:$0x3FD0];
	(tm) =	ssettm $0x1  }
0x91: {  	s18 =	sld [smem:$0x3FFB];
	_ =	sdelay $0x3  }
0x92: {  	_ =	strace s18  }
0x93: {  	s3 =	sld [smem:$0x3FFC];
	_ =	sdelay $0x3  }
0x94: {  	_ =	strace s3  }
0x95: {  	s3 =	sld [smem:$0x3FFD];
	_ =	sdelay $0x3  }
0x96: {  	_ =	strace s3  }
0x97: {  	_ =	strace $0x8FFFFFFF  }
0x98: {  	s19 =	sld [smem:$0x3FDB];
	_ =	sdelay $0x1  }
0x99: {  	s4 =	simm.s32 $_scs_section_size  }
0x9a: {  	s5 =	simm.s32 $_size__tile_overlayer_lowered;
	s6 =	simm.s32 $_tile_overlayer_lowered  }
0x9b: {  	s22 =	simm.s32 $0x1BFF;
	s21 =	sshll.u32 s6, $0x1;
	s3 =	sadd.s32 s4, s19  }
0x9c: {  	s7 =	simm.s32 $0x0;
	s20 =	sshll.u32 s5, $0x1;
	s5 =	sadd.s32 s21, s3  }
0x9d: {  	[timem:s7], [sflag:s22] =	dma.local [hbm:s5], s20  }
0x9e: {  	_ =	swait.ge [sflag:s22], s20  }
0x9f: {  	s4 =	ssub.s32 $0x0, s20;
	[sflag:s22] =	ssyncset.done $0x0  }
0xa0: {  	[sflag:s22] =	ssyncadd.s32 s4;
	_ =	sdelay $0x1  }
0xa1: {  	s23 =	simm.s32 $0x1B8B  }
0xa2: {  	_ =	swait.ge [sflag:s23], $0x1  }
0xa3: {  	[sflag:s23] =	ssyncset.done $0x0  }
0xa4: {  	s25 =	simm.s32 $0x1B8E;
	s24 =	sld [smem:$0x3FFE];
	[sflag:s23] =	ssyncadd.s32 $0xFFFFFFFF  }
0xa5: {  	s26 =	simm.s32 $execute0_lowered;
	[smem:$0x3FD2] =	sst s25  }
0xa6: {  	s5 =	sshll.u32 s26, $0x1;
	_ =	strace $0x80000046;
	[dreg:$0x1] =	wrdreg $0xFFFFFFFF  }
0xa7: {  	s28 =	simm.s32 $_size_execute0_lowered;
	s3 =	sadd.s32 s3, s5;
	[dreg:$0x0] =	wrdreg $0x0  }
0xa8: {  	s5 =	sshll.u32 s28, $0x1;
	[dreg:$0x2] =	wrdreg s3  }
0xa9: {  	[dreg:$0x3] =	wrdreg s5  }
0xaa: {  	[dreg:$0x4] =	wrdreg $0xC0  }
0xab: {  	_ =	task [dreg:s7], $0x5FFFF  }
0xac: {  	[dreg:$0x1] =	wrdreg $0xFFFFFFFF  }
0xad: {  	[dreg:$0x0] =	wrdreg $0x60  }
0xae: {  	[dreg:$0x2] =	wrdreg s24  }
0xaf: {  	[dreg:$0x3] =	wrdreg s2  }
0xb0: {  	[dreg:$0x4] =	wrdreg $0x28800  }
0xb1: {  	[dreg:$0x5] =	wrdreg $0x9  }
0xb2: {  	_ =	task.clear_ibuf [dreg:s7], $0x6FFFF;
	_ =	strace $0x90000046  }
0xb3: {  	s29 =	simm.s32 $0x9;
	_ =	strace $0x80000048  }
0xb4: {  	_ =	swait.ge [sflag:s29], $0x1  }
0xb5: {  	[sflag:s29] =	ssyncadd.s32 $0xFFFFFFFF  }
0xb6: {  	_ =	strace $0x90000048  }
0xb7: {  	_ =	sfence  }
0xb8: {  	s30 =	sld [smem:$0x0];
	_ =	sdelay $0x2  }
0xb9: {  	s31 =	sshll.u32 s1, $0xD;
	s1 =	sshrl.u32 s1, $0x2  }
0xba: {  	s3 =	sand.u32 $0x4000, s31;
	s1 =	sadd.s32 s1, s30  }
0xbb: {  	s0 =	sor.u32 s3, s0;
	s1 =	sshll.u32 s1, $0x11  }
0xbc: {  	s0 =	sor.u32 s1, s0  }
0xbd: {  	s0 =	sadd.s32 $0x8F2B, s0  }
0xbe: {  	[sflag:s0] =	ssyncadd.remote.s32 $0x1  }
0xbf: {  	_ =	sfence.sel $0xFFFF  }
0xc0: {  	[dreg:$0x0] =	wrdreg $0xFFFFFFFF;
	(pc) =	sbr.abs _section_cstart, $3  }
0xc1: {  	[dreg:$0x1] =	wrdreg $0xFFFFFFFF  }
0xc2: {  	_ =	task.clear_ibuf [dreg:s7], $0x2FFFF;
	_ =	strace $0x9FFFFFFF  }
0xc3: {  	(tm) =	ssettm $0x7FFFFFFF  }
tec
execute0_lowered:
.L_overlay_start_1:
0x0: {  	(tag) =	ssettag $0x1  }
0x1: {  	s5 =	rddreg [dreg:$0x0]  }
0x2: {  	s1 =	srdreg.scid;
	s7 =	rddreg [dreg:$0x1]  }
0x3: {  	s0 =	stileid.u32;
	s2 =	rddreg [dreg:$0x2]  }
0x4: {  	s3 =	simm.s32 $0x0;
	s13 =	simm.s32 $0x80;
	s14 =	simm.s32 $0x20  }
0x5: {  	s15 =	simm.s32 $0x10;
	s16 =	simm.s32 $0x0;
	s6 =	sand.u32 $0x1, s1  }
0x6: {  	s29 =	sshll.u32 s0, $0x1;
	s1 =	rddreg [dreg:$0x3];
	s10 =	smul.u32 $0x500, s0  }
0x7: {  	[smem:$0x7FF] =	sst s3;
	s12 =	smul.u32 $0xA00, s0;
	s31 =	sshll.u32 s0, $0x6  }
0x8: {  	s4 =	sor.u32 s6, s29;
	_ =	strace $0x80000047;
	s9 =	ssub.s32 $0x2, s6  }
0x9: {  	s6 =	sshll.u32 s6, $0x7;
	s4 =	smul.u32 $0x500, s4;
	s11 =	sshrl.u32 s9, $0x1  }
0xa: {  	s10 =	sor.u32 s6, s10;
	s30 =	sshrl.u32 s12, $0x2;
	s9 =	ssub.s32 s9, s11  }
0xb: {  	s10 =	sshrl.u32 s10, $0x3;
	s12 =	sadd.s32 s30, s2;
	s11 =	sor.u32 $0x1C01, s31  }
0xc: {  	s8 =	sadd.s32 s4, s5;
	s4 =	sadd.s32 $0x18000, s5;
	s5 =	sadd.s32 $0x18200, s5  }
0xd: {  	s7 =	sadd.s32 s7, s10;
	s10 =	simm.s32 $0x2800;
	s12 =	sshrl.u32 s12, $0x3  }
0xe: {  	s6 =	sadd.s32 $0x4000, s8;
	s8 =	smax.u32 s9, $0x1;
	s9 =	simm.s32 $0x1  }
.LBB2_1:
0xf: {  	[tilespmem:s3], [sflag:$0x1] =	stream.linear.gather [hbm4b:s6+s3], $0x2800, $0x38;
	[tilespmem:$0x2B00] =	vst v63  }
0x10: {  	_ =	swait.ge [sflag:s9], $0x2800  }
0x11: {  	[sflag:s9] =	ssyncset.done $0x0  }
0x12: {  	[sflag:s9] =	ssyncadd.s32 $0xFFFFD800  }
0x13: {  	[tilespmem:s10], [sflag:$0x1] =	stream.linear.gather [hbm4b:s4+s3], $0x80, $0x38;
	[tilespmem:$0x2B00] =	vst v63  }
0x14: {  	_ =	swait.ge [sflag:s9], $0x80  }
0x15: {  	[sflag:s9] =	ssyncset.done $0x0  }
0x16: {  	[sflag:s9] =	ssyncadd.s32 $0xFFFFFF80  }
0x17: {  	[spmem:s12], [sflag:s11] =	dma.local [hbm:s5], $0x50  }
0x18: {  	_ =	swait.ge [sflag:s9], $0x50  }
0x19: {  	[sflag:s9] =	ssyncset.done $0x0  }
0x1a: {  	[sflag:s9] =	ssyncadd.s32 $0xFFFFFFB0  }
0x1b: {  	s17 =	simm.s32 $0x0;
	[bflag:$0x0] =	sbarrier.arrive $0xFFFF  }
0x1c: {  	[spmem:s2] =	stream.indirect.scatter.add.f32 [tilespmem:s10], [sflag:$0x1], $0x1, s17, s13, $0xb8;
	[tilespmem:$0x2B00] =	vst v63  }
0x1d: {  	_ =	swait.ge [sflag:s9], $0x80  }
0x1e: {  	s17 =	simm.s32 $0x200;
	[sflag:s9] =	ssyncset.done $0x0  }
.LBB2_2:
0x1f: {  	s18 =	sshra.s32 s17, $0x2;
	[sflag:s9] =	ssyncadd.s32 $0xFFFFFF80;
	p0 =	sne.s32 s17, $0x9E00  }
0x20: {  	[spmem:s2] =	stream.indirect.scatter.add.f32 [tilespmem:s10], [sflag:$0x1], $0x1, s18, s13, $0xb8;
	[tilespmem:$0x2B00] =	vst v63  }
.Ltmp0:
0x21: {  	_ = 	snop;
	(pc) =	sbr.rel @p0 .LBB2_2-.Ltmp0, $4  }
0x22: {  	_ = 	snop  }
0x23: {  	s17 =	sadd.s32 $0x200, s17  }
0x24: {  	_ =	swait.ge [sflag:s9], $0x80  }
0x25: {  	[sflag:s9] =	ssyncset.done $0x0  }
0x26: {  	s16 =	sadd.s32 $0x1, s16  }
0x27: {  	[sflag:s9] =	ssyncadd.s32 $0xFFFFFF80;
	p0 =	sne.s32 s16, s8  }
.Ltmp1:
0x28: {  	[bflag:$0x0] =	sbarrier.arrive $0xFFFF;
	(pc) =	sbr.rel @p0 .LBB2_1-.Ltmp1, $4  }
0x29: {  	[hbm:s7@s14], [sflag:s11] =	dma.strided [spmem:s12@s15], $0x50, s9, $0x10   }
0x2a: {  	_ =	swait.ge [sflag:s9], $0x50  }
0x2b: {  	[sflag:s9] =	ssyncset.done $0x0  }
0x2c: {  	[sflag:s9] =	ssyncadd.s32 $0xFFFFFFB0  }
0x2d: {  	_ =	sfence.sel $0x180000  }
0x2e: {  	[bflag:$0x0] =	sbarrier.arrive $0xFFFF  }
0x2f: {  	p0 =	sne.s32 s0, $0x0;
	_ =	strace $0x90000047  }
0x30: {  	s0 =	sadd.s32 @!p0 $0x100000, s1;
	[bflag:$0x2] =	sbarrier.arrive $0xFFFF  }
0x31: {  	[sflag:s0] =	ssyncadd.tile.s32 @!p0 $0x1;
	_ =	shalt  }
.Lfunc_end2:
_tile_overlayer_lowered:
.L_overlay_start_2:
0x32: {  	(tag) =	ssettag $0x2  }
0x33: {  	s0 =	rddreg [dreg:$0x0];
	s2 =	stileid.u32  }
0x34: {  	s1 =	rddreg [dreg:$0x1];
	p0 =	sne.s32 s2, $0x0  }
0x35: {  	s3 =	rddreg [dreg:$0x2];
	[bflag:$0x3] =	sbarrier.arrive $0xFFFF;
	s2 =	simm.s32 @!p0 $0x1C01  }
0x36: {  	[timem:s3], [sflag:s2] =	dma.local @!p0 [hbm:s0], s1  }
0x37: {  	s0 =	simm.s32 @!p0 $0x1  }
0x38: {  	_ =	swait.ge @!p0 [sflag:s0], s1  }
0x39: {  	s1 =	ssub.s32 @!p0 $0x0, s1;
	[sflag:s0] =	ssyncset.done @!p0 $0x0  }
0x3a: {  	[sflag:s0] =	ssyncadd.s32 @!p0 s1  }
0x3b: {  	[bflag:$0x3] =	sbarrier.arrive $0xFFFF  }
0x3c: {  	_ =	shalt  }

</sc_bundles>
